<compile_context>
chip_gen: v7x
topology: tpu7x:2x2x1
jax: 0.10.2.dev20260603
libtpu: 0.0.44.dev20260713+nightly
codegen_flags: <defaults>
</compile_context>

<pallas_src>
import functools

import jax
import jax.numpy as jnp
import numpy as np
from jax import lax
from jax.experimental import pallas as pl
from jax.experimental.pallas import tpu as pltpu
from jax.experimental.pallas import tpu_sc as plsc

_K = 32
_RATIOS = (0.5, 0.25, 0.25)
_RADII = (0.2, 0.4, 0.8)
_BIG = 3.4e38
_PREC = lax.Precision.DEFAULT


def _dot(a, b):
    return lax.dot_general(a, b, (((1,), (0,)), ((), ())),
                           precision=_PREC, preferred_element_type=jnp.float32)



def _fps_body(n_s, px_ref, py_ref, pz_ref, ps_ref, lin_ref,
              idx_ref, q_ref):
    R = px_ref.shape[0]
    px = px_ref[...]
    py = py_ref[...]
    pz = pz_ref[...]
    lin = lin_ref[...]
    idx_ref[0] = 0
    lx0 = ps_ref[0]
    ly0 = ps_ref[1]
    lz0 = ps_ref[2]
    q_ref[0] = lx0
    q_ref[1] = ly0
    q_ref[2] = lz0

    def body(i, carry):
        lx, ly, lz, dists = carry
        dx = px - lx
        dy = py - ly
        dz = pz - lz
        d = (dx * dx + dy * dy) + dz * dz
        nd = jnp.minimum(dists, d)
        m = jnp.max(nd)
        lsel = jnp.min(jnp.where(nd == m, lin, _BIG))
        li = lsel.astype(jnp.int32)
        nlx = ps_ref[3 * li]
        nly = ps_ref[3 * li + 1]
        nlz = ps_ref[3 * li + 2]
        idx_ref[i] = li
        q_ref[3 * i] = nlx
        q_ref[3 * i + 1] = nly
        q_ref[3 * i + 2] = nlz
        return (nlx, nly, nlz, nd)

    lax.fori_loop(1, n_s, body,
                  (lx0, ly0, lz0, jnp.full((R, 128), jnp.inf, jnp.float32)))


def _fps(pxr, pyr, pzr, ps, lin2, n_s):
    R = pxr.shape[0]
    return pl.pallas_call(
        functools.partial(_fps_body, n_s),
        in_specs=[
            pl.BlockSpec(memory_space=pltpu.VMEM),
            pl.BlockSpec(memory_space=pltpu.VMEM),
            pl.BlockSpec(memory_space=pltpu.VMEM),
            pl.BlockSpec(memory_space=pltpu.SMEM),
            pl.BlockSpec(memory_space=pltpu.VMEM),
        ],
        out_shape=(
            jax.ShapeDtypeStruct((n_s,), jnp.int32),
            jax.ShapeDtypeStruct((3 * n_s,), jnp.float32),
        ),
        out_specs=(
            pl.BlockSpec(memory_space=pltpu.SMEM),
            pl.BlockSpec(memory_space=pltpu.SMEM),
        ),
    )(pxr, pyr, pzr, ps, lin2)



_KNN_CB = 8


def _knn_body(r2, px_ref, py_ref, pz_ref, q_ref, lin_ref, nb_ref, mk_ref,
              d2_ref):
    R = px_ref.shape[0]
    cb = _KNN_CB
    qb = q_ref[...]
    qx = qb[:, 0:1]
    qy = qb[:, 1:2]
    qz = qb[:, 2:3]
    for jj in range(R):
        dx = qx - px_ref[jj:jj + 1, :]
        dy = qy - py_ref[jj:jj + 1, :]
        dz = qz - pz_ref[jj:jj + 1, :]
        d2_ref[jj] = (dx * dx + dy * dy) + dz * dz

    lane = lax.broadcasted_iota(jnp.int32, (cb, _K), 1)

    def kbody(k, carry):
        nbv, mkv = carry
        d2 = d2_ref[...]
        lin = lin_ref[...]
        m = jnp.min(jnp.min(d2, axis=0), axis=1, keepdims=True)
        linm = jnp.where(d2 == m[None, :, :], lin, _BIG)
        lsel = jnp.min(jnp.min(linm, axis=0), axis=1, keepdims=True)
        d2_ref[...] = jnp.where(lin == lsel[None, :, :], jnp.inf, d2)
        nbv = jnp.where(lane == k, lsel.astype(jnp.int32), nbv)
        mkv = jnp.where(lane == k, jnp.where(m <= r2, 1.0, 0.0), mkv)
        return (nbv, mkv)

    nbv, mkv = lax.fori_loop(
        0, _K, kbody,
        (jnp.zeros((cb, _K), jnp.int32), jnp.zeros((cb, _K), jnp.float32)),
    )
    nb_ref[...] = nbv
    mk_ref[...] = mkv


def _knn(pxr, pyr, pzr, q, lin3, r2):
    R = pxr.shape[0]
    n_s = q.shape[0]
    grid = (n_s // _KNN_CB,)
    return pl.pallas_call(
        functools.partial(_knn_body, r2),
        grid=grid,
        in_specs=[
            pl.BlockSpec((R, 128), lambda i: (0, 0)),
            pl.BlockSpec((R, 128), lambda i: (0, 0)),
            pl.BlockSpec((R, 128), lambda i: (0, 0)),
            pl.BlockSpec((_KNN_CB, 3), lambda i: (i, 0)),
            pl.BlockSpec((R, _KNN_CB, 128), lambda i: (0, 0, 0)),
        ],
        out_specs=(
            pl.BlockSpec((_KNN_CB, _K), lambda i: (i, 0)),
            pl.BlockSpec((_KNN_CB, _K), lambda i: (i, 0)),
        ),
        out_shape=(
            jax.ShapeDtypeStruct((n_s, _K), jnp.int32),
            jax.ShapeDtypeStruct((n_s, _K), jnp.float32),
        ),
        scratch_shapes=[
            pltpu.VMEM((R, _KNN_CB, 128), jnp.float32),
        ],
    )(pxr, pyr, pzr, q, lin3)



def _gather_rows(table, idx, chunk):
    V, D = table.shape
    B = idx.shape[0]
    info = plsc.get_sparse_core_info()
    nw = info.num_cores * info.num_subcores
    b_per_w = B // nw
    nchunk = b_per_w // chunk
    mesh = plsc.VectorSubcoreMesh(core_axis_name="c", subcore_axis_name="s")

    @functools.partial(
        pl.kernel,
        mesh=mesh,
        out_type=jax.ShapeDtypeStruct((B, D), jnp.float32),
        scratch_types=[
            pltpu.VMEM((chunk,), jnp.int32),
            pltpu.VMEM((chunk, D), jnp.float32),
            pltpu.SemaphoreType.DMA,
        ],
    )
    def k(table_hbm, idx_hbm, out_hbm, idx_v, rows_v, sem):
        wid = lax.axis_index("s") * info.num_cores + lax.axis_index("c")
        base = wid * b_per_w

        def body(j, _):
            off = base + j * chunk
            pltpu.sync_copy(idx_hbm.at[pl.ds(off, chunk)], idx_v)
            pltpu.async_copy(table_hbm.at[idx_v], rows_v, sem).wait()
            pltpu.sync_copy(rows_v, out_hbm.at[pl.ds(off, chunk)])
            return 0

        lax.fori_loop(0, nchunk, body, 0)

    return k(table, idx)



def _mlp_pool_body(cb, g_ref, qd_ref, mk_ref, w1_ref, b1_ref,
                   w2_ref, b2_ref, w3_ref, b3_ref, wg_ref, bg_ref, out_ref):
    rows = cb * _K
    qb = qd_ref[...]
    q3 = jnp.broadcast_to(qb[:, None, :], (cb, _K, qb.shape[1]))
    msg = g_ref[...] - q3.reshape(rows, qb.shape[1])
    h = jnp.maximum(_dot(msg, w1_ref[...]) + b1_ref[...], 0.0)
    h = jnp.maximum(_dot(h, w2_ref[...]) + b2_ref[...], 0.0)
    h = _dot(h, w3_ref[...]) + b3_ref[...]
    m = mk_ref[...]
    h = h * m + (m - 1.0) * _BIG
    pooled = jnp.max(h.reshape(cb, _K, h.shape[-1]), axis=1)
    out_ref[...] = _dot(pooled, wg_ref[...]) + bg_ref[...]


def _mlp_pool(g, qd, mk, w1p, b1, w2, b2, w3, b3, wg, bg, cb):
    n_s = qd.shape[0]
    D = g.shape[1]
    cg = wg.shape[1]
    grid = (n_s // cb,)
    full = lambda a: pl.BlockSpec(a.shape, lambda i: tuple(0 for _ in a.shape))
    return pl.pallas_call(
        functools.partial(_mlp_pool_body, cb),
        grid=grid,
        in_specs=[
            pl.BlockSpec((cb * _K, D), lambda i: (i, 0)),
            pl.BlockSpec((cb, D), lambda i: (i, 0)),
            pl.BlockSpec((cb * _K, 1), lambda i: (i, 0)),
            full(w1p), full(b1), full(w2), full(b2),
            full(w3), full(b3), full(wg), full(bg),
        ],
        out_specs=pl.BlockSpec((cb, cg), lambda i: (i, 0)),
        out_shape=jax.ShapeDtypeStruct((n_s, cg), jnp.float32),
    )(g, qd, mk, w1p, b1, w2, b2, w3, b3, wg, bg)



def _head_body(cat_ref, w4a_ref, b4a_ref, w4b_ref, b4b_ref,
               f1_ref, f1b_ref, f2_ref, f2b_ref, f3_ref, f3b_ref, out_ref):
    h = jnp.maximum(_dot(cat_ref[...], w4a_ref[...]) + b4a_ref[...], 0.0)
    h = _dot(h, w4b_ref[...]) + b4b_ref[...]
    g = jnp.max(h, axis=0, keepdims=True)
    g = jnp.maximum(_dot(g, f1_ref[...]) + f1b_ref[...], 0.0)
    g = jnp.maximum(_dot(g, f2_ref[...]) + f2b_ref[...], 0.0)
    out_ref[...] = _dot(g, f3_ref[...]) + f3b_ref[...]


def _head(cat, w4a, b4a, w4b, b4b, f1, f1b, f2, f2b, f3, f3b):
    return pl.pallas_call(
        _head_body,
        out_shape=jax.ShapeDtypeStruct((1, f3.shape[1]), jnp.float32),
    )(cat, w4a, b4a, w4b, b4b, f1, f1b, f2, f2b, f3, f3b)



_LEVEL_CB = (128, 128, 64)
_GATHER_CHUNK = (512, 256, 128)


def _pad128(n):
    return (n + 127) // 128 * 128


def kernel(x, pos, batch, params):
    names = [("sa1_local", "sa1_global"), ("sa2_local", "sa2_global"),
             ("sa3_local", "sa3_global")]
    p = pos
    xf = x
    for li, ((ln, gn), ratio, r) in enumerate(zip(names, _RATIOS, _RADII)):
        Np = p.shape[0]
        n_s = int(Np * ratio)
        R = Np // 128
        pxr = p[:, 0].reshape(R, 128)
        pyr = p[:, 1].reshape(R, 128)
        pzr = p[:, 2].reshape(R, 128)
        ps = p.reshape(-1)
        linf = jnp.asarray(np.arange(Np, dtype=np.float32).reshape(R, 128))
        lin3 = jnp.asarray(np.broadcast_to(
            (np.arange(R, dtype=np.float32)[:, None, None] * 128.0
             + np.arange(128, dtype=np.float32)[None, None, :]),
            (R, _KNN_CB, 128)).copy())
        idx, qf = _fps(pxr, pyr, pzr, ps, linf, n_s)
        q = qf.reshape(n_s, 3)
        r2 = np.float32(r * r)
        nb, mk = _knn(pxr, pyr, pzr, q, lin3, r2)

        dx = xf.shape[1]
        D = _pad128(dx + 3)
        table = jnp.concatenate(
            [xf, p, jnp.zeros((Np, D - dx - 3), jnp.float32)], axis=1)
        g = _gather_rows(table, nb.reshape(-1), _GATHER_CHUNK[li])

        (w1, b1), (w2, b2), (w3, b3) = params[ln]
        (wg, bg), = params[gn]
        w1p = jnp.concatenate(
            [w1, jnp.zeros((D - w1.shape[0], w1.shape[1]), jnp.float32)], axis=0)
        qd = jnp.concatenate(
            [jnp.zeros((n_s, dx), jnp.float32), q,
             jnp.zeros((n_s, D - dx - 3), jnp.float32)], axis=1)
        xf = _mlp_pool(
            g, qd, mk.reshape(-1, 1),
            w1p, b1[None], w2, b2[None], w3, b3[None], wg, bg[None],
            _LEVEL_CB[li])
        p = q

    (w4a, b4a), (w4b, b4b) = params["sa4"]
    (f1, f1b), (f2, f2b), (f3, f3b) = params["final"]
    catd = xf.shape[1] + 3
    catp = _pad128(catd)
    cat = jnp.concatenate(
        [xf, p, jnp.zeros((p.shape[0], catp - catd), jnp.float32)], axis=1)
    w4ap = jnp.concatenate(
        [w4a, jnp.zeros((catp - w4a.shape[0], w4a.shape[1]), jnp.float32)],
        axis=0)
    return _head(cat, w4ap, b4a[None], w4b, b4b[None],
                 f1, f1b[None], f2, f2b[None], f3, f3b[None])

# --- scband reference (transcript-rebuilt; emitter-appended) ---
"""Pipeline reference for scband-point-net-embedding-37168646979945 (READ-ONLY COPY).

The authoritative reference and input builder live on the scoring server;
editing this copy changes nothing except your own understanding.
"""

import jax, jax.numpy as jnp
import numpy as np

N = 8192
K = 32
RATIOS = (0.5, 0.25, 0.25)
RADII = (0.2, 0.4, 0.8)


def _mlp_params(key, channels):
    params = []
    for i in range(len(channels) - 1):
        key, k1 = jax.random.split(key)
        W = jax.random.normal(k1, (channels[i], channels[i + 1]), dtype=jnp.float32) / np.sqrt(channels[i])
        b = jnp.zeros((channels[i + 1],), dtype=jnp.float32)
        params.append((W, b))
    return params


def mlp_apply(h, params):
    n = len(params)
    for i, (W, b) in enumerate(params):
        h = h @ W + b
        if i < n - 1:  # plain_last=True: no act on final layer
            h = jax.nn.relu(h)
    return h


def fps(pos, n_samples):
    # farthest point sampling, deterministic start at index 0
    pos = jax.lax.stop_gradient(pos)
    Np = pos.shape[0]
    idx0 = jnp.zeros((n_samples,), dtype=jnp.int32)
    d0 = jnp.full((Np,), jnp.inf, dtype=jnp.float32)

    def body(i, state):
        idx, dists = state
        last = pos[idx[i - 1]]
        d = jnp.sum((pos - last) ** 2, axis=1)
        dists = jnp.minimum(dists, d)
        idx = idx.at[i].set(jnp.argmax(dists).astype(jnp.int32))
        return (idx, dists)

    idx, _ = jax.lax.fori_loop(1, n_samples, body, (idx0, d0))
    return idx


def radius_knn(pos, centers, r, k):
    # k nearest neighbors within radius r; center itself (d=0) is always
    # included, matching PointNetConv add_self_loops=True
    pos = jax.lax.stop_gradient(pos)
    q = pos[centers]
    d2 = jnp.sum((q[:, None, :] - pos[None, :, :]) ** 2, axis=-1)
    neg, nb = jax.lax.top_k(-d2, k)
    mask = (-neg) <= r * r
    return nb, mask


def build_graph(pos):
    graphs = []
    p = pos
    for ratio, r in zip(RATIOS, RADII):
        n_s = int(p.shape[0] * ratio)
        idx = fps(p, n_s)
        nb, mask = radius_knn(p, idx, r, K)
        graphs.append((idx, nb, mask))
        p = p[idx]
    return graphs


def forward(x, pos, params, graphs):
    names = [("sa1_local", "sa1_global"), ("sa2_local", "sa2_global"), ("sa3_local", "sa3_global")]
    p = pos
    for (idx, nb, mask), (ln, gn) in zip(graphs, names):
        pos_q = p[idx]
        msg = jnp.concatenate([x[nb], p[nb] - pos_q[:, None, :]], axis=-1)
        h = mlp_apply(msg, params[ln])
        h = jnp.where(mask[:, :, None], h, -jnp.inf)
        x = mlp_apply(jnp.max(h, axis=1), params[gn])
        p = pos_q
    # GlobalSAModule: mlp on [x, pos] then global max pool (single cloud)
    h = mlp_apply(jnp.concatenate([x, p], axis=1), params["sa4"])
    g = jnp.max(h, axis=0, keepdims=True)
    return mlp_apply(g, params["final"])


def setup_inputs(seed: int = 0):
    key = jax.random.key(seed)
    ks = jax.random.split(key, 10)
    x = jax.random.normal(ks[0], (N, 3), dtype=jnp.float32)
    pos = jax.random.uniform(ks[1], (N, 3), dtype=jnp.float32)
    batch = jnp.zeros((N,), dtype=jnp.int32)
    params = {
        "sa1_local": _mlp_params(ks[2], [6, 64, 64, 128]),
        "sa1_global": _mlp_params(ks[3], [128, 128]),
        "sa2_local": _mlp_params(ks[4], [131, 128, 128, 256]),
        "sa2_global": _mlp_params(ks[5], [256, 256]),
        "sa3_local": _mlp_params(ks[6], [259, 256, 256, 512]),
        "sa3_global": _mlp_params(ks[7], [512, 512]),
        "sa4": _mlp_params(ks[8], [515, 512, 1024]),
        "final": _mlp_params(ks[9], [1024, 512, 256, 128]),
    }
    return {"x": x, "pos": pos, "batch": batch, "params": params}


def reference(x, pos, batch, params):
    # batch is all zeros (single cloud); global pool reduces over axis 0
    graphs = build_graph(pos)
    return forward(x, pos, params, graphs)

if __name__ == "__main__":
    import jax
    _d = setup_inputs()
    print(jax.jit(kernel)(*tuple(_d.values())))

</pallas_src>

<mosaic_0001>
#map = affine_map<(d0, d1) -> (0, 0)>
#map1 = affine_map<(d0, d1) -> (0)>
module attributes {stable_mosaic.version = 14 : i64} {
  func.func @k(%arg0: i32, %arg1: i32, %arg2: memref<8192x128xf32, #tpu.memory_space<hbm>>, %arg3: memref<131072xi32, #tpu.memory_space<hbm>>, %arg4: memref<131072x128xf32, #tpu.memory_space<hbm>>, %arg5: memref<512xi32, #tpu.memory_space<vmem>>, %arg6: memref<512x128xf32, #tpu.memory_space<vmem>>, %arg7: memref<!tpu.dma_semaphore, #tpu.memory_space<semaphore_mem>>) attributes {dimension_semantics = [#tpu.dimension_semantics<core_parallel>, #tpu.dimension_semantics<subcore_parallel>], iteration_bounds = array<i64: 2, 16>, scalar_prefetch = 0 : i64, scratch_operands = 3 : i64, tpu.core_type = #tpu.core_type<sc_vector_subcore>, window_params = [{transform_indices = #map}, {transform_indices = #map1}, {transform_indices = #map}]} {
    %mul3A = arith.constant 2 : i32
    %mul3A_0 = arith.muli %arg1, %mul3A : i32
    %add3A = arith.addi %mul3A_0, %arg0 : i32
    %mul3A_1 = arith.constant 4096 : i32
    %mul3A_2 = arith.muli %add3A, %mul3A_1 : i32
    %scan3A = arith.constant 0 : i32
    %scan3A_3 = arith.constant 0 : i32
    %scan3A_4 = arith.constant 8 : i32
    %scan3A_5 = arith.addi %scan3A_3, %scan3A_4 : i32
    %scan3A_6 = arith.constant 1 : i32
    %scan3A_7 = scf.for %scan3A_9 = %scan3A_3 to %scan3A_5 step %scan3A_6 iter_args(%scan3A_10 = %scan3A) -> (i32)  : i32 {
      %mul3A_11 = arith.constant 512 : i32
      %mul3A_12 = arith.muli %scan3A_9, %mul3A_11 : i32
      %add3A_13 = arith.addi %mul3A_2, %mul3A_12 : i32
      "tpu.region"() ({
        %run_scoped3A = tpu.sem_alloc : memref<!tpu.dma_semaphore, #tpu.memory_space<semaphore_mem>>
        %dma_start3A_19 = tpu.memref_slice %arg3[%add3A_13] : memref<131072xi32, #tpu.memory_space<hbm>> -> memref<512xi32, #tpu.memory_space<hbm>>
        %dma_start3A_20 = tpu.memref_slice %arg3[%add3A_13] : memref<131072xi32, #tpu.memory_space<hbm>> -> memref<512xi32, #tpu.memory_space<hbm>>
        tpu.enqueue_dma source(%dma_start3A_20 : memref<512xi32, #tpu.memory_space<hbm>>) target(%arg5 : memref<512xi32, #tpu.memory_space<vmem>>) target_semaphore(%run_scoped3A : memref<!tpu.dma_semaphore, #tpu.memory_space<semaphore_mem>>)
        %dma_wait3A_21 = tpu.memref_slice %arg3[%add3A_13] : memref<131072xi32, #tpu.memory_space<hbm>> -> memref<512xi32, #tpu.memory_space<hbm>>
        %dma_wait3A_22 = tpu.memref_slice %arg3[%add3A_13] : memref<131072xi32, #tpu.memory_space<hbm>> -> memref<512xi32, #tpu.memory_space<hbm>>
        tpu.wait_dma2 semaphore(%run_scoped3A : memref<!tpu.dma_semaphore, #tpu.memory_space<semaphore_mem>>) src(%dma_wait3A_22 : memref<512xi32, #tpu.memory_space<hbm>>) dst(%arg5 : memref<512xi32, #tpu.memory_space<vmem>>)
        tpu.yield
      }) : () -> ()
      %dma_start3A = arith.constant 0 : i32
      %dma_start3A_14 = arith.constant 0 : i32
      %dma_start3A_15 = tpu.memref_slice %arg2[%dma_start3A, %dma_start3A_14] : memref<8192x128xf32, #tpu.memory_space<hbm>> -> memref<8192x128xf32, #tpu.memory_space<hbm>>
      tpu.enqueue_indirect_dma source(%dma_start3A_15 : memref<8192x128xf32, #tpu.memory_space<hbm>>) target(%arg6 : memref<512x128xf32, #tpu.memory_space<vmem>>) offsets(%arg5 : memref<512xi32, #tpu.memory_space<vmem>>) semaphore(%arg7 : memref<!tpu.dma_semaphore, #tpu.memory_space<semaphore_mem>>)
      %dma_wait3A = arith.constant 0 : i32
      %dma_wait3A_16 = arith.constant 0 : i32
      %dma_wait3A_17 = tpu.memref_slice %arg2[%dma_wait3A, %dma_wait3A_16] : memref<8192x128xf32, #tpu.memory_space<hbm>> -> memref<8192x128xf32, #tpu.memory_space<hbm>>
      tpu.wait_indirect_dma semaphore(%arg7 : memref<!tpu.dma_semaphore, #tpu.memory_space<semaphore_mem>>) src(%dma_wait3A_17 : memref<8192x128xf32, #tpu.memory_space<hbm>>) dst(%arg6 : memref<512x128xf32, #tpu.memory_space<vmem>>)
      "tpu.region"() ({
        %run_scoped3A = tpu.sem_alloc : memref<!tpu.dma_semaphore, #tpu.memory_space<semaphore_mem>>
        %dma_start3A_19 = arith.constant 0 : i32
        %dma_start3A_20 = tpu.memref_slice %arg4[%add3A_13, %dma_start3A_19] : memref<131072x128xf32, #tpu.memory_space<hbm>> -> memref<512x128xf32, #tpu.memory_space<hbm>>
        %dma_start3A_21 = arith.constant 0 : i32
        %dma_start3A_22 = tpu.memref_slice %arg4[%add3A_13, %dma_start3A_21] : memref<131072x128xf32, #tpu.memory_space<hbm>> -> memref<512x128xf32, #tpu.memory_space<hbm>>
        tpu.enqueue_dma source(%arg6 : memref<512x128xf32, #tpu.memory_space<vmem>>) target(%dma_start3A_22 : memref<512x128xf32, #tpu.memory_space<hbm>>) target_semaphore(%run_scoped3A : memref<!tpu.dma_semaphore, #tpu.memory_space<semaphore_mem>>)
        %dma_wait3A_23 = arith.constant 0 : i32
        %dma_wait3A_24 = tpu.memref_slice %arg4[%add3A_13, %dma_wait3A_23] : memref<131072x128xf32, #tpu.memory_space<hbm>> -> memref<512x128xf32, #tpu.memory_space<hbm>>
        %dma_wait3A_25 = arith.constant 0 : i32
        %dma_wait3A_26 = tpu.memref_slice %arg4[%add3A_13, %dma_wait3A_25] : memref<131072x128xf32, #tpu.memory_space<hbm>> -> memref<512x128xf32, #tpu.memory_space<hbm>>
        tpu.wait_dma2 semaphore(%run_scoped3A : memref<!tpu.dma_semaphore, #tpu.memory_space<semaphore_mem>>) src(%arg6 : memref<512x128xf32, #tpu.memory_space<vmem>>) dst(%dma_wait3A_26 : memref<512x128xf32, #tpu.memory_space<hbm>>)
        tpu.yield
      }) : () -> ()
      %scan3A_18 = arith.constant 0 : i32
      scf.yield %scan3A_18 : i32
    }
    %scan3A_8 = arith.constant 8 : i32
    return
  }
}

#map = affine_map<(d0, d1) -> (0, 0)>
#map1 = affine_map<(d0, d1) -> (0)>
module attributes {stable_mosaic.version = 14 : i64} {
  func.func @k(%arg0: i32, %arg1: i32, %arg2: memref<4096x256xf32, #tpu.memory_space<hbm>>, %arg3: memref<32768xi32, #tpu.memory_space<hbm>>, %arg4: memref<32768x256xf32, #tpu.memory_space<hbm>>, %arg5: memref<256xi32, #tpu.memory_space<vmem>>, %arg6: memref<256x256xf32, #tpu.memory_space<vmem>>, %arg7: memref<!tpu.dma_semaphore, #tpu.memory_space<semaphore_mem>>) attributes {dimension_semantics = [#tpu.dimension_semantics<core_parallel>, #tpu.dimension_semantics<subcore_parallel>], iteration_bounds = array<i64: 2, 16>, scalar_prefetch = 0 : i64, scratch_operands = 3 : i64, tpu.core_type = #tpu.core_type<sc_vector_subcore>, window_params = [{transform_indices = #map}, {transform_indices = #map1}, {transform_indices = #map}]} {
    %mul3A = arith.constant 2 : i32
    %mul3A_0 = arith.muli %arg1, %mul3A : i32
    %add3A = arith.addi %mul3A_0, %arg0 : i32
    %mul3A_1 = arith.constant 1024 : i32
    %mul3A_2 = arith.muli %add3A, %mul3A_1 : i32
    %scan3A = arith.constant 0 : i32
    %scan3A_3 = arith.constant 0 : i32
    %scan3A_4 = arith.constant 4 : i32
    %scan3A_5 = arith.addi %scan3A_3, %scan3A_4 : i32
    %scan3A_6 = arith.constant 1 : i32
    %scan3A_7 = scf.for %scan3A_9 = %scan3A_3 to %scan3A_5 step %scan3A_6 iter_args(%scan3A_10 = %scan3A) -> (i32)  : i32 {
      %mul3A_11 = arith.constant 256 : i32
      %mul3A_12 = arith.muli %scan3A_9, %mul3A_11 : i32
      %add3A_13 = arith.addi %mul3A_2, %mul3A_12 : i32
      "tpu.region"() ({
        %run_scoped3A = tpu.sem_alloc : memref<!tpu.dma_semaphore, #tpu.memory_space<semaphore_mem>>
        %dma_start3A_19 = tpu.memref_slice %arg3[%add3A_13] : memref<32768xi32, #tpu.memory_space<hbm>> -> memref<256xi32, #tpu.memory_space<hbm>>
        %dma_start3A_20 = tpu.memref_slice %arg3[%add3A_13] : memref<32768xi32, #tpu.memory_space<hbm>> -> memref<256xi32, #tpu.memory_space<hbm>>
        tpu.enqueue_dma source(%dma_start3A_20 : memref<256xi32, #tpu.memory_space<hbm>>) target(%arg5 : memref<256xi32, #tpu.memory_space<vmem>>) target_semaphore(%run_scoped3A : memref<!tpu.dma_semaphore, #tpu.memory_space<semaphore_mem>>)
        %dma_wait3A_21 = tpu.memref_slice %arg3[%add3A_13] : memref<32768xi32, #tpu.memory_space<hbm>> -> memref<256xi32, #tpu.memory_space<hbm>>
        %dma_wait3A_22 = tpu.memref_slice %arg3[%add3A_13] : memref<32768xi32, #tpu.memory_space<hbm>> -> memref<256xi32, #tpu.memory_space<hbm>>
        tpu.wait_dma2 semaphore(%run_scoped3A : memref<!tpu.dma_semaphore, #tpu.memory_space<semaphore_mem>>) src(%dma_wait3A_22 : memref<256xi32, #tpu.memory_space<hbm>>) dst(%arg5 : memref<256xi32, #tpu.memory_space<vmem>>)
        tpu.yield
      }) : () -> ()
      %dma_start3A = arith.constant 0 : i32
      %dma_start3A_14 = arith.constant 0 : i32
      %dma_start3A_15 = tpu.memref_slice %arg2[%dma_start3A, %dma_start3A_14] : memref<4096x256xf32, #tpu.memory_space<hbm>> -> memref<4096x256xf32, #tpu.memory_space<hbm>>
      tpu.enqueue_indirect_dma source(%dma_start3A_15 : memref<4096x256xf32, #tpu.memory_space<hbm>>) target(%arg6 : memref<256x256xf32, #tpu.memory_space<vmem>>) offsets(%arg5 : memref<256xi32, #tpu.memory_space<vmem>>) semaphore(%arg7 : memref<!tpu.dma_semaphore, #tpu.memory_space<semaphore_mem>>)
      %dma_wait3A = arith.constant 0 : i32
      %dma_wait3A_16 = arith.constant 0 : i32
      %dma_wait3A_17 = tpu.memref_slice %arg2[%dma_wait3A, %dma_wait3A_16] : memref<4096x256xf32, #tpu.memory_space<hbm>> -> memref<4096x256xf32, #tpu.memory_space<hbm>>
      tpu.wait_indirect_dma semaphore(%arg7 : memref<!tpu.dma_semaphore, #tpu.memory_space<semaphore_mem>>) src(%dma_wait3A_17 : memref<4096x256xf32, #tpu.memory_space<hbm>>) dst(%arg6 : memref<256x256xf32, #tpu.memory_space<vmem>>)
      "tpu.region"() ({
        %run_scoped3A = tpu.sem_alloc : memref<!tpu.dma_semaphore, #tpu.memory_space<semaphore_mem>>
        %dma_start3A_19 = arith.constant 0 : i32
        %dma_start3A_20 = tpu.memref_slice %arg4[%add3A_13, %dma_start3A_19] : memref<32768x256xf32, #tpu.memory_space<hbm>> -> memref<256x256xf32, #tpu.memory_space<hbm>>
        %dma_start3A_21 = arith.constant 0 : i32
        %dma_start3A_22 = tpu.memref_slice %arg4[%add3A_13, %dma_start3A_21] : memref<32768x256xf32, #tpu.memory_space<hbm>> -> memref<256x256xf32, #tpu.memory_space<hbm>>
        tpu.enqueue_dma source(%arg6 : memref<256x256xf32, #tpu.memory_space<vmem>>) target(%dma_start3A_22 : memref<256x256xf32, #tpu.memory_space<hbm>>) target_semaphore(%run_scoped3A : memref<!tpu.dma_semaphore, #tpu.memory_space<semaphore_mem>>)
        %dma_wait3A_23 = arith.constant 0 : i32
        %dma_wait3A_24 = tpu.memref_slice %arg4[%add3A_13, %dma_wait3A_23] : memref<32768x256xf32, #tpu.memory_space<hbm>> -> memref<256x256xf32, #tpu.memory_space<hbm>>
        %dma_wait3A_25 = arith.constant 0 : i32
        %dma_wait3A_26 = tpu.memref_slice %arg4[%add3A_13, %dma_wait3A_25] : memref<32768x256xf32, #tpu.memory_space<hbm>> -> memref<256x256xf32, #tpu.memory_space<hbm>>
        tpu.wait_dma2 semaphore(%run_scoped3A : memref<!tpu.dma_semaphore, #tpu.memory_space<semaphore_mem>>) src(%arg6 : memref<256x256xf32, #tpu.memory_space<vmem>>) dst(%dma_wait3A_26 : memref<256x256xf32, #tpu.memory_space<hbm>>)
        tpu.yield
      }) : () -> ()
      %scan3A_18 = arith.constant 0 : i32
      scf.yield %scan3A_18 : i32
    }
    %scan3A_8 = arith.constant 4 : i32
    return
  }
}

#map = affine_map<(d0, d1) -> (0, 0)>
#map1 = affine_map<(d0, d1) -> (0)>
module attributes {stable_mosaic.version = 14 : i64} {
  func.func @k(%arg0: i32, %arg1: i32, %arg2: memref<1024x384xf32, #tpu.memory_space<hbm>>, %arg3: memref<8192xi32, #tpu.memory_space<hbm>>, %arg4: memref<8192x384xf32, #tpu.memory_space<hbm>>, %arg5: memref<128xi32, #tpu.memory_space<vmem>>, %arg6: memref<128x384xf32, #tpu.memory_space<vmem>>, %arg7: memref<!tpu.dma_semaphore, #tpu.memory_space<semaphore_mem>>) attributes {dimension_semantics = [#tpu.dimension_semantics<core_parallel>, #tpu.dimension_semantics<subcore_parallel>], iteration_bounds = array<i64: 2, 16>, scalar_prefetch = 0 : i64, scratch_operands = 3 : i64, tpu.core_type = #tpu.core_type<sc_vector_subcore>, window_params = [{transform_indices = #map}, {transform_indices = #map1}, {transform_indices = #map}]} {
    %mul3A = arith.constant 2 : i32
    %mul3A_0 = arith.muli %arg1, %mul3A : i32
    %add3A = arith.addi %mul3A_0, %arg0 : i32
    %mul3A_1 = arith.constant 256 : i32
    %mul3A_2 = arith.muli %add3A, %mul3A_1 : i32
    %scan3A = arith.constant 0 : i32
    %scan3A_3 = arith.constant 0 : i32
    %scan3A_4 = arith.constant 2 : i32
    %scan3A_5 = arith.addi %scan3A_3, %scan3A_4 : i32
    %scan3A_6 = arith.constant 1 : i32
    %scan3A_7 = scf.for %scan3A_9 = %scan3A_3 to %scan3A_5 step %scan3A_6 iter_args(%scan3A_10 = %scan3A) -> (i32)  : i32 {
      %mul3A_11 = arith.constant 128 : i32
      %mul3A_12 = arith.muli %scan3A_9, %mul3A_11 : i32
      %add3A_13 = arith.addi %mul3A_2, %mul3A_12 : i32
      "tpu.region"() ({
        %run_scoped3A = tpu.sem_alloc : memref<!tpu.dma_semaphore, #tpu.memory_space<semaphore_mem>>
        %dma_start3A_19 = tpu.memref_slice %arg3[%add3A_13] : memref<8192xi32, #tpu.memory_space<hbm>> -> memref<128xi32, #tpu.memory_space<hbm>>
        %dma_start3A_20 = tpu.memref_slice %arg3[%add3A_13] : memref<8192xi32, #tpu.memory_space<hbm>> -> memref<128xi32, #tpu.memory_space<hbm>>
        tpu.enqueue_dma source(%dma_start3A_20 : memref<128xi32, #tpu.memory_space<hbm>>) target(%arg5 : memref<128xi32, #tpu.memory_space<vmem>>) target_semaphore(%run_scoped3A : memref<!tpu.dma_semaphore, #tpu.memory_space<semaphore_mem>>)
        %dma_wait3A_21 = tpu.memref_slice %arg3[%add3A_13] : memref<8192xi32, #tpu.memory_space<hbm>> -> memref<128xi32, #tpu.memory_space<hbm>>
        %dma_wait3A_22 = tpu.memref_slice %arg3[%add3A_13] : memref<8192xi32, #tpu.memory_space<hbm>> -> memref<128xi32, #tpu.memory_space<hbm>>
        tpu.wait_dma2 semaphore(%run_scoped3A : memref<!tpu.dma_semaphore, #tpu.memory_space<semaphore_mem>>) src(%dma_wait3A_22 : memref<128xi32, #tpu.memory_space<hbm>>) dst(%arg5 : memref<128xi32, #tpu.memory_space<vmem>>)
        tpu.yield
      }) : () -> ()
      %dma_start3A = arith.constant 0 : i32
      %dma_start3A_14 = arith.constant 0 : i32
      %dma_start3A_15 = tpu.memref_slice %arg2[%dma_start3A, %dma_start3A_14] : memref<1024x384xf32, #tpu.memory_space<hbm>> -> memref<1024x384xf32, #tpu.memory_space<hbm>>
      tpu.enqueue_indirect_dma source(%dma_start3A_15 : memref<1024x384xf32, #tpu.memory_space<hbm>>) target(%arg6 : memref<128x384xf32, #tpu.memory_space<vmem>>) offsets(%arg5 : memref<128xi32, #tpu.memory_space<vmem>>) semaphore(%arg7 : memref<!tpu.dma_semaphore, #tpu.memory_space<semaphore_mem>>)
      %dma_wait3A = arith.constant 0 : i32
      %dma_wait3A_16 = arith.constant 0 : i32
      %dma_wait3A_17 = tpu.memref_slice %arg2[%dma_wait3A, %dma_wait3A_16] : memref<1024x384xf32, #tpu.memory_space<hbm>> -> memref<1024x384xf32, #tpu.memory_space<hbm>>
      tpu.wait_indirect_dma semaphore(%arg7 : memref<!tpu.dma_semaphore, #tpu.memory_space<semaphore_mem>>) src(%dma_wait3A_17 : memref<1024x384xf32, #tpu.memory_space<hbm>>) dst(%arg6 : memref<128x384xf32, #tpu.memory_space<vmem>>)
      "tpu.region"() ({
        %run_scoped3A = tpu.sem_alloc : memref<!tpu.dma_semaphore, #tpu.memory_space<semaphore_mem>>
        %dma_start3A_19 = arith.constant 0 : i32
        %dma_start3A_20 = tpu.memref_slice %arg4[%add3A_13, %dma_start3A_19] : memref<8192x384xf32, #tpu.memory_space<hbm>> -> memref<128x384xf32, #tpu.memory_space<hbm>>
        %dma_start3A_21 = arith.constant 0 : i32
        %dma_start3A_22 = tpu.memref_slice %arg4[%add3A_13, %dma_start3A_21] : memref<8192x384xf32, #tpu.memory_space<hbm>> -> memref<128x384xf32, #tpu.memory_space<hbm>>
        tpu.enqueue_dma source(%arg6 : memref<128x384xf32, #tpu.memory_space<vmem>>) target(%dma_start3A_22 : memref<128x384xf32, #tpu.memory_space<hbm>>) target_semaphore(%run_scoped3A : memref<!tpu.dma_semaphore, #tpu.memory_space<semaphore_mem>>)
        %dma_wait3A_23 = arith.constant 0 : i32
        %dma_wait3A_24 = tpu.memref_slice %arg4[%add3A_13, %dma_wait3A_23] : memref<8192x384xf32, #tpu.memory_space<hbm>> -> memref<128x384xf32, #tpu.memory_space<hbm>>
        %dma_wait3A_25 = arith.constant 0 : i32
        %dma_wait3A_26 = tpu.memref_slice %arg4[%add3A_13, %dma_wait3A_25] : memref<8192x384xf32, #tpu.memory_space<hbm>> -> memref<128x384xf32, #tpu.memory_space<hbm>>
        tpu.wait_dma2 semaphore(%run_scoped3A : memref<!tpu.dma_semaphore, #tpu.memory_space<semaphore_mem>>) src(%arg6 : memref<128x384xf32, #tpu.memory_space<vmem>>) dst(%dma_wait3A_26 : memref<128x384xf32, #tpu.memory_space<hbm>>)
        tpu.yield
      }) : () -> ()
      %scan3A_18 = arith.constant 0 : i32
      scf.yield %scan3A_18 : i32
    }
    %scan3A_8 = arith.constant 2 : i32
    return
  }
}

module attributes {stable_mosaic.version = 14 : i64} {
  func.func @_fps_body(%arg0: memref<64x128xf32, #tpu.memory_space<vmem>>, %arg1: memref<64x128xf32, #tpu.memory_space<vmem>>, %arg2: memref<64x128xf32, #tpu.memory_space<vmem>>, %arg3: memref<24576xf32, #tpu.memory_space<smem>>, %arg4: memref<64x128xf32, #tpu.memory_space<vmem>>, %arg5: memref<4096xi32, #tpu.memory_space<smem>>, %arg6: memref<12288xf32, #tpu.memory_space<smem>>) attributes {dimension_semantics = [], scalar_prefetch = 0 : i64, scratch_operands = 0 : i64, tpu.core_type = #tpu.core_type<tc>} {
    %get3A = arith.constant 0 : index
    %get3A_0 = arith.constant 0 : index
    %get3A_1 = vector.load %arg0[%get3A, %get3A_0] : memref<64x128xf32, #tpu.memory_space<vmem>>, vector<64x128xf32>
    %get3A_2 = arith.constant 0 : index
    %get3A_3 = arith.constant 0 : index
    %get3A_4 = vector.load %arg1[%get3A_2, %get3A_3] : memref<64x128xf32, #tpu.memory_space<vmem>>, vector<64x128xf32>
    %get3A_5 = arith.constant 0 : index
    %get3A_6 = arith.constant 0 : index
    %get3A_7 = vector.load %arg2[%get3A_5, %get3A_6] : memref<64x128xf32, #tpu.memory_space<vmem>>, vector<64x128xf32>
    %get3A_8 = arith.constant 0 : index
    %get3A_9 = arith.constant 0 : index
    %get3A_10 = vector.load %arg4[%get3A_8, %get3A_9] : memref<64x128xf32, #tpu.memory_space<vmem>>, vector<64x128xf32>
    %swap3A = arith.constant 0 : i32
    %swap3A_11 = arith.constant 0 : index
    %swap3A_12 = memref.load %arg5[%swap3A_11] : memref<4096xi32, #tpu.memory_space<smem>>
    memref.store %swap3A, %arg5[%swap3A_11] : memref<4096xi32, #tpu.memory_space<smem>>
    %get3A_13 = arith.constant 0 : index
    %get3A_14 = memref.load %arg3[%get3A_13] : memref<24576xf32, #tpu.memory_space<smem>>
    %get3A_15 = arith.constant 1 : index
    %get3A_16 = memref.load %arg3[%get3A_15] : memref<24576xf32, #tpu.memory_space<smem>>
    %get3A_17 = arith.constant 2 : index
    %get3A_18 = memref.load %arg3[%get3A_17] : memref<24576xf32, #tpu.memory_space<smem>>
    %swap3A_19 = arith.constant 0 : index
    %swap3A_20 = memref.load %arg6[%swap3A_19] : memref<12288xf32, #tpu.memory_space<smem>>
    memref.store %get3A_14, %arg6[%swap3A_19] : memref<12288xf32, #tpu.memory_space<smem>>
    %swap3A_21 = arith.constant 1 : index
    %swap3A_22 = memref.load %arg6[%swap3A_21] : memref<12288xf32, #tpu.memory_space<smem>>
    memref.store %get3A_16, %arg6[%swap3A_21] : memref<12288xf32, #tpu.memory_space<smem>>
    %swap3A_23 = arith.constant 2 : index
    %swap3A_24 = memref.load %arg6[%swap3A_23] : memref<12288xf32, #tpu.memory_space<smem>>
    memref.store %get3A_18, %arg6[%swap3A_23] : memref<12288xf32, #tpu.memory_space<smem>>
    %broadcast_in_dim3A = arith.constant 0x7F800000 : f32
    %broadcast_in_dim3A_25 = vector.broadcast %broadcast_in_dim3A : f32 to vector<64x128xf32>
    %scan3A = arith.constant 1 : i32
    %scan3A_26 = arith.constant 4095 : i32
    %scan3A_27 = arith.addi %scan3A, %scan3A_26 : i32
    %scan3A_28 = arith.constant 1 : i32
    %scan3A_29:4 = scf.for %scan3A_31 = %scan3A to %scan3A_27 step %scan3A_28 iter_args(%scan3A_32 = %get3A_14, %scan3A_33 = %get3A_16, %scan3A_34 = %get3A_18, %scan3A_35 = %broadcast_in_dim3A_25) -> (f32, f32, f32, vector<64x128xf32>)  : i32 {
      %sub3A = vector.broadcast %scan3A_32 : f32 to vector<64x128xf32>
      %sub3A_36 = arith.subf %get3A_1, %sub3A : vector<64x128xf32>
      %sub3A_37 = vector.broadcast %scan3A_33 : f32 to vector<64x128xf32>
      %sub3A_38 = arith.subf %get3A_4, %sub3A_37 : vector<64x128xf32>
      %sub3A_39 = vector.broadcast %scan3A_34 : f32 to vector<64x128xf32>
      %sub3A_40 = arith.subf %get3A_7, %sub3A_39 : vector<64x128xf32>
      %mul3A = arith.mulf %sub3A_36, %sub3A_36 : vector<64x128xf32>
      %mul3A_41 = arith.mulf %sub3A_38, %sub3A_38 : vector<64x128xf32>
      %add3A = arith.addf %mul3A, %mul3A_41 : vector<64x128xf32>
      %mul3A_42 = arith.mulf %sub3A_40, %sub3A_40 : vector<64x128xf32>
      %add3A_43 = arith.addf %add3A, %mul3A_42 : vector<64x128xf32>
      %min3A = arith.minimumf %scan3A_35, %add3A_43 : vector<64x128xf32>
      %reduce_max3A = vector.shape_cast %min3A : vector<64x128xf32> to vector<1x64x128xf32>
      %reduce_max3A_44 = arith.constant dense<0xFF800000> : vector<1xf32>
      %reduce_max3A_45 = vector.multi_reduction <maximumf>, %reduce_max3A, %reduce_max3A_44 [1, 2] : vector<1x64x128xf32> to vector<1xf32>
      %reduce_max3A_46 = vector.shape_cast %reduce_max3A_45 : vector<1xf32> to vector<1x1x1xf32>
      %reduce_max3A_47 = vector.extract %reduce_max3A_46[0, 0, 0] : f32 from vector<1x1x1xf32>
      %eq3A = vector.broadcast %reduce_max3A_47 : f32 to vector<64x128xf32>
      %eq3A_48 = arith.cmpf oeq, %min3A, %eq3A : vector<64x128xf32>
      %jit3A = arith.constant 3.400000e+38 : f32
      %broadcast_in_dim3A_49 = vector.broadcast %jit3A : f32 to vector<64x128xf32>
      %select_n3A = arith.select %eq3A_48, %get3A_10, %broadcast_in_dim3A_49 : vector<64x128xi1>, vector<64x128xf32>
      %reduce_min3A = vector.shape_cast %select_n3A : vector<64x128xf32> to vector<1x64x128xf32>
      %reduce_min3A_50 = arith.constant dense<0x7F800000> : vector<1xf32>
      %reduce_min3A_51 = vector.multi_reduction <minimumf>, %reduce_min3A, %reduce_min3A_50 [1, 2] : vector<1x64x128xf32> to vector<1xf32>
      %reduce_min3A_52 = vector.shape_cast %reduce_min3A_51 : vector<1xf32> to vector<1x1x1xf32>
      %reduce_min3A_53 = vector.extract %reduce_min3A_52[0, 0, 0] : f32 from vector<1x1x1xf32>
      %convert_element_type3A = arith.fptosi %reduce_min3A_53 : f32 to i32
      %mul3A_54 = arith.constant 3 : i32
      %mul3A_55 = arith.muli %mul3A_54, %convert_element_type3A : i32
      %get3A_56 = arith.index_cast %mul3A_55 : i32 to index
      %get3A_57 = memref.load %arg3[%get3A_56] : memref<24576xf32, #tpu.memory_space<smem>>
      %mul3A_58 = arith.constant 3 : i32
      %mul3A_59 = arith.muli %mul3A_58, %convert_element_type3A : i32
      %add3A_60 = arith.constant 1 : i32
      %add3A_61 = arith.addi %mul3A_59, %add3A_60 : i32
      %get3A_62 = arith.index_cast %add3A_61 : i32 to index
      %get3A_63 = memref.load %arg3[%get3A_62] : memref<24576xf32, #tpu.memory_space<smem>>
      %mul3A_64 = arith.constant 3 : i32
      %mul3A_65 = arith.muli %mul3A_64, %convert_element_type3A : i32
      %add3A_66 = arith.constant 2 : i32
      %add3A_67 = arith.addi %mul3A_65, %add3A_66 : i32
      %get3A_68 = arith.index_cast %add3A_67 : i32 to index
      %get3A_69 = memref.load %arg3[%get3A_68] : memref<24576xf32, #tpu.memory_space<smem>>
      %swap3A_70 = arith.index_cast %scan3A_31 : i32 to index
      %swap3A_71 = memref.load %arg5[%swap3A_70] : memref<4096xi32, #tpu.memory_space<smem>>
      memref.store %convert_element_type3A, %arg5[%swap3A_70] : memref<4096xi32, #tpu.memory_space<smem>>
      %mul3A_72 = arith.constant 3 : i32
      %mul3A_73 = arith.muli %mul3A_72, %scan3A_31 : i32
      %swap3A_74 = arith.index_cast %mul3A_73 : i32 to index
      %swap3A_75 = memref.load %arg6[%swap3A_74] : memref<12288xf32, #tpu.memory_space<smem>>
      memref.store %get3A_57, %arg6[%swap3A_74] : memref<12288xf32, #tpu.memory_space<smem>>
      %mul3A_76 = arith.constant 3 : i32
      %mul3A_77 = arith.muli %mul3A_76, %scan3A_31 : i32
      %add3A_78 = arith.constant 1 : i32
      %add3A_79 = arith.addi %mul3A_77, %add3A_78 : i32
      %swap3A_80 = arith.index_cast %add3A_79 : i32 to index
      %swap3A_81 = memref.load %arg6[%swap3A_80] : memref<12288xf32, #tpu.memory_space<smem>>
      memref.store %get3A_63, %arg6[%swap3A_80] : memref<12288xf32, #tpu.memory_space<smem>>
      %mul3A_82 = arith.constant 3 : i32
      %mul3A_83 = arith.muli %mul3A_82, %scan3A_31 : i32
      %add3A_84 = arith.constant 2 : i32
      %add3A_85 = arith.addi %mul3A_83, %add3A_84 : i32
      %swap3A_86 = arith.index_cast %add3A_85 : i32 to index
      %swap3A_87 = memref.load %arg6[%swap3A_86] : memref<12288xf32, #tpu.memory_space<smem>>
      memref.store %get3A_69, %arg6[%swap3A_86] : memref<12288xf32, #tpu.memory_space<smem>>
      scf.yield %get3A_57, %get3A_63, %get3A_69, %min3A : f32, f32, f32, vector<64x128xf32>
    }
    %scan3A_30 = arith.constant 4095 : i32
    return
  }
}

module attributes {stable_mosaic.version = 14 : i64} {
  func.func @_knn_body(%arg0: i32, %arg1: memref<64x128xf32, #tpu.memory_space<vmem>>, %arg2: memref<64x128xf32, #tpu.memory_space<vmem>>, %arg3: memref<64x128xf32, #tpu.memory_space<vmem>>, %arg4: memref<8x3xf32, #tpu.memory_space<vmem>>, %arg5: memref<64x8x128xf32, #tpu.memory_space<vmem>>, %arg6: memref<8x32xi32, #tpu.memory_space<vmem>>, %arg7: memref<8x32xf32, #tpu.memory_space<vmem>>, %arg8: memref<64x8x128xf32, #tpu.memory_space<vmem>>) attributes {dimension_semantics = [#tpu.dimension_semantics<arbitrary>], iteration_bounds = array<i64: 512>, scalar_prefetch = 0 : i64, scratch_operands = 1 : i64, tpu.core_type = #tpu.core_type<tc>, window_params = [{pipeline_mode = #tpu.pipeline_mode<synchronous>, transform_indices = @transform_0, window_bounds = array<i64: 64, 128>}, {pipeline_mode = #tpu.pipeline_mode<synchronous>, transform_indices = @transform_1, window_bounds = array<i64: 64, 128>}, {pipeline_mode = #tpu.pipeline_mode<synchronous>, transform_indices = @transform_2, window_bounds = array<i64: 64, 128>}, {transform_indices = @transform_3, window_bounds = array<i64: 8, 3>}, {pipeline_mode = #tpu.pipeline_mode<synchronous>, transform_indices = @transform_4, window_bounds = array<i64: 64, 8, 128>}, {transform_indices = @transform_5, window_bounds = array<i64: 8, 32>}, {transform_indices = @transform_6, window_bounds = array<i64: 8, 32>}]} {
    %get3A = arith.constant 0 : index
    %get3A_0 = arith.constant 0 : index
    %get3A_1 = vector.load %arg4[%get3A, %get3A_0] : memref<8x3xf32, #tpu.memory_space<vmem>>, vector<8x3xf32>
    %slice3A = vector.extract_strided_slice %get3A_1 {offsets = [0, 0], sizes = [8, 1], strides = [1, 1]} : vector<8x3xf32> to vector<8x1xf32>
    %slice3A_2 = vector.extract_strided_slice %get3A_1 {offsets = [0, 1], sizes = [8, 1], strides = [1, 1]} : vector<8x3xf32> to vector<8x1xf32>
    %slice3A_3 = vector.extract_strided_slice %get3A_1 {offsets = [0, 2], sizes = [8, 1], strides = [1, 1]} : vector<8x3xf32> to vector<8x1xf32>
    %get3A_4 = arith.constant 0 : index
    %get3A_5 = arith.constant 0 : index
    %get3A_6 = vector.load %arg1[%get3A_4, %get3A_5] : memref<64x128xf32, #tpu.memory_space<vmem>>, vector<1x128xf32>
    %sub3A = vector.broadcast %slice3A : vector<8x1xf32> to vector<8x128xf32>
    %sub3A_7 = vector.broadcast %get3A_6 : vector<1x128xf32> to vector<8x128xf32>
    %sub3A_8 = arith.subf %sub3A, %sub3A_7 : vector<8x128xf32>
    %get3A_9 = arith.constant 0 : index
    %get3A_10 = arith.constant 0 : index
    %get3A_11 = vector.load %arg2[%get3A_9, %get3A_10] : memref<64x128xf32, #tpu.memory_space<vmem>>, vector<1x128xf32>
    %sub3A_12 = vector.broadcast %slice3A_2 : vector<8x1xf32> to vector<8x128xf32>
    %sub3A_13 = vector.broadcast %get3A_11 : vector<1x128xf32> to vector<8x128xf32>
    %sub3A_14 = arith.subf %sub3A_12, %sub3A_13 : vector<8x128xf32>
    %get3A_15 = arith.constant 0 : index
    %get3A_16 = arith.constant 0 : index
    %get3A_17 = vector.load %arg3[%get3A_15, %get3A_16] : memref<64x128xf32, #tpu.memory_space<vmem>>, vector<1x128xf32>
    %sub3A_18 = vector.broadcast %slice3A_3 : vector<8x1xf32> to vector<8x128xf32>
    %sub3A_19 = vector.broadcast %get3A_17 : vector<1x128xf32> to vector<8x128xf32>
    %sub3A_20 = arith.subf %sub3A_18, %sub3A_19 : vector<8x128xf32>
    %mul3A = arith.mulf %sub3A_8, %sub3A_8 : vector<8x128xf32>
    %mul3A_21 = arith.mulf %sub3A_14, %sub3A_14 : vector<8x128xf32>
    %add3A = arith.addf %mul3A, %mul3A_21 : vector<8x128xf32>
    %mul3A_22 = arith.mulf %sub3A_20, %sub3A_20 : vector<8x128xf32>
    %add3A_23 = arith.addf %add3A, %mul3A_22 : vector<8x128xf32>
    %swap3A = arith.constant 0 : index
    %swap3A_24 = arith.constant 0 : index
    %swap3A_25 = arith.constant 0 : index
    %swap3A_26 = vector.load %arg8[%swap3A, %swap3A_24, %swap3A_25] : memref<64x8x128xf32, #tpu.memory_space<vmem>>, vector<1x8x128xf32>
    %swap3A_27 = vector.shape_cast %swap3A_26 : vector<1x8x128xf32> to vector<8x128xf32>
    %swap3A_28 = vector.shape_cast %add3A_23 : vector<8x128xf32> to vector<1x8x128xf32>
    tpu.vector_store %arg8[%swap3A, %swap3A_24, %swap3A_25], %swap3A_28 {strides = array<i32>} : memref<64x8x128xf32, #tpu.memory_space<vmem>>, vector<1x8x128xf32>,
    %get3A_29 = arith.constant 1 : index
    %get3A_30 = arith.constant 0 : index
    %get3A_31 = vector.load %arg1[%get3A_29, %get3A_30] : memref<64x128xf32, #tpu.memory_space<vmem>>, vector<1x128xf32>
    %sub3A_32 = vector.broadcast %slice3A : vector<8x1xf32> to vector<8x128xf32>
    %sub3A_33 = vector.broadcast %get3A_31 : vector<1x128xf32> to vector<8x128xf32>
    %sub3A_34 = arith.subf %sub3A_32, %sub3A_33 : vector<8x128xf32>
    %get3A_35 = arith.constant 1 : index
    %get3A_36 = arith.constant 0 : index
    %get3A_37 = vector.load %arg2[%get3A_35, %get3A_36] : memref<64x128xf32, #tpu.memory_space<vmem>>, vector<1x128xf32>
    %sub3A_38 = vector.broadcast %slice3A_2 : vector<8x1xf32> to vector<8x128xf32>
    %sub3A_39 = vector.broadcast %get3A_37 : vector<1x128xf32> to vector<8x128xf32>
    %sub3A_40 = arith.subf %sub3A_38, %sub3A_39 : vector<8x128xf32>
    %get3A_41 = arith.constant 1 : index
    %get3A_42 = arith.constant 0 : index
    %get3A_43 = vector.load %arg3[%get3A_41, %get3A_42] : memref<64x128xf32, #tpu.memory_space<vmem>>, vector<1x128xf32>
    %sub3A_44 = vector.broadcast %slice3A_3 : vector<8x1xf32> to vector<8x128xf32>
    %sub3A_45 = vector.broadcast %get3A_43 : vector<1x128xf32> to vector<8x128xf32>
    %sub3A_46 = arith.subf %sub3A_44, %sub3A_45 : vector<8x128xf32>
    %mul3A_47 = arith.mulf %sub3A_34, %sub3A_34 : vector<8x128xf32>
    %mul3A_48 = arith.mulf %sub3A_40, %sub3A_40 : vector<8x128xf32>
    %add3A_49 = arith.addf %mul3A_47, %mul3A_48 : vector<8x128xf32>
    %mul3A_50 = arith.mulf %sub3A_46, %sub3A_46 : vector<8x128xf32>
    %add3A_51 = arith.addf %add3A_49, %mul3A_50 : vector<8x128xf32>
    %swap3A_52 = arith.constant 1 : index
    %swap3A_53 = arith.constant 0 : index
    %swap3A_54 = arith.constant 0 : index
    %swap3A_55 = vector.load %arg8[%swap3A_52, %swap3A_53, %swap3A_54] : memref<64x8x128xf32, #tpu.memory_space<vmem>>, vector<1x8x128xf32>
    %swap3A_56 = vector.shape_cast %swap3A_55 : vector<1x8x128xf32> to vector<8x128xf32>
    %swap3A_57 = vector.shape_cast %add3A_51 : vector<8x128xf32> to vector<1x8x128xf32>
    tpu.vector_store %arg8[%swap3A_52, %swap3A_53, %swap3A_54], %swap3A_57 {strides = array<i32>} : memref<64x8x128xf32, #tpu.memory_space<vmem>>, vector<1x8x128xf32>,
    %get3A_58 = arith.constant 2 : index
    %get3A_59 = arith.constant 0 : index
    %get3A_60 = vector.load %arg1[%get3A_58, %get3A_59] : memref<64x128xf32, #tpu.memory_space<vmem>>, vector<1x128xf32>
    %sub3A_61 = vector.broadcast %slice3A : vector<8x1xf32> to vector<8x128xf32>
    %sub3A_62 = vector.broadcast %get3A_60 : vector<1x128xf32> to vector<8x128xf32>
    %sub3A_63 = arith.subf %sub3A_61, %sub3A_62 : vector<8x128xf32>
    %get3A_64 = arith.constant 2 : index
    %get3A_65 = arith.constant 0 : index
    %get3A_66 = vector.load %arg2[%get3A_64, %get3A_65] : memref<64x128xf32, #tpu.memory_space<vmem>>, vector<1x128xf32>
    %sub3A_67 = vector.broadcast %slice3A_2 : vector<8x1xf32> to vector<8x128xf32>
    %sub3A_68 = vector.broadcast %get3A_66 : vector<1x128xf32> to vector<8x128xf32>
    %sub3A_69 = arith.subf %sub3A_67, %sub3A_68 : vector<8x128xf32>
    %get3A_70 = arith.constant 2 : index
    %get3A_71 = arith.constant 0 : index
    %get3A_72 = vector.load %arg3[%get3A_70, %get3A_71] : memref<64x128xf32, #tpu.memory_space<vmem>>, vector<1x128xf32>
    %sub3A_73 = vector.broadcast %slice3A_3 : vector<8x1xf32> to vector<8x128xf32>
    %sub3A_74 = vector.broadcast %get3A_72 : vector<1x128xf32> to vector<8x128xf32>
    %sub3A_75 = arith.subf %sub3A_73, %sub3A_74 : vector<8x128xf32>
    %mul3A_76 = arith.mulf %sub3A_63, %sub3A_63 : vector<8x128xf32>
    %mul3A_77 = arith.mulf %sub3A_69, %sub3A_69 : vector<8x128xf32>
    %add3A_78 = arith.addf %mul3A_76, %mul3A_77 : vector<8x128xf32>
    %mul3A_79 = arith.mulf %sub3A_75, %sub3A_75 : vector<8x128xf32>
    %add3A_80 = arith.addf %add3A_78, %mul3A_79 : vector<8x128xf32>
    %swap3A_81 = arith.constant 2 : index
    %swap3A_82 = arith.constant 0 : index
    %swap3A_83 = arith.constant 0 : index
    %swap3A_84 = vector.load %arg8[%swap3A_81, %swap3A_82, %swap3A_83] : memref<64x8x128xf32, #tpu.memory_space<vmem>>, vector<1x8x128xf32>
    %swap3A_85 = vector.shape_cast %swap3A_84 : vector<1x8x128xf32> to vector<8x128xf32>
    %swap3A_86 = vector.shape_cast %add3A_80 : vector<8x128xf32> to vector<1x8x128xf32>
    tpu.vector_store %arg8[%swap3A_81, %swap3A_82, %swap3A_83], %swap3A_86 {strides = array<i32>} : memref<64x8x128xf32, #tpu.memory_space<vmem>>, vector<1x8x128xf32>,
    %get3A_87 = arith.constant 3 : index
    %get3A_88 = arith.constant 0 : index
    %get3A_89 = vector.load %arg1[%get3A_87, %get3A_88] : memref<64x128xf32, #tpu.memory_space<vmem>>, vector<1x128xf32>
    %sub3A_90 = vector.broadcast %slice3A : vector<8x1xf32> to vector<8x128xf32>
    %sub3A_91 = vector.broadcast %get3A_89 : vector<1x128xf32> to vector<8x128xf32>
    %sub3A_92 = arith.subf %sub3A_90, %sub3A_91 : vector<8x128xf32>
    %get3A_93 = arith.constant 3 : index
    %get3A_94 = arith.constant 0 : index
    %get3A_95 = vector.load %arg2[%get3A_93, %get3A_94] : memref<64x128xf32, #tpu.memory_space<vmem>>, vector<1x128xf32>
    %sub3A_96 = vector.broadcast %slice3A_2 : vector<8x1xf32> to vector<8x128xf32>
    %sub3A_97 = vector.broadcast %get3A_95 : vector<1x128xf32> to vector<8x128xf32>
    %sub3A_98 = arith.subf %sub3A_96, %sub3A_97 : vector<8x128xf32>
    %get3A_99 = arith.constant 3 : index
    %get3A_100 = arith.constant 0 : index
    %get3A_101 = vector.load %arg3[%get3A_99, %get3A_100] : memref<64x128xf32, #tpu.memory_space<vmem>>, vector<1x128xf32>
    %sub3A_102 = vector.broadcast %slice3A_3 : vector<8x1xf32> to vector<8x128xf32>
    %sub3A_103 = vector.broadcast %get3A_101 : vector<1x128xf32> to vector<8x128xf32>
    %sub3A_104 = arith.subf %sub3A_102, %sub3A_103 : vector<8x128xf32>
    %mul3A_105 = arith.mulf %sub3A_92, %sub3A_92 : vector<8x128xf32>
    %mul3A_106 = arith.mulf %sub3A_98, %sub3A_98 : vector<8x128xf32>
    %add3A_107 = arith.addf %mul3A_105, %mul3A_106 : vector<8x128xf32>
    %mul3A_108 = arith.mulf %sub3A_104, %sub3A_104 : vector<8x128xf32>
    %add3A_109 = arith.addf %add3A_107, %mul3A_108 : vector<8x128xf32>
    %swap3A_110 = arith.constant 3 : index
    %swap3A_111 = arith.constant 0 : index
    %swap3A_112 = arith.constant 0 : index
    %swap3A_113 = vector.load %arg8[%swap3A_110, %swap3A_111, %swap3A_112] : memref<64x8x128xf32, #tpu.memory_space<vmem>>, vector<1x8x128xf32>
    %swap3A_114 = vector.shape_cast %swap3A_113 : vector<1x8x128xf32> to vector<8x128xf32>
    %swap3A_115 = vector.shape_cast %add3A_109 : vector<8x128xf32> to vector<1x8x128xf32>
    tpu.vector_store %arg8[%swap3A_110, %swap3A_111, %swap3A_112], %swap3A_115 {strides = array<i32>} : memref<64x8x128xf32, #tpu.memory_space<vmem>>, vector<1x8x128xf32>,
    %get3A_116 = arith.constant 4 : index
    %get3A_117 = arith.constant 0 : index
    %get3A_118 = vector.load %arg1[%get3A_116, %get3A_117] : memref<64x128xf32, #tpu.memory_space<vmem>>, vector<1x128xf32>
    %sub3A_119 = vector.broadcast %slice3A : vector<8x1xf32> to vector<8x128xf32>
    %sub3A_120 = vector.broadcast %get3A_118 : vector<1x128xf32> to vector<8x128xf32>
    %sub3A_121 = arith.subf %sub3A_119, %sub3A_120 : vector<8x128xf32>
    %get3A_122 = arith.constant 4 : index
    %get3A_123 = arith.constant 0 : index
    %get3A_124 = vector.load %arg2[%get3A_122, %get3A_123] : memref<64x128xf32, #tpu.memory_space<vmem>>, vector<1x128xf32>
    %sub3A_125 = vector.broadcast %slice3A_2 : vector<8x1xf32> to vector<8x128xf32>
    %sub3A_126 = vector.broadcast %get3A_124 : vector<1x128xf32> to vector<8x128xf32>
    %sub3A_127 = arith.subf %sub3A_125, %sub3A_126 : vector<8x128xf32>
    %get3A_128 = arith.constant 4 : index
    %get3A_129 = arith.constant 0 : index
    %get3A_130 = vector.load %arg3[%get3A_128, %get3A_129] : memref<64x128xf32, #tpu.memory_space<vmem>>, vector<1x128xf32>
    %sub3A_131 = vector.broadcast %slice3A_3 : vector<8x1xf32> to vector<8x128xf32>
    %sub3A_132 = vector.broadcast %get3A_130 : vector<1x128xf32> to vector<8x128xf32>
    %sub3A_133 = arith.subf %sub3A_131, %sub3A_132 : vector<8x128xf32>
    %mul3A_134 = arith.mulf %sub3A_121, %sub3A_121 : vector<8x128xf32>
    %mul3A_135 = arith.mulf %sub3A_127, %sub3A_127 : vector<8x128xf32>
    %add3A_136 = arith.addf %mul3A_134, %mul3A_135 : vector<8x128xf32>
    %mul3A_137 = arith.mulf %sub3A_133, %sub3A_133 : vector<8x128xf32>
    %add3A_138 = arith.addf %add3A_136, %mul3A_137 : vector<8x128xf32>
    %swap3A_139 = arith.constant 4 : index
    %swap3A_140 = arith.constant 0 : index
    %swap3A_141 = arith.constant 0 : index
    %swap3A_142 = vector.load %arg8[%swap3A_139, %swap3A_140, %swap3A_141] : memref<64x8x128xf32, #tpu.memory_space<vmem>>, vector<1x8x128xf32>
    %swap3A_143 = vector.shape_cast %swap3A_142 : vector<1x8x128xf32> to vector<8x128xf32>
    %swap3A_144 = vector.shape_cast %add3A_138 : vector<8x128xf32> to vector<1x8x128xf32>
    tpu.vector_store %arg8[%swap3A_139, %swap3A_140, %swap3A_141], %swap3A_144 {strides = array<i32>} : memref<64x8x128xf32, #tpu.memory_space<vmem>>, vector<1x8x128xf32>,
    %get3A_145 = arith.constant 5 : index
    %get3A_146 = arith.constant 0 : index
    %get3A_147 = vector.load %arg1[%get3A_145, %get3A_146] : memref<64x128xf32, #tpu.memory_space<vmem>>, vector<1x128xf32>
    %sub3A_148 = vector.broadcast %slice3A : vector<8x1xf32> to vector<8x128xf32>
    %sub3A_149 = vector.broadcast %get3A_147 : vector<1x128xf32> to vector<8x128xf32>
    %sub3A_150 = arith.subf %sub3A_148, %sub3A_149 : vector<8x128xf32>
    %get3A_151 = arith.constant 5 : index
    %get3A_152 = arith.constant 0 : index
    %get3A_153 = vector.load %arg2[%get3A_151, %get3A_152] : memref<64x128xf32, #tpu.memory_space<vmem>>, vector<1x128xf32>
    %sub3A_154 = vector.broadcast %slice3A_2 : vector<8x1xf32> to vector<8x128xf32>
    %sub3A_155 = vector.broadcast %get3A_153 : vector<1x128xf32> to vector<8x128xf32>
    %sub3A_156 = arith.subf %sub3A_154, %sub3A_155 : vector<8x128xf32>
    %get3A_157 = arith.constant 5 : index
    %get3A_158 = arith.constant 0 : index
    %get3A_159 = vector.load %arg3[%get3A_157, %get3A_158] : memref<64x128xf32, #tpu.memory_space<vmem>>, vector<1x128xf32>
    %sub3A_160 = vector.broadcast %slice3A_3 : vector<8x1xf32> to vector<8x128xf32>
    %sub3A_161 = vector.broadcast %get3A_159 : vector<1x128xf32> to vector<8x128xf32>
    %sub3A_162 = arith.subf %sub3A_160, %sub3A_161 : vector<8x128xf32>
    %mul3A_163 = arith.mulf %sub3A_150, %sub3A_150 : vector<8x128xf32>
    %mul3A_164 = arith.mulf %sub3A_156, %sub3A_156 : vector<8x128xf32>
    %add3A_165 = arith.addf %mul3A_163, %mul3A_164 : vector<8x128xf32>
    %mul3A_166 = arith.mulf %sub3A_162, %sub3A_162 : vector<8x128xf32>
    %add3A_167 = arith.addf %add3A_165, %mul3A_166 : vector<8x128xf32>
    %swap3A_168 = arith.constant 5 : index
    %swap3A_169 = arith.constant 0 : index
    %swap3A_170 = arith.constant 0 : index
    %swap3A_171 = vector.load %arg8[%swap3A_168, %swap3A_169, %swap3A_170] : memref<64x8x128xf32, #tpu.memory_space<vmem>>, vector<1x8x128xf32>
    %swap3A_172 = vector.shape_cast %swap3A_171 : vector<1x8x128xf32> to vector<8x128xf32>
    %swap3A_173 = vector.shape_cast %add3A_167 : vector<8x128xf32> to vector<1x8x128xf32>
    tpu.vector_store %arg8[%swap3A_168, %swap3A_169, %swap3A_170], %swap3A_173 {strides = array<i32>} : memref<64x8x128xf32, #tpu.memory_space<vmem>>, vector<1x8x128xf32>,
    %get3A_174 = arith.constant 6 : index
    %get3A_175 = arith.constant 0 : index
    %get3A_176 = vector.load %arg1[%get3A_174, %get3A_175] : memref<64x128xf32, #tpu.memory_space<vmem>>, vector<1x128xf32>
    %sub3A_177 = vector.broadcast %slice3A : vector<8x1xf32> to vector<8x128xf32>
    %sub3A_178 = vector.broadcast %get3A_176 : vector<1x128xf32> to vector<8x128xf32>
    %sub3A_179 = arith.subf %sub3A_177, %sub3A_178 : vector<8x128xf32>
    %get3A_180 = arith.constant 6 : index
    %get3A_181 = arith.constant 0 : index
    %get3A_182 = vector.load %arg2[%get3A_180, %get3A_181] : memref<64x128xf32, #tpu.memory_space<vmem>>, vector<1x128xf32>
    %sub3A_183 = vector.broadcast %slice3A_2 : vector<8x1xf32> to vector<8x128xf32>
    %sub3A_184 = vector.broadcast %get3A_182 : vector<1x128xf32> to vector<8x128xf32>
    %sub3A_185 = arith.subf %sub3A_183, %sub3A_184 : vector<8x128xf32>
    %get3A_186 = arith.constant 6 : index
    %get3A_187 = arith.constant 0 : index
    %get3A_188 = vector.load %arg3[%get3A_186, %get3A_187] : memref<64x128xf32, #tpu.memory_space<vmem>>, vector<1x128xf32>
    %sub3A_189 = vector.broadcast %slice3A_3 : vector<8x1xf32> to vector<8x128xf32>
    %sub3A_190 = vector.broadcast %get3A_188 : vector<1x128xf32> to vector<8x128xf32>
    %sub3A_191 = arith.subf %sub3A_189, %sub3A_190 : vector<8x128xf32>
    %mul3A_192 = arith.mulf %sub3A_179, %sub3A_179 : vector<8x128xf32>
    %mul3A_193 = arith.mulf %sub3A_185, %sub3A_185 : vector<8x128xf32>
    %add3A_194 = arith.addf %mul3A_192, %mul3A_193 : vector<8x128xf32>
    %mul3A_195 = arith.mulf %sub3A_191, %sub3A_191 : vector<8x128xf32>
    %add3A_196 = arith.addf %add3A_194, %mul3A_195 : vector<8x128xf32>
    %swap3A_197 = arith.constant 6 : index
    %swap3A_198 = arith.constant 0 : index
    %swap3A_199 = arith.constant 0 : index
    %swap3A_200 = vector.load %arg8[%swap3A_197, %swap3A_198, %swap3A_199] : memref<64x8x128xf32, #tpu.memory_space<vmem>>, vector<1x8x128xf32>
    %swap3A_201 = vector.shape_cast %swap3A_200 : vector<1x8x128xf32> to vector<8x128xf32>
    %swap3A_202 = vector.shape_cast %add3A_196 : vector<8x128xf32> to vector<1x8x128xf32>
    tpu.vector_store %arg8[%swap3A_197, %swap3A_198, %swap3A_199], %swap3A_202 {strides = array<i32>} : memref<64x8x128xf32, #tpu.memory_space<vmem>>, vector<1x8x128xf32>,
    %get3A_203 = arith.constant 7 : index
    %get3A_204 = arith.constant 0 : index
    %get3A_205 = vector.load %arg1[%get3A_203, %get3A_204] : memref<64x128xf32, #tpu.memory_space<vmem>>, vector<1x128xf32>
    %sub3A_206 = vector.broadcast %slice3A : vector<8x1xf32> to vector<8x128xf32>
    %sub3A_207 = vector.broadcast %get3A_205 : vector<1x128xf32> to vector<8x128xf32>
    %sub3A_208 = arith.subf %sub3A_206, %sub3A_207 : vector<8x128xf32>
    %get3A_209 = arith.constant 7 : index
    %get3A_210 = arith.constant 0 : index
    %get3A_211 = vector.load %arg2[%get3A_209, %get3A_210] : memref<64x128xf32, #tpu.memory_space<vmem>>, vector<1x128xf32>
    %sub3A_212 = vector.broadcast %slice3A_2 : vector<8x1xf32> to vector<8x128xf32>
    %sub3A_213 = vector.broadcast %get3A_211 : vector<1x128xf32> to vector<8x128xf32>
    %sub3A_214 = arith.subf %sub3A_212, %sub3A_213 : vector<8x128xf32>
    %get3A_215 = arith.constant 7 : index
    %get3A_216 = arith.constant 0 : index
    %get3A_217 = vector.load %arg3[%get3A_215, %get3A_216] : memref<64x128xf32, #tpu.memory_space<vmem>>, vector<1x128xf32>
    %sub3A_218 = vector.broadcast %slice3A_3 : vector<8x1xf32> to vector<8x128xf32>
    %sub3A_219 = vector.broadcast %get3A_217 : vector<1x128xf32> to vector<8x128xf32>
    %sub3A_220 = arith.subf %sub3A_218, %sub3A_219 : vector<8x128xf32>
    %mul3A_221 = arith.mulf %sub3A_208, %sub3A_208 : vector<8x128xf32>
    %mul3A_222 = arith.mulf %sub3A_214, %sub3A_214 : vector<8x128xf32>
    %add3A_223 = arith.addf %mul3A_221, %mul3A_222 : vector<8x128xf32>
    %mul3A_224 = arith.mulf %sub3A_220, %sub3A_220 : vector<8x128xf32>
    %add3A_225 = arith.addf %add3A_223, %mul3A_224 : vector<8x128xf32>
    %swap3A_226 = arith.constant 7 : index
    %swap3A_227 = arith.constant 0 : index
    %swap3A_228 = arith.constant 0 : index
    %swap3A_229 = vector.load %arg8[%swap3A_226, %swap3A_227, %swap3A_228] : memref<64x8x128xf32, #tpu.memory_space<vmem>>, vector<1x8x128xf32>
    %swap3A_230 = vector.shape_cast %swap3A_229 : vector<1x8x128xf32> to vector<8x128xf32>
    %swap3A_231 = vector.shape_cast %add3A_225 : vector<8x128xf32> to vector<1x8x128xf32>
    tpu.vector_store %arg8[%swap3A_226, %swap3A_227, %swap3A_228], %swap3A_231 {strides = array<i32>} : memref<64x8x128xf32, #tpu.memory_space<vmem>>, vector<1x8x128xf32>,
    %get3A_232 = arith.constant 8 : index
    %get3A_233 = arith.constant 0 : index
    %get3A_234 = vector.load %arg1[%get3A_232, %get3A_233] : memref<64x128xf32, #tpu.memory_space<vmem>>, vector<1x128xf32>
    %sub3A_235 = vector.broadcast %slice3A : vector<8x1xf32> to vector<8x128xf32>
    %sub3A_236 = vector.broadcast %get3A_234 : vector<1x128xf32> to vector<8x128xf32>
    %sub3A_237 = arith.subf %sub3A_235, %sub3A_236 : vector<8x128xf32>
    %get3A_238 = arith.constant 8 : index
    %get3A_239 = arith.constant 0 : index
    %get3A_240 = vector.load %arg2[%get3A_238, %get3A_239] : memref<64x128xf32, #tpu.memory_space<vmem>>, vector<1x128xf32>
    %sub3A_241 = vector.broadcast %slice3A_2 : vector<8x1xf32> to vector<8x128xf32>
    %sub3A_242 = vector.broadcast %get3A_240 : vector<1x128xf32> to vector<8x128xf32>
    %sub3A_243 = arith.subf %sub3A_241, %sub3A_242 : vector<8x128xf32>
    %get3A_244 = arith.constant 8 : index
    %get3A_245 = arith.constant 0 : index
    %get3A_246 = vector.load %arg3[%get3A_244, %get3A_245] : memref<64x128xf32, #tpu.memory_space<vmem>>, vector<1x128xf32>
    %sub3A_247 = vector.broadcast %slice3A_3 : vector<8x1xf32> to vector<8x128xf32>
    %sub3A_248 = vector.broadcast %get3A_246 : vector<1x128xf32> to vector<8x128xf32>
    %sub3A_249 = arith.subf %sub3A_247, %sub3A_248 : vector<8x128xf32>
    %mul3A_250 = arith.mulf %sub3A_237, %sub3A_237 : vector<8x128xf32>
    %mul3A_251 = arith.mulf %sub3A_243, %sub3A_243 : vector<8x128xf32>
    %add3A_252 = arith.addf %mul3A_250, %mul3A_251 : vector<8x128xf32>
    %mul3A_253 = arith.mulf %sub3A_249, %sub3A_249 : vector<8x128xf32>
    %add3A_254 = arith.addf %add3A_252, %mul3A_253 : vector<8x128xf32>
    %swap3A_255 = arith.constant 8 : index
    %swap3A_256 = arith.constant 0 : index
    %swap3A_257 = arith.constant 0 : index
    %swap3A_258 = vector.load %arg8[%swap3A_255, %swap3A_256, %swap3A_257] : memref<64x8x128xf32, #tpu.memory_space<vmem>>, vector<1x8x128xf32>
    %swap3A_259 = vector.shape_cast %swap3A_258 : vector<1x8x128xf32> to vector<8x128xf32>
    %swap3A_260 = vector.shape_cast %add3A_254 : vector<8x128xf32> to vector<1x8x128xf32>
    tpu.vector_store %arg8[%swap3A_255, %swap3A_256, %swap3A_257], %swap3A_260 {strides = array<i32>} : memref<64x8x128xf32, #tpu.memory_space<vmem>>, vector<1x8x128xf32>,
    %get3A_261 = arith.constant 9 : index
    %get3A_262 = arith.constant 0 : index
    %get3A_263 = vector.load %arg1[%get3A_261, %get3A_262] : memref<64x128xf32, #tpu.memory_space<vmem>>, vector<1x128xf32>
    %sub3A_264 = vector.broadcast %slice3A : vector<8x1xf32> to vector<8x128xf32>
    %sub3A_265 = vector.broadcast %get3A_263 : vector<1x128xf32> to vector<8x128xf32>
    %sub3A_266 = arith.subf %sub3A_264, %sub3A_265 : vector<8x128xf32>
    %get3A_267 = arith.constant 9 : index
    %get3A_268 = arith.constant 0 : index
    %get3A_269 = vector.load %arg2[%get3A_267, %get3A_268] : memref<64x128xf32, #tpu.memory_space<vmem>>, vector<1x128xf32>
    %sub3A_270 = vector.broadcast %slice3A_2 : vector<8x1xf32> to vector<8x128xf32>
    %sub3A_271 = vector.broadcast %get3A_269 : vector<1x128xf32> to vector<8x128xf32>
    %sub3A_272 = arith.subf %sub3A_270, %sub3A_271 : vector<8x128xf32>
    %get3A_273 = arith.constant 9 : index
    %get3A_274 = arith.constant 0 : index
    %get3A_275 = vector.load %arg3[%get3A_273, %get3A_274] : memref<64x128xf32, #tpu.memory_space<vmem>>, vector<1x128xf32>
    %sub3A_276 = vector.broadcast %slice3A_3 : vector<8x1xf32> to vector<8x128xf32>
    %sub3A_277 = vector.broadcast %get3A_275 : vector<1x128xf32> to vector<8x128xf32>
    %sub3A_278 = arith.subf %sub3A_276, %sub3A_277 : vector<8x128xf32>
    %mul3A_279 = arith.mulf %sub3A_266, %sub3A_266 : vector<8x128xf32>
    %mul3A_280 = arith.mulf %sub3A_272, %sub3A_272 : vector<8x128xf32>
    %add3A_281 = arith.addf %mul3A_279, %mul3A_280 : vector<8x128xf32>
    %mul3A_282 = arith.mulf %sub3A_278, %sub3A_278 : vector<8x128xf32>
    %add3A_283 = arith.addf %add3A_281, %mul3A_282 : vector<8x128xf32>
    %swap3A_284 = arith.constant 9 : index
    %swap3A_285 = arith.constant 0 : index
    %swap3A_286 = arith.constant 0 : index
    %swap3A_287 = vector.load %arg8[%swap3A_284, %swap3A_285, %swap3A_286] : memref<64x8x128xf32, #tpu.memory_space<vmem>>, vector<1x8x128xf32>
    %swap3A_288 = vector.shape_cast %swap3A_287 : vector<1x8x128xf32> to vector<8x128xf32>
    %swap3A_289 = vector.shape_cast %add3A_283 : vector<8x128xf32> to vector<1x8x128xf32>
    tpu.vector_store %arg8[%swap3A_284, %swap3A_285, %swap3A_286], %swap3A_289 {strides = array<i32>} : memref<64x8x128xf32, #tpu.memory_space<vmem>>, vector<1x8x128xf32>,
    %get3A_290 = arith.constant 10 : index
    %get3A_291 = arith.constant 0 : index
    %get3A_292 = vector.load %arg1[%get3A_290, %get3A_291] : memref<64x128xf32, #tpu.memory_space<vmem>>, vector<1x128xf32>
    %sub3A_293 = vector.broadcast %slice3A : vector<8x1xf32> to vector<8x128xf32>
    %sub3A_294 = vector.broadcast %get3A_292 : vector<1x128xf32> to vector<8x128xf32>
    %sub3A_295 = arith.subf %sub3A_293, %sub3A_294 : vector<8x128xf32>
    %get3A_296 = arith.constant 10 : index
    %get3A_297 = arith.constant 0 : index
    %get3A_298 = vector.load %arg2[%get3A_296, %get3A_297] : memref<64x128xf32, #tpu.memory_space<vmem>>, vector<1x128xf32>
    %sub3A_299 = vector.broadcast %slice3A_2 : vector<8x1xf32> to vector<8x128xf32>
    %sub3A_300 = vector.broadcast %get3A_298 : vector<1x128xf32> to vector<8x128xf32>
    %sub3A_301 = arith.subf %sub3A_299, %sub3A_300 : vector<8x128xf32>
    %get3A_302 = arith.constant 10 : index
    %get3A_303 = arith.constant 0 : index
    %get3A_304 = vector.load %arg3[%get3A_302, %get3A_303] : memref<64x128xf32, #tpu.memory_space<vmem>>, vector<1x128xf32>
    %sub3A_305 = vector.broadcast %slice3A_3 : vector<8x1xf32> to vector<8x128xf32>
    %sub3A_306 = vector.broadcast %get3A_304 : vector<1x128xf32> to vector<8x128xf32>
    %sub3A_307 = arith.subf %sub3A_305, %sub3A_306 : vector<8x128xf32>
    %mul3A_308 = arith.mulf %sub3A_295, %sub3A_295 : vector<8x128xf32>
    %mul3A_309 = arith.mulf %sub3A_301, %sub3A_301 : vector<8x128xf32>
    %add3A_310 = arith.addf %mul3A_308, %mul3A_309 : vector<8x128xf32>
    %mul3A_311 = arith.mulf %sub3A_307, %sub3A_307 : vector<8x128xf32>
    %add3A_312 = arith.addf %add3A_310, %mul3A_311 : vector<8x128xf32>
    %swap3A_313 = arith.constant 10 : index
    %swap3A_314 = arith.constant 0 : index
    %swap3A_315 = arith.constant 0 : index
    %swap3A_316 = vector.load %arg8[%swap3A_313, %swap3A_314, %swap3A_315] : memref<64x8x128xf32, #tpu.memory_space<vmem>>, vector<1x8x128xf32>
    %swap3A_317 = vector.shape_cast %swap3A_316 : vector<1x8x128xf32> to vector<8x128xf32>
    %swap3A_318 = vector.shape_cast %add3A_312 : vector<8x128xf32> to vector<1x8x128xf32>
    tpu.vector_store %arg8[%swap3A_313, %swap3A_314, %swap3A_315], %swap3A_318 {strides = array<i32>} : memref<64x8x128xf32, #tpu.memory_space<vmem>>, vector<1x8x128xf32>,
    %get3A_319 = arith.constant 11 : index
    %get3A_320 = arith.constant 0 : index
    %get3A_321 = vector.load %arg1[%get3A_319, %get3A_320] : memref<64x128xf32, #tpu.memory_space<vmem>>, vector<1x128xf32>
    %sub3A_322 = vector.broadcast %slice3A : vector<8x1xf32> to vector<8x128xf32>
    %sub3A_323 = vector.broadcast %get3A_321 : vector<1x128xf32> to vector<8x128xf32>
    %sub3A_324 = arith.subf %sub3A_322, %sub3A_323 : vector<8x128xf32>
    %get3A_325 = arith.constant 11 : index
    %get3A_326 = arith.constant 0 : index
    %get3A_327 = vector.load %arg2[%get3A_325, %get3A_326] : memref<64x128xf32, #tpu.memory_space<vmem>>, vector<1x128xf32>
    %sub3A_328 = vector.broadcast %slice3A_2 : vector<8x1xf32> to vector<8x128xf32>
    %sub3A_329 = vector.broadcast %get3A_327 : vector<1x128xf32> to vector<8x128xf32>
    %sub3A_330 = arith.subf %sub3A_328, %sub3A_329 : vector<8x128xf32>
    %get3A_331 = arith.constant 11 : index
    %get3A_332 = arith.constant 0 : index
    %get3A_333 = vector.load %arg3[%get3A_331, %get3A_332] : memref<64x128xf32, #tpu.memory_space<vmem>>, vector<1x128xf32>
    %sub3A_334 = vector.broadcast %slice3A_3 : vector<8x1xf32> to vector<8x128xf32>
    %sub3A_335 = vector.broadcast %get3A_333 : vector<1x128xf32> to vector<8x128xf32>
    %sub3A_336 = arith.subf %sub3A_334, %sub3A_335 : vector<8x128xf32>
    %mul3A_337 = arith.mulf %sub3A_324, %sub3A_324 : vector<8x128xf32>
    %mul3A_338 = arith.mulf %sub3A_330, %sub3A_330 : vector<8x128xf32>
    %add3A_339 = arith.addf %mul3A_337, %mul3A_338 : vector<8x128xf32>
    %mul3A_340 = arith.mulf %sub3A_336, %sub3A_336 : vector<8x128xf32>
    %add3A_341 = arith.addf %add3A_339, %mul3A_340 : vector<8x128xf32>
    %swap3A_342 = arith.constant 11 : index
    %swap3A_343 = arith.constant 0 : index
    %swap3A_344 = arith.constant 0 : index
    %swap3A_345 = vector.load %arg8[%swap3A_342, %swap3A_343, %swap3A_344] : memref<64x8x128xf32, #tpu.memory_space<vmem>>, vector<1x8x128xf32>
    %swap3A_346 = vector.shape_cast %swap3A_345 : vector<1x8x128xf32> to vector<8x128xf32>
    %swap3A_347 = vector.shape_cast %add3A_341 : vector<8x128xf32> to vector<1x8x128xf32>
    tpu.vector_store %arg8[%swap3A_342, %swap3A_343, %swap3A_344], %swap3A_347 {strides = array<i32>} : memref<64x8x128xf32, #tpu.memory_space<vmem>>, vector<1x8x128xf32>,
    %get3A_348 = arith.constant 12 : index
    %get3A_349 = arith.constant 0 : index
    %get3A_350 = vector.load %arg1[%get3A_348, %get3A_349] : memref<64x128xf32, #tpu.memory_space<vmem>>, vector<1x128xf32>
    %sub3A_351 = vector.broadcast %slice3A : vector<8x1xf32> to vector<8x128xf32>
    %sub3A_352 = vector.broadcast %get3A_350 : vector<1x128xf32> to vector<8x128xf32>
    %sub3A_353 = arith.subf %sub3A_351, %sub3A_352 : vector<8x128xf32>
    %get3A_354 = arith.constant 12 : index
    %get3A_355 = arith.constant 0 : index
    %get3A_356 = vector.load %arg2[%get3A_354, %get3A_355] : memref<64x128xf32, #tpu.memory_space<vmem>>, vector<1x128xf32>
    %sub3A_357 = vector.broadcast %slice3A_2 : vector<8x1xf32> to vector<8x128xf32>
    %sub3A_358 = vector.broadcast %get3A_356 : vector<1x128xf32> to vector<8x128xf32>
    %sub3A_359 = arith.subf %sub3A_357, %sub3A_358 : vector<8x128xf32>
    %get3A_360 = arith.constant 12 : index
    %get3A_361 = arith.constant 0 : index
    %get3A_362 = vector.load %arg3[%get3A_360, %get3A_361] : memref<64x128xf32, #tpu.memory_space<vmem>>, vector<1x128xf32>
    %sub3A_363 = vector.broadcast %slice3A_3 : vector<8x1xf32> to vector<8x128xf32>
    %sub3A_364 = vector.broadcast %get3A_362 : vector<1x128xf32> to vector<8x128xf32>
    %sub3A_365 = arith.subf %sub3A_363, %sub3A_364 : vector<8x128xf32>
    %mul3A_366 = arith.mulf %sub3A_353, %sub3A_353 : vector<8x128xf32>
    %mul3A_367 = arith.mulf %sub3A_359, %sub3A_359 : vector<8x128xf32>
    %add3A_368 = arith.addf %mul3A_366, %mul3A_367 : vector<8x128xf32>
    %mul3A_369 = arith.mulf %sub3A_365, %sub3A_365 : vector<8x128xf32>
    %add3A_370 = arith.addf %add3A_368, %mul3A_369 : vector<8x128xf32>
    %swap3A_371 = arith.constant 12 : index
    %swap3A_372 = arith.constant 0 : index
    %swap3A_373 = arith.constant 0 : index
    %swap3A_374 = vector.load %arg8[%swap3A_371, %swap3A_372, %swap3A_373] : memref<64x8x128xf32, #tpu.memory_space<vmem>>, vector<1x8x128xf32>
    %swap3A_375 = vector.shape_cast %swap3A_374 : vector<1x8x128xf32> to vector<8x128xf32>
    %swap3A_376 = vector.shape_cast %add3A_370 : vector<8x128xf32> to vector<1x8x128xf32>
    tpu.vector_store %arg8[%swap3A_371, %swap3A_372, %swap3A_373], %swap3A_376 {strides = array<i32>} : memref<64x8x128xf32, #tpu.memory_space<vmem>>, vector<1x8x128xf32>,
    %get3A_377 = arith.constant 13 : index
    %get3A_378 = arith.constant 0 : index
    %get3A_379 = vector.load %arg1[%get3A_377, %get3A_378] : memref<64x128xf32, #tpu.memory_space<vmem>>, vector<1x128xf32>
    %sub3A_380 = vector.broadcast %slice3A : vector<8x1xf32> to vector<8x128xf32>
    %sub3A_381 = vector.broadcast %get3A_379 : vector<1x128xf32> to vector<8x128xf32>
    %sub3A_382 = arith.subf %sub3A_380, %sub3A_381 : vector<8x128xf32>
    %get3A_383 = arith.constant 13 : index
    %get3A_384 = arith.constant 0 : index
    %get3A_385 = vector.load %arg2[%get3A_383, %get3A_384] : memref<64x128xf32, #tpu.memory_space<vmem>>, vector<1x128xf32>
    %sub3A_386 = vector.broadcast %slice3A_2 : vector<8x1xf32> to vector<8x128xf32>
    %sub3A_387 = vector.broadcast %get3A_385 : vector<1x128xf32> to vector<8x128xf32>
    %sub3A_388 = arith.subf %sub3A_386, %sub3A_387 : vector<8x128xf32>
    %get3A_389 = arith.constant 13 : index
    %get3A_390 = arith.constant 0 : index
    %get3A_391 = vector.load %arg3[%get3A_389, %get3A_390] : memref<64x128xf32, #tpu.memory_space<vmem>>, vector<1x128xf32>
    %sub3A_392 = vector.broadcast %slice3A_3 : vector<8x1xf32> to vector<8x128xf32>
    %sub3A_393 = vector.broadcast %get3A_391 : vector<1x128xf32> to vector<8x128xf32>
    %sub3A_394 = arith.subf %sub3A_392, %sub3A_393 : vector<8x128xf32>
    %mul3A_395 = arith.mulf %sub3A_382, %sub3A_382 : vector<8x128xf32>
    %mul3A_396 = arith.mulf %sub3A_388, %sub3A_388 : vector<8x128xf32>
    %add3A_397 = arith.addf %mul3A_395, %mul3A_396 : vector<8x128xf32>
    %mul3A_398 = arith.mulf %sub3A_394, %sub3A_394 : vector<8x128xf32>
    %add3A_399 = arith.addf %add3A_397, %mul3A_398 : vector<8x128xf32>
    %swap3A_400 = arith.constant 13 : index
    %swap3A_401 = arith.constant 0 : index
    %swap3A_402 = arith.constant 0 : index
    %swap3A_403 = vector.load %arg8[%swap3A_400, %swap3A_401, %swap3A_402] : memref<64x8x128xf32, #tpu.memory_space<vmem>>, vector<1x8x128xf32>
    %swap3A_404 = vector.shape_cast %swap3A_403 : vector<1x8x128xf32> to vector<8x128xf32>
    %swap3A_405 = vector.shape_cast %add3A_399 : vector<8x128xf32> to vector<1x8x128xf32>
    tpu.vector_store %arg8[%swap3A_400, %swap3A_401, %swap3A_402], %swap3A_405 {strides = array<i32>} : memref<64x8x128xf32, #tpu.memory_space<vmem>>, vector<1x8x128xf32>,
    %get3A_406 = arith.constant 14 : index
    %get3A_407 = arith.constant 0 : index
    %get3A_408 = vector.load %arg1[%get3A_406, %get3A_407] : memref<64x128xf32, #tpu.memory_space<vmem>>, vector<1x128xf32>
    %sub3A_409 = vector.broadcast %slice3A : vector<8x1xf32> to vector<8x128xf32>
    %sub3A_410 = vector.broadcast %get3A_408 : vector<1x128xf32> to vector<8x128xf32>
    %sub3A_411 = arith.subf %sub3A_409, %sub3A_410 : vector<8x128xf32>
    %get3A_412 = arith.constant 14 : index
    %get3A_413 = arith.constant 0 : index
    %get3A_414 = vector.load %arg2[%get3A_412, %get3A_413] : memref<64x128xf32, #tpu.memory_space<vmem>>, vector<1x128xf32>
    %sub3A_415 = vector.broadcast %slice3A_2 : vector<8x1xf32> to vector<8x128xf32>
    %sub3A_416 = vector.broadcast %get3A_414 : vector<1x128xf32> to vector<8x128xf32>
    %sub3A_417 = arith.subf %sub3A_415, %sub3A_416 : vector<8x128xf32>
    %get3A_418 = arith.constant 14 : index
    %get3A_419 = arith.constant 0 : index
    %get3A_420 = vector.load %arg3[%get3A_418, %get3A_419] : memref<64x128xf32, #tpu.memory_space<vmem>>, vector<1x128xf32>
    %sub3A_421 = vector.broadcast %slice3A_3 : vector<8x1xf32> to vector<8x128xf32>
    %sub3A_422 = vector.broadcast %get3A_420 : vector<1x128xf32> to vector<8x128xf32>
    %sub3A_423 = arith.subf %sub3A_421, %sub3A_422 : vector<8x128xf32>
    %mul3A_424 = arith.mulf %sub3A_411, %sub3A_411 : vector<8x128xf32>
    %mul3A_425 = arith.mulf %sub3A_417, %sub3A_417 : vector<8x128xf32>
    %add3A_426 = arith.addf %mul3A_424, %mul3A_425 : vector<8x128xf32>
    %mul3A_427 = arith.mulf %sub3A_423, %sub3A_423 : vector<8x128xf32>
    %add3A_428 = arith.addf %add3A_426, %mul3A_427 : vector<8x128xf32>
    %swap3A_429 = arith.constant 14 : index
    %swap3A_430 = arith.constant 0 : index
    %swap3A_431 = arith.constant 0 : index
    %swap3A_432 = vector.load %arg8[%swap3A_429, %swap3A_430, %swap3A_431] : memref<64x8x128xf32, #tpu.memory_space<vmem>>, vector<1x8x128xf32>
    %swap3A_433 = vector.shape_cast %swap3A_432 : vector<1x8x128xf32> to vector<8x128xf32>
    %swap3A_434 = vector.shape_cast %add3A_428 : vector<8x128xf32> to vector<1x8x128xf32>
    tpu.vector_store %arg8[%swap3A_429, %swap3A_430, %swap3A_431], %swap3A_434 {strides = array<i32>} : memref<64x8x128xf32, #tpu.memory_space<vmem>>, vector<1x8x128xf32>,
    %get3A_435 = arith.constant 15 : index
    %get3A_436 = arith.constant 0 : index
    %get3A_437 = vector.load %arg1[%get3A_435, %get3A_436] : memref<64x128xf32, #tpu.memory_space<vmem>>, vector<1x128xf32>
    %sub3A_438 = vector.broadcast %slice3A : vector<8x1xf32> to vector<8x128xf32>
    %sub3A_439 = vector.broadcast %get3A_437 : vector<1x128xf32> to vector<8x128xf32>
    %sub3A_440 = arith.subf %sub3A_438, %sub3A_439 : vector<8x128xf32>
    %get3A_441 = arith.constant 15 : index
    %get3A_442 = arith.constant 0 : index
    %get3A_443 = vector.load %arg2[%get3A_441, %get3A_442] : memref<64x128xf32, #tpu.memory_space<vmem>>, vector<1x128xf32>
    %sub3A_444 = vector.broadcast %slice3A_2 : vector<8x1xf32> to vector<8x128xf32>
    %sub3A_445 = vector.broadcast %get3A_443 : vector<1x128xf32> to vector<8x128xf32>
    %sub3A_446 = arith.subf %sub3A_444, %sub3A_445 : vector<8x128xf32>
    %get3A_447 = arith.constant 15 : index
    %get3A_448 = arith.constant 0 : index
    %get3A_449 = vector.load %arg3[%get3A_447, %get3A_448] : memref<64x128xf32, #tpu.memory_space<vmem>>, vector<1x128xf32>
    %sub3A_450 = vector.broadcast %slice3A_3 : vector<8x1xf32> to vector<8x128xf32>
    %sub3A_451 = vector.broadcast %get3A_449 : vector<1x128xf32> to vector<8x128xf32>
    %sub3A_452 = arith.subf %sub3A_450, %sub3A_451 : vector<8x128xf32>
    %mul3A_453 = arith.mulf %sub3A_440, %sub3A_440 : vector<8x128xf32>
    %mul3A_454 = arith.mulf %sub3A_446, %sub3A_446 : vector<8x128xf32>
    %add3A_455 = arith.addf %mul3A_453, %mul3A_454 : vector<8x128xf32>
    %mul3A_456 = arith.mulf %sub3A_452, %sub3A_452 : vector<8x128xf32>
    %add3A_457 = arith.addf %add3A_455, %mul3A_456 : vector<8x128xf32>
    %swap3A_458 = arith.constant 15 : index
    %swap3A_459 = arith.constant 0 : index
    %swap3A_460 = arith.constant 0 : index
    %swap3A_461 = vector.load %arg8[%swap3A_458, %swap3A_459, %swap3A_460] : memref<64x8x128xf32, #tpu.memory_space<vmem>>, vector<1x8x128xf32>
    %swap3A_462 = vector.shape_cast %swap3A_461 : vector<1x8x128xf32> to vector<8x128xf32>
    %swap3A_463 = vector.shape_cast %add3A_457 : vector<8x128xf32> to vector<1x8x128xf32>
    tpu.vector_store %arg8[%swap3A_458, %swap3A_459, %swap3A_460], %swap3A_463 {strides = array<i32>} : memref<64x8x128xf32, #tpu.memory_space<vmem>>, vector<1x8x128xf32>,
    %get3A_464 = arith.constant 16 : index
    %get3A_465 = arith.constant 0 : index
    %get3A_466 = vector.load %arg1[%get3A_464, %get3A_465] : memref<64x128xf32, #tpu.memory_space<vmem>>, vector<1x128xf32>
    %sub3A_467 = vector.broadcast %slice3A : vector<8x1xf32> to vector<8x128xf32>
    %sub3A_468 = vector.broadcast %get3A_466 : vector<1x128xf32> to vector<8x128xf32>
    %sub3A_469 = arith.subf %sub3A_467, %sub3A_468 : vector<8x128xf32>
    %get3A_470 = arith.constant 16 : index
    %get3A_471 = arith.constant 0 : index
    %get3A_472 = vector.load %arg2[%get3A_470, %get3A_471] : memref<64x128xf32, #tpu.memory_space<vmem>>, vector<1x128xf32>
    %sub3A_473 = vector.broadcast %slice3A_2 : vector<8x1xf32> to vector<8x128xf32>
    %sub3A_474 = vector.broadcast %get3A_472 : vector<1x128xf32> to vector<8x128xf32>
    %sub3A_475 = arith.subf %sub3A_473, %sub3A_474 : vector<8x128xf32>
    %get3A_476 = arith.constant 16 : index
    %get3A_477 = arith.constant 0 : index
    %get3A_478 = vector.load %arg3[%get3A_476, %get3A_477] : memref<64x128xf32, #tpu.memory_space<vmem>>, vector<1x128xf32>
    %sub3A_479 = vector.broadcast %slice3A_3 : vector<8x1xf32> to vector<8x128xf32>
    %sub3A_480 = vector.broadcast %get3A_478 : vector<1x128xf32> to vector<8x128xf32>
    %sub3A_481 = arith.subf %sub3A_479, %sub3A_480 : vector<8x128xf32>
    %mul3A_482 = arith.mulf %sub3A_469, %sub3A_469 : vector<8x128xf32>
    %mul3A_483 = arith.mulf %sub3A_475, %sub3A_475 : vector<8x128xf32>
    %add3A_484 = arith.addf %mul3A_482, %mul3A_483 : vector<8x128xf32>
    %mul3A_485 = arith.mulf %sub3A_481, %sub3A_481 : vector<8x128xf32>
    %add3A_486 = arith.addf %add3A_484, %mul3A_485 : vector<8x128xf32>
    %swap3A_487 = arith.constant 16 : index
    %swap3A_488 = arith.constant 0 : index
    %swap3A_489 = arith.constant 0 : index
    %swap3A_490 = vector.load %arg8[%swap3A_487, %swap3A_488, %swap3A_489] : memref<64x8x128xf32, #tpu.memory_space<vmem>>, vector<1x8x128xf32>
    %swap3A_491 = vector.shape_cast %swap3A_490 : vector<1x8x128xf32> to vector<8x128xf32>
    %swap3A_492 = vector.shape_cast %add3A_486 : vector<8x128xf32> to vector<1x8x128xf32>
    tpu.vector_store %arg8[%swap3A_487, %swap3A_488, %swap3A_489], %swap3A_492 {strides = array<i32>} : memref<64x8x128xf32, #tpu.memory_space<vmem>>, vector<1x8x128xf32>,
    %get3A_493 = arith.constant 17 : index
    %get3A_494 = arith.constant 0 : index
    %get3A_495 = vector.load %arg1[%get3A_493, %get3A_494] : memref<64x128xf32, #tpu.memory_space<vmem>>, vector<1x128xf32>
    %sub3A_496 = vector.broadcast %slice3A : vector<8x1xf32> to vector<8x128xf32>
    %sub3A_497 = vector.broadcast %get3A_495 : vector<1x128xf32> to vector<8x128xf32>
    %sub3A_498 = arith.subf %sub3A_496, %sub3A_497 : vector<8x128xf32>
    %get3A_499 = arith.constant 17 : index
    %get3A_500 = arith.constant 0 : index
    %get3A_501 = vector.load %arg2[%get3A_499, %get3A_500] : memref<64x128xf32, #tpu.memory_space<vmem>>, vector<1x128xf32>
    %sub3A_502 = vector.broadcast %slice3A_2 : vector<8x1xf32> to vector<8x128xf32>
    %sub3A_503 = vector.broadcast %get3A_501 : vector<1x128xf32> to vector<8x128xf32>
    %sub3A_504 = arith.subf %sub3A_502, %sub3A_503 : vector<8x128xf32>
    %get3A_505 = arith.constant 17 : index
    %get3A_506 = arith.constant 0 : index
    %get3A_507 = vector.load %arg3[%get3A_505, %get3A_506] : memref<64x128xf32, #tpu.memory_space<vmem>>, vector<1x128xf32>
    %sub3A_508 = vector.broadcast %slice3A_3 : vector<8x1xf32> to vector<8x128xf32>
    %sub3A_509 = vector.broadcast %get3A_507 : vector<1x128xf32> to vector<8x128xf32>
    %sub3A_510 = arith.subf %sub3A_508, %sub3A_509 : vector<8x128xf32>
    %mul3A_511 = arith.mulf %sub3A_498, %sub3A_498 : vector<8x128xf32>
    %mul3A_512 = arith.mulf %sub3A_504, %sub3A_504 : vector<8x128xf32>
    %add3A_513 = arith.addf %mul3A_511, %mul3A_512 : vector<8x128xf32>
    %mul3A_514 = arith.mulf %sub3A_510, %sub3A_510 : vector<8x128xf32>
    %add3A_515 = arith.addf %add3A_513, %mul3A_514 : vector<8x128xf32>
    %swap3A_516 = arith.constant 17 : index
    %swap3A_517 = arith.constant 0 : index
    %swap3A_518 = arith.constant 0 : index
    %swap3A_519 = vector.load %arg8[%swap3A_516, %swap3A_517, %swap3A_518] : memref<64x8x128xf32, #tpu.memory_space<vmem>>, vector<1x8x128xf32>
    %swap3A_520 = vector.shape_cast %swap3A_519 : vector<1x8x128xf32> to vector<8x128xf32>
    %swap3A_521 = vector.shape_cast %add3A_515 : vector<8x128xf32> to vector<1x8x128xf32>
    tpu.vector_store %arg8[%swap3A_516, %swap3A_517, %swap3A_518], %swap3A_521 {strides = array<i32>} : memref<64x8x128xf32, #tpu.memory_space<vmem>>, vector<1x8x128xf32>,
    %get3A_522 = arith.constant 18 : index
    %get3A_523 = arith.constant 0 : index
    %get3A_524 = vector.load %arg1[%get3A_522, %get3A_523] : memref<64x128xf32, #tpu.memory_space<vmem>>, vector<1x128xf32>
    %sub3A_525 = vector.broadcast %slice3A : vector<8x1xf32> to vector<8x128xf32>
    %sub3A_526 = vector.broadcast %get3A_524 : vector<1x128xf32> to vector<8x128xf32>
    %sub3A_527 = arith.subf %sub3A_525, %sub3A_526 : vector<8x128xf32>
    %get3A_528 = arith.constant 18 : index
    %get3A_529 = arith.constant 0 : index
    %get3A_530 = vector.load %arg2[%get3A_528, %get3A_529] : memref<64x128xf32, #tpu.memory_space<vmem>>, vector<1x128xf32>
    %sub3A_531 = vector.broadcast %slice3A_2 : vector<8x1xf32> to vector<8x128xf32>
    %sub3A_532 = vector.broadcast %get3A_530 : vector<1x128xf32> to vector<8x128xf32>
    %sub3A_533 = arith.subf %sub3A_531, %sub3A_532 : vector<8x128xf32>
    %get3A_534 = arith.constant 18 : index
    %get3A_535 = arith.constant 0 : index
    %get3A_536 = vector.load %arg3[%get3A_534, %get3A_535] : memref<64x128xf32, #tpu.memory_space<vmem>>, vector<1x128xf32>
    %sub3A_537 = vector.broadcast %slice3A_3 : vector<8x1xf32> to vector<8x128xf32>
    %sub3A_538 = vector.broadcast %get3A_536 : vector<1x128xf32> to vector<8x128xf32>
    %sub3A_539 = arith.subf %sub3A_537, %sub3A_538 : vector<8x128xf32>
    %mul3A_540 = arith.mulf %sub3A_527, %sub3A_527 : vector<8x128xf32>
    %mul3A_541 = arith.mulf %sub3A_533, %sub3A_533 : vector<8x128xf32>
    %add3A_542 = arith.addf %mul3A_540, %mul3A_541 : vector<8x128xf32>
    %mul3A_543 = arith.mulf %sub3A_539, %sub3A_539 : vector<8x128xf32>
    %add3A_544 = arith.addf %add3A_542, %mul3A_543 : vector<8x128xf32>
    %swap3A_545 = arith.constant 18 : index
    %swap3A_546 = arith.constant 0 : index
    %swap3A_547 = arith.constant 0 : index
    %swap3A_548 = vector.load %arg8[%swap3A_545, %swap3A_546, %swap3A_547] : memref<64x8x128xf32, #tpu.memory_space<vmem>>, vector<1x8x128xf32>
    %swap3A_549 = vector.shape_cast %swap3A_548 : vector<1x8x128xf32> to vector<8x128xf32>
    %swap3A_550 = vector.shape_cast %add3A_544 : vector<8x128xf32> to vector<1x8x128xf32>
    tpu.vector_store %arg8[%swap3A_545, %swap3A_546, %swap3A_547], %swap3A_550 {strides = array<i32>} : memref<64x8x128xf32, #tpu.memory_space<vmem>>, vector<1x8x128xf32>,
    %get3A_551 = arith.constant 19 : index
    %get3A_552 = arith.constant 0 : index
    %get3A_553 = vector.load %arg1[%get3A_551, %get3A_552] : memref<64x128xf32, #tpu.memory_space<vmem>>, vector<1x128xf32>
    %sub3A_554 = vector.broadcast %slice3A : vector<8x1xf32> to vector<8x128xf32>
    %sub3A_555 = vector.broadcast %get3A_553 : vector<1x128xf32> to vector<8x128xf32>
    %sub3A_556 = arith.subf %sub3A_554, %sub3A_555 : vector<8x128xf32>
    %get3A_557 = arith.constant 19 : index
    %get3A_558 = arith.constant 0 : index
    %get3A_559 = vector.load %arg2[%get3A_557, %get3A_558] : memref<64x128xf32, #tpu.memory_space<vmem>>, vector<1x128xf32>
    %sub3A_560 = vector.broadcast %slice3A_2 : vector<8x1xf32> to vector<8x128xf32>
    %sub3A_561 = vector.broadcast %get3A_559 : vector<1x128xf32> to vector<8x128xf32>
    %sub3A_562 = arith.subf %sub3A_560, %sub3A_561 : vector<8x128xf32>
    %get3A_563 = arith.constant 19 : index
    %get3A_564 = arith.constant 0 : index
    %get3A_565 = vector.load %arg3[%get3A_563, %get3A_564] : memref<64x128xf32, #tpu.memory_space<vmem>>, vector<1x128xf32>
    %sub3A_566 = vector.broadcast %slice3A_3 : vector<8x1xf32> to vector<8x128xf32>
    %sub3A_567 = vector.broadcast %get3A_565 : vector<1x128xf32> to vector<8x128xf32>
    %sub3A_568 = arith.subf %sub3A_566, %sub3A_567 : vector<8x128xf32>
    %mul3A_569 = arith.mulf %sub3A_556, %sub3A_556 : vector<8x128xf32>
    %mul3A_570 = arith.mulf %sub3A_562, %sub3A_562 : vector<8x128xf32>
    %add3A_571 = arith.addf %mul3A_569, %mul3A_570 : vector<8x128xf32>
    %mul3A_572 = arith.mulf %sub3A_568, %sub3A_568 : vector<8x128xf32>
    %add3A_573 = arith.addf %add3A_571, %mul3A_572 : vector<8x128xf32>
    %swap3A_574 = arith.constant 19 : index
    %swap3A_575 = arith.constant 0 : index
    %swap3A_576 = arith.constant 0 : index
    %swap3A_577 = vector.load %arg8[%swap3A_574, %swap3A_575, %swap3A_576] : memref<64x8x128xf32, #tpu.memory_space<vmem>>, vector<1x8x128xf32>
    %swap3A_578 = vector.shape_cast %swap3A_577 : vector<1x8x128xf32> to vector<8x128xf32>
    %swap3A_579 = vector.shape_cast %add3A_573 : vector<8x128xf32> to vector<1x8x128xf32>
    tpu.vector_store %arg8[%swap3A_574, %swap3A_575, %swap3A_576], %swap3A_579 {strides = array<i32>} : memref<64x8x128xf32, #tpu.memory_space<vmem>>, vector<1x8x128xf32>,
    %get3A_580 = arith.constant 20 : index
    %get3A_581 = arith.constant 0 : index
    %get3A_582 = vector.load %arg1[%get3A_580, %get3A_581] : memref<64x128xf32, #tpu.memory_space<vmem>>, vector<1x128xf32>
    %sub3A_583 = vector.broadcast %slice3A : vector<8x1xf32> to vector<8x128xf32>
    %sub3A_584 = vector.broadcast %get3A_582 : vector<1x128xf32> to vector<8x128xf32>
    %sub3A_585 = arith.subf %sub3A_583, %sub3A_584 : vector<8x128xf32>
    %get3A_586 = arith.constant 20 : index
    %get3A_587 = arith.constant 0 : index
    %get3A_588 = vector.load %arg2[%get3A_586, %get3A_587] : memref<64x128xf32, #tpu.memory_space<vmem>>, vector<1x128xf32>
    %sub3A_589 = vector.broadcast %slice3A_2 : vector<8x1xf32> to vector<8x128xf32>
    %sub3A_590 = vector.broadcast %get3A_588 : vector<1x128xf32> to vector<8x128xf32>
    %sub3A_591 = arith.subf %sub3A_589, %sub3A_590 : vector<8x128xf32>
    %get3A_592 = arith.constant 20 : index
    %get3A_593 = arith.constant 0 : index
    %get3A_594 = vector.load %arg3[%get3A_592, %get3A_593] : memref<64x128xf32, #tpu.memory_space<vmem>>, vector<1x128xf32>
    %sub3A_595 = vector.broadcast %slice3A_3 : vector<8x1xf32> to vector<8x128xf32>
    %sub3A_596 = vector.broadcast %get3A_594 : vector<1x128xf32> to vector<8x128xf32>
    %sub3A_597 = arith.subf %sub3A_595, %sub3A_596 : vector<8x128xf32>
    %mul3A_598 = arith.mulf %sub3A_585, %sub3A_585 : vector<8x128xf32>
    %mul3A_599 = arith.mulf %sub3A_591, %sub3A_591 : vector<8x128xf32>
    %add3A_600 = arith.addf %mul3A_598, %mul3A_599 : vector<8x128xf32>
    %mul3A_601 = arith.mulf %sub3A_597, %sub3A_597 : vector<8x128xf32>
    %add3A_602 = arith.addf %add3A_600, %mul3A_601 : vector<8x128xf32>
    %swap3A_603 = arith.constant 20 : index
    %swap3A_604 = arith.constant 0 : index
    %swap3A_605 = arith.constant 0 : index
    %swap3A_606 = vector.load %arg8[%swap3A_603, %swap3A_604, %swap3A_605] : memref<64x8x128xf32, #tpu.memory_space<vmem>>, vector<1x8x128xf32>
    %swap3A_607 = vector.shape_cast %swap3A_606 : vector<1x8x128xf32> to vector<8x128xf32>
    %swap3A_608 = vector.shape_cast %add3A_602 : vector<8x128xf32> to vector<1x8x128xf32>
    tpu.vector_store %arg8[%swap3A_603, %swap3A_604, %swap3A_605], %swap3A_608 {strides = array<i32>} : memref<64x8x128xf32, #tpu.memory_space<vmem>>, vector<1x8x128xf32>,
    %get3A_609 = arith.constant 21 : index
    %get3A_610 = arith.constant 0 : index
    %get3A_611 = vector.load %arg1[%get3A_609, %get3A_610] : memref<64x128xf32, #tpu.memory_space<vmem>>, vector<1x128xf32>
    %sub3A_612 = vector.broadcast %slice3A : vector<8x1xf32> to vector<8x128xf32>
    %sub3A_613 = vector.broadcast %get3A_611 : vector<1x128xf32> to vector<8x128xf32>
    %sub3A_614 = arith.subf %sub3A_612, %sub3A_613 : vector<8x128xf32>
    %get3A_615 = arith.constant 21 : index
    %get3A_616 = arith.constant 0 : index
    %get3A_617 = vector.load %arg2[%get3A_615, %get3A_616] : memref<64x128xf32, #tpu.memory_space<vmem>>, vector<1x128xf32>
    %sub3A_618 = vector.broadcast %slice3A_2 : vector<8x1xf32> to vector<8x128xf32>
    %sub3A_619 = vector.broadcast %get3A_617 : vector<1x128xf32> to vector<8x128xf32>
    %sub3A_620 = arith.subf %sub3A_618, %sub3A_619 : vector<8x128xf32>
    %get3A_621 = arith.constant 21 : index
    %get3A_622 = arith.constant 0 : index
    %get3A_623 = vector.load %arg3[%get3A_621, %get3A_622] : memref<64x128xf32, #tpu.memory_space<vmem>>, vector<1x128xf32>
    %sub3A_624 = vector.broadcast %slice3A_3 : vector<8x1xf32> to vector<8x128xf32>
    %sub3A_625 = vector.broadcast %get3A_623 : vector<1x128xf32> to vector<8x128xf32>
    %sub3A_626 = arith.subf %sub3A_624, %sub3A_625 : vector<8x128xf32>
    %mul3A_627 = arith.mulf %sub3A_614, %sub3A_614 : vector<8x128xf32>
    %mul3A_628 = arith.mulf %sub3A_620, %sub3A_620 : vector<8x128xf32>
    %add3A_629 = arith.addf %mul3A_627, %mul3A_628 : vector<8x128xf32>
    %mul3A_630 = arith.mulf %sub3A_626, %sub3A_626 : vector<8x128xf32>
    %add3A_631 = arith.addf %add3A_629, %mul3A_630 : vector<8x128xf32>
    %swap3A_632 = arith.constant 21 : index
    %swap3A_633 = arith.constant 0 : index
    %swap3A_634 = arith.constant 0 : index
    %swap3A_635 = vector.load %arg8[%swap3A_632, %swap3A_633, %swap3A_634] : memref<64x8x128xf32, #tpu.memory_space<vmem>>, vector<1x8x128xf32>
    %swap3A_636 = vector.shape_cast %swap3A_635 : vector<1x8x128xf32> to vector<8x128xf32>
    %swap3A_637 = vector.shape_cast %add3A_631 : vector<8x128xf32> to vector<1x8x128xf32>
    tpu.vector_store %arg8[%swap3A_632, %swap3A_633, %swap3A_634], %swap3A_637 {strides = array<i32>} : memref<64x8x128xf32, #tpu.memory_space<vmem>>, vector<1x8x128xf32>,
    %get3A_638 = arith.constant 22 : index
    %get3A_639 = arith.constant 0 : index
    %get3A_640 = vector.load %arg1[%get3A_638, %get3A_639] : memref<64x128xf32, #tpu.memory_space<vmem>>, vector<1x128xf32>
    %sub3A_641 = vector.broadcast %slice3A : vector<8x1xf32> to vector<8x128xf32>
    %sub3A_642 = vector.broadcast %get3A_640 : vector<1x128xf32> to vector<8x128xf32>
    %sub3A_643 = arith.subf %sub3A_641, %sub3A_642 : vector<8x128xf32>
    %get3A_644 = arith.constant 22 : index
    %get3A_645 = arith.constant 0 : index
    %get3A_646 = vector.load %arg2[%get3A_644, %get3A_645] : memref<64x128xf32, #tpu.memory_space<vmem>>, vector<1x128xf32>
    %sub3A_647 = vector.broadcast %slice3A_2 : vector<8x1xf32> to vector<8x128xf32>
    %sub3A_648 = vector.broadcast %get3A_646 : vector<1x128xf32> to vector<8x128xf32>
    %sub3A_649 = arith.subf %sub3A_647, %sub3A_648 : vector<8x128xf32>
    %get3A_650 = arith.constant 22 : index
    %get3A_651 = arith.constant 0 : index
    %get3A_652 = vector.load %arg3[%get3A_650, %get3A_651] : memref<64x128xf32, #tpu.memory_space<vmem>>, vector<1x128xf32>
    %sub3A_653 = vector.broadcast %slice3A_3 : vector<8x1xf32> to vector<8x128xf32>
    %sub3A_654 = vector.broadcast %get3A_652 : vector<1x128xf32> to vector<8x128xf32>
    %sub3A_655 = arith.subf %sub3A_653, %sub3A_654 : vector<8x128xf32>
    %mul3A_656 = arith.mulf %sub3A_643, %sub3A_643 : vector<8x128xf32>
    %mul3A_657 = arith.mulf %sub3A_649, %sub3A_649 : vector<8x128xf32>
    %add3A_658 = arith.addf %mul3A_656, %mul3A_657 : vector<8x128xf32>
    %mul3A_659 = arith.mulf %sub3A_655, %sub3A_655 : vector<8x128xf32>
    %add3A_660 = arith.addf %add3A_658, %mul3A_659 : vector<8x128xf32>
    %swap3A_661 = arith.constant 22 : index
    %swap3A_662 = arith.constant 0 : index
    %swap3A_663 = arith.constant 0 : index
    %swap3A_664 = vector.load %arg8[%swap3A_661, %swap3A_662, %swap3A_663] : memref<64x8x128xf32, #tpu.memory_space<vmem>>, vector<1x8x128xf32>
    %swap3A_665 = vector.shape_cast %swap3A_664 : vector<1x8x128xf32> to vector<8x128xf32>
    %swap3A_666 = vector.shape_cast %add3A_660 : vector<8x128xf32> to vector<1x8x128xf32>
    tpu.vector_store %arg8[%swap3A_661, %swap3A_662, %swap3A_663], %swap3A_666 {strides = array<i32>} : memref<64x8x128xf32, #tpu.memory_space<vmem>>, vector<1x8x128xf32>,
    %get3A_667 = arith.constant 23 : index
    %get3A_668 = arith.constant 0 : index
    %get3A_669 = vector.load %arg1[%get3A_667, %get3A_668] : memref<64x128xf32, #tpu.memory_space<vmem>>, vector<1x128xf32>
    %sub3A_670 = vector.broadcast %slice3A : vector<8x1xf32> to vector<8x128xf32>
    %sub3A_671 = vector.broadcast %get3A_669 : vector<1x128xf32> to vector<8x128xf32>
    %sub3A_672 = arith.subf %sub3A_670, %sub3A_671 : vector<8x128xf32>
    %get3A_673 = arith.constant 23 : index
    %get3A_674 = arith.constant 0 : index
    %get3A_675 = vector.load %arg2[%get3A_673, %get3A_674] : memref<64x128xf32, #tpu.memory_space<vmem>>, vector<1x128xf32>
    %sub3A_676 = vector.broadcast %slice3A_2 : vector<8x1xf32> to vector<8x128xf32>
    %sub3A_677 = vector.broadcast %get3A_675 : vector<1x128xf32> to vector<8x128xf32>
    %sub3A_678 = arith.subf %sub3A_676, %sub3A_677 : vector<8x128xf32>
    %get3A_679 = arith.constant 23 : index
    %get3A_680 = arith.constant 0 : index
    %get3A_681 = vector.load %arg3[%get3A_679, %get3A_680] : memref<64x128xf32, #tpu.memory_space<vmem>>, vector<1x128xf32>
    %sub3A_682 = vector.broadcast %slice3A_3 : vector<8x1xf32> to vector<8x128xf32>
    %sub3A_683 = vector.broadcast %get3A_681 : vector<1x128xf32> to vector<8x128xf32>
    %sub3A_684 = arith.subf %sub3A_682, %sub3A_683 : vector<8x128xf32>
    %mul3A_685 = arith.mulf %sub3A_672, %sub3A_672 : vector<8x128xf32>
    %mul3A_686 = arith.mulf %sub3A_678, %sub3A_678 : vector<8x128xf32>
    %add3A_687 = arith.addf %mul3A_685, %mul3A_686 : vector<8x128xf32>
    %mul3A_688 = arith.mulf %sub3A_684, %sub3A_684 : vector<8x128xf32>
    %add3A_689 = arith.addf %add3A_687, %mul3A_688 : vector<8x128xf32>
    %swap3A_690 = arith.constant 23 : index
    %swap3A_691 = arith.constant 0 : index
    %swap3A_692 = arith.constant 0 : index
    %swap3A_693 = vector.load %arg8[%swap3A_690, %swap3A_691, %swap3A_692] : memref<64x8x128xf32, #tpu.memory_space<vmem>>, vector<1x8x128xf32>
    %swap3A_694 = vector.shape_cast %swap3A_693 : vector<1x8x128xf32> to vector<8x128xf32>
    %swap3A_695 = vector.shape_cast %add3A_689 : vector<8x128xf32> to vector<1x8x128xf32>
    tpu.vector_store %arg8[%swap3A_690, %swap3A_691, %swap3A_692], %swap3A_695 {strides = array<i32>} : memref<64x8x128xf32, #tpu.memory_space<vmem>>, vector<1x8x128xf32>,
    %get3A_696 = arith.constant 24 : index
    %get3A_697 = arith.constant 0 : index
    %get3A_698 = vector.load %arg1[%get3A_696, %get3A_697] : memref<64x128xf32, #tpu.memory_space<vmem>>, vector<1x128xf32>
    %sub3A_699 = vector.broadcast %slice3A : vector<8x1xf32> to vector<8x128xf32>
    %sub3A_700 = vector.broadcast %get3A_698 : vector<1x128xf32> to vector<8x128xf32>
    %sub3A_701 = arith.subf %sub3A_699, %sub3A_700 : vector<8x128xf32>
    %get3A_702 = arith.constant 24 : index
    %get3A_703 = arith.constant 0 : index
    %get3A_704 = vector.load %arg2[%get3A_702, %get3A_703] : memref<64x128xf32, #tpu.memory_space<vmem>>, vector<1x128xf32>
    %sub3A_705 = vector.broadcast %slice3A_2 : vector<8x1xf32> to vector<8x128xf32>
    %sub3A_706 = vector.broadcast %get3A_704 : vector<1x128xf32> to vector<8x128xf32>
    %sub3A_707 = arith.subf %sub3A_705, %sub3A_706 : vector<8x128xf32>
    %get3A_708 = arith.constant 24 : index
    %get3A_709 = arith.constant 0 : index
    %get3A_710 = vector.load %arg3[%get3A_708, %get3A_709] : memref<64x128xf32, #tpu.memory_space<vmem>>, vector<1x128xf32>
    %sub3A_711 = vector.broadcast %slice3A_3 : vector<8x1xf32> to vector<8x128xf32>
    %sub3A_712 = vector.broadcast %get3A_710 : vector<1x128xf32> to vector<8x128xf32>
    %sub3A_713 = arith.subf %sub3A_711, %sub3A_712 : vector<8x128xf32>
    %mul3A_714 = arith.mulf %sub3A_701, %sub3A_701 : vector<8x128xf32>
    %mul3A_715 = arith.mulf %sub3A_707, %sub3A_707 : vector<8x128xf32>
    %add3A_716 = arith.addf %mul3A_714, %mul3A_715 : vector<8x128xf32>
    %mul3A_717 = arith.mulf %sub3A_713, %sub3A_713 : vector<8x128xf32>
    %add3A_718 = arith.addf %add3A_716, %mul3A_717 : vector<8x128xf32>
    %swap3A_719 = arith.constant 24 : index
    %swap3A_720 = arith.constant 0 : index
    %swap3A_721 = arith.constant 0 : index
    %swap3A_722 = vector.load %arg8[%swap3A_719, %swap3A_720, %swap3A_721] : memref<64x8x128xf32, #tpu.memory_space<vmem>>, vector<1x8x128xf32>
    %swap3A_723 = vector.shape_cast %swap3A_722 : vector<1x8x128xf32> to vector<8x128xf32>
    %swap3A_724 = vector.shape_cast %add3A_718 : vector<8x128xf32> to vector<1x8x128xf32>
    tpu.vector_store %arg8[%swap3A_719, %swap3A_720, %swap3A_721], %swap3A_724 {strides = array<i32>} : memref<64x8x128xf32, #tpu.memory_space<vmem>>, vector<1x8x128xf32>,
    %get3A_725 = arith.constant 25 : index
    %get3A_726 = arith.constant 0 : index
    %get3A_727 = vector.load %arg1[%get3A_725, %get3A_726] : memref<64x128xf32, #tpu.memory_space<vmem>>, vector<1x128xf32>
    %sub3A_728 = vector.broadcast %slice3A : vector<8x1xf32> to vector<8x128xf32>
    %sub3A_729 = vector.broadcast %get3A_727 : vector<1x128xf32> to vector<8x128xf32>
    %sub3A_730 = arith.subf %sub3A_728, %sub3A_729 : vector<8x128xf32>
    %get3A_731 = arith.constant 25 : index
    %get3A_732 = arith.constant 0 : index
    %get3A_733 = vector.load %arg2[%get3A_731, %get3A_732] : memref<64x128xf32, #tpu.memory_space<vmem>>, vector<1x128xf32>
    %sub3A_734 = vector.broadcast %slice3A_2 : vector<8x1xf32> to vector<8x128xf32>
    %sub3A_735 = vector.broadcast %get3A_733 : vector<1x128xf32> to vector<8x128xf32>
    %sub3A_736 = arith.subf %sub3A_734, %sub3A_735 : vector<8x128xf32>
    %get3A_737 = arith.constant 25 : index
    %get3A_738 = arith.constant 0 : index
    %get3A_739 = vector.load %arg3[%get3A_737, %get3A_738] : memref<64x128xf32, #tpu.memory_space<vmem>>, vector<1x128xf32>
    %sub3A_740 = vector.broadcast %slice3A_3 : vector<8x1xf32> to vector<8x128xf32>
    %sub3A_741 = vector.broadcast %get3A_739 : vector<1x128xf32> to vector<8x128xf32>
    %sub3A_742 = arith.subf %sub3A_740, %sub3A_741 : vector<8x128xf32>
    %mul3A_743 = arith.mulf %sub3A_730, %sub3A_730 : vector<8x128xf32>
    %mul3A_744 = arith.mulf %sub3A_736, %sub3A_736 : vector<8x128xf32>
    %add3A_745 = arith.addf %mul3A_743, %mul3A_744 : vector<8x128xf32>
    %mul3A_746 = arith.mulf %sub3A_742, %sub3A_742 : vector<8x128xf32>
    %add3A_747 = arith.addf %add3A_745, %mul3A_746 : vector<8x128xf32>
    %swap3A_748 = arith.constant 25 : index
    %swap3A_749 = arith.constant 0 : index
    %swap3A_750 = arith.constant 0 : index
    %swap3A_751 = vector.load %arg8[%swap3A_748, %swap3A_749, %swap3A_750] : memref<64x8x128xf32, #tpu.memory_space<vmem>>, vector<1x8x128xf32>
    %swap3A_752 = vector.shape_cast %swap3A_751 : vector<1x8x128xf32> to vector<8x128xf32>
    %swap3A_753 = vector.shape_cast %add3A_747 : vector<8x128xf32> to vector<1x8x128xf32>
    tpu.vector_store %arg8[%swap3A_748, %swap3A_749, %swap3A_750], %swap3A_753 {strides = array<i32>} : memref<64x8x128xf32, #tpu.memory_space<vmem>>, vector<1x8x128xf32>,
    %get3A_754 = arith.constant 26 : index
    %get3A_755 = arith.constant 0 : index
    %get3A_756 = vector.load %arg1[%get3A_754, %get3A_755] : memref<64x128xf32, #tpu.memory_space<vmem>>, vector<1x128xf32>
    %sub3A_757 = vector.broadcast %slice3A : vector<8x1xf32> to vector<8x128xf32>
    %sub3A_758 = vector.broadcast %get3A_756 : vector<1x128xf32> to vector<8x128xf32>
    %sub3A_759 = arith.subf %sub3A_757, %sub3A_758 : vector<8x128xf32>
    %get3A_760 = arith.constant 26 : index
    %get3A_761 = arith.constant 0 : index
    %get3A_762 = vector.load %arg2[%get3A_760, %get3A_761] : memref<64x128xf32, #tpu.memory_space<vmem>>, vector<1x128xf32>
    %sub3A_763 = vector.broadcast %slice3A_2 : vector<8x1xf32> to vector<8x128xf32>
    %sub3A_764 = vector.broadcast %get3A_762 : vector<1x128xf32> to vector<8x128xf32>
    %sub3A_765 = arith.subf %sub3A_763, %sub3A_764 : vector<8x128xf32>
    %get3A_766 = arith.constant 26 : index
    %get3A_767 = arith.constant 0 : index
    %get3A_768 = vector.load %arg3[%get3A_766, %get3A_767] : memref<64x128xf32, #tpu.memory_space<vmem>>, vector<1x128xf32>
    %sub3A_769 = vector.broadcast %slice3A_3 : vector<8x1xf32> to vector<8x128xf32>
    %sub3A_770 = vector.broadcast %get3A_768 : vector<1x128xf32> to vector<8x128xf32>
    %sub3A_771 = arith.subf %sub3A_769, %sub3A_770 : vector<8x128xf32>
    %mul3A_772 = arith.mulf %sub3A_759, %sub3A_759 : vector<8x128xf32>
    %mul3A_773 = arith.mulf %sub3A_765, %sub3A_765 : vector<8x128xf32>
    %add3A_774 = arith.addf %mul3A_772, %mul3A_773 : vector<8x128xf32>
    %mul3A_775 = arith.mulf %sub3A_771, %sub3A_771 : vector<8x128xf32>
    %add3A_776 = arith.addf %add3A_774, %mul3A_775 : vector<8x128xf32>
    %swap3A_777 = arith.constant 26 : index
    %swap3A_778 = arith.constant 0 : index
    %swap3A_779 = arith.constant 0 : index
    %swap3A_780 = vector.load %arg8[%swap3A_777, %swap3A_778, %swap3A_779] : memref<64x8x128xf32, #tpu.memory_space<vmem>>, vector<1x8x128xf32>
    %swap3A_781 = vector.shape_cast %swap3A_780 : vector<1x8x128xf32> to vector<8x128xf32>
    %swap3A_782 = vector.shape_cast %add3A_776 : vector<8x128xf32> to vector<1x8x128xf32>
    tpu.vector_store %arg8[%swap3A_777, %swap3A_778, %swap3A_779], %swap3A_782 {strides = array<i32>} : memref<64x8x128xf32, #tpu.memory_space<vmem>>, vector<1x8x128xf32>,
    %get3A_783 = arith.constant 27 : index
    %get3A_784 = arith.constant 0 : index
    %get3A_785 = vector.load %arg1[%get3A_783, %get3A_784] : memref<64x128xf32, #tpu.memory_space<vmem>>, vector<1x128xf32>
    %sub3A_786 = vector.broadcast %slice3A : vector<8x1xf32> to vector<8x128xf32>
    %sub3A_787 = vector.broadcast %get3A_785 : vector<1x128xf32> to vector<8x128xf32>
    %sub3A_788 = arith.subf %sub3A_786, %sub3A_787 : vector<8x128xf32>
    %get3A_789 = arith.constant 27 : index
    %get3A_790 = arith.constant 0 : index
    %get3A_791 = vector.load %arg2[%get3A_789, %get3A_790] : memref<64x128xf32, #tpu.memory_space<vmem>>, vector<1x128xf32>
    %sub3A_792 = vector.broadcast %slice3A_2 : vector<8x1xf32> to vector<8x128xf32>
    %sub3A_793 = vector.broadcast %get3A_791 : vector<1x128xf32> to vector<8x128xf32>
    %sub3A_794 = arith.subf %sub3A_792, %sub3A_793 : vector<8x128xf32>
    %get3A_795 = arith.constant 27 : index
    %get3A_796 = arith.constant 0 : index
    %get3A_797 = vector.load %arg3[%get3A_795, %get3A_796] : memref<64x128xf32, #tpu.memory_space<vmem>>, vector<1x128xf32>
    %sub3A_798 = vector.broadcast %slice3A_3 : vector<8x1xf32> to vector<8x128xf32>
    %sub3A_799 = vector.broadcast %get3A_797 : vector<1x128xf32> to vector<8x128xf32>
    %sub3A_800 = arith.subf %sub3A_798, %sub3A_799 : vector<8x128xf32>
    %mul3A_801 = arith.mulf %sub3A_788, %sub3A_788 : vector<8x128xf32>
    %mul3A_802 = arith.mulf %sub3A_794, %sub3A_794 : vector<8x128xf32>
    %add3A_803 = arith.addf %mul3A_801, %mul3A_802 : vector<8x128xf32>
    %mul3A_804 = arith.mulf %sub3A_800, %sub3A_800 : vector<8x128xf32>
    %add3A_805 = arith.addf %add3A_803, %mul3A_804 : vector<8x128xf32>
    %swap3A_806 = arith.constant 27 : index
    %swap3A_807 = arith.constant 0 : index
    %swap3A_808 = arith.constant 0 : index
    %swap3A_809 = vector.load %arg8[%swap3A_806, %swap3A_807, %swap3A_808] : memref<64x8x128xf32, #tpu.memory_space<vmem>>, vector<1x8x128xf32>
    %swap3A_810 = vector.shape_cast %swap3A_809 : vector<1x8x128xf32> to vector<8x128xf32>
    %swap3A_811 = vector.shape_cast %add3A_805 : vector<8x128xf32> to vector<1x8x128xf32>
    tpu.vector_store %arg8[%swap3A_806, %swap3A_807, %swap3A_808], %swap3A_811 {strides = array<i32>} : memref<64x8x128xf32, #tpu.memory_space<vmem>>, vector<1x8x128xf32>,
    %get3A_812 = arith.constant 28 : index
    %get3A_813 = arith.constant 0 : index
    %get3A_814 = vector.load %arg1[%get3A_812, %get3A_813] : memref<64x128xf32, #tpu.memory_space<vmem>>, vector<1x128xf32>
    %sub3A_815 = vector.broadcast %slice3A : vector<8x1xf32> to vector<8x128xf32>
    %sub3A_816 = vector.broadcast %get3A_814 : vector<1x128xf32> to vector<8x128xf32>
    %sub3A_817 = arith.subf %sub3A_815, %sub3A_816 : vector<8x128xf32>
    %get3A_818 = arith.constant 28 : index
    %get3A_819 = arith.constant 0 : index
    %get3A_820 = vector.load %arg2[%get3A_818, %get3A_819] : memref<64x128xf32, #tpu.memory_space<vmem>>, vector<1x128xf32>
    %sub3A_821 = vector.broadcast %slice3A_2 : vector<8x1xf32> to vector<8x128xf32>
    %sub3A_822 = vector.broadcast %get3A_820 : vector<1x128xf32> to vector<8x128xf32>
    %sub3A_823 = arith.subf %sub3A_821, %sub3A_822 : vector<8x128xf32>
    %get3A_824 = arith.constant 28 : index
    %get3A_825 = arith.constant 0 : index
    %get3A_826 = vector.load %arg3[%get3A_824, %get3A_825] : memref<64x128xf32, #tpu.memory_space<vmem>>, vector<1x128xf32>
    %sub3A_827 = vector.broadcast %slice3A_3 : vector<8x1xf32> to vector<8x128xf32>
    %sub3A_828 = vector.broadcast %get3A_826 : vector<1x128xf32> to vector<8x128xf32>
    %sub3A_829 = arith.subf %sub3A_827, %sub3A_828 : vector<8x128xf32>
    %mul3A_830 = arith.mulf %sub3A_817, %sub3A_817 : vector<8x128xf32>
    %mul3A_831 = arith.mulf %sub3A_823, %sub3A_823 : vector<8x128xf32>
    %add3A_832 = arith.addf %mul3A_830, %mul3A_831 : vector<8x128xf32>
    %mul3A_833 = arith.mulf %sub3A_829, %sub3A_829 : vector<8x128xf32>
    %add3A_834 = arith.addf %add3A_832, %mul3A_833 : vector<8x128xf32>
    %swap3A_835 = arith.constant 28 : index
    %swap3A_836 = arith.constant 0 : index
    %swap3A_837 = arith.constant 0 : index
    %swap3A_838 = vector.load %arg8[%swap3A_835, %swap3A_836, %swap3A_837] : memref<64x8x128xf32, #tpu.memory_space<vmem>>, vector<1x8x128xf32>
    %swap3A_839 = vector.shape_cast %swap3A_838 : vector<1x8x128xf32> to vector<8x128xf32>
    %swap3A_840 = vector.shape_cast %add3A_834 : vector<8x128xf32> to vector<1x8x128xf32>
    tpu.vector_store %arg8[%swap3A_835, %swap3A_836, %swap3A_837], %swap3A_840 {strides = array<i32>} : memref<64x8x128xf32, #tpu.memory_space<vmem>>, vector<1x8x128xf32>,
    %get3A_841 = arith.constant 29 : index
    %get3A_842 = arith.constant 0 : index
    %get3A_843 = vector.load %arg1[%get3A_841, %get3A_842] : memref<64x128xf32, #tpu.memory_space<vmem>>, vector<1x128xf32>
    %sub3A_844 = vector.broadcast %slice3A : vector<8x1xf32> to vector<8x128xf32>
    %sub3A_845 = vector.broadcast %get3A_843 : vector<1x128xf32> to vector<8x128xf32>
    %sub3A_846 = arith.subf %sub3A_844, %sub3A_845 : vector<8x128xf32>
    %get3A_847 = arith.constant 29 : index
    %get3A_848 = arith.constant 0 : index
    %get3A_849 = vector.load %arg2[%get3A_847, %get3A_848] : memref<64x128xf32, #tpu.memory_space<vmem>>, vector<1x128xf32>
    %sub3A_850 = vector.broadcast %slice3A_2 : vector<8x1xf32> to vector<8x128xf32>
    %sub3A_851 = vector.broadcast %get3A_849 : vector<1x128xf32> to vector<8x128xf32>
    %sub3A_852 = arith.subf %sub3A_850, %sub3A_851 : vector<8x128xf32>
    %get3A_853 = arith.constant 29 : index
    %get3A_854 = arith.constant 0 : index
    %get3A_855 = vector.load %arg3[%get3A_853, %get3A_854] : memref<64x128xf32, #tpu.memory_space<vmem>>, vector<1x128xf32>
    %sub3A_856 = vector.broadcast %slice3A_3 : vector<8x1xf32> to vector<8x128xf32>
    %sub3A_857 = vector.broadcast %get3A_855 : vector<1x128xf32> to vector<8x128xf32>
    %sub3A_858 = arith.subf %sub3A_856, %sub3A_857 : vector<8x128xf32>
    %mul3A_859 = arith.mulf %sub3A_846, %sub3A_846 : vector<8x128xf32>
    %mul3A_860 = arith.mulf %sub3A_852, %sub3A_852 : vector<8x128xf32>
    %add3A_861 = arith.addf %mul3A_859, %mul3A_860 : vector<8x128xf32>
    %mul3A_862 = arith.mulf %sub3A_858, %sub3A_858 : vector<8x128xf32>
    %add3A_863 = arith.addf %add3A_861, %mul3A_862 : vector<8x128xf32>
    %swap3A_864 = arith.constant 29 : index
    %swap3A_865 = arith.constant 0 : index
    %swap3A_866 = arith.constant 0 : index
    %swap3A_867 = vector.load %arg8[%swap3A_864, %swap3A_865, %swap3A_866] : memref<64x8x128xf32, #tpu.memory_space<vmem>>, vector<1x8x128xf32>
    %swap3A_868 = vector.shape_cast %swap3A_867 : vector<1x8x128xf32> to vector<8x128xf32>
    %swap3A_869 = vector.shape_cast %add3A_863 : vector<8x128xf32> to vector<1x8x128xf32>
    tpu.vector_store %arg8[%swap3A_864, %swap3A_865, %swap3A_866], %swap3A_869 {strides = array<i32>} : memref<64x8x128xf32, #tpu.memory_space<vmem>>, vector<1x8x128xf32>,
    %get3A_870 = arith.constant 30 : index
    %get3A_871 = arith.constant 0 : index
    %get3A_872 = vector.load %arg1[%get3A_870, %get3A_871] : memref<64x128xf32, #tpu.memory_space<vmem>>, vector<1x128xf32>
    %sub3A_873 = vector.broadcast %slice3A : vector<8x1xf32> to vector<8x128xf32>
    %sub3A_874 = vector.broadcast %get3A_872 : vector<1x128xf32> to vector<8x128xf32>
    %sub3A_875 = arith.subf %sub3A_873, %sub3A_874 : vector<8x128xf32>
    %get3A_876 = arith.constant 30 : index
    %get3A_877 = arith.constant 0 : index
    %get3A_878 = vector.load %arg2[%get3A_876, %get3A_877] : memref<64x128xf32, #tpu.memory_space<vmem>>, vector<1x128xf32>
    %sub3A_879 = vector.broadcast %slice3A_2 : vector<8x1xf32> to vector<8x128xf32>
    %sub3A_880 = vector.broadcast %get3A_878 : vector<1x128xf32> to vector<8x128xf32>
    %sub3A_881 = arith.subf %sub3A_879, %sub3A_880 : vector<8x128xf32>
    %get3A_882 = arith.constant 30 : index
    %get3A_883 = arith.constant 0 : index
    %get3A_884 = vector.load %arg3[%get3A_882, %get3A_883] : memref<64x128xf32, #tpu.memory_space<vmem>>, vector<1x128xf32>
    %sub3A_885 = vector.broadcast %slice3A_3 : vector<8x1xf32> to vector<8x128xf32>
    %sub3A_886 = vector.broadcast %get3A_884 : vector<1x128xf32> to vector<8x128xf32>
    %sub3A_887 = arith.subf %sub3A_885, %sub3A_886 : vector<8x128xf32>
    %mul3A_888 = arith.mulf %sub3A_875, %sub3A_875 : vector<8x128xf32>
    %mul3A_889 = arith.mulf %sub3A_881, %sub3A_881 : vector<8x128xf32>
    %add3A_890 = arith.addf %mul3A_888, %mul3A_889 : vector<8x128xf32>
    %mul3A_891 = arith.mulf %sub3A_887, %sub3A_887 : vector<8x128xf32>
    %add3A_892 = arith.addf %add3A_890, %mul3A_891 : vector<8x128xf32>
    %swap3A_893 = arith.constant 30 : index
    %swap3A_894 = arith.constant 0 : index
    %swap3A_895 = arith.constant 0 : index
    %swap3A_896 = vector.load %arg8[%swap3A_893, %swap3A_894, %swap3A_895] : memref<64x8x128xf32, #tpu.memory_space<vmem>>, vector<1x8x128xf32>
    %swap3A_897 = vector.shape_cast %swap3A_896 : vector<1x8x128xf32> to vector<8x128xf32>
    %swap3A_898 = vector.shape_cast %add3A_892 : vector<8x128xf32> to vector<1x8x128xf32>
    tpu.vector_store %arg8[%swap3A_893, %swap3A_894, %swap3A_895], %swap3A_898 {strides = array<i32>} : memref<64x8x128xf32, #tpu.memory_space<vmem>>, vector<1x8x128xf32>,
    %get3A_899 = arith.constant 31 : index
    %get3A_900 = arith.constant 0 : index
    %get3A_901 = vector.load %arg1[%get3A_899, %get3A_900] : memref<64x128xf32, #tpu.memory_space<vmem>>, vector<1x128xf32>
    %sub3A_902 = vector.broadcast %slice3A : vector<8x1xf32> to vector<8x128xf32>
    %sub3A_903 = vector.broadcast %get3A_901 : vector<1x128xf32> to vector<8x128xf32>
    %sub3A_904 = arith.subf %sub3A_902, %sub3A_903 : vector<8x128xf32>
    %get3A_905 = arith.constant 31 : index
    %get3A_906 = arith.constant 0 : index
    %get3A_907 = vector.load %arg2[%get3A_905, %get3A_906] : memref<64x128xf32, #tpu.memory_space<vmem>>, vector<1x128xf32>
    %sub3A_908 = vector.broadcast %slice3A_2 : vector<8x1xf32> to vector<8x128xf32>
    %sub3A_909 = vector.broadcast %get3A_907 : vector<1x128xf32> to vector<8x128xf32>
    %sub3A_910 = arith.subf %sub3A_908, %sub3A_909 : vector<8x128xf32>
    %get3A_911 = arith.constant 31 : index
    %get3A_912 = arith.constant 0 : index
    %get3A_913 = vector.load %arg3[%get3A_911, %get3A_912] : memref<64x128xf32, #tpu.memory_space<vmem>>, vector<1x128xf32>
    %sub3A_914 = vector.broadcast %slice3A_3 : vector<8x1xf32> to vector<8x128xf32>
    %sub3A_915 = vector.broadcast %get3A_913 : vector<1x128xf32> to vector<8x128xf32>
    %sub3A_916 = arith.subf %sub3A_914, %sub3A_915 : vector<8x128xf32>
    %mul3A_917 = arith.mulf %sub3A_904, %sub3A_904 : vector<8x128xf32>
    %mul3A_918 = arith.mulf %sub3A_910, %sub3A_910 : vector<8x128xf32>
    %add3A_919 = arith.addf %mul3A_917, %mul3A_918 : vector<8x128xf32>
    %mul3A_920 = arith.mulf %sub3A_916, %sub3A_916 : vector<8x128xf32>
    %add3A_921 = arith.addf %add3A_919, %mul3A_920 : vector<8x128xf32>
    %swap3A_922 = arith.constant 31 : index
    %swap3A_923 = arith.constant 0 : index
    %swap3A_924 = arith.constant 0 : index
    %swap3A_925 = vector.load %arg8[%swap3A_922, %swap3A_923, %swap3A_924] : memref<64x8x128xf32, #tpu.memory_space<vmem>>, vector<1x8x128xf32>
    %swap3A_926 = vector.shape_cast %swap3A_925 : vector<1x8x128xf32> to vector<8x128xf32>
    %swap3A_927 = vector.shape_cast %add3A_921 : vector<8x128xf32> to vector<1x8x128xf32>
    tpu.vector_store %arg8[%swap3A_922, %swap3A_923, %swap3A_924], %swap3A_927 {strides = array<i32>} : memref<64x8x128xf32, #tpu.memory_space<vmem>>, vector<1x8x128xf32>,
    %get3A_928 = arith.constant 32 : index
    %get3A_929 = arith.constant 0 : index
    %get3A_930 = vector.load %arg1[%get3A_928, %get3A_929] : memref<64x128xf32, #tpu.memory_space<vmem>>, vector<1x128xf32>
    %sub3A_931 = vector.broadcast %slice3A : vector<8x1xf32> to vector<8x128xf32>
    %sub3A_932 = vector.broadcast %get3A_930 : vector<1x128xf32> to vector<8x128xf32>
    %sub3A_933 = arith.subf %sub3A_931, %sub3A_932 : vector<8x128xf32>
    %get3A_934 = arith.constant 32 : index
    %get3A_935 = arith.constant 0 : index
    %get3A_936 = vector.load %arg2[%get3A_934, %get3A_935] : memref<64x128xf32, #tpu.memory_space<vmem>>, vector<1x128xf32>
    %sub3A_937 = vector.broadcast %slice3A_2 : vector<8x1xf32> to vector<8x128xf32>
    %sub3A_938 = vector.broadcast %get3A_936 : vector<1x128xf32> to vector<8x128xf32>
    %sub3A_939 = arith.subf %sub3A_937, %sub3A_938 : vector<8x128xf32>
    %get3A_940 = arith.constant 32 : index
    %get3A_941 = arith.constant 0 : index
    %get3A_942 = vector.load %arg3[%get3A_940, %get3A_941] : memref<64x128xf32, #tpu.memory_space<vmem>>, vector<1x128xf32>
    %sub3A_943 = vector.broadcast %slice3A_3 : vector<8x1xf32> to vector<8x128xf32>
    %sub3A_944 = vector.broadcast %get3A_942 : vector<1x128xf32> to vector<8x128xf32>
    %sub3A_945 = arith.subf %sub3A_943, %sub3A_944 : vector<8x128xf32>
    %mul3A_946 = arith.mulf %sub3A_933, %sub3A_933 : vector<8x128xf32>
    %mul3A_947 = arith.mulf %sub3A_939, %sub3A_939 : vector<8x128xf32>
    %add3A_948 = arith.addf %mul3A_946, %mul3A_947 : vector<8x128xf32>
    %mul3A_949 = arith.mulf %sub3A_945, %sub3A_945 : vector<8x128xf32>
    %add3A_950 = arith.addf %add3A_948, %mul3A_949 : vector<8x128xf32>
    %swap3A_951 = arith.constant 32 : index
    %swap3A_952 = arith.constant 0 : index
    %swap3A_953 = arith.constant 0 : index
    %swap3A_954 = vector.load %arg8[%swap3A_951, %swap3A_952, %swap3A_953] : memref<64x8x128xf32, #tpu.memory_space<vmem>>, vector<1x8x128xf32>
    %swap3A_955 = vector.shape_cast %swap3A_954 : vector<1x8x128xf32> to vector<8x128xf32>
    %swap3A_956 = vector.shape_cast %add3A_950 : vector<8x128xf32> to vector<1x8x128xf32>
    tpu.vector_store %arg8[%swap3A_951, %swap3A_952, %swap3A_953], %swap3A_956 {strides = array<i32>} : memref<64x8x128xf32, #tpu.memory_space<vmem>>, vector<1x8x128xf32>,
    %get3A_957 = arith.constant 33 : index
    %get3A_958 = arith.constant 0 : index
    %get3A_959 = vector.load %arg1[%get3A_957, %get3A_958] : memref<64x128xf32, #tpu.memory_space<vmem>>, vector<1x128xf32>
    %sub3A_960 = vector.broadcast %slice3A : vector<8x1xf32> to vector<8x128xf32>
    %sub3A_961 = vector.broadcast %get3A_959 : vector<1x128xf32> to vector<8x128xf32>
    %sub3A_962 = arith.subf %sub3A_960, %sub3A_961 : vector<8x128xf32>
    %get3A_963 = arith.constant 33 : index
    %get3A_964 = arith.constant 0 : index
    %get3A_965 = vector.load %arg2[%get3A_963, %get3A_964] : memref<64x128xf32, #tpu.memory_space<vmem>>, vector<1x128xf32>
    %sub3A_966 = vector.broadcast %slice3A_2 : vector<8x1xf32> to vector<8x128xf32>
    %sub3A_967 = vector.broadcast %get3A_965 : vector<1x128xf32> to vector<8x128xf32>
    %sub3A_968 = arith.subf %sub3A_966, %sub3A_967 : vector<8x128xf32>
    %get3A_969 = arith.constant 33 : index
    %get3A_970 = arith.constant 0 : index
    %get3A_971 = vector.load %arg3[%get3A_969, %get3A_970] : memref<64x128xf32, #tpu.memory_space<vmem>>, vector<1x128xf32>
    %sub3A_972 = vector.broadcast %slice3A_3 : vector<8x1xf32> to vector<8x128xf32>
    %sub3A_973 = vector.broadcast %get3A_971 : vector<1x128xf32> to vector<8x128xf32>
    %sub3A_974 = arith.subf %sub3A_972, %sub3A_973 : vector<8x128xf32>
    %mul3A_975 = arith.mulf %sub3A_962, %sub3A_962 : vector<8x128xf32>
    %mul3A_976 = arith.mulf %sub3A_968, %sub3A_968 : vector<8x128xf32>
    %add3A_977 = arith.addf %mul3A_975, %mul3A_976 : vector<8x128xf32>
    %mul3A_978 = arith.mulf %sub3A_974, %sub3A_974 : vector<8x128xf32>
    %add3A_979 = arith.addf %add3A_977, %mul3A_978 : vector<8x128xf32>
    %swap3A_980 = arith.constant 33 : index
    %swap3A_981 = arith.constant 0 : index
    %swap3A_982 = arith.constant 0 : index
    %swap3A_983 = vector.load %arg8[%swap3A_980, %swap3A_981, %swap3A_982] : memref<64x8x128xf32, #tpu.memory_space<vmem>>, vector<1x8x128xf32>
    %swap3A_984 = vector.shape_cast %swap3A_983 : vector<1x8x128xf32> to vector<8x128xf32>
    %swap3A_985 = vector.shape_cast %add3A_979 : vector<8x128xf32> to vector<1x8x128xf32>
    tpu.vector_store %arg8[%swap3A_980, %swap3A_981, %swap3A_982], %swap3A_985 {strides = array<i32>} : memref<64x8x128xf32, #tpu.memory_space<vmem>>, vector<1x8x128xf32>,
    %get3A_986 = arith.constant 34 : index
    %get3A_987 = arith.constant 0 : index
    %get3A_988 = vector.load %arg1[%get3A_986, %get3A_987] : memref<64x128xf32, #tpu.memory_space<vmem>>, vector<1x128xf32>
    %sub3A_989 = vector.broadcast %slice3A : vector<8x1xf32> to vector<8x128xf32>
    %sub3A_990 = vector.broadcast %get3A_988 : vector<1x128xf32> to vector<8x128xf32>
    %sub3A_991 = arith.subf %sub3A_989, %sub3A_990 : vector<8x128xf32>
    %get3A_992 = arith.constant 34 : index
    %get3A_993 = arith.constant 0 : index
    %get3A_994 = vector.load %arg2[%get3A_992, %get3A_993] : memref<64x128xf32, #tpu.memory_space<vmem>>, vector<1x128xf32>
    %sub3A_995 = vector.broadcast %slice3A_2 : vector<8x1xf32> to vector<8x128xf32>
    %sub3A_996 = vector.broadcast %get3A_994 : vector<1x128xf32> to vector<8x128xf32>
    %sub3A_997 = arith.subf %sub3A_995, %sub3A_996 : vector<8x128xf32>
    %get3A_998 = arith.constant 34 : index
    %get3A_999 = arith.constant 0 : index
    %get3A_1000 = vector.load %arg3[%get3A_998, %get3A_999] : memref<64x128xf32, #tpu.memory_space<vmem>>, vector<1x128xf32>
    %sub3A_1001 = vector.broadcast %slice3A_3 : vector<8x1xf32> to vector<8x128xf32>
    %sub3A_1002 = vector.broadcast %get3A_1000 : vector<1x128xf32> to vector<8x128xf32>
    %sub3A_1003 = arith.subf %sub3A_1001, %sub3A_1002 : vector<8x128xf32>
    %mul3A_1004 = arith.mulf %sub3A_991, %sub3A_991 : vector<8x128xf32>
    %mul3A_1005 = arith.mulf %sub3A_997, %sub3A_997 : vector<8x128xf32>
    %add3A_1006 = arith.addf %mul3A_1004, %mul3A_1005 : vector<8x128xf32>
    %mul3A_1007 = arith.mulf %sub3A_1003, %sub3A_1003 : vector<8x128xf32>
    %add3A_1008 = arith.addf %add3A_1006, %mul3A_1007 : vector<8x128xf32>
    %swap3A_1009 = arith.constant 34 : index
    %swap3A_1010 = arith.constant 0 : index
    %swap3A_1011 = arith.constant 0 : index
    %swap3A_1012 = vector.load %arg8[%swap3A_1009, %swap3A_1010, %swap3A_1011] : memref<64x8x128xf32, #tpu.memory_space<vmem>>, vector<1x8x128xf32>
    %swap3A_1013 = vector.shape_cast %swap3A_1012 : vector<1x8x128xf32> to vector<8x128xf32>
    %swap3A_1014 = vector.shape_cast %add3A_1008 : vector<8x128xf32> to vector<1x8x128xf32>
    tpu.vector_store %arg8[%swap3A_1009, %swap3A_1010, %swap3A_1011], %swap3A_1014 {strides = array<i32>} : memref<64x8x128xf32, #tpu.memory_space<vmem>>, vector<1x8x128xf32>,
    %get3A_1015 = arith.constant 35 : index
    %get3A_1016 = arith.constant 0 : index
    %get3A_1017 = vector.load %arg1[%get3A_1015, %get3A_1016] : memref<64x128xf32, #tpu.memory_space<vmem>>, vector<1x128xf32>
    %sub3A_1018 = vector.broadcast %slice3A : vector<8x1xf32> to vector<8x128xf32>
    %sub3A_1019 = vector.broadcast %get3A_1017 : vector<1x128xf32> to vector<8x128xf32>
    %sub3A_1020 = arith.subf %sub3A_1018, %sub3A_1019 : vector<8x128xf32>
    %get3A_1021 = arith.constant 35 : index
    %get3A_1022 = arith.constant 0 : index
    %get3A_1023 = vector.load %arg2[%get3A_1021, %get3A_1022] : memref<64x128xf32, #tpu.memory_space<vmem>>, vector<1x128xf32>
    %sub3A_1024 = vector.broadcast %slice3A_2 : vector<8x1xf32> to vector<8x128xf32>
    %sub3A_1025 = vector.broadcast %get3A_1023 : vector<1x128xf32> to vector<8x128xf32>
    %sub3A_1026 = arith.subf %sub3A_1024, %sub3A_1025 : vector<8x128xf32>
    %get3A_1027 = arith.constant 35 : index
    %get3A_1028 = arith.constant 0 : index
    %get3A_1029 = vector.load %arg3[%get3A_1027, %get3A_1028] : memref<64x128xf32, #tpu.memory_space<vmem>>, vector<1x128xf32>
    %sub3A_1030 = vector.broadcast %slice3A_3 : vector<8x1xf32> to vector<8x128xf32>
    %sub3A_1031 = vector.broadcast %get3A_1029 : vector<1x128xf32> to vector<8x128xf32>
    %sub3A_1032 = arith.subf %sub3A_1030, %sub3A_1031 : vector<8x128xf32>
    %mul3A_1033 = arith.mulf %sub3A_1020, %sub3A_1020 : vector<8x128xf32>
    %mul3A_1034 = arith.mulf %sub3A_1026, %sub3A_1026 : vector<8x128xf32>
    %add3A_1035 = arith.addf %mul3A_1033, %mul3A_1034 : vector<8x128xf32>
    %mul3A_1036 = arith.mulf %sub3A_1032, %sub3A_1032 : vector<8x128xf32>
    %add3A_1037 = arith.addf %add3A_1035, %mul3A_1036 : vector<8x128xf32>
    %swap3A_1038 = arith.constant 35 : index
    %swap3A_1039 = arith.constant 0 : index
    %swap3A_1040 = arith.constant 0 : index
    %swap3A_1041 = vector.load %arg8[%swap3A_1038, %swap3A_1039, %swap3A_1040] : memref<64x8x128xf32, #tpu.memory_space<vmem>>, vector<1x8x128xf32>
    %swap3A_1042 = vector.shape_cast %swap3A_1041 : vector<1x8x128xf32> to vector<8x128xf32>
    %swap3A_1043 = vector.shape_cast %add3A_1037 : vector<8x128xf32> to vector<1x8x128xf32>
    tpu.vector_store %arg8[%swap3A_1038, %swap3A_1039, %swap3A_1040], %swap3A_1043 {strides = array<i32>} : memref<64x8x128xf32, #tpu.memory_space<vmem>>, vector<1x8x128xf32>,
    %get3A_1044 = arith.constant 36 : index
    %get3A_1045 = arith.constant 0 : index
    %get3A_1046 = vector.load %arg1[%get3A_1044, %get3A_1045] : memref<64x128xf32, #tpu.memory_space<vmem>>, vector<1x128xf32>
    %sub3A_1047 = vector.broadcast %slice3A : vector<8x1xf32> to vector<8x128xf32>
    %sub3A_1048 = vector.broadcast %get3A_1046 : vector<1x128xf32> to vector<8x128xf32>
    %sub3A_1049 = arith.subf %sub3A_1047, %sub3A_1048 : vector<8x128xf32>
    %get3A_1050 = arith.constant 36 : index
    %get3A_1051 = arith.constant 0 : index
    %get3A_1052 = vector.load %arg2[%get3A_1050, %get3A_1051] : memref<64x128xf32, #tpu.memory_space<vmem>>, vector<1x128xf32>
    %sub3A_1053 = vector.broadcast %slice3A_2 : vector<8x1xf32> to vector<8x128xf32>
    %sub3A_1054 = vector.broadcast %get3A_1052 : vector<1x128xf32> to vector<8x128xf32>
    %sub3A_1055 = arith.subf %sub3A_1053, %sub3A_1054 : vector<8x128xf32>
    %get3A_1056 = arith.constant 36 : index
    %get3A_1057 = arith.constant 0 : index
    %get3A_1058 = vector.load %arg3[%get3A_1056, %get3A_1057] : memref<64x128xf32, #tpu.memory_space<vmem>>, vector<1x128xf32>
    %sub3A_1059 = vector.broadcast %slice3A_3 : vector<8x1xf32> to vector<8x128xf32>
    %sub3A_1060 = vector.broadcast %get3A_1058 : vector<1x128xf32> to vector<8x128xf32>
    %sub3A_1061 = arith.subf %sub3A_1059, %sub3A_1060 : vector<8x128xf32>
    %mul3A_1062 = arith.mulf %sub3A_1049, %sub3A_1049 : vector<8x128xf32>
    %mul3A_1063 = arith.mulf %sub3A_1055, %sub3A_1055 : vector<8x128xf32>
    %add3A_1064 = arith.addf %mul3A_1062, %mul3A_1063 : vector<8x128xf32>
    %mul3A_1065 = arith.mulf %sub3A_1061, %sub3A_1061 : vector<8x128xf32>
    %add3A_1066 = arith.addf %add3A_1064, %mul3A_1065 : vector<8x128xf32>
    %swap3A_1067 = arith.constant 36 : index
    %swap3A_1068 = arith.constant 0 : index
    %swap3A_1069 = arith.constant 0 : index
    %swap3A_1070 = vector.load %arg8[%swap3A_1067, %swap3A_1068, %swap3A_1069] : memref<64x8x128xf32, #tpu.memory_space<vmem>>, vector<1x8x128xf32>
    %swap3A_1071 = vector.shape_cast %swap3A_1070 : vector<1x8x128xf32> to vector<8x128xf32>
    %swap3A_1072 = vector.shape_cast %add3A_1066 : vector<8x128xf32> to vector<1x8x128xf32>
    tpu.vector_store %arg8[%swap3A_1067, %swap3A_1068, %swap3A_1069], %swap3A_1072 {strides = array<i32>} : memref<64x8x128xf32, #tpu.memory_space<vmem>>, vector<1x8x128xf32>,
    %get3A_1073 = arith.constant 37 : index
    %get3A_1074 = arith.constant 0 : index
    %get3A_1075 = vector.load %arg1[%get3A_1073, %get3A_1074] : memref<64x128xf32, #tpu.memory_space<vmem>>, vector<1x128xf32>
    %sub3A_1076 = vector.broadcast %slice3A : vector<8x1xf32> to vector<8x128xf32>
    %sub3A_1077 = vector.broadcast %get3A_1075 : vector<1x128xf32> to vector<8x128xf32>
    %sub3A_1078 = arith.subf %sub3A_1076, %sub3A_1077 : vector<8x128xf32>
    %get3A_1079 = arith.constant 37 : index
    %get3A_1080 = arith.constant 0 : index
    %get3A_1081 = vector.load %arg2[%get3A_1079, %get3A_1080] : memref<64x128xf32, #tpu.memory_space<vmem>>, vector<1x128xf32>
    %sub3A_1082 = vector.broadcast %slice3A_2 : vector<8x1xf32> to vector<8x128xf32>
    %sub3A_1083 = vector.broadcast %get3A_1081 : vector<1x128xf32> to vector<8x128xf32>
    %sub3A_1084 = arith.subf %sub3A_1082, %sub3A_1083 : vector<8x128xf32>
    %get3A_1085 = arith.constant 37 : index
    %get3A_1086 = arith.constant 0 : index
    %get3A_1087 = vector.load %arg3[%get3A_1085, %get3A_1086] : memref<64x128xf32, #tpu.memory_space<vmem>>, vector<1x128xf32>
    %sub3A_1088 = vector.broadcast %slice3A_3 : vector<8x1xf32> to vector<8x128xf32>
    %sub3A_1089 = vector.broadcast %get3A_1087 : vector<1x128xf32> to vector<8x128xf32>
    %sub3A_1090 = arith.subf %sub3A_1088, %sub3A_1089 : vector<8x128xf32>
    %mul3A_1091 = arith.mulf %sub3A_1078, %sub3A_1078 : vector<8x128xf32>
    %mul3A_1092 = arith.mulf %sub3A_1084, %sub3A_1084 : vector<8x128xf32>
    %add3A_1093 = arith.addf %mul3A_1091, %mul3A_1092 : vector<8x128xf32>
    %mul3A_1094 = arith.mulf %sub3A_1090, %sub3A_1090 : vector<8x128xf32>
    %add3A_1095 = arith.addf %add3A_1093, %mul3A_1094 : vector<8x128xf32>
    %swap3A_1096 = arith.constant 37 : index
    %swap3A_1097 = arith.constant 0 : index
    %swap3A_1098 = arith.constant 0 : index
    %swap3A_1099 = vector.load %arg8[%swap3A_1096, %swap3A_1097, %swap3A_1098] : memref<64x8x128xf32, #tpu.memory_space<vmem>>, vector<1x8x128xf32>
    %swap3A_1100 = vector.shape_cast %swap3A_1099 : vector<1x8x128xf32> to vector<8x128xf32>
    %swap3A_1101 = vector.shape_cast %add3A_1095 : vector<8x128xf32> to vector<1x8x128xf32>
    tpu.vector_store %arg8[%swap3A_1096, %swap3A_1097, %swap3A_1098], %swap3A_1101 {strides = array<i32>} : memref<64x8x128xf32, #tpu.memory_space<vmem>>, vector<1x8x128xf32>,
    %get3A_1102 = arith.constant 38 : index
    %get3A_1103 = arith.constant 0 : index
    %get3A_1104 = vector.load %arg1[%get3A_1102, %get3A_1103] : memref<64x128xf32, #tpu.memory_space<vmem>>, vector<1x128xf32>
    %sub3A_1105 = vector.broadcast %slice3A : vector<8x1xf32> to vector<8x128xf32>
    %sub3A_1106 = vector.broadcast %get3A_1104 : vector<1x128xf32> to vector<8x128xf32>
    %sub3A_1107 = arith.subf %sub3A_1105, %sub3A_1106 : vector<8x128xf32>
    %get3A_1108 = arith.constant 38 : index
    %get3A_1109 = arith.constant 0 : index
    %get3A_1110 = vector.load %arg2[%get3A_1108, %get3A_1109] : memref<64x128xf32, #tpu.memory_space<vmem>>, vector<1x128xf32>
    %sub3A_1111 = vector.broadcast %slice3A_2 : vector<8x1xf32> to vector<8x128xf32>
    %sub3A_1112 = vector.broadcast %get3A_1110 : vector<1x128xf32> to vector<8x128xf32>
    %sub3A_1113 = arith.subf %sub3A_1111, %sub3A_1112 : vector<8x128xf32>
    %get3A_1114 = arith.constant 38 : index
    %get3A_1115 = arith.constant 0 : index
    %get3A_1116 = vector.load %arg3[%get3A_1114, %get3A_1115] : memref<64x128xf32, #tpu.memory_space<vmem>>, vector<1x128xf32>
    %sub3A_1117 = vector.broadcast %slice3A_3 : vector<8x1xf32> to vector<8x128xf32>
    %sub3A_1118 = vector.broadcast %get3A_1116 : vector<1x128xf32> to vector<8x128xf32>
    %sub3A_1119 = arith.subf %sub3A_1117, %sub3A_1118 : vector<8x128xf32>
    %mul3A_1120 = arith.mulf %sub3A_1107, %sub3A_1107 : vector<8x128xf32>
    %mul3A_1121 = arith.mulf %sub3A_1113, %sub3A_1113 : vector<8x128xf32>
    %add3A_1122 = arith.addf %mul3A_1120, %mul3A_1121 : vector<8x128xf32>
    %mul3A_1123 = arith.mulf %sub3A_1119, %sub3A_1119 : vector<8x128xf32>
    %add3A_1124 = arith.addf %add3A_1122, %mul3A_1123 : vector<8x128xf32>
    %swap3A_1125 = arith.constant 38 : index
    %swap3A_1126 = arith.constant 0 : index
    %swap3A_1127 = arith.constant 0 : index
    %swap3A_1128 = vector.load %arg8[%swap3A_1125, %swap3A_1126, %swap3A_1127] : memref<64x8x128xf32, #tpu.memory_space<vmem>>, vector<1x8x128xf32>
    %swap3A_1129 = vector.shape_cast %swap3A_1128 : vector<1x8x128xf32> to vector<8x128xf32>
    %swap3A_1130 = vector.shape_cast %add3A_1124 : vector<8x128xf32> to vector<1x8x128xf32>
    tpu.vector_store %arg8[%swap3A_1125, %swap3A_1126, %swap3A_1127], %swap3A_1130 {strides = array<i32>} : memref<64x8x128xf32, #tpu.memory_space<vmem>>, vector<1x8x128xf32>,
    %get3A_1131 = arith.constant 39 : index
    %get3A_1132 = arith.constant 0 : index
    %get3A_1133 = vector.load %arg1[%get3A_1131, %get3A_1132] : memref<64x128xf32, #tpu.memory_space<vmem>>, vector<1x128xf32>
    %sub3A_1134 = vector.broadcast %slice3A : vector<8x1xf32> to vector<8x128xf32>
    %sub3A_1135 = vector.broadcast %get3A_1133 : vector<1x128xf32> to vector<8x128xf32>
    %sub3A_1136 = arith.subf %sub3A_1134, %sub3A_1135 : vector<8x128xf32>
    %get3A_1137 = arith.constant 39 : index
    %get3A_1138 = arith.constant 0 : index
    %get3A_1139 = vector.load %arg2[%get3A_1137, %get3A_1138] : memref<64x128xf32, #tpu.memory_space<vmem>>, vector<1x128xf32>
    %sub3A_1140 = vector.broadcast %slice3A_2 : vector<8x1xf32> to vector<8x128xf32>
    %sub3A_1141 = vector.broadcast %get3A_1139 : vector<1x128xf32> to vector<8x128xf32>
    %sub3A_1142 = arith.subf %sub3A_1140, %sub3A_1141 : vector<8x128xf32>
    %get3A_1143 = arith.constant 39 : index
    %get3A_1144 = arith.constant 0 : index
    %get3A_1145 = vector.load %arg3[%get3A_1143, %get3A_1144] : memref<64x128xf32, #tpu.memory_space<vmem>>, vector<1x128xf32>
    %sub3A_1146 = vector.broadcast %slice3A_3 : vector<8x1xf32> to vector<8x128xf32>
    %sub3A_1147 = vector.broadcast %get3A_1145 : vector<1x128xf32> to vector<8x128xf32>
    %sub3A_1148 = arith.subf %sub3A_1146, %sub3A_1147 : vector<8x128xf32>
    %mul3A_1149 = arith.mulf %sub3A_1136, %sub3A_1136 : vector<8x128xf32>
    %mul3A_1150 = arith.mulf %sub3A_1142, %sub3A_1142 : vector<8x128xf32>
    %add3A_1151 = arith.addf %mul3A_1149, %mul3A_1150 : vector<8x128xf32>
    %mul3A_1152 = arith.mulf %sub3A_1148, %sub3A_1148 : vector<8x128xf32>
    %add3A_1153 = arith.addf %add3A_1151, %mul3A_1152 : vector<8x128xf32>
    %swap3A_1154 = arith.constant 39 : index
    %swap3A_1155 = arith.constant 0 : index
    %swap3A_1156 = arith.constant 0 : index
    %swap3A_1157 = vector.load %arg8[%swap3A_1154, %swap3A_1155, %swap3A_1156] : memref<64x8x128xf32, #tpu.memory_space<vmem>>, vector<1x8x128xf32>
    %swap3A_1158 = vector.shape_cast %swap3A_1157 : vector<1x8x128xf32> to vector<8x128xf32>
    %swap3A_1159 = vector.shape_cast %add3A_1153 : vector<8x128xf32> to vector<1x8x128xf32>
    tpu.vector_store %arg8[%swap3A_1154, %swap3A_1155, %swap3A_1156], %swap3A_1159 {strides = array<i32>} : memref<64x8x128xf32, #tpu.memory_space<vmem>>, vector<1x8x128xf32>,
    %get3A_1160 = arith.constant 40 : index
    %get3A_1161 = arith.constant 0 : index
    %get3A_1162 = vector.load %arg1[%get3A_1160, %get3A_1161] : memref<64x128xf32, #tpu.memory_space<vmem>>, vector<1x128xf32>
    %sub3A_1163 = vector.broadcast %slice3A : vector<8x1xf32> to vector<8x128xf32>
    %sub3A_1164 = vector.broadcast %get3A_1162 : vector<1x128xf32> to vector<8x128xf32>
    %sub3A_1165 = arith.subf %sub3A_1163, %sub3A_1164 : vector<8x128xf32>
    %get3A_1166 = arith.constant 40 : index
    %get3A_1167 = arith.constant 0 : index
    %get3A_1168 = vector.load %arg2[%get3A_1166, %get3A_1167] : memref<64x128xf32, #tpu.memory_space<vmem>>, vector<1x128xf32>
    %sub3A_1169 = vector.broadcast %slice3A_2 : vector<8x1xf32> to vector<8x128xf32>
    %sub3A_1170 = vector.broadcast %get3A_1168 : vector<1x128xf32> to vector<8x128xf32>
    %sub3A_1171 = arith.subf %sub3A_1169, %sub3A_1170 : vector<8x128xf32>
    %get3A_1172 = arith.constant 40 : index
    %get3A_1173 = arith.constant 0 : index
    %get3A_1174 = vector.load %arg3[%get3A_1172, %get3A_1173] : memref<64x128xf32, #tpu.memory_space<vmem>>, vector<1x128xf32>
    %sub3A_1175 = vector.broadcast %slice3A_3 : vector<8x1xf32> to vector<8x128xf32>
    %sub3A_1176 = vector.broadcast %get3A_1174 : vector<1x128xf32> to vector<8x128xf32>
    %sub3A_1177 = arith.subf %sub3A_1175, %sub3A_1176 : vector<8x128xf32>
    %mul3A_1178 = arith.mulf %sub3A_1165, %sub3A_1165 : vector<8x128xf32>
    %mul3A_1179 = arith.mulf %sub3A_1171, %sub3A_1171 : vector<8x128xf32>
    %add3A_1180 = arith.addf %mul3A_1178, %mul3A_1179 : vector<8x128xf32>
    %mul3A_1181 = arith.mulf %sub3A_1177, %sub3A_1177 : vector<8x128xf32>
    %add3A_1182 = arith.addf %add3A_1180, %mul3A_1181 : vector<8x128xf32>
    %swap3A_1183 = arith.constant 40 : index
    %swap3A_1184 = arith.constant 0 : index
    %swap3A_1185 = arith.constant 0 : index
    %swap3A_1186 = vector.load %arg8[%swap3A_1183, %swap3A_1184, %swap3A_1185] : memref<64x8x128xf32, #tpu.memory_space<vmem>>, vector<1x8x128xf32>
    %swap3A_1187 = vector.shape_cast %swap3A_1186 : vector<1x8x128xf32> to vector<8x128xf32>
    %swap3A_1188 = vector.shape_cast %add3A_1182 : vector<8x128xf32> to vector<1x8x128xf32>
    tpu.vector_store %arg8[%swap3A_1183, %swap3A_1184, %swap3A_1185], %swap3A_1188 {strides = array<i32>} : memref<64x8x128xf32, #tpu.memory_space<vmem>>, vector<1x8x128xf32>,
    %get3A_1189 = arith.constant 41 : index
    %get3A_1190 = arith.constant 0 : index
    %get3A_1191 = vector.load %arg1[%get3A_1189, %get3A_1190] : memref<64x128xf32, #tpu.memory_space<vmem>>, vector<1x128xf32>
    %sub3A_1192 = vector.broadcast %slice3A : vector<8x1xf32> to vector<8x128xf32>
    %sub3A_1193 = vector.broadcast %get3A_1191 : vector<1x128xf32> to vector<8x128xf32>
    %sub3A_1194 = arith.subf %sub3A_1192, %sub3A_1193 : vector<8x128xf32>
    %get3A_1195 = arith.constant 41 : index
    %get3A_1196 = arith.constant 0 : index
    %get3A_1197 = vector.load %arg2[%get3A_1195, %get3A_1196] : memref<64x128xf32, #tpu.memory_space<vmem>>, vector<1x128xf32>
    %sub3A_1198 = vector.broadcast %slice3A_2 : vector<8x1xf32> to vector<8x128xf32>
    %sub3A_1199 = vector.broadcast %get3A_1197 : vector<1x128xf32> to vector<8x128xf32>
    %sub3A_1200 = arith.subf %sub3A_1198, %sub3A_1199 : vector<8x128xf32>
    %get3A_1201 = arith.constant 41 : index
    %get3A_1202 = arith.constant 0 : index
    %get3A_1203 = vector.load %arg3[%get3A_1201, %get3A_1202] : memref<64x128xf32, #tpu.memory_space<vmem>>, vector<1x128xf32>
    %sub3A_1204 = vector.broadcast %slice3A_3 : vector<8x1xf32> to vector<8x128xf32>
    %sub3A_1205 = vector.broadcast %get3A_1203 : vector<1x128xf32> to vector<8x128xf32>
    %sub3A_1206 = arith.subf %sub3A_1204, %sub3A_1205 : vector<8x128xf32>
    %mul3A_1207 = arith.mulf %sub3A_1194, %sub3A_1194 : vector<8x128xf32>
    %mul3A_1208 = arith.mulf %sub3A_1200, %sub3A_1200 : vector<8x128xf32>
    %add3A_1209 = arith.addf %mul3A_1207, %mul3A_1208 : vector<8x128xf32>
    %mul3A_1210 = arith.mulf %sub3A_1206, %sub3A_1206 : vector<8x128xf32>
    %add3A_1211 = arith.addf %add3A_1209, %mul3A_1210 : vector<8x128xf32>
    %swap3A_1212 = arith.constant 41 : index
    %swap3A_1213 = arith.constant 0 : index
    %swap3A_1214 = arith.constant 0 : index
    %swap3A_1215 = vector.load %arg8[%swap3A_1212, %swap3A_1213, %swap3A_1214] : memref<64x8x128xf32, #tpu.memory_space<vmem>>, vector<1x8x128xf32>
    %swap3A_1216 = vector.shape_cast %swap3A_1215 : vector<1x8x128xf32> to vector<8x128xf32>
    %swap3A_1217 = vector.shape_cast %add3A_1211 : vector<8x128xf32> to vector<1x8x128xf32>
    tpu.vector_store %arg8[%swap3A_1212, %swap3A_1213, %swap3A_1214], %swap3A_1217 {strides = array<i32>} : memref<64x8x128xf32, #tpu.memory_space<vmem>>, vector<1x8x128xf32>,
    %get3A_1218 = arith.constant 42 : index
    %get3A_1219 = arith.constant 0 : index
    %get3A_1220 = vector.load %arg1[%get3A_1218, %get3A_1219] : memref<64x128xf32, #tpu.memory_space<vmem>>, vector<1x128xf32>
    %sub3A_1221 = vector.broadcast %slice3A : vector<8x1xf32> to vector<8x128xf32>
    %sub3A_1222 = vector.broadcast %get3A_1220 : vector<1x128xf32> to vector<8x128xf32>
    %sub3A_1223 = arith.subf %sub3A_1221, %sub3A_1222 : vector<8x128xf32>
    %get3A_1224 = arith.constant 42 : index
    %get3A_1225 = arith.constant 0 : index
    %get3A_1226 = vector.load %arg2[%get3A_1224, %get3A_1225] : memref<64x128xf32, #tpu.memory_space<vmem>>, vector<1x128xf32>
    %sub3A_1227 = vector.broadcast %slice3A_2 : vector<8x1xf32> to vector<8x128xf32>
    %sub3A_1228 = vector.broadcast %get3A_1226 : vector<1x128xf32> to vector<8x128xf32>
    %sub3A_1229 = arith.subf %sub3A_1227, %sub3A_1228 : vector<8x128xf32>
    %get3A_1230 = arith.constant 42 : index
    %get3A_1231 = arith.constant 0 : index
    %get3A_1232 = vector.load %arg3[%get3A_1230, %get3A_1231] : memref<64x128xf32, #tpu.memory_space<vmem>>, vector<1x128xf32>
    %sub3A_1233 = vector.broadcast %slice3A_3 : vector<8x1xf32> to vector<8x128xf32>
    %sub3A_1234 = vector.broadcast %get3A_1232 : vector<1x128xf32> to vector<8x128xf32>
    %sub3A_1235 = arith.subf %sub3A_1233, %sub3A_1234 : vector<8x128xf32>
    %mul3A_1236 = arith.mulf %sub3A_1223, %sub3A_1223 : vector<8x128xf32>
    %mul3A_1237 = arith.mulf %sub3A_1229, %sub3A_1229 : vector<8x128xf32>
    %add3A_1238 = arith.addf %mul3A_1236, %mul3A_1237 : vector<8x128xf32>
    %mul3A_1239 = arith.mulf %sub3A_1235, %sub3A_1235 : vector<8x128xf32>
    %add3A_1240 = arith.addf %add3A_1238, %mul3A_1239 : vector<8x128xf32>
    %swap3A_1241 = arith.constant 42 : index
    %swap3A_1242 = arith.constant 0 : index
    %swap3A_1243 = arith.constant 0 : index
    %swap3A_1244 = vector.load %arg8[%swap3A_1241, %swap3A_1242, %swap3A_1243] : memref<64x8x128xf32, #tpu.memory_space<vmem>>, vector<1x8x128xf32>
    %swap3A_1245 = vector.shape_cast %swap3A_1244 : vector<1x8x128xf32> to vector<8x128xf32>
    %swap3A_1246 = vector.shape_cast %add3A_1240 : vector<8x128xf32> to vector<1x8x128xf32>
    tpu.vector_store %arg8[%swap3A_1241, %swap3A_1242, %swap3A_1243], %swap3A_1246 {strides = array<i32>} : memref<64x8x128xf32, #tpu.memory_space<vmem>>, vector<1x8x128xf32>,
    %get3A_1247 = arith.constant 43 : index
    %get3A_1248 = arith.constant 0 : index
    %get3A_1249 = vector.load %arg1[%get3A_1247, %get3A_1248] : memref<64x128xf32, #tpu.memory_space<vmem>>, vector<1x128xf32>
    %sub3A_1250 = vector.broadcast %slice3A : vector<8x1xf32> to vector<8x128xf32>
    %sub3A_1251 = vector.broadcast %get3A_1249 : vector<1x128xf32> to vector<8x128xf32>
    %sub3A_1252 = arith.subf %sub3A_1250, %sub3A_1251 : vector<8x128xf32>
    %get3A_1253 = arith.constant 43 : index
    %get3A_1254 = arith.constant 0 : index
    %get3A_1255 = vector.load %arg2[%get3A_1253, %get3A_1254] : memref<64x128xf32, #tpu.memory_space<vmem>>, vector<1x128xf32>
    %sub3A_1256 = vector.broadcast %slice3A_2 : vector<8x1xf32> to vector<8x128xf32>
    %sub3A_1257 = vector.broadcast %get3A_1255 : vector<1x128xf32> to vector<8x128xf32>
    %sub3A_1258 = arith.subf %sub3A_1256, %sub3A_1257 : vector<8x128xf32>
    %get3A_1259 = arith.constant 43 : index
    %get3A_1260 = arith.constant 0 : index
    %get3A_1261 = vector.load %arg3[%get3A_1259, %get3A_1260] : memref<64x128xf32, #tpu.memory_space<vmem>>, vector<1x128xf32>
    %sub3A_1262 = vector.broadcast %slice3A_3 : vector<8x1xf32> to vector<8x128xf32>
    %sub3A_1263 = vector.broadcast %get3A_1261 : vector<1x128xf32> to vector<8x128xf32>
    %sub3A_1264 = arith.subf %sub3A_1262, %sub3A_1263 : vector<8x128xf32>
    %mul3A_1265 = arith.mulf %sub3A_1252, %sub3A_1252 : vector<8x128xf32>
    %mul3A_1266 = arith.mulf %sub3A_1258, %sub3A_1258 : vector<8x128xf32>
    %add3A_1267 = arith.addf %mul3A_1265, %mul3A_1266 : vector<8x128xf32>
    %mul3A_1268 = arith.mulf %sub3A_1264, %sub3A_1264 : vector<8x128xf32>
    %add3A_1269 = arith.addf %add3A_1267, %mul3A_1268 : vector<8x128xf32>
    %swap3A_1270 = arith.constant 43 : index
    %swap3A_1271 = arith.constant 0 : index
    %swap3A_1272 = arith.constant 0 : index
    %swap3A_1273 = vector.load %arg8[%swap3A_1270, %swap3A_1271, %swap3A_1272] : memref<64x8x128xf32, #tpu.memory_space<vmem>>, vector<1x8x128xf32>
    %swap3A_1274 = vector.shape_cast %swap3A_1273 : vector<1x8x128xf32> to vector<8x128xf32>
    %swap3A_1275 = vector.shape_cast %add3A_1269 : vector<8x128xf32> to vector<1x8x128xf32>
    tpu.vector_store %arg8[%swap3A_1270, %swap3A_1271, %swap3A_1272], %swap3A_1275 {strides = array<i32>} : memref<64x8x128xf32, #tpu.memory_space<vmem>>, vector<1x8x128xf32>,
    %get3A_1276 = arith.constant 44 : index
    %get3A_1277 = arith.constant 0 : index
    %get3A_1278 = vector.load %arg1[%get3A_1276, %get3A_1277] : memref<64x128xf32, #tpu.memory_space<vmem>>, vector<1x128xf32>
    %sub3A_1279 = vector.broadcast %slice3A : vector<8x1xf32> to vector<8x128xf32>
    %sub3A_1280 = vector.broadcast %get3A_1278 : vector<1x128xf32> to vector<8x128xf32>
    %sub3A_1281 = arith.subf %sub3A_1279, %sub3A_1280 : vector<8x128xf32>
    %get3A_1282 = arith.constant 44 : index
    %get3A_1283 = arith.constant 0 : index
    %get3A_1284 = vector.load %arg2[%get3A_1282, %get3A_1283] : memref<64x128xf32, #tpu.memory_space<vmem>>, vector<1x128xf32>
    %sub3A_1285 = vector.broadcast %slice3A_2 : vector<8x1xf32> to vector<8x128xf32>
    %sub3A_1286 = vector.broadcast %get3A_1284 : vector<1x128xf32> to vector<8x128xf32>
    %sub3A_1287 = arith.subf %sub3A_1285, %sub3A_1286 : vector<8x128xf32>
    %get3A_1288 = arith.constant 44 : index
    %get3A_1289 = arith.constant 0 : index
    %get3A_1290 = vector.load %arg3[%get3A_1288, %get3A_1289] : memref<64x128xf32, #tpu.memory_space<vmem>>, vector<1x128xf32>
    %sub3A_1291 = vector.broadcast %slice3A_3 : vector<8x1xf32> to vector<8x128xf32>
    %sub3A_1292 = vector.broadcast %get3A_1290 : vector<1x128xf32> to vector<8x128xf32>
    %sub3A_1293 = arith.subf %sub3A_1291, %sub3A_1292 : vector<8x128xf32>
    %mul3A_1294 = arith.mulf %sub3A_1281, %sub3A_1281 : vector<8x128xf32>
    %mul3A_1295 = arith.mulf %sub3A_1287, %sub3A_1287 : vector<8x128xf32>
    %add3A_1296 = arith.addf %mul3A_1294, %mul3A_1295 : vector<8x128xf32>
    %mul3A_1297 = arith.mulf %sub3A_1293, %sub3A_1293 : vector<8x128xf32>
    %add3A_1298 = arith.addf %add3A_1296, %mul3A_1297 : vector<8x128xf32>
    %swap3A_1299 = arith.constant 44 : index
    %swap3A_1300 = arith.constant 0 : index
    %swap3A_1301 = arith.constant 0 : index
    %swap3A_1302 = vector.load %arg8[%swap3A_1299, %swap3A_1300, %swap3A_1301] : memref<64x8x128xf32, #tpu.memory_space<vmem>>, vector<1x8x128xf32>
    %swap3A_1303 = vector.shape_cast %swap3A_1302 : vector<1x8x128xf32> to vector<8x128xf32>
    %swap3A_1304 = vector.shape_cast %add3A_1298 : vector<8x128xf32> to vector<1x8x128xf32>
    tpu.vector_store %arg8[%swap3A_1299, %swap3A_1300, %swap3A_1301], %swap3A_1304 {strides = array<i32>} : memref<64x8x128xf32, #tpu.memory_space<vmem>>, vector<1x8x128xf32>,
    %get3A_1305 = arith.constant 45 : index
    %get3A_1306 = arith.constant 0 : index
    %get3A_1307 = vector.load %arg1[%get3A_1305, %get3A_1306] : memref<64x128xf32, #tpu.memory_space<vmem>>, vector<1x128xf32>
    %sub3A_1308 = vector.broadcast %slice3A : vector<8x1xf32> to vector<8x128xf32>
    %sub3A_1309 = vector.broadcast %get3A_1307 : vector<1x128xf32> to vector<8x128xf32>
    %sub3A_1310 = arith.subf %sub3A_1308, %sub3A_1309 : vector<8x128xf32>
    %get3A_1311 = arith.constant 45 : index
    %get3A_1312 = arith.constant 0 : index
    %get3A_1313 = vector.load %arg2[%get3A_1311, %get3A_1312] : memref<64x128xf32, #tpu.memory_space<vmem>>, vector<1x128xf32>
    %sub3A_1314 = vector.broadcast %slice3A_2 : vector<8x1xf32> to vector<8x128xf32>
    %sub3A_1315 = vector.broadcast %get3A_1313 : vector<1x128xf32> to vector<8x128xf32>
    %sub3A_1316 = arith.subf %sub3A_1314, %sub3A_1315 : vector<8x128xf32>
    %get3A_1317 = arith.constant 45 : index
    %get3A_1318 = arith.constant 0 : index
    %get3A_1319 = vector.load %arg3[%get3A_1317, %get3A_1318] : memref<64x128xf32, #tpu.memory_space<vmem>>, vector<1x128xf32>
    %sub3A_1320 = vector.broadcast %slice3A_3 : vector<8x1xf32> to vector<8x128xf32>
    %sub3A_1321 = vector.broadcast %get3A_1319 : vector<1x128xf32> to vector<8x128xf32>
    %sub3A_1322 = arith.subf %sub3A_1320, %sub3A_1321 : vector<8x128xf32>
    %mul3A_1323 = arith.mulf %sub3A_1310, %sub3A_1310 : vector<8x128xf32>
    %mul3A_1324 = arith.mulf %sub3A_1316, %sub3A_1316 : vector<8x128xf32>
    %add3A_1325 = arith.addf %mul3A_1323, %mul3A_1324 : vector<8x128xf32>
    %mul3A_1326 = arith.mulf %sub3A_1322, %sub3A_1322 : vector<8x128xf32>
    %add3A_1327 = arith.addf %add3A_1325, %mul3A_1326 : vector<8x128xf32>
    %swap3A_1328 = arith.constant 45 : index
    %swap3A_1329 = arith.constant 0 : index
    %swap3A_1330 = arith.constant 0 : index
    %swap3A_1331 = vector.load %arg8[%swap3A_1328, %swap3A_1329, %swap3A_1330] : memref<64x8x128xf32, #tpu.memory_space<vmem>>, vector<1x8x128xf32>
    %swap3A_1332 = vector.shape_cast %swap3A_1331 : vector<1x8x128xf32> to vector<8x128xf32>
    %swap3A_1333 = vector.shape_cast %add3A_1327 : vector<8x128xf32> to vector<1x8x128xf32>
    tpu.vector_store %arg8[%swap3A_1328, %swap3A_1329, %swap3A_1330], %swap3A_1333 {strides = array<i32>} : memref<64x8x128xf32, #tpu.memory_space<vmem>>, vector<1x8x128xf32>,
    %get3A_1334 = arith.constant 46 : index
    %get3A_1335 = arith.constant 0 : index
    %get3A_1336 = vector.load %arg1[%get3A_1334, %get3A_1335] : memref<64x128xf32, #tpu.memory_space<vmem>>, vector<1x128xf32>
    %sub3A_1337 = vector.broadcast %slice3A : vector<8x1xf32> to vector<8x128xf32>
    %sub3A_1338 = vector.broadcast %get3A_1336 : vector<1x128xf32> to vector<8x128xf32>
    %sub3A_1339 = arith.subf %sub3A_1337, %sub3A_1338 : vector<8x128xf32>
    %get3A_1340 = arith.constant 46 : index
    %get3A_1341 = arith.constant 0 : index
    %get3A_1342 = vector.load %arg2[%get3A_1340, %get3A_1341] : memref<64x128xf32, #tpu.memory_space<vmem>>, vector<1x128xf32>
    %sub3A_1343 = vector.broadcast %slice3A_2 : vector<8x1xf32> to vector<8x128xf32>
    %sub3A_1344 = vector.broadcast %get3A_1342 : vector<1x128xf32> to vector<8x128xf32>
    %sub3A_1345 = arith.subf %sub3A_1343, %sub3A_1344 : vector<8x128xf32>
    %get3A_1346 = arith.constant 46 : index
    %get3A_1347 = arith.constant 0 : index
    %get3A_1348 = vector.load %arg3[%get3A_1346, %get3A_1347] : memref<64x128xf32, #tpu.memory_space<vmem>>, vector<1x128xf32>
    %sub3A_1349 = vector.broadcast %slice3A_3 : vector<8x1xf32> to vector<8x128xf32>
    %sub3A_1350 = vector.broadcast %get3A_1348 : vector<1x128xf32> to vector<8x128xf32>
    %sub3A_1351 = arith.subf %sub3A_1349, %sub3A_1350 : vector<8x128xf32>
    %mul3A_1352 = arith.mulf %sub3A_1339, %sub3A_1339 : vector<8x128xf32>
    %mul3A_1353 = arith.mulf %sub3A_1345, %sub3A_1345 : vector<8x128xf32>
    %add3A_1354 = arith.addf %mul3A_1352, %mul3A_1353 : vector<8x128xf32>
    %mul3A_1355 = arith.mulf %sub3A_1351, %sub3A_1351 : vector<8x128xf32>
    %add3A_1356 = arith.addf %add3A_1354, %mul3A_1355 : vector<8x128xf32>
    %swap3A_1357 = arith.constant 46 : index
    %swap3A_1358 = arith.constant 0 : index
    %swap3A_1359 = arith.constant 0 : index
    %swap3A_1360 = vector.load %arg8[%swap3A_1357, %swap3A_1358, %swap3A_1359] : memref<64x8x128xf32, #tpu.memory_space<vmem>>, vector<1x8x128xf32>
    %swap3A_1361 = vector.shape_cast %swap3A_1360 : vector<1x8x128xf32> to vector<8x128xf32>
    %swap3A_1362 = vector.shape_cast %add3A_1356 : vector<8x128xf32> to vector<1x8x128xf32>
    tpu.vector_store %arg8[%swap3A_1357, %swap3A_1358, %swap3A_1359], %swap3A_1362 {strides = array<i32>} : memref<64x8x128xf32, #tpu.memory_space<vmem>>, vector<1x8x128xf32>,
    %get3A_1363 = arith.constant 47 : index
    %get3A_1364 = arith.constant 0 : index
    %get3A_1365 = vector.load %arg1[%get3A_1363, %get3A_1364] : memref<64x128xf32, #tpu.memory_space<vmem>>, vector<1x128xf32>
    %sub3A_1366 = vector.broadcast %slice3A : vector<8x1xf32> to vector<8x128xf32>
    %sub3A_1367 = vector.broadcast %get3A_1365 : vector<1x128xf32> to vector<8x128xf32>
    %sub3A_1368 = arith.subf %sub3A_1366, %sub3A_1367 : vector<8x128xf32>
    %get3A_1369 = arith.constant 47 : index
    %get3A_1370 = arith.constant 0 : index
    %get3A_1371 = vector.load %arg2[%get3A_1369, %get3A_1370] : memref<64x128xf32, #tpu.memory_space<vmem>>, vector<1x128xf32>
    %sub3A_1372 = vector.broadcast %slice3A_2 : vector<8x1xf32> to vector<8x128xf32>
    %sub3A_1373 = vector.broadcast %get3A_1371 : vector<1x128xf32> to vector<8x128xf32>
    %sub3A_1374 = arith.subf %sub3A_1372, %sub3A_1373 : vector<8x128xf32>
    %get3A_1375 = arith.constant 47 : index
    %get3A_1376 = arith.constant 0 : index
    %get3A_1377 = vector.load %arg3[%get3A_1375, %get3A_1376] : memref<64x128xf32, #tpu.memory_space<vmem>>, vector<1x128xf32>
    %sub3A_1378 = vector.broadcast %slice3A_3 : vector<8x1xf32> to vector<8x128xf32>
    %sub3A_1379 = vector.broadcast %get3A_1377 : vector<1x128xf32> to vector<8x128xf32>
    %sub3A_1380 = arith.subf %sub3A_1378, %sub3A_1379 : vector<8x128xf32>
    %mul3A_1381 = arith.mulf %sub3A_1368, %sub3A_1368 : vector<8x128xf32>
    %mul3A_1382 = arith.mulf %sub3A_1374, %sub3A_1374 : vector<8x128xf32>
    %add3A_1383 = arith.addf %mul3A_1381, %mul3A_1382 : vector<8x128xf32>
    %mul3A_1384 = arith.mulf %sub3A_1380, %sub3A_1380 : vector<8x128xf32>
    %add3A_1385 = arith.addf %add3A_1383, %mul3A_1384 : vector<8x128xf32>
    %swap3A_1386 = arith.constant 47 : index
    %swap3A_1387 = arith.constant 0 : index
    %swap3A_1388 = arith.constant 0 : index
    %swap3A_1389 = vector.load %arg8[%swap3A_1386, %swap3A_1387, %swap3A_1388] : memref<64x8x128xf32, #tpu.memory_space<vmem>>, vector<1x8x128xf32>
    %swap3A_1390 = vector.shape_cast %swap3A_1389 : vector<1x8x128xf32> to vector<8x128xf32>
    %swap3A_1391 = vector.shape_cast %add3A_1385 : vector<8x128xf32> to vector<1x8x128xf32>
    tpu.vector_store %arg8[%swap3A_1386, %swap3A_1387, %swap3A_1388], %swap3A_1391 {strides = array<i32>} : memref<64x8x128xf32, #tpu.memory_space<vmem>>, vector<1x8x128xf32>,
    %get3A_1392 = arith.constant 48 : index
    %get3A_1393 = arith.constant 0 : index
    %get3A_1394 = vector.load %arg1[%get3A_1392, %get3A_1393] : memref<64x128xf32, #tpu.memory_space<vmem>>, vector<1x128xf32>
    %sub3A_1395 = vector.broadcast %slice3A : vector<8x1xf32> to vector<8x128xf32>
    %sub3A_1396 = vector.broadcast %get3A_1394 : vector<1x128xf32> to vector<8x128xf32>
    %sub3A_1397 = arith.subf %sub3A_1395, %sub3A_1396 : vector<8x128xf32>
    %get3A_1398 = arith.constant 48 : index
    %get3A_1399 = arith.constant 0 : index
    %get3A_1400 = vector.load %arg2[%get3A_1398, %get3A_1399] : memref<64x128xf32, #tpu.memory_space<vmem>>, vector<1x128xf32>
    %sub3A_1401 = vector.broadcast %slice3A_2 : vector<8x1xf32> to vector<8x128xf32>
    %sub3A_1402 = vector.broadcast %get3A_1400 : vector<1x128xf32> to vector<8x128xf32>
    %sub3A_1403 = arith.subf %sub3A_1401, %sub3A_1402 : vector<8x128xf32>
    %get3A_1404 = arith.constant 48 : index
    %get3A_1405 = arith.constant 0 : index
    %get3A_1406 = vector.load %arg3[%get3A_1404, %get3A_1405] : memref<64x128xf32, #tpu.memory_space<vmem>>, vector<1x128xf32>
    %sub3A_1407 = vector.broadcast %slice3A_3 : vector<8x1xf32> to vector<8x128xf32>
    %sub3A_1408 = vector.broadcast %get3A_1406 : vector<1x128xf32> to vector<8x128xf32>
    %sub3A_1409 = arith.subf %sub3A_1407, %sub3A_1408 : vector<8x128xf32>
    %mul3A_1410 = arith.mulf %sub3A_1397, %sub3A_1397 : vector<8x128xf32>
    %mul3A_1411 = arith.mulf %sub3A_1403, %sub3A_1403 : vector<8x128xf32>
    %add3A_1412 = arith.addf %mul3A_1410, %mul3A_1411 : vector<8x128xf32>
    %mul3A_1413 = arith.mulf %sub3A_1409, %sub3A_1409 : vector<8x128xf32>
    %add3A_1414 = arith.addf %add3A_1412, %mul3A_1413 : vector<8x128xf32>
    %swap3A_1415 = arith.constant 48 : index
    %swap3A_1416 = arith.constant 0 : index
    %swap3A_1417 = arith.constant 0 : index
    %swap3A_1418 = vector.load %arg8[%swap3A_1415, %swap3A_1416, %swap3A_1417] : memref<64x8x128xf32, #tpu.memory_space<vmem>>, vector<1x8x128xf32>
    %swap3A_1419 = vector.shape_cast %swap3A_1418 : vector<1x8x128xf32> to vector<8x128xf32>
    %swap3A_1420 = vector.shape_cast %add3A_1414 : vector<8x128xf32> to vector<1x8x128xf32>
    tpu.vector_store %arg8[%swap3A_1415, %swap3A_1416, %swap3A_1417], %swap3A_1420 {strides = array<i32>} : memref<64x8x128xf32, #tpu.memory_space<vmem>>, vector<1x8x128xf32>,
    %get3A_1421 = arith.constant 49 : index
    %get3A_1422 = arith.constant 0 : index
    %get3A_1423 = vector.load %arg1[%get3A_1421, %get3A_1422] : memref<64x128xf32, #tpu.memory_space<vmem>>, vector<1x128xf32>
    %sub3A_1424 = vector.broadcast %slice3A : vector<8x1xf32> to vector<8x128xf32>
    %sub3A_1425 = vector.broadcast %get3A_1423 : vector<1x128xf32> to vector<8x128xf32>
    %sub3A_1426 = arith.subf %sub3A_1424, %sub3A_1425 : vector<8x128xf32>
    %get3A_1427 = arith.constant 49 : index
    %get3A_1428 = arith.constant 0 : index
    %get3A_1429 = vector.load %arg2[%get3A_1427, %get3A_1428] : memref<64x128xf32, #tpu.memory_space<vmem>>, vector<1x128xf32>
    %sub3A_1430 = vector.broadcast %slice3A_2 : vector<8x1xf32> to vector<8x128xf32>
    %sub3A_1431 = vector.broadcast %get3A_1429 : vector<1x128xf32> to vector<8x128xf32>
    %sub3A_1432 = arith.subf %sub3A_1430, %sub3A_1431 : vector<8x128xf32>
    %get3A_1433 = arith.constant 49 : index
    %get3A_1434 = arith.constant 0 : index
    %get3A_1435 = vector.load %arg3[%get3A_1433, %get3A_1434] : memref<64x128xf32, #tpu.memory_space<vmem>>, vector<1x128xf32>
    %sub3A_1436 = vector.broadcast %slice3A_3 : vector<8x1xf32> to vector<8x128xf32>
    %sub3A_1437 = vector.broadcast %get3A_1435 : vector<1x128xf32> to vector<8x128xf32>
    %sub3A_1438 = arith.subf %sub3A_1436, %sub3A_1437 : vector<8x128xf32>
    %mul3A_1439 = arith.mulf %sub3A_1426, %sub3A_1426 : vector<8x128xf32>
    %mul3A_1440 = arith.mulf %sub3A_1432, %sub3A_1432 : vector<8x128xf32>
    %add3A_1441 = arith.addf %mul3A_1439, %mul3A_1440 : vector<8x128xf32>
    %mul3A_1442 = arith.mulf %sub3A_1438, %sub3A_1438 : vector<8x128xf32>
    %add3A_1443 = arith.addf %add3A_1441, %mul3A_1442 : vector<8x128xf32>
    %swap3A_1444 = arith.constant 49 : index
    %swap3A_1445 = arith.constant 0 : index
    %swap3A_1446 = arith.constant 0 : index
    %swap3A_1447 = vector.load %arg8[%swap3A_1444, %swap3A_1445, %swap3A_1446] : memref<64x8x128xf32, #tpu.memory_space<vmem>>, vector<1x8x128xf32>
    %swap3A_1448 = vector.shape_cast %swap3A_1447 : vector<1x8x128xf32> to vector<8x128xf32>
    %swap3A_1449 = vector.shape_cast %add3A_1443 : vector<8x128xf32> to vector<1x8x128xf32>
    tpu.vector_store %arg8[%swap3A_1444, %swap3A_1445, %swap3A_1446], %swap3A_1449 {strides = array<i32>} : memref<64x8x128xf32, #tpu.memory_space<vmem>>, vector<1x8x128xf32>,
    %get3A_1450 = arith.constant 50 : index
    %get3A_1451 = arith.constant 0 : index
    %get3A_1452 = vector.load %arg1[%get3A_1450, %get3A_1451] : memref<64x128xf32, #tpu.memory_space<vmem>>, vector<1x128xf32>
    %sub3A_1453 = vector.broadcast %slice3A : vector<8x1xf32> to vector<8x128xf32>
    %sub3A_1454 = vector.broadcast %get3A_1452 : vector<1x128xf32> to vector<8x128xf32>
    %sub3A_1455 = arith.subf %sub3A_1453, %sub3A_1454 : vector<8x128xf32>
    %get3A_1456 = arith.constant 50 : index
    %get3A_1457 = arith.constant 0 : index
    %get3A_1458 = vector.load %arg2[%get3A_1456, %get3A_1457] : memref<64x128xf32, #tpu.memory_space<vmem>>, vector<1x128xf32>
    %sub3A_1459 = vector.broadcast %slice3A_2 : vector<8x1xf32> to vector<8x128xf32>
    %sub3A_1460 = vector.broadcast %get3A_1458 : vector<1x128xf32> to vector<8x128xf32>
    %sub3A_1461 = arith.subf %sub3A_1459, %sub3A_1460 : vector<8x128xf32>
    %get3A_1462 = arith.constant 50 : index
    %get3A_1463 = arith.constant 0 : index
    %get3A_1464 = vector.load %arg3[%get3A_1462, %get3A_1463] : memref<64x128xf32, #tpu.memory_space<vmem>>, vector<1x128xf32>
    %sub3A_1465 = vector.broadcast %slice3A_3 : vector<8x1xf32> to vector<8x128xf32>
    %sub3A_1466 = vector.broadcast %get3A_1464 : vector<1x128xf32> to vector<8x128xf32>
    %sub3A_1467 = arith.subf %sub3A_1465, %sub3A_1466 : vector<8x128xf32>
    %mul3A_1468 = arith.mulf %sub3A_1455, %sub3A_1455 : vector<8x128xf32>
    %mul3A_1469 = arith.mulf %sub3A_1461, %sub3A_1461 : vector<8x128xf32>
    %add3A_1470 = arith.addf %mul3A_1468, %mul3A_1469 : vector<8x128xf32>
    %mul3A_1471 = arith.mulf %sub3A_1467, %sub3A_1467 : vector<8x128xf32>
    %add3A_1472 = arith.addf %add3A_1470, %mul3A_1471 : vector<8x128xf32>
    %swap3A_1473 = arith.constant 50 : index
    %swap3A_1474 = arith.constant 0 : index
    %swap3A_1475 = arith.constant 0 : index
    %swap3A_1476 = vector.load %arg8[%swap3A_1473, %swap3A_1474, %swap3A_1475] : memref<64x8x128xf32, #tpu.memory_space<vmem>>, vector<1x8x128xf32>
    %swap3A_1477 = vector.shape_cast %swap3A_1476 : vector<1x8x128xf32> to vector<8x128xf32>
    %swap3A_1478 = vector.shape_cast %add3A_1472 : vector<8x128xf32> to vector<1x8x128xf32>
    tpu.vector_store %arg8[%swap3A_1473, %swap3A_1474, %swap3A_1475], %swap3A_1478 {strides = array<i32>} : memref<64x8x128xf32, #tpu.memory_space<vmem>>, vector<1x8x128xf32>,
    %get3A_1479 = arith.constant 51 : index
    %get3A_1480 = arith.constant 0 : index
    %get3A_1481 = vector.load %arg1[%get3A_1479, %get3A_1480] : memref<64x128xf32, #tpu.memory_space<vmem>>, vector<1x128xf32>
    %sub3A_1482 = vector.broadcast %slice3A : vector<8x1xf32> to vector<8x128xf32>
    %sub3A_1483 = vector.broadcast %get3A_1481 : vector<1x128xf32> to vector<8x128xf32>
    %sub3A_1484 = arith.subf %sub3A_1482, %sub3A_1483 : vector<8x128xf32>
    %get3A_1485 = arith.constant 51 : index
    %get3A_1486 = arith.constant 0 : index
    %get3A_1487 = vector.load %arg2[%get3A_1485, %get3A_1486] : memref<64x128xf32, #tpu.memory_space<vmem>>, vector<1x128xf32>
    %sub3A_1488 = vector.broadcast %slice3A_2 : vector<8x1xf32> to vector<8x128xf32>
    %sub3A_1489 = vector.broadcast %get3A_1487 : vector<1x128xf32> to vector<8x128xf32>
    %sub3A_1490 = arith.subf %sub3A_1488, %sub3A_1489 : vector<8x128xf32>
    %get3A_1491 = arith.constant 51 : index
    %get3A_1492 = arith.constant 0 : index
    %get3A_1493 = vector.load %arg3[%get3A_1491, %get3A_1492] : memref<64x128xf32, #tpu.memory_space<vmem>>, vector<1x128xf32>
    %sub3A_1494 = vector.broadcast %slice3A_3 : vector<8x1xf32> to vector<8x128xf32>
    %sub3A_1495 = vector.broadcast %get3A_1493 : vector<1x128xf32> to vector<8x128xf32>
    %sub3A_1496 = arith.subf %sub3A_1494, %sub3A_1495 : vector<8x128xf32>
    %mul3A_1497 = arith.mulf %sub3A_1484, %sub3A_1484 : vector<8x128xf32>
    %mul3A_1498 = arith.mulf %sub3A_1490, %sub3A_1490 : vector<8x128xf32>
    %add3A_1499 = arith.addf %mul3A_1497, %mul3A_1498 : vector<8x128xf32>
    %mul3A_1500 = arith.mulf %sub3A_1496, %sub3A_1496 : vector<8x128xf32>
    %add3A_1501 = arith.addf %add3A_1499, %mul3A_1500 : vector<8x128xf32>
    %swap3A_1502 = arith.constant 51 : index
    %swap3A_1503 = arith.constant 0 : index
    %swap3A_1504 = arith.constant 0 : index
    %swap3A_1505 = vector.load %arg8[%swap3A_1502, %swap3A_1503, %swap3A_1504] : memref<64x8x128xf32, #tpu.memory_space<vmem>>, vector<1x8x128xf32>
    %swap3A_1506 = vector.shape_cast %swap3A_1505 : vector<1x8x128xf32> to vector<8x128xf32>
    %swap3A_1507 = vector.shape_cast %add3A_1501 : vector<8x128xf32> to vector<1x8x128xf32>
    tpu.vector_store %arg8[%swap3A_1502, %swap3A_1503, %swap3A_1504], %swap3A_1507 {strides = array<i32>} : memref<64x8x128xf32, #tpu.memory_space<vmem>>, vector<1x8x128xf32>,
    %get3A_1508 = arith.constant 52 : index
    %get3A_1509 = arith.constant 0 : index
    %get3A_1510 = vector.load %arg1[%get3A_1508, %get3A_1509] : memref<64x128xf32, #tpu.memory_space<vmem>>, vector<1x128xf32>
    %sub3A_1511 = vector.broadcast %slice3A : vector<8x1xf32> to vector<8x128xf32>
    %sub3A_1512 = vector.broadcast %get3A_1510 : vector<1x128xf32> to vector<8x128xf32>
    %sub3A_1513 = arith.subf %sub3A_1511, %sub3A_1512 : vector<8x128xf32>
    %get3A_1514 = arith.constant 52 : index
    %get3A_1515 = arith.constant 0 : index
    %get3A_1516 = vector.load %arg2[%get3A_1514, %get3A_1515] : memref<64x128xf32, #tpu.memory_space<vmem>>, vector<1x128xf32>
    %sub3A_1517 = vector.broadcast %slice3A_2 : vector<8x1xf32> to vector<8x128xf32>
    %sub3A_1518 = vector.broadcast %get3A_1516 : vector<1x128xf32> to vector<8x128xf32>
    %sub3A_1519 = arith.subf %sub3A_1517, %sub3A_1518 : vector<8x128xf32>
    %get3A_1520 = arith.constant 52 : index
    %get3A_1521 = arith.constant 0 : index
    %get3A_1522 = vector.load %arg3[%get3A_1520, %get3A_1521] : memref<64x128xf32, #tpu.memory_space<vmem>>, vector<1x128xf32>
    %sub3A_1523 = vector.broadcast %slice3A_3 : vector<8x1xf32> to vector<8x128xf32>
    %sub3A_1524 = vector.broadcast %get3A_1522 : vector<1x128xf32> to vector<8x128xf32>
    %sub3A_1525 = arith.subf %sub3A_1523, %sub3A_1524 : vector<8x128xf32>
    %mul3A_1526 = arith.mulf %sub3A_1513, %sub3A_1513 : vector<8x128xf32>
    %mul3A_1527 = arith.mulf %sub3A_1519, %sub3A_1519 : vector<8x128xf32>
    %add3A_1528 = arith.addf %mul3A_1526, %mul3A_1527 : vector<8x128xf32>
    %mul3A_1529 = arith.mulf %sub3A_1525, %sub3A_1525 : vector<8x128xf32>
    %add3A_1530 = arith.addf %add3A_1528, %mul3A_1529 : vector<8x128xf32>
    %swap3A_1531 = arith.constant 52 : index
    %swap3A_1532 = arith.constant 0 : index
    %swap3A_1533 = arith.constant 0 : index
    %swap3A_1534 = vector.load %arg8[%swap3A_1531, %swap3A_1532, %swap3A_1533] : memref<64x8x128xf32, #tpu.memory_space<vmem>>, vector<1x8x128xf32>
    %swap3A_1535 = vector.shape_cast %swap3A_1534 : vector<1x8x128xf32> to vector<8x128xf32>
    %swap3A_1536 = vector.shape_cast %add3A_1530 : vector<8x128xf32> to vector<1x8x128xf32>
    tpu.vector_store %arg8[%swap3A_1531, %swap3A_1532, %swap3A_1533], %swap3A_1536 {strides = array<i32>} : memref<64x8x128xf32, #tpu.memory_space<vmem>>, vector<1x8x128xf32>,
    %get3A_1537 = arith.constant 53 : index
    %get3A_1538 = arith.constant 0 : index
    %get3A_1539 = vector.load %arg1[%get3A_1537, %get3A_1538] : memref<64x128xf32, #tpu.memory_space<vmem>>, vector<1x128xf32>
    %sub3A_1540 = vector.broadcast %slice3A : vector<8x1xf32> to vector<8x128xf32>
    %sub3A_1541 = vector.broadcast %get3A_1539 : vector<1x128xf32> to vector<8x128xf32>
    %sub3A_1542 = arith.subf %sub3A_1540, %sub3A_1541 : vector<8x128xf32>
    %get3A_1543 = arith.constant 53 : index
    %get3A_1544 = arith.constant 0 : index
    %get3A_1545 = vector.load %arg2[%get3A_1543, %get3A_1544] : memref<64x128xf32, #tpu.memory_space<vmem>>, vector<1x128xf32>
    %sub3A_1546 = vector.broadcast %slice3A_2 : vector<8x1xf32> to vector<8x128xf32>
    %sub3A_1547 = vector.broadcast %get3A_1545 : vector<1x128xf32> to vector<8x128xf32>
    %sub3A_1548 = arith.subf %sub3A_1546, %sub3A_1547 : vector<8x128xf32>
    %get3A_1549 = arith.constant 53 : index
    %get3A_1550 = arith.constant 0 : index
    %get3A_1551 = vector.load %arg3[%get3A_1549, %get3A_1550] : memref<64x128xf32, #tpu.memory_space<vmem>>, vector<1x128xf32>
    %sub3A_1552 = vector.broadcast %slice3A_3 : vector<8x1xf32> to vector<8x128xf32>
    %sub3A_1553 = vector.broadcast %get3A_1551 : vector<1x128xf32> to vector<8x128xf32>
    %sub3A_1554 = arith.subf %sub3A_1552, %sub3A_1553 : vector<8x128xf32>
    %mul3A_1555 = arith.mulf %sub3A_1542, %sub3A_1542 : vector<8x128xf32>
    %mul3A_1556 = arith.mulf %sub3A_1548, %sub3A_1548 : vector<8x128xf32>
    %add3A_1557 = arith.addf %mul3A_1555, %mul3A_1556 : vector<8x128xf32>
    %mul3A_1558 = arith.mulf %sub3A_1554, %sub3A_1554 : vector<8x128xf32>
    %add3A_1559 = arith.addf %add3A_1557, %mul3A_1558 : vector<8x128xf32>
    %swap3A_1560 = arith.constant 53 : index
    %swap3A_1561 = arith.constant 0 : index
    %swap3A_1562 = arith.constant 0 : index
    %swap3A_1563 = vector.load %arg8[%swap3A_1560, %swap3A_1561, %swap3A_1562] : memref<64x8x128xf32, #tpu.memory_space<vmem>>, vector<1x8x128xf32>
    %swap3A_1564 = vector.shape_cast %swap3A_1563 : vector<1x8x128xf32> to vector<8x128xf32>
    %swap3A_1565 = vector.shape_cast %add3A_1559 : vector<8x128xf32> to vector<1x8x128xf32>
    tpu.vector_store %arg8[%swap3A_1560, %swap3A_1561, %swap3A_1562], %swap3A_1565 {strides = array<i32>} : memref<64x8x128xf32, #tpu.memory_space<vmem>>, vector<1x8x128xf32>,
    %get3A_1566 = arith.constant 54 : index
    %get3A_1567 = arith.constant 0 : index
    %get3A_1568 = vector.load %arg1[%get3A_1566, %get3A_1567] : memref<64x128xf32, #tpu.memory_space<vmem>>, vector<1x128xf32>
    %sub3A_1569 = vector.broadcast %slice3A : vector<8x1xf32> to vector<8x128xf32>
    %sub3A_1570 = vector.broadcast %get3A_1568 : vector<1x128xf32> to vector<8x128xf32>
    %sub3A_1571 = arith.subf %sub3A_1569, %sub3A_1570 : vector<8x128xf32>
    %get3A_1572 = arith.constant 54 : index
    %get3A_1573 = arith.constant 0 : index
    %get3A_1574 = vector.load %arg2[%get3A_1572, %get3A_1573] : memref<64x128xf32, #tpu.memory_space<vmem>>, vector<1x128xf32>
    %sub3A_1575 = vector.broadcast %slice3A_2 : vector<8x1xf32> to vector<8x128xf32>
    %sub3A_1576 = vector.broadcast %get3A_1574 : vector<1x128xf32> to vector<8x128xf32>
    %sub3A_1577 = arith.subf %sub3A_1575, %sub3A_1576 : vector<8x128xf32>
    %get3A_1578 = arith.constant 54 : index
    %get3A_1579 = arith.constant 0 : index
    %get3A_1580 = vector.load %arg3[%get3A_1578, %get3A_1579] : memref<64x128xf32, #tpu.memory_space<vmem>>, vector<1x128xf32>
    %sub3A_1581 = vector.broadcast %slice3A_3 : vector<8x1xf32> to vector<8x128xf32>
    %sub3A_1582 = vector.broadcast %get3A_1580 : vector<1x128xf32> to vector<8x128xf32>
    %sub3A_1583 = arith.subf %sub3A_1581, %sub3A_1582 : vector<8x128xf32>
    %mul3A_1584 = arith.mulf %sub3A_1571, %sub3A_1571 : vector<8x128xf32>
    %mul3A_1585 = arith.mulf %sub3A_1577, %sub3A_1577 : vector<8x128xf32>
    %add3A_1586 = arith.addf %mul3A_1584, %mul3A_1585 : vector<8x128xf32>
    %mul3A_1587 = arith.mulf %sub3A_1583, %sub3A_1583 : vector<8x128xf32>
    %add3A_1588 = arith.addf %add3A_1586, %mul3A_1587 : vector<8x128xf32>
    %swap3A_1589 = arith.constant 54 : index
    %swap3A_1590 = arith.constant 0 : index
    %swap3A_1591 = arith.constant 0 : index
    %swap3A_1592 = vector.load %arg8[%swap3A_1589, %swap3A_1590, %swap3A_1591] : memref<64x8x128xf32, #tpu.memory_space<vmem>>, vector<1x8x128xf32>
    %swap3A_1593 = vector.shape_cast %swap3A_1592 : vector<1x8x128xf32> to vector<8x128xf32>
    %swap3A_1594 = vector.shape_cast %add3A_1588 : vector<8x128xf32> to vector<1x8x128xf32>
    tpu.vector_store %arg8[%swap3A_1589, %swap3A_1590, %swap3A_1591], %swap3A_1594 {strides = array<i32>} : memref<64x8x128xf32, #tpu.memory_space<vmem>>, vector<1x8x128xf32>,
    %get3A_1595 = arith.constant 55 : index
    %get3A_1596 = arith.constant 0 : index
    %get3A_1597 = vector.load %arg1[%get3A_1595, %get3A_1596] : memref<64x128xf32, #tpu.memory_space<vmem>>, vector<1x128xf32>
    %sub3A_1598 = vector.broadcast %slice3A : vector<8x1xf32> to vector<8x128xf32>
    %sub3A_1599 = vector.broadcast %get3A_1597 : vector<1x128xf32> to vector<8x128xf32>
    %sub3A_1600 = arith.subf %sub3A_1598, %sub3A_1599 : vector<8x128xf32>
    %get3A_1601 = arith.constant 55 : index
    %get3A_1602 = arith.constant 0 : index
    %get3A_1603 = vector.load %arg2[%get3A_1601, %get3A_1602] : memref<64x128xf32, #tpu.memory_space<vmem>>, vector<1x128xf32>
    %sub3A_1604 = vector.broadcast %slice3A_2 : vector<8x1xf32> to vector<8x128xf32>
    %sub3A_1605 = vector.broadcast %get3A_1603 : vector<1x128xf32> to vector<8x128xf32>
    %sub3A_1606 = arith.subf %sub3A_1604, %sub3A_1605 : vector<8x128xf32>
    %get3A_1607 = arith.constant 55 : index
    %get3A_1608 = arith.constant 0 : index
    %get3A_1609 = vector.load %arg3[%get3A_1607, %get3A_1608] : memref<64x128xf32, #tpu.memory_space<vmem>>, vector<1x128xf32>
    %sub3A_1610 = vector.broadcast %slice3A_3 : vector<8x1xf32> to vector<8x128xf32>
    %sub3A_1611 = vector.broadcast %get3A_1609 : vector<1x128xf32> to vector<8x128xf32>
    %sub3A_1612 = arith.subf %sub3A_1610, %sub3A_1611 : vector<8x128xf32>
    %mul3A_1613 = arith.mulf %sub3A_1600, %sub3A_1600 : vector<8x128xf32>
    %mul3A_1614 = arith.mulf %sub3A_1606, %sub3A_1606 : vector<8x128xf32>
    %add3A_1615 = arith.addf %mul3A_1613, %mul3A_1614 : vector<8x128xf32>
    %mul3A_1616 = arith.mulf %sub3A_1612, %sub3A_1612 : vector<8x128xf32>
    %add3A_1617 = arith.addf %add3A_1615, %mul3A_1616 : vector<8x128xf32>
    %swap3A_1618 = arith.constant 55 : index
    %swap3A_1619 = arith.constant 0 : index
    %swap3A_1620 = arith.constant 0 : index
    %swap3A_1621 = vector.load %arg8[%swap3A_1618, %swap3A_1619, %swap3A_1620] : memref<64x8x128xf32, #tpu.memory_space<vmem>>, vector<1x8x128xf32>
    %swap3A_1622 = vector.shape_cast %swap3A_1621 : vector<1x8x128xf32> to vector<8x128xf32>
    %swap3A_1623 = vector.shape_cast %add3A_1617 : vector<8x128xf32> to vector<1x8x128xf32>
    tpu.vector_store %arg8[%swap3A_1618, %swap3A_1619, %swap3A_1620], %swap3A_1623 {strides = array<i32>} : memref<64x8x128xf32, #tpu.memory_space<vmem>>, vector<1x8x128xf32>,
    %get3A_1624 = arith.constant 56 : index
    %get3A_1625 = arith.constant 0 : index
    %get3A_1626 = vector.load %arg1[%get3A_1624, %get3A_1625] : memref<64x128xf32, #tpu.memory_space<vmem>>, vector<1x128xf32>
    %sub3A_1627 = vector.broadcast %slice3A : vector<8x1xf32> to vector<8x128xf32>
    %sub3A_1628 = vector.broadcast %get3A_1626 : vector<1x128xf32> to vector<8x128xf32>
    %sub3A_1629 = arith.subf %sub3A_1627, %sub3A_1628 : vector<8x128xf32>
    %get3A_1630 = arith.constant 56 : index
    %get3A_1631 = arith.constant 0 : index
    %get3A_1632 = vector.load %arg2[%get3A_1630, %get3A_1631] : memref<64x128xf32, #tpu.memory_space<vmem>>, vector<1x128xf32>
    %sub3A_1633 = vector.broadcast %slice3A_2 : vector<8x1xf32> to vector<8x128xf32>
    %sub3A_1634 = vector.broadcast %get3A_1632 : vector<1x128xf32> to vector<8x128xf32>
    %sub3A_1635 = arith.subf %sub3A_1633, %sub3A_1634 : vector<8x128xf32>
    %get3A_1636 = arith.constant 56 : index
    %get3A_1637 = arith.constant 0 : index
    %get3A_1638 = vector.load %arg3[%get3A_1636, %get3A_1637] : memref<64x128xf32, #tpu.memory_space<vmem>>, vector<1x128xf32>
    %sub3A_1639 = vector.broadcast %slice3A_3 : vector<8x1xf32> to vector<8x128xf32>
    %sub3A_1640 = vector.broadcast %get3A_1638 : vector<1x128xf32> to vector<8x128xf32>
    %sub3A_1641 = arith.subf %sub3A_1639, %sub3A_1640 : vector<8x128xf32>
    %mul3A_1642 = arith.mulf %sub3A_1629, %sub3A_1629 : vector<8x128xf32>
    %mul3A_1643 = arith.mulf %sub3A_1635, %sub3A_1635 : vector<8x128xf32>
    %add3A_1644 = arith.addf %mul3A_1642, %mul3A_1643 : vector<8x128xf32>
    %mul3A_1645 = arith.mulf %sub3A_1641, %sub3A_1641 : vector<8x128xf32>
    %add3A_1646 = arith.addf %add3A_1644, %mul3A_1645 : vector<8x128xf32>
    %swap3A_1647 = arith.constant 56 : index
    %swap3A_1648 = arith.constant 0 : index
    %swap3A_1649 = arith.constant 0 : index
    %swap3A_1650 = vector.load %arg8[%swap3A_1647, %swap3A_1648, %swap3A_1649] : memref<64x8x128xf32, #tpu.memory_space<vmem>>, vector<1x8x128xf32>
    %swap3A_1651 = vector.shape_cast %swap3A_1650 : vector<1x8x128xf32> to vector<8x128xf32>
    %swap3A_1652 = vector.shape_cast %add3A_1646 : vector<8x128xf32> to vector<1x8x128xf32>
    tpu.vector_store %arg8[%swap3A_1647, %swap3A_1648, %swap3A_1649], %swap3A_1652 {strides = array<i32>} : memref<64x8x128xf32, #tpu.memory_space<vmem>>, vector<1x8x128xf32>,
    %get3A_1653 = arith.constant 57 : index
    %get3A_1654 = arith.constant 0 : index
    %get3A_1655 = vector.load %arg1[%get3A_1653, %get3A_1654] : memref<64x128xf32, #tpu.memory_space<vmem>>, vector<1x128xf32>
    %sub3A_1656 = vector.broadcast %slice3A : vector<8x1xf32> to vector<8x128xf32>
    %sub3A_1657 = vector.broadcast %get3A_1655 : vector<1x128xf32> to vector<8x128xf32>
    %sub3A_1658 = arith.subf %sub3A_1656, %sub3A_1657 : vector<8x128xf32>
    %get3A_1659 = arith.constant 57 : index
    %get3A_1660 = arith.constant 0 : index
    %get3A_1661 = vector.load %arg2[%get3A_1659, %get3A_1660] : memref<64x128xf32, #tpu.memory_space<vmem>>, vector<1x128xf32>
    %sub3A_1662 = vector.broadcast %slice3A_2 : vector<8x1xf32> to vector<8x128xf32>
    %sub3A_1663 = vector.broadcast %get3A_1661 : vector<1x128xf32> to vector<8x128xf32>
    %sub3A_1664 = arith.subf %sub3A_1662, %sub3A_1663 : vector<8x128xf32>
    %get3A_1665 = arith.constant 57 : index
    %get3A_1666 = arith.constant 0 : index
    %get3A_1667 = vector.load %arg3[%get3A_1665, %get3A_1666] : memref<64x128xf32, #tpu.memory_space<vmem>>, vector<1x128xf32>
    %sub3A_1668 = vector.broadcast %slice3A_3 : vector<8x1xf32> to vector<8x128xf32>
    %sub3A_1669 = vector.broadcast %get3A_1667 : vector<1x128xf32> to vector<8x128xf32>
    %sub3A_1670 = arith.subf %sub3A_1668, %sub3A_1669 : vector<8x128xf32>
    %mul3A_1671 = arith.mulf %sub3A_1658, %sub3A_1658 : vector<8x128xf32>
    %mul3A_1672 = arith.mulf %sub3A_1664, %sub3A_1664 : vector<8x128xf32>
    %add3A_1673 = arith.addf %mul3A_1671, %mul3A_1672 : vector<8x128xf32>
    %mul3A_1674 = arith.mulf %sub3A_1670, %sub3A_1670 : vector<8x128xf32>
    %add3A_1675 = arith.addf %add3A_1673, %mul3A_1674 : vector<8x128xf32>
    %swap3A_1676 = arith.constant 57 : index
    %swap3A_1677 = arith.constant 0 : index
    %swap3A_1678 = arith.constant 0 : index
    %swap3A_1679 = vector.load %arg8[%swap3A_1676, %swap3A_1677, %swap3A_1678] : memref<64x8x128xf32, #tpu.memory_space<vmem>>, vector<1x8x128xf32>
    %swap3A_1680 = vector.shape_cast %swap3A_1679 : vector<1x8x128xf32> to vector<8x128xf32>
    %swap3A_1681 = vector.shape_cast %add3A_1675 : vector<8x128xf32> to vector<1x8x128xf32>
    tpu.vector_store %arg8[%swap3A_1676, %swap3A_1677, %swap3A_1678], %swap3A_1681 {strides = array<i32>} : memref<64x8x128xf32, #tpu.memory_space<vmem>>, vector<1x8x128xf32>,
    %get3A_1682 = arith.constant 58 : index
    %get3A_1683 = arith.constant 0 : index
    %get3A_1684 = vector.load %arg1[%get3A_1682, %get3A_1683] : memref<64x128xf32, #tpu.memory_space<vmem>>, vector<1x128xf32>
    %sub3A_1685 = vector.broadcast %slice3A : vector<8x1xf32> to vector<8x128xf32>
    %sub3A_1686 = vector.broadcast %get3A_1684 : vector<1x128xf32> to vector<8x128xf32>
    %sub3A_1687 = arith.subf %sub3A_1685, %sub3A_1686 : vector<8x128xf32>
    %get3A_1688 = arith.constant 58 : index
    %get3A_1689 = arith.constant 0 : index
    %get3A_1690 = vector.load %arg2[%get3A_1688, %get3A_1689] : memref<64x128xf32, #tpu.memory_space<vmem>>, vector<1x128xf32>
    %sub3A_1691 = vector.broadcast %slice3A_2 : vector<8x1xf32> to vector<8x128xf32>
    %sub3A_1692 = vector.broadcast %get3A_1690 : vector<1x128xf32> to vector<8x128xf32>
    %sub3A_1693 = arith.subf %sub3A_1691, %sub3A_1692 : vector<8x128xf32>
    %get3A_1694 = arith.constant 58 : index
    %get3A_1695 = arith.constant 0 : index
    %get3A_1696 = vector.load %arg3[%get3A_1694, %get3A_1695] : memref<64x128xf32, #tpu.memory_space<vmem>>, vector<1x128xf32>
    %sub3A_1697 = vector.broadcast %slice3A_3 : vector<8x1xf32> to vector<8x128xf32>
    %sub3A_1698 = vector.broadcast %get3A_1696 : vector<1x128xf32> to vector<8x128xf32>
    %sub3A_1699 = arith.subf %sub3A_1697, %sub3A_1698 : vector<8x128xf32>
    %mul3A_1700 = arith.mulf %sub3A_1687, %sub3A_1687 : vector<8x128xf32>
    %mul3A_1701 = arith.mulf %sub3A_1693, %sub3A_1693 : vector<8x128xf32>
    %add3A_1702 = arith.addf %mul3A_1700, %mul3A_1701 : vector<8x128xf32>
    %mul3A_1703 = arith.mulf %sub3A_1699, %sub3A_1699 : vector<8x128xf32>
    %add3A_1704 = arith.addf %add3A_1702, %mul3A_1703 : vector<8x128xf32>
    %swap3A_1705 = arith.constant 58 : index
    %swap3A_1706 = arith.constant 0 : index
    %swap3A_1707 = arith.constant 0 : index
    %swap3A_1708 = vector.load %arg8[%swap3A_1705, %swap3A_1706, %swap3A_1707] : memref<64x8x128xf32, #tpu.memory_space<vmem>>, vector<1x8x128xf32>
    %swap3A_1709 = vector.shape_cast %swap3A_1708 : vector<1x8x128xf32> to vector<8x128xf32>
    %swap3A_1710 = vector.shape_cast %add3A_1704 : vector<8x128xf32> to vector<1x8x128xf32>
    tpu.vector_store %arg8[%swap3A_1705, %swap3A_1706, %swap3A_1707], %swap3A_1710 {strides = array<i32>} : memref<64x8x128xf32, #tpu.memory_space<vmem>>, vector<1x8x128xf32>,
    %get3A_1711 = arith.constant 59 : index
    %get3A_1712 = arith.constant 0 : index
    %get3A_1713 = vector.load %arg1[%get3A_1711, %get3A_1712] : memref<64x128xf32, #tpu.memory_space<vmem>>, vector<1x128xf32>
    %sub3A_1714 = vector.broadcast %slice3A : vector<8x1xf32> to vector<8x128xf32>
    %sub3A_1715 = vector.broadcast %get3A_1713 : vector<1x128xf32> to vector<8x128xf32>
    %sub3A_1716 = arith.subf %sub3A_1714, %sub3A_1715 : vector<8x128xf32>
    %get3A_1717 = arith.constant 59 : index
    %get3A_1718 = arith.constant 0 : index
    %get3A_1719 = vector.load %arg2[%get3A_1717, %get3A_1718] : memref<64x128xf32, #tpu.memory_space<vmem>>, vector<1x128xf32>
    %sub3A_1720 = vector.broadcast %slice3A_2 : vector<8x1xf32> to vector<8x128xf32>
    %sub3A_1721 = vector.broadcast %get3A_1719 : vector<1x128xf32> to vector<8x128xf32>
    %sub3A_1722 = arith.subf %sub3A_1720, %sub3A_1721 : vector<8x128xf32>
    %get3A_1723 = arith.constant 59 : index
    %get3A_1724 = arith.constant 0 : index
    %get3A_1725 = vector.load %arg3[%get3A_1723, %get3A_1724] : memref<64x128xf32, #tpu.memory_space<vmem>>, vector<1x128xf32>
    %sub3A_1726 = vector.broadcast %slice3A_3 : vector<8x1xf32> to vector<8x128xf32>
    %sub3A_1727 = vector.broadcast %get3A_1725 : vector<1x128xf32> to vector<8x128xf32>
    %sub3A_1728 = arith.subf %sub3A_1726, %sub3A_1727 : vector<8x128xf32>
    %mul3A_1729 = arith.mulf %sub3A_1716, %sub3A_1716 : vector<8x128xf32>
    %mul3A_1730 = arith.mulf %sub3A_1722, %sub3A_1722 : vector<8x128xf32>
    %add3A_1731 = arith.addf %mul3A_1729, %mul3A_1730 : vector<8x128xf32>
    %mul3A_1732 = arith.mulf %sub3A_1728, %sub3A_1728 : vector<8x128xf32>
    %add3A_1733 = arith.addf %add3A_1731, %mul3A_1732 : vector<8x128xf32>
    %swap3A_1734 = arith.constant 59 : index
    %swap3A_1735 = arith.constant 0 : index
    %swap3A_1736 = arith.constant 0 : index
    %swap3A_1737 = vector.load %arg8[%swap3A_1734, %swap3A_1735, %swap3A_1736] : memref<64x8x128xf32, #tpu.memory_space<vmem>>, vector<1x8x128xf32>
    %swap3A_1738 = vector.shape_cast %swap3A_1737 : vector<1x8x128xf32> to vector<8x128xf32>
    %swap3A_1739 = vector.shape_cast %add3A_1733 : vector<8x128xf32> to vector<1x8x128xf32>
    tpu.vector_store %arg8[%swap3A_1734, %swap3A_1735, %swap3A_1736], %swap3A_1739 {strides = array<i32>} : memref<64x8x128xf32, #tpu.memory_space<vmem>>, vector<1x8x128xf32>,
    %get3A_1740 = arith.constant 60 : index
    %get3A_1741 = arith.constant 0 : index
    %get3A_1742 = vector.load %arg1[%get3A_1740, %get3A_1741] : memref<64x128xf32, #tpu.memory_space<vmem>>, vector<1x128xf32>
    %sub3A_1743 = vector.broadcast %slice3A : vector<8x1xf32> to vector<8x128xf32>
    %sub3A_1744 = vector.broadcast %get3A_1742 : vector<1x128xf32> to vector<8x128xf32>
    %sub3A_1745 = arith.subf %sub3A_1743, %sub3A_1744 : vector<8x128xf32>
    %get3A_1746 = arith.constant 60 : index
    %get3A_1747 = arith.constant 0 : index
    %get3A_1748 = vector.load %arg2[%get3A_1746, %get3A_1747] : memref<64x128xf32, #tpu.memory_space<vmem>>, vector<1x128xf32>
    %sub3A_1749 = vector.broadcast %slice3A_2 : vector<8x1xf32> to vector<8x128xf32>
    %sub3A_1750 = vector.broadcast %get3A_1748 : vector<1x128xf32> to vector<8x128xf32>
    %sub3A_1751 = arith.subf %sub3A_1749, %sub3A_1750 : vector<8x128xf32>
    %get3A_1752 = arith.constant 60 : index
    %get3A_1753 = arith.constant 0 : index
    %get3A_1754 = vector.load %arg3[%get3A_1752, %get3A_1753] : memref<64x128xf32, #tpu.memory_space<vmem>>, vector<1x128xf32>
    %sub3A_1755 = vector.broadcast %slice3A_3 : vector<8x1xf32> to vector<8x128xf32>
    %sub3A_1756 = vector.broadcast %get3A_1754 : vector<1x128xf32> to vector<8x128xf32>
    %sub3A_1757 = arith.subf %sub3A_1755, %sub3A_1756 : vector<8x128xf32>
    %mul3A_1758 = arith.mulf %sub3A_1745, %sub3A_1745 : vector<8x128xf32>
    %mul3A_1759 = arith.mulf %sub3A_1751, %sub3A_1751 : vector<8x128xf32>
    %add3A_1760 = arith.addf %mul3A_1758, %mul3A_1759 : vector<8x128xf32>
    %mul3A_1761 = arith.mulf %sub3A_1757, %sub3A_1757 : vector<8x128xf32>
    %add3A_1762 = arith.addf %add3A_1760, %mul3A_1761 : vector<8x128xf32>
    %swap3A_1763 = arith.constant 60 : index
    %swap3A_1764 = arith.constant 0 : index
    %swap3A_1765 = arith.constant 0 : index
    %swap3A_1766 = vector.load %arg8[%swap3A_1763, %swap3A_1764, %swap3A_1765] : memref<64x8x128xf32, #tpu.memory_space<vmem>>, vector<1x8x128xf32>
    %swap3A_1767 = vector.shape_cast %swap3A_1766 : vector<1x8x128xf32> to vector<8x128xf32>
    %swap3A_1768 = vector.shape_cast %add3A_1762 : vector<8x128xf32> to vector<1x8x128xf32>
    tpu.vector_store %arg8[%swap3A_1763, %swap3A_1764, %swap3A_1765], %swap3A_1768 {strides = array<i32>} : memref<64x8x128xf32, #tpu.memory_space<vmem>>, vector<1x8x128xf32>,
    %get3A_1769 = arith.constant 61 : index
    %get3A_1770 = arith.constant 0 : index
    %get3A_1771 = vector.load %arg1[%get3A_1769, %get3A_1770] : memref<64x128xf32, #tpu.memory_space<vmem>>, vector<1x128xf32>
    %sub3A_1772 = vector.broadcast %slice3A : vector<8x1xf32> to vector<8x128xf32>
    %sub3A_1773 = vector.broadcast %get3A_1771 : vector<1x128xf32> to vector<8x128xf32>
    %sub3A_1774 = arith.subf %sub3A_1772, %sub3A_1773 : vector<8x128xf32>
    %get3A_1775 = arith.constant 61 : index
    %get3A_1776 = arith.constant 0 : index
    %get3A_1777 = vector.load %arg2[%get3A_1775, %get3A_1776] : memref<64x128xf32, #tpu.memory_space<vmem>>, vector<1x128xf32>
    %sub3A_1778 = vector.broadcast %slice3A_2 : vector<8x1xf32> to vector<8x128xf32>
    %sub3A_1779 = vector.broadcast %get3A_1777 : vector<1x128xf32> to vector<8x128xf32>
    %sub3A_1780 = arith.subf %sub3A_1778, %sub3A_1779 : vector<8x128xf32>
    %get3A_1781 = arith.constant 61 : index
    %get3A_1782 = arith.constant 0 : index
    %get3A_1783 = vector.load %arg3[%get3A_1781, %get3A_1782] : memref<64x128xf32, #tpu.memory_space<vmem>>, vector<1x128xf32>
    %sub3A_1784 = vector.broadcast %slice3A_3 : vector<8x1xf32> to vector<8x128xf32>
    %sub3A_1785 = vector.broadcast %get3A_1783 : vector<1x128xf32> to vector<8x128xf32>
    %sub3A_1786 = arith.subf %sub3A_1784, %sub3A_1785 : vector<8x128xf32>
    %mul3A_1787 = arith.mulf %sub3A_1774, %sub3A_1774 : vector<8x128xf32>
    %mul3A_1788 = arith.mulf %sub3A_1780, %sub3A_1780 : vector<8x128xf32>
    %add3A_1789 = arith.addf %mul3A_1787, %mul3A_1788 : vector<8x128xf32>
    %mul3A_1790 = arith.mulf %sub3A_1786, %sub3A_1786 : vector<8x128xf32>
    %add3A_1791 = arith.addf %add3A_1789, %mul3A_1790 : vector<8x128xf32>
    %swap3A_1792 = arith.constant 61 : index
    %swap3A_1793 = arith.constant 0 : index
    %swap3A_1794 = arith.constant 0 : index
    %swap3A_1795 = vector.load %arg8[%swap3A_1792, %swap3A_1793, %swap3A_1794] : memref<64x8x128xf32, #tpu.memory_space<vmem>>, vector<1x8x128xf32>
    %swap3A_1796 = vector.shape_cast %swap3A_1795 : vector<1x8x128xf32> to vector<8x128xf32>
    %swap3A_1797 = vector.shape_cast %add3A_1791 : vector<8x128xf32> to vector<1x8x128xf32>
    tpu.vector_store %arg8[%swap3A_1792, %swap3A_1793, %swap3A_1794], %swap3A_1797 {strides = array<i32>} : memref<64x8x128xf32, #tpu.memory_space<vmem>>, vector<1x8x128xf32>,
    %get3A_1798 = arith.constant 62 : index
    %get3A_1799 = arith.constant 0 : index
    %get3A_1800 = vector.load %arg1[%get3A_1798, %get3A_1799] : memref<64x128xf32, #tpu.memory_space<vmem>>, vector<1x128xf32>
    %sub3A_1801 = vector.broadcast %slice3A : vector<8x1xf32> to vector<8x128xf32>
    %sub3A_1802 = vector.broadcast %get3A_1800 : vector<1x128xf32> to vector<8x128xf32>
    %sub3A_1803 = arith.subf %sub3A_1801, %sub3A_1802 : vector<8x128xf32>
    %get3A_1804 = arith.constant 62 : index
    %get3A_1805 = arith.constant 0 : index
    %get3A_1806 = vector.load %arg2[%get3A_1804, %get3A_1805] : memref<64x128xf32, #tpu.memory_space<vmem>>, vector<1x128xf32>
    %sub3A_1807 = vector.broadcast %slice3A_2 : vector<8x1xf32> to vector<8x128xf32>
    %sub3A_1808 = vector.broadcast %get3A_1806 : vector<1x128xf32> to vector<8x128xf32>
    %sub3A_1809 = arith.subf %sub3A_1807, %sub3A_1808 : vector<8x128xf32>
    %get3A_1810 = arith.constant 62 : index
    %get3A_1811 = arith.constant 0 : index
    %get3A_1812 = vector.load %arg3[%get3A_1810, %get3A_1811] : memref<64x128xf32, #tpu.memory_space<vmem>>, vector<1x128xf32>
    %sub3A_1813 = vector.broadcast %slice3A_3 : vector<8x1xf32> to vector<8x128xf32>
    %sub3A_1814 = vector.broadcast %get3A_1812 : vector<1x128xf32> to vector<8x128xf32>
    %sub3A_1815 = arith.subf %sub3A_1813, %sub3A_1814 : vector<8x128xf32>
    %mul3A_1816 = arith.mulf %sub3A_1803, %sub3A_1803 : vector<8x128xf32>
    %mul3A_1817 = arith.mulf %sub3A_1809, %sub3A_1809 : vector<8x128xf32>
    %add3A_1818 = arith.addf %mul3A_1816, %mul3A_1817 : vector<8x128xf32>
    %mul3A_1819 = arith.mulf %sub3A_1815, %sub3A_1815 : vector<8x128xf32>
    %add3A_1820 = arith.addf %add3A_1818, %mul3A_1819 : vector<8x128xf32>
    %swap3A_1821 = arith.constant 62 : index
    %swap3A_1822 = arith.constant 0 : index
    %swap3A_1823 = arith.constant 0 : index
    %swap3A_1824 = vector.load %arg8[%swap3A_1821, %swap3A_1822, %swap3A_1823] : memref<64x8x128xf32, #tpu.memory_space<vmem>>, vector<1x8x128xf32>
    %swap3A_1825 = vector.shape_cast %swap3A_1824 : vector<1x8x128xf32> to vector<8x128xf32>
    %swap3A_1826 = vector.shape_cast %add3A_1820 : vector<8x128xf32> to vector<1x8x128xf32>
    tpu.vector_store %arg8[%swap3A_1821, %swap3A_1822, %swap3A_1823], %swap3A_1826 {strides = array<i32>} : memref<64x8x128xf32, #tpu.memory_space<vmem>>, vector<1x8x128xf32>,
    %get3A_1827 = arith.constant 63 : index
    %get3A_1828 = arith.constant 0 : index
    %get3A_1829 = vector.load %arg1[%get3A_1827, %get3A_1828] : memref<64x128xf32, #tpu.memory_space<vmem>>, vector<1x128xf32>
    %sub3A_1830 = vector.broadcast %slice3A : vector<8x1xf32> to vector<8x128xf32>
    %sub3A_1831 = vector.broadcast %get3A_1829 : vector<1x128xf32> to vector<8x128xf32>
    %sub3A_1832 = arith.subf %sub3A_1830, %sub3A_1831 : vector<8x128xf32>
    %get3A_1833 = arith.constant 63 : index
    %get3A_1834 = arith.constant 0 : index
    %get3A_1835 = vector.load %arg2[%get3A_1833, %get3A_1834] : memref<64x128xf32, #tpu.memory_space<vmem>>, vector<1x128xf32>
    %sub3A_1836 = vector.broadcast %slice3A_2 : vector<8x1xf32> to vector<8x128xf32>
    %sub3A_1837 = vector.broadcast %get3A_1835 : vector<1x128xf32> to vector<8x128xf32>
    %sub3A_1838 = arith.subf %sub3A_1836, %sub3A_1837 : vector<8x128xf32>
    %get3A_1839 = arith.constant 63 : index
    %get3A_1840 = arith.constant 0 : index
    %get3A_1841 = vector.load %arg3[%get3A_1839, %get3A_1840] : memref<64x128xf32, #tpu.memory_space<vmem>>, vector<1x128xf32>
    %sub3A_1842 = vector.broadcast %slice3A_3 : vector<8x1xf32> to vector<8x128xf32>
    %sub3A_1843 = vector.broadcast %get3A_1841 : vector<1x128xf32> to vector<8x128xf32>
    %sub3A_1844 = arith.subf %sub3A_1842, %sub3A_1843 : vector<8x128xf32>
    %mul3A_1845 = arith.mulf %sub3A_1832, %sub3A_1832 : vector<8x128xf32>
    %mul3A_1846 = arith.mulf %sub3A_1838, %sub3A_1838 : vector<8x128xf32>
    %add3A_1847 = arith.addf %mul3A_1845, %mul3A_1846 : vector<8x128xf32>
    %mul3A_1848 = arith.mulf %sub3A_1844, %sub3A_1844 : vector<8x128xf32>
    %add3A_1849 = arith.addf %add3A_1847, %mul3A_1848 : vector<8x128xf32>
    %swap3A_1850 = arith.constant 63 : index
    %swap3A_1851 = arith.constant 0 : index
    %swap3A_1852 = arith.constant 0 : index
    %swap3A_1853 = vector.load %arg8[%swap3A_1850, %swap3A_1851, %swap3A_1852] : memref<64x8x128xf32, #tpu.memory_space<vmem>>, vector<1x8x128xf32>
    %swap3A_1854 = vector.shape_cast %swap3A_1853 : vector<1x8x128xf32> to vector<8x128xf32>
    %swap3A_1855 = vector.shape_cast %add3A_1849 : vector<8x128xf32> to vector<1x8x128xf32>
    tpu.vector_store %arg8[%swap3A_1850, %swap3A_1851, %swap3A_1852], %swap3A_1855 {strides = array<i32>} : memref<64x8x128xf32, #tpu.memory_space<vmem>>, vector<1x8x128xf32>,
    %iota3A = tpu.iota {dimensions = array<i32: 1>} : vector<8x32xi32>
    %broadcast_in_dim3A = arith.constant 0 : i32
    %broadcast_in_dim3A_1856 = vector.broadcast %broadcast_in_dim3A : i32 to vector<8x32xi32>
    %broadcast_in_dim3A_1857 = arith.constant 0.000000e+00 : f32
    %broadcast_in_dim3A_1858 = vector.broadcast %broadcast_in_dim3A_1857 : f32 to vector<8x32xf32>
    %scan3A = arith.constant 0 : i32
    %scan3A_1859 = arith.constant 32 : i32
    %scan3A_1860 = arith.addi %scan3A, %scan3A_1859 : i32
    %scan3A_1861 = arith.constant 1 : i32
    %scan3A_1862:2 = scf.for %scan3A_1870 = %scan3A to %scan3A_1860 step %scan3A_1861 iter_args(%scan3A_1871 = %broadcast_in_dim3A_1856, %scan3A_1872 = %broadcast_in_dim3A_1858) -> (vector<8x32xi32>, vector<8x32xf32>)  : i32 {
      %get3A_1873 = arith.constant 0 : index
      %get3A_1874 = arith.constant 0 : index
      %get3A_1875 = arith.constant 0 : index
      %get3A_1876 = vector.load %arg8[%get3A_1873, %get3A_1874, %get3A_1875] : memref<64x8x128xf32, #tpu.memory_space<vmem>>, vector<64x8x128xf32>
      %get3A_1877 = arith.constant 0 : index
      %get3A_1878 = arith.constant 0 : index
      %get3A_1879 = arith.constant 0 : index
      %get3A_1880 = vector.load %arg5[%get3A_1877, %get3A_1878, %get3A_1879] : memref<64x8x128xf32, #tpu.memory_space<vmem>>, vector<64x8x128xf32>
      %reduce_min3A = arith.constant dense<0x7F800000> : vector<8x128xf32>
      %reduce_min3A_1881 = vector.multi_reduction <minimumf>, %get3A_1876, %reduce_min3A [0] : vector<64x8x128xf32> to vector<8x128xf32>
      %reduce_min3A_1882 = arith.constant dense<0x7F800000> : vector<8xf32>
      %reduce_min3A_1883 = vector.multi_reduction <minimumf>, %reduce_min3A_1881, %reduce_min3A_1882 [1] : vector<8x128xf32> to vector<8xf32>
      %broadcast_in_dim3A_1884 = vector.shape_cast %reduce_min3A_1883 : vector<8xf32> to vector<8x1xf32>
      %broadcast_in_dim3A_1885 = vector.shape_cast %broadcast_in_dim3A_1884 : vector<8x1xf32> to vector<1x8x1xf32>
      %eq3A = vector.broadcast %broadcast_in_dim3A_1885 : vector<1x8x1xf32> to vector<64x8x128xf32>
      %eq3A_1886 = arith.cmpf oeq, %get3A_1876, %eq3A : vector<64x8x128xf32>
      %jit3A = arith.constant 3.400000e+38 : f32
      %broadcast_in_dim3A_1887 = vector.broadcast %jit3A : f32 to vector<64x8x128xf32>
      %select_n3A = arith.select %eq3A_1886, %get3A_1880, %broadcast_in_dim3A_1887 : vector<64x8x128xi1>, vector<64x8x128xf32>
      %reduce_min3A_1888 = arith.constant dense<0x7F800000> : vector<8x128xf32>
      %reduce_min3A_1889 = vector.multi_reduction <minimumf>, %select_n3A, %reduce_min3A_1888 [0] : vector<64x8x128xf32> to vector<8x128xf32>
      %reduce_min3A_1890 = arith.constant dense<0x7F800000> : vector<8xf32>
      %reduce_min3A_1891 = vector.multi_reduction <minimumf>, %reduce_min3A_1889, %reduce_min3A_1890 [1] : vector<8x128xf32> to vector<8xf32>
      %broadcast_in_dim3A_1892 = vector.shape_cast %reduce_min3A_1891 : vector<8xf32> to vector<8x1xf32>
      %broadcast_in_dim3A_1893 = vector.shape_cast %broadcast_in_dim3A_1892 : vector<8x1xf32> to vector<1x8x1xf32>
      %eq3A_1894 = vector.broadcast %broadcast_in_dim3A_1893 : vector<1x8x1xf32> to vector<64x8x128xf32>
      %eq3A_1895 = arith.cmpf oeq, %get3A_1880, %eq3A_1894 : vector<64x8x128xf32>
      %jit3A_1896 = arith.constant 0x7F800000 : f32
      %broadcast_in_dim3A_1897 = vector.broadcast %jit3A_1896 : f32 to vector<64x8x128xf32>
      %select_n3A_1898 = arith.select %eq3A_1895, %broadcast_in_dim3A_1897, %get3A_1876 : vector<64x8x128xi1>, vector<64x8x128xf32>
      %swap3A_1899 = arith.constant 0 : index
      %swap3A_1900 = arith.constant 0 : index
      %swap3A_1901 = arith.constant 0 : index
      %swap3A_1902 = vector.load %arg8[%swap3A_1899, %swap3A_1900, %swap3A_1901] : memref<64x8x128xf32, #tpu.memory_space<vmem>>, vector<64x8x128xf32>
      tpu.vector_store %arg8[%swap3A_1899, %swap3A_1900, %swap3A_1901], %select_n3A_1898 {strides = array<i32>} : memref<64x8x128xf32, #tpu.memory_space<vmem>>, vector<64x8x128xf32>,
      %eq3A_1903 = vector.broadcast %scan3A_1870 : i32 to vector<8x32xi32>
      %eq3A_1904 = arith.cmpi eq, %iota3A, %eq3A_1903 : vector<8x32xi32>
      %convert_element_type3A = arith.fptosi %broadcast_in_dim3A_1892 : vector<8x1xf32> to vector<8x1xi32>
      %broadcast_in_dim3A_1905 = vector.shape_cast %convert_element_type3A : vector<8x1xi32> to vector<8x1xi32>
      %broadcast_in_dim3A_1906 = vector.broadcast %broadcast_in_dim3A_1905 : vector<8x1xi32> to vector<8x32xi32>
      %select_n3A_1907 = arith.select %eq3A_1904, %broadcast_in_dim3A_1906, %scan3A_1871 : vector<8x32xi1>, vector<8x32xi32>
      %eq3A_1908 = vector.broadcast %scan3A_1870 : i32 to vector<8x32xi32>
      %eq3A_1909 = arith.cmpi eq, %iota3A, %eq3A_1908 : vector<8x32xi32>
      %le3A = arith.constant 4.000000e-02 : f32
      %le3A_1910 = vector.broadcast %le3A : f32 to vector<8x1xf32>
      %le3A_1911 = arith.cmpf ole, %broadcast_in_dim3A_1884, %le3A_1910 : vector<8x1xf32>
      %jit3A_1912 = arith.constant 1.000000e+00 : f32
      %jit3A_1913 = arith.constant 0.000000e+00 : f32
      %broadcast_in_dim3A_1914 = vector.broadcast %jit3A_1912 : f32 to vector<8x1xf32>
      %broadcast_in_dim3A_1915 = vector.broadcast %jit3A_1913 : f32 to vector<8x1xf32>
      %select_n3A_1916 = arith.select %le3A_1911, %broadcast_in_dim3A_1914, %broadcast_in_dim3A_1915 : vector<8x1xi1>, vector<8x1xf32>
      %broadcast_in_dim3A_1917 = vector.shape_cast %select_n3A_1916 : vector<8x1xf32> to vector<8x1xf32>
      %broadcast_in_dim3A_1918 = vector.broadcast %broadcast_in_dim3A_1917 : vector<8x1xf32> to vector<8x32xf32>
      %select_n3A_1919 = arith.select %eq3A_1909, %broadcast_in_dim3A_1918, %scan3A_1872 : vector<8x32xi1>, vector<8x32xf32>
      scf.yield %select_n3A_1907, %select_n3A_1919 : vector<8x32xi32>, vector<8x32xf32>
    }
    %scan3A_1863 = arith.constant 32 : i32
    %swap3A_1864 = arith.constant 0 : index
    %swap3A_1865 = arith.constant 0 : index
    %swap3A_1866 = vector.load %arg6[%swap3A_1864, %swap3A_1865] : memref<8x32xi32, #tpu.memory_space<vmem>>, vector<8x32xi32>
    tpu.vector_store %arg6[%swap3A_1864, %swap3A_1865], %scan3A_1862#0 {strides = array<i32>} : memref<8x32xi32, #tpu.memory_space<vmem>>, vector<8x32xi32>,
    %swap3A_1867 = arith.constant 0 : index
    %swap3A_1868 = arith.constant 0 : index
    %swap3A_1869 = vector.load %arg7[%swap3A_1867, %swap3A_1868] : memref<8x32xf32, #tpu.memory_space<vmem>>, vector<8x32xf32>
    tpu.vector_store %arg7[%swap3A_1867, %swap3A_1868], %scan3A_1862#1 {strides = array<i32>} : memref<8x32xf32, #tpu.memory_space<vmem>>, vector<8x32xf32>,
    return
  }
  func.func @transform_0(%arg0: i32) -> (i32, i32) {
    %c0_i32 = arith.constant 0 : i32
    %c0_i32_0 = arith.constant 0 : i32
    %c0_i32_1 = arith.constant 0 : i32
    return %c0_i32, %c0_i32_0 : i32, i32
  }
  func.func @transform_1(%arg0: i32) -> (i32, i32) {
    %c0_i32 = arith.constant 0 : i32
    %c0_i32_0 = arith.constant 0 : i32
    %c0_i32_1 = arith.constant 0 : i32
    return %c0_i32, %c0_i32_0 : i32, i32
  }
  func.func @transform_2(%arg0: i32) -> (i32, i32) {
    %c0_i32 = arith.constant 0 : i32
    %c0_i32_0 = arith.constant 0 : i32
    %c0_i32_1 = arith.constant 0 : i32
    return %c0_i32, %c0_i32_0 : i32, i32
  }
  func.func @transform_3(%arg0: i32) -> (i32, i32) {
    %c0_i32 = arith.constant 0 : i32
    %c0_i32_0 = arith.constant 0 : i32
    return %arg0, %c0_i32 : i32, i32
  }
  func.func @transform_4(%arg0: i32) -> (i32, i32, i32) {
    %c0_i32 = arith.constant 0 : i32
    %c0_i32_0 = arith.constant 0 : i32
    %c0_i32_1 = arith.constant 0 : i32
    %c0_i32_2 = arith.constant 0 : i32
    return %c0_i32, %c0_i32_0, %c0_i32_1 : i32, i32, i32
  }
  func.func @transform_5(%arg0: i32) -> (i32, i32) {
    %c0_i32 = arith.constant 0 : i32
    %c0_i32_0 = arith.constant 0 : i32
    return %arg0, %c0_i32 : i32, i32
  }
  func.func @transform_6(%arg0: i32) -> (i32, i32) {
    %c0_i32 = arith.constant 0 : i32
    %c0_i32_0 = arith.constant 0 : i32
    return %arg0, %c0_i32 : i32, i32
  }
}

module attributes {stable_mosaic.version = 14 : i64} {
  func.func @_fps_body(%arg0: memref<32x128xf32, #tpu.memory_space<vmem>>, %arg1: memref<32x128xf32, #tpu.memory_space<vmem>>, %arg2: memref<32x128xf32, #tpu.memory_space<vmem>>, %arg3: memref<12288xf32, #tpu.memory_space<smem>>, %arg4: memref<32x128xf32, #tpu.memory_space<vmem>>, %arg5: memref<1024xi32, #tpu.memory_space<smem>>, %arg6: memref<3072xf32, #tpu.memory_space<smem>>) attributes {dimension_semantics = [], scalar_prefetch = 0 : i64, scratch_operands = 0 : i64, tpu.core_type = #tpu.core_type<tc>} {
    %get3A = arith.constant 0 : index
    %get3A_0 = arith.constant 0 : index
    %get3A_1 = vector.load %arg0[%get3A, %get3A_0] : memref<32x128xf32, #tpu.memory_space<vmem>>, vector<32x128xf32>
    %get3A_2 = arith.constant 0 : index
    %get3A_3 = arith.constant 0 : index
    %get3A_4 = vector.load %arg1[%get3A_2, %get3A_3] : memref<32x128xf32, #tpu.memory_space<vmem>>, vector<32x128xf32>
    %get3A_5 = arith.constant 0 : index
    %get3A_6 = arith.constant 0 : index
    %get3A_7 = vector.load %arg2[%get3A_5, %get3A_6] : memref<32x128xf32, #tpu.memory_space<vmem>>, vector<32x128xf32>
    %get3A_8 = arith.constant 0 : index
    %get3A_9 = arith.constant 0 : index
    %get3A_10 = vector.load %arg4[%get3A_8, %get3A_9] : memref<32x128xf32, #tpu.memory_space<vmem>>, vector<32x128xf32>
    %swap3A = arith.constant 0 : i32
    %swap3A_11 = arith.constant 0 : index
    %swap3A_12 = memref.load %arg5[%swap3A_11] : memref<1024xi32, #tpu.memory_space<smem>>
    memref.store %swap3A, %arg5[%swap3A_11] : memref<1024xi32, #tpu.memory_space<smem>>
    %get3A_13 = arith.constant 0 : index
    %get3A_14 = memref.load %arg3[%get3A_13] : memref<12288xf32, #tpu.memory_space<smem>>
    %get3A_15 = arith.constant 1 : index
    %get3A_16 = memref.load %arg3[%get3A_15] : memref<12288xf32, #tpu.memory_space<smem>>
    %get3A_17 = arith.constant 2 : index
    %get3A_18 = memref.load %arg3[%get3A_17] : memref<12288xf32, #tpu.memory_space<smem>>
    %swap3A_19 = arith.constant 0 : index
    %swap3A_20 = memref.load %arg6[%swap3A_19] : memref<3072xf32, #tpu.memory_space<smem>>
    memref.store %get3A_14, %arg6[%swap3A_19] : memref<3072xf32, #tpu.memory_space<smem>>
    %swap3A_21 = arith.constant 1 : index
    %swap3A_22 = memref.load %arg6[%swap3A_21] : memref<3072xf32, #tpu.memory_space<smem>>
    memref.store %get3A_16, %arg6[%swap3A_21] : memref<3072xf32, #tpu.memory_space<smem>>
    %swap3A_23 = arith.constant 2 : index
    %swap3A_24 = memref.load %arg6[%swap3A_23] : memref<3072xf32, #tpu.memory_space<smem>>
    memref.store %get3A_18, %arg6[%swap3A_23] : memref<3072xf32, #tpu.memory_space<smem>>
    %broadcast_in_dim3A = arith.constant 0x7F800000 : f32
    %broadcast_in_dim3A_25 = vector.broadcast %broadcast_in_dim3A : f32 to vector<32x128xf32>
    %scan3A = arith.constant 1 : i32
    %scan3A_26 = arith.constant 1023 : i32
    %scan3A_27 = arith.addi %scan3A, %scan3A_26 : i32
    %scan3A_28 = arith.constant 1 : i32
    %scan3A_29:4 = scf.for %scan3A_31 = %scan3A to %scan3A_27 step %scan3A_28 iter_args(%scan3A_32 = %get3A_14, %scan3A_33 = %get3A_16, %scan3A_34 = %get3A_18, %scan3A_35 = %broadcast_in_dim3A_25) -> (f32, f32, f32, vector<32x128xf32>)  : i32 {
      %sub3A = vector.broadcast %scan3A_32 : f32 to vector<32x128xf32>
      %sub3A_36 = arith.subf %get3A_1, %sub3A : vector<32x128xf32>
      %sub3A_37 = vector.broadcast %scan3A_33 : f32 to vector<32x128xf32>
      %sub3A_38 = arith.subf %get3A_4, %sub3A_37 : vector<32x128xf32>
      %sub3A_39 = vector.broadcast %scan3A_34 : f32 to vector<32x128xf32>
      %sub3A_40 = arith.subf %get3A_7, %sub3A_39 : vector<32x128xf32>
      %mul3A = arith.mulf %sub3A_36, %sub3A_36 : vector<32x128xf32>
      %mul3A_41 = arith.mulf %sub3A_38, %sub3A_38 : vector<32x128xf32>
      %add3A = arith.addf %mul3A, %mul3A_41 : vector<32x128xf32>
      %mul3A_42 = arith.mulf %sub3A_40, %sub3A_40 : vector<32x128xf32>
      %add3A_43 = arith.addf %add3A, %mul3A_42 : vector<32x128xf32>
      %min3A = arith.minimumf %scan3A_35, %add3A_43 : vector<32x128xf32>
      %reduce_max3A = vector.shape_cast %min3A : vector<32x128xf32> to vector<1x32x128xf32>
      %reduce_max3A_44 = arith.constant dense<0xFF800000> : vector<1xf32>
      %reduce_max3A_45 = vector.multi_reduction <maximumf>, %reduce_max3A, %reduce_max3A_44 [1, 2] : vector<1x32x128xf32> to vector<1xf32>
      %reduce_max3A_46 = vector.shape_cast %reduce_max3A_45 : vector<1xf32> to vector<1x1x1xf32>
      %reduce_max3A_47 = vector.extract %reduce_max3A_46[0, 0, 0] : f32 from vector<1x1x1xf32>
      %eq3A = vector.broadcast %reduce_max3A_47 : f32 to vector<32x128xf32>
      %eq3A_48 = arith.cmpf oeq, %min3A, %eq3A : vector<32x128xf32>
      %jit3A = arith.constant 3.400000e+38 : f32
      %broadcast_in_dim3A_49 = vector.broadcast %jit3A : f32 to vector<32x128xf32>
      %select_n3A = arith.select %eq3A_48, %get3A_10, %broadcast_in_dim3A_49 : vector<32x128xi1>, vector<32x128xf32>
      %reduce_min3A = vector.shape_cast %select_n3A : vector<32x128xf32> to vector<1x32x128xf32>
      %reduce_min3A_50 = arith.constant dense<0x7F800000> : vector<1xf32>
      %reduce_min3A_51 = vector.multi_reduction <minimumf>, %reduce_min3A, %reduce_min3A_50 [1, 2] : vector<1x32x128xf32> to vector<1xf32>
      %reduce_min3A_52 = vector.shape_cast %reduce_min3A_51 : vector<1xf32> to vector<1x1x1xf32>
      %reduce_min3A_53 = vector.extract %reduce_min3A_52[0, 0, 0] : f32 from vector<1x1x1xf32>
      %convert_element_type3A = arith.fptosi %reduce_min3A_53 : f32 to i32
      %mul3A_54 = arith.constant 3 : i32
      %mul3A_55 = arith.muli %mul3A_54, %convert_element_type3A : i32
      %get3A_56 = arith.index_cast %mul3A_55 : i32 to index
      %get3A_57 = memref.load %arg3[%get3A_56] : memref<12288xf32, #tpu.memory_space<smem>>
      %mul3A_58 = arith.constant 3 : i32
      %mul3A_59 = arith.muli %mul3A_58, %convert_element_type3A : i32
      %add3A_60 = arith.constant 1 : i32
      %add3A_61 = arith.addi %mul3A_59, %add3A_60 : i32
      %get3A_62 = arith.index_cast %add3A_61 : i32 to index
      %get3A_63 = memref.load %arg3[%get3A_62] : memref<12288xf32, #tpu.memory_space<smem>>
      %mul3A_64 = arith.constant 3 : i32
      %mul3A_65 = arith.muli %mul3A_64, %convert_element_type3A : i32
      %add3A_66 = arith.constant 2 : i32
      %add3A_67 = arith.addi %mul3A_65, %add3A_66 : i32
      %get3A_68 = arith.index_cast %add3A_67 : i32 to index
      %get3A_69 = memref.load %arg3[%get3A_68] : memref<12288xf32, #tpu.memory_space<smem>>
      %swap3A_70 = arith.index_cast %scan3A_31 : i32 to index
      %swap3A_71 = memref.load %arg5[%swap3A_70] : memref<1024xi32, #tpu.memory_space<smem>>
      memref.store %convert_element_type3A, %arg5[%swap3A_70] : memref<1024xi32, #tpu.memory_space<smem>>
      %mul3A_72 = arith.constant 3 : i32
      %mul3A_73 = arith.muli %mul3A_72, %scan3A_31 : i32
      %swap3A_74 = arith.index_cast %mul3A_73 : i32 to index
      %swap3A_75 = memref.load %arg6[%swap3A_74] : memref<3072xf32, #tpu.memory_space<smem>>
      memref.store %get3A_57, %arg6[%swap3A_74] : memref<3072xf32, #tpu.memory_space<smem>>
      %mul3A_76 = arith.constant 3 : i32
      %mul3A_77 = arith.muli %mul3A_76, %scan3A_31 : i32
      %add3A_78 = arith.constant 1 : i32
      %add3A_79 = arith.addi %mul3A_77, %add3A_78 : i32
      %swap3A_80 = arith.index_cast %add3A_79 : i32 to index
      %swap3A_81 = memref.load %arg6[%swap3A_80] : memref<3072xf32, #tpu.memory_space<smem>>
      memref.store %get3A_63, %arg6[%swap3A_80] : memref<3072xf32, #tpu.memory_space<smem>>
      %mul3A_82 = arith.constant 3 : i32
      %mul3A_83 = arith.muli %mul3A_82, %scan3A_31 : i32
      %add3A_84 = arith.constant 2 : i32
      %add3A_85 = arith.addi %mul3A_83, %add3A_84 : i32
      %swap3A_86 = arith.index_cast %add3A_85 : i32 to index
      %swap3A_87 = memref.load %arg6[%swap3A_86] : memref<3072xf32, #tpu.memory_space<smem>>
      memref.store %get3A_69, %arg6[%swap3A_86] : memref<3072xf32, #tpu.memory_space<smem>>
      scf.yield %get3A_57, %get3A_63, %get3A_69, %min3A : f32, f32, f32, vector<32x128xf32>
    }
    %scan3A_30 = arith.constant 1023 : i32
    return
  }
}

module attributes {stable_mosaic.version = 14 : i64} {
  func.func @_knn_body(%arg0: i32, %arg1: memref<32x128xf32, #tpu.memory_space<vmem>>, %arg2: memref<32x128xf32, #tpu.memory_space<vmem>>, %arg3: memref<32x128xf32, #tpu.memory_space<vmem>>, %arg4: memref<8x3xf32, #tpu.memory_space<vmem>>, %arg5: memref<32x8x128xf32, #tpu.memory_space<vmem>>, %arg6: memref<8x32xi32, #tpu.memory_space<vmem>>, %arg7: memref<8x32xf32, #tpu.memory_space<vmem>>, %arg8: memref<32x8x128xf32, #tpu.memory_space<vmem>>) attributes {dimension_semantics = [#tpu.dimension_semantics<arbitrary>], iteration_bounds = array<i64: 128>, scalar_prefetch = 0 : i64, scratch_operands = 1 : i64, tpu.core_type = #tpu.core_type<tc>, window_params = [{pipeline_mode = #tpu.pipeline_mode<synchronous>, transform_indices = @transform_0, window_bounds = array<i64: 32, 128>}, {pipeline_mode = #tpu.pipeline_mode<synchronous>, transform_indices = @transform_1, window_bounds = array<i64: 32, 128>}, {pipeline_mode = #tpu.pipeline_mode<synchronous>, transform_indices = @transform_2, window_bounds = array<i64: 32, 128>}, {transform_indices = @transform_3, window_bounds = array<i64: 8, 3>}, {pipeline_mode = #tpu.pipeline_mode<synchronous>, transform_indices = @transform_4, window_bounds = array<i64: 32, 8, 128>}, {transform_indices = @transform_5, window_bounds = array<i64: 8, 32>}, {transform_indices = @transform_6, window_bounds = array<i64: 8, 32>}]} {
    %get3A = arith.constant 0 : index
    %get3A_0 = arith.constant 0 : index
    %get3A_1 = vector.load %arg4[%get3A, %get3A_0] : memref<8x3xf32, #tpu.memory_space<vmem>>, vector<8x3xf32>
    %slice3A = vector.extract_strided_slice %get3A_1 {offsets = [0, 0], sizes = [8, 1], strides = [1, 1]} : vector<8x3xf32> to vector<8x1xf32>
    %slice3A_2 = vector.extract_strided_slice %get3A_1 {offsets = [0, 1], sizes = [8, 1], strides = [1, 1]} : vector<8x3xf32> to vector<8x1xf32>
    %slice3A_3 = vector.extract_strided_slice %get3A_1 {offsets = [0, 2], sizes = [8, 1], strides = [1, 1]} : vector<8x3xf32> to vector<8x1xf32>
    %get3A_4 = arith.constant 0 : index
    %get3A_5 = arith.constant 0 : index
    %get3A_6 = vector.load %arg1[%get3A_4, %get3A_5] : memref<32x128xf32, #tpu.memory_space<vmem>>, vector<1x128xf32>
    %sub3A = vector.broadcast %slice3A : vector<8x1xf32> to vector<8x128xf32>
    %sub3A_7 = vector.broadcast %get3A_6 : vector<1x128xf32> to vector<8x128xf32>
    %sub3A_8 = arith.subf %sub3A, %sub3A_7 : vector<8x128xf32>
    %get3A_9 = arith.constant 0 : index
    %get3A_10 = arith.constant 0 : index
    %get3A_11 = vector.load %arg2[%get3A_9, %get3A_10] : memref<32x128xf32, #tpu.memory_space<vmem>>, vector<1x128xf32>
    %sub3A_12 = vector.broadcast %slice3A_2 : vector<8x1xf32> to vector<8x128xf32>
    %sub3A_13 = vector.broadcast %get3A_11 : vector<1x128xf32> to vector<8x128xf32>
    %sub3A_14 = arith.subf %sub3A_12, %sub3A_13 : vector<8x128xf32>
    %get3A_15 = arith.constant 0 : index
    %get3A_16 = arith.constant 0 : index
    %get3A_17 = vector.load %arg3[%get3A_15, %get3A_16] : memref<32x128xf32, #tpu.memory_space<vmem>>, vector<1x128xf32>
    %sub3A_18 = vector.broadcast %slice3A_3 : vector<8x1xf32> to vector<8x128xf32>
    %sub3A_19 = vector.broadcast %get3A_17 : vector<1x128xf32> to vector<8x128xf32>
    %sub3A_20 = arith.subf %sub3A_18, %sub3A_19 : vector<8x128xf32>
    %mul3A = arith.mulf %sub3A_8, %sub3A_8 : vector<8x128xf32>
    %mul3A_21 = arith.mulf %sub3A_14, %sub3A_14 : vector<8x128xf32>
    %add3A = arith.addf %mul3A, %mul3A_21 : vector<8x128xf32>
    %mul3A_22 = arith.mulf %sub3A_20, %sub3A_20 : vector<8x128xf32>
    %add3A_23 = arith.addf %add3A, %mul3A_22 : vector<8x128xf32>
    %swap3A = arith.constant 0 : index
    %swap3A_24 = arith.constant 0 : index
    %swap3A_25 = arith.constant 0 : index
    %swap3A_26 = vector.load %arg8[%swap3A, %swap3A_24, %swap3A_25] : memref<32x8x128xf32, #tpu.memory_space<vmem>>, vector<1x8x128xf32>
    %swap3A_27 = vector.shape_cast %swap3A_26 : vector<1x8x128xf32> to vector<8x128xf32>
    %swap3A_28 = vector.shape_cast %add3A_23 : vector<8x128xf32> to vector<1x8x128xf32>
    tpu.vector_store %arg8[%swap3A, %swap3A_24, %swap3A_25], %swap3A_28 {strides = array<i32>} : memref<32x8x128xf32, #tpu.memory_space<vmem>>, vector<1x8x128xf32>,
    %get3A_29 = arith.constant 1 : index
    %get3A_30 = arith.constant 0 : index
    %get3A_31 = vector.load %arg1[%get3A_29, %get3A_30] : memref<32x128xf32, #tpu.memory_space<vmem>>, vector<1x128xf32>
    %sub3A_32 = vector.broadcast %slice3A : vector<8x1xf32> to vector<8x128xf32>
    %sub3A_33 = vector.broadcast %get3A_31 : vector<1x128xf32> to vector<8x128xf32>
    %sub3A_34 = arith.subf %sub3A_32, %sub3A_33 : vector<8x128xf32>
    %get3A_35 = arith.constant 1 : index
    %get3A_36 = arith.constant 0 : index
    %get3A_37 = vector.load %arg2[%get3A_35, %get3A_36] : memref<32x128xf32, #tpu.memory_space<vmem>>, vector<1x128xf32>
    %sub3A_38 = vector.broadcast %slice3A_2 : vector<8x1xf32> to vector<8x128xf32>
    %sub3A_39 = vector.broadcast %get3A_37 : vector<1x128xf32> to vector<8x128xf32>
    %sub3A_40 = arith.subf %sub3A_38, %sub3A_39 : vector<8x128xf32>
    %get3A_41 = arith.constant 1 : index
    %get3A_42 = arith.constant 0 : index
    %get3A_43 = vector.load %arg3[%get3A_41, %get3A_42] : memref<32x128xf32, #tpu.memory_space<vmem>>, vector<1x128xf32>
    %sub3A_44 = vector.broadcast %slice3A_3 : vector<8x1xf32> to vector<8x128xf32>
    %sub3A_45 = vector.broadcast %get3A_43 : vector<1x128xf32> to vector<8x128xf32>
    %sub3A_46 = arith.subf %sub3A_44, %sub3A_45 : vector<8x128xf32>
    %mul3A_47 = arith.mulf %sub3A_34, %sub3A_34 : vector<8x128xf32>
    %mul3A_48 = arith.mulf %sub3A_40, %sub3A_40 : vector<8x128xf32>
    %add3A_49 = arith.addf %mul3A_47, %mul3A_48 : vector<8x128xf32>
    %mul3A_50 = arith.mulf %sub3A_46, %sub3A_46 : vector<8x128xf32>
    %add3A_51 = arith.addf %add3A_49, %mul3A_50 : vector<8x128xf32>
    %swap3A_52 = arith.constant 1 : index
    %swap3A_53 = arith.constant 0 : index
    %swap3A_54 = arith.constant 0 : index
    %swap3A_55 = vector.load %arg8[%swap3A_52, %swap3A_53, %swap3A_54] : memref<32x8x128xf32, #tpu.memory_space<vmem>>, vector<1x8x128xf32>
    %swap3A_56 = vector.shape_cast %swap3A_55 : vector<1x8x128xf32> to vector<8x128xf32>
    %swap3A_57 = vector.shape_cast %add3A_51 : vector<8x128xf32> to vector<1x8x128xf32>
    tpu.vector_store %arg8[%swap3A_52, %swap3A_53, %swap3A_54], %swap3A_57 {strides = array<i32>} : memref<32x8x128xf32, #tpu.memory_space<vmem>>, vector<1x8x128xf32>,
    %get3A_58 = arith.constant 2 : index
    %get3A_59 = arith.constant 0 : index
    %get3A_60 = vector.load %arg1[%get3A_58, %get3A_59] : memref<32x128xf32, #tpu.memory_space<vmem>>, vector<1x128xf32>
    %sub3A_61 = vector.broadcast %slice3A : vector<8x1xf32> to vector<8x128xf32>
    %sub3A_62 = vector.broadcast %get3A_60 : vector<1x128xf32> to vector<8x128xf32>
    %sub3A_63 = arith.subf %sub3A_61, %sub3A_62 : vector<8x128xf32>
    %get3A_64 = arith.constant 2 : index
    %get3A_65 = arith.constant 0 : index
    %get3A_66 = vector.load %arg2[%get3A_64, %get3A_65] : memref<32x128xf32, #tpu.memory_space<vmem>>, vector<1x128xf32>
    %sub3A_67 = vector.broadcast %slice3A_2 : vector<8x1xf32> to vector<8x128xf32>
    %sub3A_68 = vector.broadcast %get3A_66 : vector<1x128xf32> to vector<8x128xf32>
    %sub3A_69 = arith.subf %sub3A_67, %sub3A_68 : vector<8x128xf32>
    %get3A_70 = arith.constant 2 : index
    %get3A_71 = arith.constant 0 : index
    %get3A_72 = vector.load %arg3[%get3A_70, %get3A_71] : memref<32x128xf32, #tpu.memory_space<vmem>>, vector<1x128xf32>
    %sub3A_73 = vector.broadcast %slice3A_3 : vector<8x1xf32> to vector<8x128xf32>
    %sub3A_74 = vector.broadcast %get3A_72 : vector<1x128xf32> to vector<8x128xf32>
    %sub3A_75 = arith.subf %sub3A_73, %sub3A_74 : vector<8x128xf32>
    %mul3A_76 = arith.mulf %sub3A_63, %sub3A_63 : vector<8x128xf32>
    %mul3A_77 = arith.mulf %sub3A_69, %sub3A_69 : vector<8x128xf32>
    %add3A_78 = arith.addf %mul3A_76, %mul3A_77 : vector<8x128xf32>
    %mul3A_79 = arith.mulf %sub3A_75, %sub3A_75 : vector<8x128xf32>
    %add3A_80 = arith.addf %add3A_78, %mul3A_79 : vector<8x128xf32>
    %swap3A_81 = arith.constant 2 : index
    %swap3A_82 = arith.constant 0 : index
    %swap3A_83 = arith.constant 0 : index
    %swap3A_84 = vector.load %arg8[%swap3A_81, %swap3A_82, %swap3A_83] : memref<32x8x128xf32, #tpu.memory_space<vmem>>, vector<1x8x128xf32>
    %swap3A_85 = vector.shape_cast %swap3A_84 : vector<1x8x128xf32> to vector<8x128xf32>
    %swap3A_86 = vector.shape_cast %add3A_80 : vector<8x128xf32> to vector<1x8x128xf32>
    tpu.vector_store %arg8[%swap3A_81, %swap3A_82, %swap3A_83], %swap3A_86 {strides = array<i32>} : memref<32x8x128xf32, #tpu.memory_space<vmem>>, vector<1x8x128xf32>,
    %get3A_87 = arith.constant 3 : index
    %get3A_88 = arith.constant 0 : index
    %get3A_89 = vector.load %arg1[%get3A_87, %get3A_88] : memref<32x128xf32, #tpu.memory_space<vmem>>, vector<1x128xf32>
    %sub3A_90 = vector.broadcast %slice3A : vector<8x1xf32> to vector<8x128xf32>
    %sub3A_91 = vector.broadcast %get3A_89 : vector<1x128xf32> to vector<8x128xf32>
    %sub3A_92 = arith.subf %sub3A_90, %sub3A_91 : vector<8x128xf32>
    %get3A_93 = arith.constant 3 : index
    %get3A_94 = arith.constant 0 : index
    %get3A_95 = vector.load %arg2[%get3A_93, %get3A_94] : memref<32x128xf32, #tpu.memory_space<vmem>>, vector<1x128xf32>
    %sub3A_96 = vector.broadcast %slice3A_2 : vector<8x1xf32> to vector<8x128xf32>
    %sub3A_97 = vector.broadcast %get3A_95 : vector<1x128xf32> to vector<8x128xf32>
    %sub3A_98 = arith.subf %sub3A_96, %sub3A_97 : vector<8x128xf32>
    %get3A_99 = arith.constant 3 : index
    %get3A_100 = arith.constant 0 : index
    %get3A_101 = vector.load %arg3[%get3A_99, %get3A_100] : memref<32x128xf32, #tpu.memory_space<vmem>>, vector<1x128xf32>
    %sub3A_102 = vector.broadcast %slice3A_3 : vector<8x1xf32> to vector<8x128xf32>
    %sub3A_103 = vector.broadcast %get3A_101 : vector<1x128xf32> to vector<8x128xf32>
    %sub3A_104 = arith.subf %sub3A_102, %sub3A_103 : vector<8x128xf32>
    %mul3A_105 = arith.mulf %sub3A_92, %sub3A_92 : vector<8x128xf32>
    %mul3A_106 = arith.mulf %sub3A_98, %sub3A_98 : vector<8x128xf32>
    %add3A_107 = arith.addf %mul3A_105, %mul3A_106 : vector<8x128xf32>
    %mul3A_108 = arith.mulf %sub3A_104, %sub3A_104 : vector<8x128xf32>
    %add3A_109 = arith.addf %add3A_107, %mul3A_108 : vector<8x128xf32>
    %swap3A_110 = arith.constant 3 : index
    %swap3A_111 = arith.constant 0 : index
    %swap3A_112 = arith.constant 0 : index
    %swap3A_113 = vector.load %arg8[%swap3A_110, %swap3A_111, %swap3A_112] : memref<32x8x128xf32, #tpu.memory_space<vmem>>, vector<1x8x128xf32>
    %swap3A_114 = vector.shape_cast %swap3A_113 : vector<1x8x128xf32> to vector<8x128xf32>
    %swap3A_115 = vector.shape_cast %add3A_109 : vector<8x128xf32> to vector<1x8x128xf32>
    tpu.vector_store %arg8[%swap3A_110, %swap3A_111, %swap3A_112], %swap3A_115 {strides = array<i32>} : memref<32x8x128xf32, #tpu.memory_space<vmem>>, vector<1x8x128xf32>,
    %get3A_116 = arith.constant 4 : index
    %get3A_117 = arith.constant 0 : index
    %get3A_118 = vector.load %arg1[%get3A_116, %get3A_117] : memref<32x128xf32, #tpu.memory_space<vmem>>, vector<1x128xf32>
    %sub3A_119 = vector.broadcast %slice3A : vector<8x1xf32> to vector<8x128xf32>
    %sub3A_120 = vector.broadcast %get3A_118 : vector<1x128xf32> to vector<8x128xf32>
    %sub3A_121 = arith.subf %sub3A_119, %sub3A_120 : vector<8x128xf32>
    %get3A_122 = arith.constant 4 : index
    %get3A_123 = arith.constant 0 : index
    %get3A_124 = vector.load %arg2[%get3A_122, %get3A_123] : memref<32x128xf32, #tpu.memory_space<vmem>>, vector<1x128xf32>
    %sub3A_125 = vector.broadcast %slice3A_2 : vector<8x1xf32> to vector<8x128xf32>
    %sub3A_126 = vector.broadcast %get3A_124 : vector<1x128xf32> to vector<8x128xf32>
    %sub3A_127 = arith.subf %sub3A_125, %sub3A_126 : vector<8x128xf32>
    %get3A_128 = arith.constant 4 : index
    %get3A_129 = arith.constant 0 : index
    %get3A_130 = vector.load %arg3[%get3A_128, %get3A_129] : memref<32x128xf32, #tpu.memory_space<vmem>>, vector<1x128xf32>
    %sub3A_131 = vector.broadcast %slice3A_3 : vector<8x1xf32> to vector<8x128xf32>
    %sub3A_132 = vector.broadcast %get3A_130 : vector<1x128xf32> to vector<8x128xf32>
    %sub3A_133 = arith.subf %sub3A_131, %sub3A_132 : vector<8x128xf32>
    %mul3A_134 = arith.mulf %sub3A_121, %sub3A_121 : vector<8x128xf32>
    %mul3A_135 = arith.mulf %sub3A_127, %sub3A_127 : vector<8x128xf32>
    %add3A_136 = arith.addf %mul3A_134, %mul3A_135 : vector<8x128xf32>
    %mul3A_137 = arith.mulf %sub3A_133, %sub3A_133 : vector<8x128xf32>
    %add3A_138 = arith.addf %add3A_136, %mul3A_137 : vector<8x128xf32>
    %swap3A_139 = arith.constant 4 : index
    %swap3A_140 = arith.constant 0 : index
    %swap3A_141 = arith.constant 0 : index
    %swap3A_142 = vector.load %arg8[%swap3A_139, %swap3A_140, %swap3A_141] : memref<32x8x128xf32, #tpu.memory_space<vmem>>, vector<1x8x128xf32>
    %swap3A_143 = vector.shape_cast %swap3A_142 : vector<1x8x128xf32> to vector<8x128xf32>
    %swap3A_144 = vector.shape_cast %add3A_138 : vector<8x128xf32> to vector<1x8x128xf32>
    tpu.vector_store %arg8[%swap3A_139, %swap3A_140, %swap3A_141], %swap3A_144 {strides = array<i32>} : memref<32x8x128xf32, #tpu.memory_space<vmem>>, vector<1x8x128xf32>,
    %get3A_145 = arith.constant 5 : index
    %get3A_146 = arith.constant 0 : index
    %get3A_147 = vector.load %arg1[%get3A_145, %get3A_146] : memref<32x128xf32, #tpu.memory_space<vmem>>, vector<1x128xf32>
    %sub3A_148 = vector.broadcast %slice3A : vector<8x1xf32> to vector<8x128xf32>
    %sub3A_149 = vector.broadcast %get3A_147 : vector<1x128xf32> to vector<8x128xf32>
    %sub3A_150 = arith.subf %sub3A_148, %sub3A_149 : vector<8x128xf32>
    %get3A_151 = arith.constant 5 : index
    %get3A_152 = arith.constant 0 : index
    %get3A_153 = vector.load %arg2[%get3A_151, %get3A_152] : memref<32x128xf32, #tpu.memory_space<vmem>>, vector<1x128xf32>
    %sub3A_154 = vector.broadcast %slice3A_2 : vector<8x1xf32> to vector<8x128xf32>
    %sub3A_155 = vector.broadcast %get3A_153 : vector<1x128xf32> to vector<8x128xf32>
    %sub3A_156 = arith.subf %sub3A_154, %sub3A_155 : vector<8x128xf32>
    %get3A_157 = arith.constant 5 : index
    %get3A_158 = arith.constant 0 : index
    %get3A_159 = vector.load %arg3[%get3A_157, %get3A_158] : memref<32x128xf32, #tpu.memory_space<vmem>>, vector<1x128xf32>
    %sub3A_160 = vector.broadcast %slice3A_3 : vector<8x1xf32> to vector<8x128xf32>
    %sub3A_161 = vector.broadcast %get3A_159 : vector<1x128xf32> to vector<8x128xf32>
    %sub3A_162 = arith.subf %sub3A_160, %sub3A_161 : vector<8x128xf32>
    %mul3A_163 = arith.mulf %sub3A_150, %sub3A_150 : vector<8x128xf32>
    %mul3A_164 = arith.mulf %sub3A_156, %sub3A_156 : vector<8x128xf32>
    %add3A_165 = arith.addf %mul3A_163, %mul3A_164 : vector<8x128xf32>
    %mul3A_166 = arith.mulf %sub3A_162, %sub3A_162 : vector<8x128xf32>
    %add3A_167 = arith.addf %add3A_165, %mul3A_166 : vector<8x128xf32>
    %swap3A_168 = arith.constant 5 : index
    %swap3A_169 = arith.constant 0 : index
    %swap3A_170 = arith.constant 0 : index
    %swap3A_171 = vector.load %arg8[%swap3A_168, %swap3A_169, %swap3A_170] : memref<32x8x128xf32, #tpu.memory_space<vmem>>, vector<1x8x128xf32>
    %swap3A_172 = vector.shape_cast %swap3A_171 : vector<1x8x128xf32> to vector<8x128xf32>
    %swap3A_173 = vector.shape_cast %add3A_167 : vector<8x128xf32> to vector<1x8x128xf32>
    tpu.vector_store %arg8[%swap3A_168, %swap3A_169, %swap3A_170], %swap3A_173 {strides = array<i32>} : memref<32x8x128xf32, #tpu.memory_space<vmem>>, vector<1x8x128xf32>,
    %get3A_174 = arith.constant 6 : index
    %get3A_175 = arith.constant 0 : index
    %get3A_176 = vector.load %arg1[%get3A_174, %get3A_175] : memref<32x128xf32, #tpu.memory_space<vmem>>, vector<1x128xf32>
    %sub3A_177 = vector.broadcast %slice3A : vector<8x1xf32> to vector<8x128xf32>
    %sub3A_178 = vector.broadcast %get3A_176 : vector<1x128xf32> to vector<8x128xf32>
    %sub3A_179 = arith.subf %sub3A_177, %sub3A_178 : vector<8x128xf32>
    %get3A_180 = arith.constant 6 : index
    %get3A_181 = arith.constant 0 : index
    %get3A_182 = vector.load %arg2[%get3A_180, %get3A_181] : memref<32x128xf32, #tpu.memory_space<vmem>>, vector<1x128xf32>
    %sub3A_183 = vector.broadcast %slice3A_2 : vector<8x1xf32> to vector<8x128xf32>
    %sub3A_184 = vector.broadcast %get3A_182 : vector<1x128xf32> to vector<8x128xf32>
    %sub3A_185 = arith.subf %sub3A_183, %sub3A_184 : vector<8x128xf32>
    %get3A_186 = arith.constant 6 : index
    %get3A_187 = arith.constant 0 : index
    %get3A_188 = vector.load %arg3[%get3A_186, %get3A_187] : memref<32x128xf32, #tpu.memory_space<vmem>>, vector<1x128xf32>
    %sub3A_189 = vector.broadcast %slice3A_3 : vector<8x1xf32> to vector<8x128xf32>
    %sub3A_190 = vector.broadcast %get3A_188 : vector<1x128xf32> to vector<8x128xf32>
    %sub3A_191 = arith.subf %sub3A_189, %sub3A_190 : vector<8x128xf32>
    %mul3A_192 = arith.mulf %sub3A_179, %sub3A_179 : vector<8x128xf32>
    %mul3A_193 = arith.mulf %sub3A_185, %sub3A_185 : vector<8x128xf32>
    %add3A_194 = arith.addf %mul3A_192, %mul3A_193 : vector<8x128xf32>
    %mul3A_195 = arith.mulf %sub3A_191, %sub3A_191 : vector<8x128xf32>
    %add3A_196 = arith.addf %add3A_194, %mul3A_195 : vector<8x128xf32>
    %swap3A_197 = arith.constant 6 : index
    %swap3A_198 = arith.constant 0 : index
    %swap3A_199 = arith.constant 0 : index
    %swap3A_200 = vector.load %arg8[%swap3A_197, %swap3A_198, %swap3A_199] : memref<32x8x128xf32, #tpu.memory_space<vmem>>, vector<1x8x128xf32>
    %swap3A_201 = vector.shape_cast %swap3A_200 : vector<1x8x128xf32> to vector<8x128xf32>
    %swap3A_202 = vector.shape_cast %add3A_196 : vector<8x128xf32> to vector<1x8x128xf32>
    tpu.vector_store %arg8[%swap3A_197, %swap3A_198, %swap3A_199], %swap3A_202 {strides = array<i32>} : memref<32x8x128xf32, #tpu.memory_space<vmem>>, vector<1x8x128xf32>,
    %get3A_203 = arith.constant 7 : index
    %get3A_204 = arith.constant 0 : index
    %get3A_205 = vector.load %arg1[%get3A_203, %get3A_204] : memref<32x128xf32, #tpu.memory_space<vmem>>, vector<1x128xf32>
    %sub3A_206 = vector.broadcast %slice3A : vector<8x1xf32> to vector<8x128xf32>
    %sub3A_207 = vector.broadcast %get3A_205 : vector<1x128xf32> to vector<8x128xf32>
    %sub3A_208 = arith.subf %sub3A_206, %sub3A_207 : vector<8x128xf32>
    %get3A_209 = arith.constant 7 : index
    %get3A_210 = arith.constant 0 : index
    %get3A_211 = vector.load %arg2[%get3A_209, %get3A_210] : memref<32x128xf32, #tpu.memory_space<vmem>>, vector<1x128xf32>
    %sub3A_212 = vector.broadcast %slice3A_2 : vector<8x1xf32> to vector<8x128xf32>
    %sub3A_213 = vector.broadcast %get3A_211 : vector<1x128xf32> to vector<8x128xf32>
    %sub3A_214 = arith.subf %sub3A_212, %sub3A_213 : vector<8x128xf32>
    %get3A_215 = arith.constant 7 : index
    %get3A_216 = arith.constant 0 : index
    %get3A_217 = vector.load %arg3[%get3A_215, %get3A_216] : memref<32x128xf32, #tpu.memory_space<vmem>>, vector<1x128xf32>
    %sub3A_218 = vector.broadcast %slice3A_3 : vector<8x1xf32> to vector<8x128xf32>
    %sub3A_219 = vector.broadcast %get3A_217 : vector<1x128xf32> to vector<8x128xf32>
    %sub3A_220 = arith.subf %sub3A_218, %sub3A_219 : vector<8x128xf32>
    %mul3A_221 = arith.mulf %sub3A_208, %sub3A_208 : vector<8x128xf32>
    %mul3A_222 = arith.mulf %sub3A_214, %sub3A_214 : vector<8x128xf32>
    %add3A_223 = arith.addf %mul3A_221, %mul3A_222 : vector<8x128xf32>
    %mul3A_224 = arith.mulf %sub3A_220, %sub3A_220 : vector<8x128xf32>
    %add3A_225 = arith.addf %add3A_223, %mul3A_224 : vector<8x128xf32>
    %swap3A_226 = arith.constant 7 : index
    %swap3A_227 = arith.constant 0 : index
    %swap3A_228 = arith.constant 0 : index
    %swap3A_229 = vector.load %arg8[%swap3A_226, %swap3A_227, %swap3A_228] : memref<32x8x128xf32, #tpu.memory_space<vmem>>, vector<1x8x128xf32>
    %swap3A_230 = vector.shape_cast %swap3A_229 : vector<1x8x128xf32> to vector<8x128xf32>
    %swap3A_231 = vector.shape_cast %add3A_225 : vector<8x128xf32> to vector<1x8x128xf32>
    tpu.vector_store %arg8[%swap3A_226, %swap3A_227, %swap3A_228], %swap3A_231 {strides = array<i32>} : memref<32x8x128xf32, #tpu.memory_space<vmem>>, vector<1x8x128xf32>,
    %get3A_232 = arith.constant 8 : index
    %get3A_233 = arith.constant 0 : index
    %get3A_234 = vector.load %arg1[%get3A_232, %get3A_233] : memref<32x128xf32, #tpu.memory_space<vmem>>, vector<1x128xf32>
    %sub3A_235 = vector.broadcast %slice3A : vector<8x1xf32> to vector<8x128xf32>
    %sub3A_236 = vector.broadcast %get3A_234 : vector<1x128xf32> to vector<8x128xf32>
    %sub3A_237 = arith.subf %sub3A_235, %sub3A_236 : vector<8x128xf32>
    %get3A_238 = arith.constant 8 : index
    %get3A_239 = arith.constant 0 : index
    %get3A_240 = vector.load %arg2[%get3A_238, %get3A_239] : memref<32x128xf32, #tpu.memory_space<vmem>>, vector<1x128xf32>
    %sub3A_241 = vector.broadcast %slice3A_2 : vector<8x1xf32> to vector<8x128xf32>
    %sub3A_242 = vector.broadcast %get3A_240 : vector<1x128xf32> to vector<8x128xf32>
    %sub3A_243 = arith.subf %sub3A_241, %sub3A_242 : vector<8x128xf32>
    %get3A_244 = arith.constant 8 : index
    %get3A_245 = arith.constant 0 : index
    %get3A_246 = vector.load %arg3[%get3A_244, %get3A_245] : memref<32x128xf32, #tpu.memory_space<vmem>>, vector<1x128xf32>
    %sub3A_247 = vector.broadcast %slice3A_3 : vector<8x1xf32> to vector<8x128xf32>
    %sub3A_248 = vector.broadcast %get3A_246 : vector<1x128xf32> to vector<8x128xf32>
    %sub3A_249 = arith.subf %sub3A_247, %sub3A_248 : vector<8x128xf32>
    %mul3A_250 = arith.mulf %sub3A_237, %sub3A_237 : vector<8x128xf32>
    %mul3A_251 = arith.mulf %sub3A_243, %sub3A_243 : vector<8x128xf32>
    %add3A_252 = arith.addf %mul3A_250, %mul3A_251 : vector<8x128xf32>
    %mul3A_253 = arith.mulf %sub3A_249, %sub3A_249 : vector<8x128xf32>
    %add3A_254 = arith.addf %add3A_252, %mul3A_253 : vector<8x128xf32>
    %swap3A_255 = arith.constant 8 : index
    %swap3A_256 = arith.constant 0 : index
    %swap3A_257 = arith.constant 0 : index
    %swap3A_258 = vector.load %arg8[%swap3A_255, %swap3A_256, %swap3A_257] : memref<32x8x128xf32, #tpu.memory_space<vmem>>, vector<1x8x128xf32>
    %swap3A_259 = vector.shape_cast %swap3A_258 : vector<1x8x128xf32> to vector<8x128xf32>
    %swap3A_260 = vector.shape_cast %add3A_254 : vector<8x128xf32> to vector<1x8x128xf32>
    tpu.vector_store %arg8[%swap3A_255, %swap3A_256, %swap3A_257], %swap3A_260 {strides = array<i32>} : memref<32x8x128xf32, #tpu.memory_space<vmem>>, vector<1x8x128xf32>,
    %get3A_261 = arith.constant 9 : index
    %get3A_262 = arith.constant 0 : index
    %get3A_263 = vector.load %arg1[%get3A_261, %get3A_262] : memref<32x128xf32, #tpu.memory_space<vmem>>, vector<1x128xf32>
    %sub3A_264 = vector.broadcast %slice3A : vector<8x1xf32> to vector<8x128xf32>
    %sub3A_265 = vector.broadcast %get3A_263 : vector<1x128xf32> to vector<8x128xf32>
    %sub3A_266 = arith.subf %sub3A_264, %sub3A_265 : vector<8x128xf32>
    %get3A_267 = arith.constant 9 : index
    %get3A_268 = arith.constant 0 : index
    %get3A_269 = vector.load %arg2[%get3A_267, %get3A_268] : memref<32x128xf32, #tpu.memory_space<vmem>>, vector<1x128xf32>
    %sub3A_270 = vector.broadcast %slice3A_2 : vector<8x1xf32> to vector<8x128xf32>
    %sub3A_271 = vector.broadcast %get3A_269 : vector<1x128xf32> to vector<8x128xf32>
    %sub3A_272 = arith.subf %sub3A_270, %sub3A_271 : vector<8x128xf32>
    %get3A_273 = arith.constant 9 : index
    %get3A_274 = arith.constant 0 : index
    %get3A_275 = vector.load %arg3[%get3A_273, %get3A_274] : memref<32x128xf32, #tpu.memory_space<vmem>>, vector<1x128xf32>
    %sub3A_276 = vector.broadcast %slice3A_3 : vector<8x1xf32> to vector<8x128xf32>
    %sub3A_277 = vector.broadcast %get3A_275 : vector<1x128xf32> to vector<8x128xf32>
    %sub3A_278 = arith.subf %sub3A_276, %sub3A_277 : vector<8x128xf32>
    %mul3A_279 = arith.mulf %sub3A_266, %sub3A_266 : vector<8x128xf32>
    %mul3A_280 = arith.mulf %sub3A_272, %sub3A_272 : vector<8x128xf32>
    %add3A_281 = arith.addf %mul3A_279, %mul3A_280 : vector<8x128xf32>
    %mul3A_282 = arith.mulf %sub3A_278, %sub3A_278 : vector<8x128xf32>
    %add3A_283 = arith.addf %add3A_281, %mul3A_282 : vector<8x128xf32>
    %swap3A_284 = arith.constant 9 : index
    %swap3A_285 = arith.constant 0 : index
    %swap3A_286 = arith.constant 0 : index
    %swap3A_287 = vector.load %arg8[%swap3A_284, %swap3A_285, %swap3A_286] : memref<32x8x128xf32, #tpu.memory_space<vmem>>, vector<1x8x128xf32>
    %swap3A_288 = vector.shape_cast %swap3A_287 : vector<1x8x128xf32> to vector<8x128xf32>
    %swap3A_289 = vector.shape_cast %add3A_283 : vector<8x128xf32> to vector<1x8x128xf32>
    tpu.vector_store %arg8[%swap3A_284, %swap3A_285, %swap3A_286], %swap3A_289 {strides = array<i32>} : memref<32x8x128xf32, #tpu.memory_space<vmem>>, vector<1x8x128xf32>,
    %get3A_290 = arith.constant 10 : index
    %get3A_291 = arith.constant 0 : index
    %get3A_292 = vector.load %arg1[%get3A_290, %get3A_291] : memref<32x128xf32, #tpu.memory_space<vmem>>, vector<1x128xf32>
    %sub3A_293 = vector.broadcast %slice3A : vector<8x1xf32> to vector<8x128xf32>
    %sub3A_294 = vector.broadcast %get3A_292 : vector<1x128xf32> to vector<8x128xf32>
    %sub3A_295 = arith.subf %sub3A_293, %sub3A_294 : vector<8x128xf32>
    %get3A_296 = arith.constant 10 : index
    %get3A_297 = arith.constant 0 : index
    %get3A_298 = vector.load %arg2[%get3A_296, %get3A_297] : memref<32x128xf32, #tpu.memory_space<vmem>>, vector<1x128xf32>
    %sub3A_299 = vector.broadcast %slice3A_2 : vector<8x1xf32> to vector<8x128xf32>
    %sub3A_300 = vector.broadcast %get3A_298 : vector<1x128xf32> to vector<8x128xf32>
    %sub3A_301 = arith.subf %sub3A_299, %sub3A_300 : vector<8x128xf32>
    %get3A_302 = arith.constant 10 : index
    %get3A_303 = arith.constant 0 : index
    %get3A_304 = vector.load %arg3[%get3A_302, %get3A_303] : memref<32x128xf32, #tpu.memory_space<vmem>>, vector<1x128xf32>
    %sub3A_305 = vector.broadcast %slice3A_3 : vector<8x1xf32> to vector<8x128xf32>
    %sub3A_306 = vector.broadcast %get3A_304 : vector<1x128xf32> to vector<8x128xf32>
    %sub3A_307 = arith.subf %sub3A_305, %sub3A_306 : vector<8x128xf32>
    %mul3A_308 = arith.mulf %sub3A_295, %sub3A_295 : vector<8x128xf32>
    %mul3A_309 = arith.mulf %sub3A_301, %sub3A_301 : vector<8x128xf32>
    %add3A_310 = arith.addf %mul3A_308, %mul3A_309 : vector<8x128xf32>
    %mul3A_311 = arith.mulf %sub3A_307, %sub3A_307 : vector<8x128xf32>
    %add3A_312 = arith.addf %add3A_310, %mul3A_311 : vector<8x128xf32>
    %swap3A_313 = arith.constant 10 : index
    %swap3A_314 = arith.constant 0 : index
    %swap3A_315 = arith.constant 0 : index
    %swap3A_316 = vector.load %arg8[%swap3A_313, %swap3A_314, %swap3A_315] : memref<32x8x128xf32, #tpu.memory_space<vmem>>, vector<1x8x128xf32>
    %swap3A_317 = vector.shape_cast %swap3A_316 : vector<1x8x128xf32> to vector<8x128xf32>
    %swap3A_318 = vector.shape_cast %add3A_312 : vector<8x128xf32> to vector<1x8x128xf32>
    tpu.vector_store %arg8[%swap3A_313, %swap3A_314, %swap3A_315], %swap3A_318 {strides = array<i32>} : memref<32x8x128xf32, #tpu.memory_space<vmem>>, vector<1x8x128xf32>,
    %get3A_319 = arith.constant 11 : index
    %get3A_320 = arith.constant 0 : index
    %get3A_321 = vector.load %arg1[%get3A_319, %get3A_320] : memref<32x128xf32, #tpu.memory_space<vmem>>, vector<1x128xf32>
    %sub3A_322 = vector.broadcast %slice3A : vector<8x1xf32> to vector<8x128xf32>
    %sub3A_323 = vector.broadcast %get3A_321 : vector<1x128xf32> to vector<8x128xf32>
    %sub3A_324 = arith.subf %sub3A_322, %sub3A_323 : vector<8x128xf32>
    %get3A_325 = arith.constant 11 : index
    %get3A_326 = arith.constant 0 : index
    %get3A_327 = vector.load %arg2[%get3A_325, %get3A_326] : memref<32x128xf32, #tpu.memory_space<vmem>>, vector<1x128xf32>
    %sub3A_328 = vector.broadcast %slice3A_2 : vector<8x1xf32> to vector<8x128xf32>
    %sub3A_329 = vector.broadcast %get3A_327 : vector<1x128xf32> to vector<8x128xf32>
    %sub3A_330 = arith.subf %sub3A_328, %sub3A_329 : vector<8x128xf32>
    %get3A_331 = arith.constant 11 : index
    %get3A_332 = arith.constant 0 : index
    %get3A_333 = vector.load %arg3[%get3A_331, %get3A_332] : memref<32x128xf32, #tpu.memory_space<vmem>>, vector<1x128xf32>
    %sub3A_334 = vector.broadcast %slice3A_3 : vector<8x1xf32> to vector<8x128xf32>
    %sub3A_335 = vector.broadcast %get3A_333 : vector<1x128xf32> to vector<8x128xf32>
    %sub3A_336 = arith.subf %sub3A_334, %sub3A_335 : vector<8x128xf32>
    %mul3A_337 = arith.mulf %sub3A_324, %sub3A_324 : vector<8x128xf32>
    %mul3A_338 = arith.mulf %sub3A_330, %sub3A_330 : vector<8x128xf32>
    %add3A_339 = arith.addf %mul3A_337, %mul3A_338 : vector<8x128xf32>
    %mul3A_340 = arith.mulf %sub3A_336, %sub3A_336 : vector<8x128xf32>
    %add3A_341 = arith.addf %add3A_339, %mul3A_340 : vector<8x128xf32>
    %swap3A_342 = arith.constant 11 : index
    %swap3A_343 = arith.constant 0 : index
    %swap3A_344 = arith.constant 0 : index
    %swap3A_345 = vector.load %arg8[%swap3A_342, %swap3A_343, %swap3A_344] : memref<32x8x128xf32, #tpu.memory_space<vmem>>, vector<1x8x128xf32>
    %swap3A_346 = vector.shape_cast %swap3A_345 : vector<1x8x128xf32> to vector<8x128xf32>
    %swap3A_347 = vector.shape_cast %add3A_341 : vector<8x128xf32> to vector<1x8x128xf32>
    tpu.vector_store %arg8[%swap3A_342, %swap3A_343, %swap3A_344], %swap3A_347 {strides = array<i32>} : memref<32x8x128xf32, #tpu.memory_space<vmem>>, vector<1x8x128xf32>,
    %get3A_348 = arith.constant 12 : index
    %get3A_349 = arith.constant 0 : index
    %get3A_350 = vector.load %arg1[%get3A_348, %get3A_349] : memref<32x128xf32, #tpu.memory_space<vmem>>, vector<1x128xf32>
    %sub3A_351 = vector.broadcast %slice3A : vector<8x1xf32> to vector<8x128xf32>
    %sub3A_352 = vector.broadcast %get3A_350 : vector<1x128xf32> to vector<8x128xf32>
    %sub3A_353 = arith.subf %sub3A_351, %sub3A_352 : vector<8x128xf32>
    %get3A_354 = arith.constant 12 : index
    %get3A_355 = arith.constant 0 : index
    %get3A_356 = vector.load %arg2[%get3A_354, %get3A_355] : memref<32x128xf32, #tpu.memory_space<vmem>>, vector<1x128xf32>
    %sub3A_357 = vector.broadcast %slice3A_2 : vector<8x1xf32> to vector<8x128xf32>
    %sub3A_358 = vector.broadcast %get3A_356 : vector<1x128xf32> to vector<8x128xf32>
    %sub3A_359 = arith.subf %sub3A_357, %sub3A_358 : vector<8x128xf32>
    %get3A_360 = arith.constant 12 : index
    %get3A_361 = arith.constant 0 : index
    %get3A_362 = vector.load %arg3[%get3A_360, %get3A_361] : memref<32x128xf32, #tpu.memory_space<vmem>>, vector<1x128xf32>
    %sub3A_363 = vector.broadcast %slice3A_3 : vector<8x1xf32> to vector<8x128xf32>
    %sub3A_364 = vector.broadcast %get3A_362 : vector<1x128xf32> to vector<8x128xf32>
    %sub3A_365 = arith.subf %sub3A_363, %sub3A_364 : vector<8x128xf32>
    %mul3A_366 = arith.mulf %sub3A_353, %sub3A_353 : vector<8x128xf32>
    %mul3A_367 = arith.mulf %sub3A_359, %sub3A_359 : vector<8x128xf32>
    %add3A_368 = arith.addf %mul3A_366, %mul3A_367 : vector<8x128xf32>
    %mul3A_369 = arith.mulf %sub3A_365, %sub3A_365 : vector<8x128xf32>
    %add3A_370 = arith.addf %add3A_368, %mul3A_369 : vector<8x128xf32>
    %swap3A_371 = arith.constant 12 : index
    %swap3A_372 = arith.constant 0 : index
    %swap3A_373 = arith.constant 0 : index
    %swap3A_374 = vector.load %arg8[%swap3A_371, %swap3A_372, %swap3A_373] : memref<32x8x128xf32, #tpu.memory_space<vmem>>, vector<1x8x128xf32>
    %swap3A_375 = vector.shape_cast %swap3A_374 : vector<1x8x128xf32> to vector<8x128xf32>
    %swap3A_376 = vector.shape_cast %add3A_370 : vector<8x128xf32> to vector<1x8x128xf32>
    tpu.vector_store %arg8[%swap3A_371, %swap3A_372, %swap3A_373], %swap3A_376 {strides = array<i32>} : memref<32x8x128xf32, #tpu.memory_space<vmem>>, vector<1x8x128xf32>,
    %get3A_377 = arith.constant 13 : index
    %get3A_378 = arith.constant 0 : index
    %get3A_379 = vector.load %arg1[%get3A_377, %get3A_378] : memref<32x128xf32, #tpu.memory_space<vmem>>, vector<1x128xf32>
    %sub3A_380 = vector.broadcast %slice3A : vector<8x1xf32> to vector<8x128xf32>
    %sub3A_381 = vector.broadcast %get3A_379 : vector<1x128xf32> to vector<8x128xf32>
    %sub3A_382 = arith.subf %sub3A_380, %sub3A_381 : vector<8x128xf32>
    %get3A_383 = arith.constant 13 : index
    %get3A_384 = arith.constant 0 : index
    %get3A_385 = vector.load %arg2[%get3A_383, %get3A_384] : memref<32x128xf32, #tpu.memory_space<vmem>>, vector<1x128xf32>
    %sub3A_386 = vector.broadcast %slice3A_2 : vector<8x1xf32> to vector<8x128xf32>
    %sub3A_387 = vector.broadcast %get3A_385 : vector<1x128xf32> to vector<8x128xf32>
    %sub3A_388 = arith.subf %sub3A_386, %sub3A_387 : vector<8x128xf32>
    %get3A_389 = arith.constant 13 : index
    %get3A_390 = arith.constant 0 : index
    %get3A_391 = vector.load %arg3[%get3A_389, %get3A_390] : memref<32x128xf32, #tpu.memory_space<vmem>>, vector<1x128xf32>
    %sub3A_392 = vector.broadcast %slice3A_3 : vector<8x1xf32> to vector<8x128xf32>
    %sub3A_393 = vector.broadcast %get3A_391 : vector<1x128xf32> to vector<8x128xf32>
    %sub3A_394 = arith.subf %sub3A_392, %sub3A_393 : vector<8x128xf32>
    %mul3A_395 = arith.mulf %sub3A_382, %sub3A_382 : vector<8x128xf32>
    %mul3A_396 = arith.mulf %sub3A_388, %sub3A_388 : vector<8x128xf32>
    %add3A_397 = arith.addf %mul3A_395, %mul3A_396 : vector<8x128xf32>
    %mul3A_398 = arith.mulf %sub3A_394, %sub3A_394 : vector<8x128xf32>
    %add3A_399 = arith.addf %add3A_397, %mul3A_398 : vector<8x128xf32>
    %swap3A_400 = arith.constant 13 : index
    %swap3A_401 = arith.constant 0 : index
    %swap3A_402 = arith.constant 0 : index
    %swap3A_403 = vector.load %arg8[%swap3A_400, %swap3A_401, %swap3A_402] : memref<32x8x128xf32, #tpu.memory_space<vmem>>, vector<1x8x128xf32>
    %swap3A_404 = vector.shape_cast %swap3A_403 : vector<1x8x128xf32> to vector<8x128xf32>
    %swap3A_405 = vector.shape_cast %add3A_399 : vector<8x128xf32> to vector<1x8x128xf32>
    tpu.vector_store %arg8[%swap3A_400, %swap3A_401, %swap3A_402], %swap3A_405 {strides = array<i32>} : memref<32x8x128xf32, #tpu.memory_space<vmem>>, vector<1x8x128xf32>,
    %get3A_406 = arith.constant 14 : index
    %get3A_407 = arith.constant 0 : index
    %get3A_408 = vector.load %arg1[%get3A_406, %get3A_407] : memref<32x128xf32, #tpu.memory_space<vmem>>, vector<1x128xf32>
    %sub3A_409 = vector.broadcast %slice3A : vector<8x1xf32> to vector<8x128xf32>
    %sub3A_410 = vector.broadcast %get3A_408 : vector<1x128xf32> to vector<8x128xf32>
    %sub3A_411 = arith.subf %sub3A_409, %sub3A_410 : vector<8x128xf32>
    %get3A_412 = arith.constant 14 : index
    %get3A_413 = arith.constant 0 : index
    %get3A_414 = vector.load %arg2[%get3A_412, %get3A_413] : memref<32x128xf32, #tpu.memory_space<vmem>>, vector<1x128xf32>
    %sub3A_415 = vector.broadcast %slice3A_2 : vector<8x1xf32> to vector<8x128xf32>
    %sub3A_416 = vector.broadcast %get3A_414 : vector<1x128xf32> to vector<8x128xf32>
    %sub3A_417 = arith.subf %sub3A_415, %sub3A_416 : vector<8x128xf32>
    %get3A_418 = arith.constant 14 : index
    %get3A_419 = arith.constant 0 : index
    %get3A_420 = vector.load %arg3[%get3A_418, %get3A_419] : memref<32x128xf32, #tpu.memory_space<vmem>>, vector<1x128xf32>
    %sub3A_421 = vector.broadcast %slice3A_3 : vector<8x1xf32> to vector<8x128xf32>
    %sub3A_422 = vector.broadcast %get3A_420 : vector<1x128xf32> to vector<8x128xf32>
    %sub3A_423 = arith.subf %sub3A_421, %sub3A_422 : vector<8x128xf32>
    %mul3A_424 = arith.mulf %sub3A_411, %sub3A_411 : vector<8x128xf32>
    %mul3A_425 = arith.mulf %sub3A_417, %sub3A_417 : vector<8x128xf32>
    %add3A_426 = arith.addf %mul3A_424, %mul3A_425 : vector<8x128xf32>
    %mul3A_427 = arith.mulf %sub3A_423, %sub3A_423 : vector<8x128xf32>
    %add3A_428 = arith.addf %add3A_426, %mul3A_427 : vector<8x128xf32>
    %swap3A_429 = arith.constant 14 : index
    %swap3A_430 = arith.constant 0 : index
    %swap3A_431 = arith.constant 0 : index
    %swap3A_432 = vector.load %arg8[%swap3A_429, %swap3A_430, %swap3A_431] : memref<32x8x128xf32, #tpu.memory_space<vmem>>, vector<1x8x128xf32>
    %swap3A_433 = vector.shape_cast %swap3A_432 : vector<1x8x128xf32> to vector<8x128xf32>
    %swap3A_434 = vector.shape_cast %add3A_428 : vector<8x128xf32> to vector<1x8x128xf32>
    tpu.vector_store %arg8[%swap3A_429, %swap3A_430, %swap3A_431], %swap3A_434 {strides = array<i32>} : memref<32x8x128xf32, #tpu.memory_space<vmem>>, vector<1x8x128xf32>,
    %get3A_435 = arith.constant 15 : index
    %get3A_436 = arith.constant 0 : index
    %get3A_437 = vector.load %arg1[%get3A_435, %get3A_436] : memref<32x128xf32, #tpu.memory_space<vmem>>, vector<1x128xf32>
    %sub3A_438 = vector.broadcast %slice3A : vector<8x1xf32> to vector<8x128xf32>
    %sub3A_439 = vector.broadcast %get3A_437 : vector<1x128xf32> to vector<8x128xf32>
    %sub3A_440 = arith.subf %sub3A_438, %sub3A_439 : vector<8x128xf32>
    %get3A_441 = arith.constant 15 : index
    %get3A_442 = arith.constant 0 : index
    %get3A_443 = vector.load %arg2[%get3A_441, %get3A_442] : memref<32x128xf32, #tpu.memory_space<vmem>>, vector<1x128xf32>
    %sub3A_444 = vector.broadcast %slice3A_2 : vector<8x1xf32> to vector<8x128xf32>
    %sub3A_445 = vector.broadcast %get3A_443 : vector<1x128xf32> to vector<8x128xf32>
    %sub3A_446 = arith.subf %sub3A_444, %sub3A_445 : vector<8x128xf32>
    %get3A_447 = arith.constant 15 : index
    %get3A_448 = arith.constant 0 : index
    %get3A_449 = vector.load %arg3[%get3A_447, %get3A_448] : memref<32x128xf32, #tpu.memory_space<vmem>>, vector<1x128xf32>
    %sub3A_450 = vector.broadcast %slice3A_3 : vector<8x1xf32> to vector<8x128xf32>
    %sub3A_451 = vector.broadcast %get3A_449 : vector<1x128xf32> to vector<8x128xf32>
    %sub3A_452 = arith.subf %sub3A_450, %sub3A_451 : vector<8x128xf32>
    %mul3A_453 = arith.mulf %sub3A_440, %sub3A_440 : vector<8x128xf32>
    %mul3A_454 = arith.mulf %sub3A_446, %sub3A_446 : vector<8x128xf32>
    %add3A_455 = arith.addf %mul3A_453, %mul3A_454 : vector<8x128xf32>
    %mul3A_456 = arith.mulf %sub3A_452, %sub3A_452 : vector<8x128xf32>
    %add3A_457 = arith.addf %add3A_455, %mul3A_456 : vector<8x128xf32>
    %swap3A_458 = arith.constant 15 : index
    %swap3A_459 = arith.constant 0 : index
    %swap3A_460 = arith.constant 0 : index
    %swap3A_461 = vector.load %arg8[%swap3A_458, %swap3A_459, %swap3A_460] : memref<32x8x128xf32, #tpu.memory_space<vmem>>, vector<1x8x128xf32>
    %swap3A_462 = vector.shape_cast %swap3A_461 : vector<1x8x128xf32> to vector<8x128xf32>
    %swap3A_463 = vector.shape_cast %add3A_457 : vector<8x128xf32> to vector<1x8x128xf32>
    tpu.vector_store %arg8[%swap3A_458, %swap3A_459, %swap3A_460], %swap3A_463 {strides = array<i32>} : memref<32x8x128xf32, #tpu.memory_space<vmem>>, vector<1x8x128xf32>,
    %get3A_464 = arith.constant 16 : index
    %get3A_465 = arith.constant 0 : index
    %get3A_466 = vector.load %arg1[%get3A_464, %get3A_465] : memref<32x128xf32, #tpu.memory_space<vmem>>, vector<1x128xf32>
    %sub3A_467 = vector.broadcast %slice3A : vector<8x1xf32> to vector<8x128xf32>
    %sub3A_468 = vector.broadcast %get3A_466 : vector<1x128xf32> to vector<8x128xf32>
    %sub3A_469 = arith.subf %sub3A_467, %sub3A_468 : vector<8x128xf32>
    %get3A_470 = arith.constant 16 : index
    %get3A_471 = arith.constant 0 : index
    %get3A_472 = vector.load %arg2[%get3A_470, %get3A_471] : memref<32x128xf32, #tpu.memory_space<vmem>>, vector<1x128xf32>
    %sub3A_473 = vector.broadcast %slice3A_2 : vector<8x1xf32> to vector<8x128xf32>
    %sub3A_474 = vector.broadcast %get3A_472 : vector<1x128xf32> to vector<8x128xf32>
    %sub3A_475 = arith.subf %sub3A_473, %sub3A_474 : vector<8x128xf32>
    %get3A_476 = arith.constant 16 : index
    %get3A_477 = arith.constant 0 : index
    %get3A_478 = vector.load %arg3[%get3A_476, %get3A_477] : memref<32x128xf32, #tpu.memory_space<vmem>>, vector<1x128xf32>
    %sub3A_479 = vector.broadcast %slice3A_3 : vector<8x1xf32> to vector<8x128xf32>
    %sub3A_480 = vector.broadcast %get3A_478 : vector<1x128xf32> to vector<8x128xf32>
    %sub3A_481 = arith.subf %sub3A_479, %sub3A_480 : vector<8x128xf32>
    %mul3A_482 = arith.mulf %sub3A_469, %sub3A_469 : vector<8x128xf32>
    %mul3A_483 = arith.mulf %sub3A_475, %sub3A_475 : vector<8x128xf32>
    %add3A_484 = arith.addf %mul3A_482, %mul3A_483 : vector<8x128xf32>
    %mul3A_485 = arith.mulf %sub3A_481, %sub3A_481 : vector<8x128xf32>
    %add3A_486 = arith.addf %add3A_484, %mul3A_485 : vector<8x128xf32>
    %swap3A_487 = arith.constant 16 : index
    %swap3A_488 = arith.constant 0 : index
    %swap3A_489 = arith.constant 0 : index
    %swap3A_490 = vector.load %arg8[%swap3A_487, %swap3A_488, %swap3A_489] : memref<32x8x128xf32, #tpu.memory_space<vmem>>, vector<1x8x128xf32>
    %swap3A_491 = vector.shape_cast %swap3A_490 : vector<1x8x128xf32> to vector<8x128xf32>
    %swap3A_492 = vector.shape_cast %add3A_486 : vector<8x128xf32> to vector<1x8x128xf32>
    tpu.vector_store %arg8[%swap3A_487, %swap3A_488, %swap3A_489], %swap3A_492 {strides = array<i32>} : memref<32x8x128xf32, #tpu.memory_space<vmem>>, vector<1x8x128xf32>,
    %get3A_493 = arith.constant 17 : index
    %get3A_494 = arith.constant 0 : index
    %get3A_495 = vector.load %arg1[%get3A_493, %get3A_494] : memref<32x128xf32, #tpu.memory_space<vmem>>, vector<1x128xf32>
    %sub3A_496 = vector.broadcast %slice3A : vector<8x1xf32> to vector<8x128xf32>
    %sub3A_497 = vector.broadcast %get3A_495 : vector<1x128xf32> to vector<8x128xf32>
    %sub3A_498 = arith.subf %sub3A_496, %sub3A_497 : vector<8x128xf32>
    %get3A_499 = arith.constant 17 : index
    %get3A_500 = arith.constant 0 : index
    %get3A_501 = vector.load %arg2[%get3A_499, %get3A_500] : memref<32x128xf32, #tpu.memory_space<vmem>>, vector<1x128xf32>
    %sub3A_502 = vector.broadcast %slice3A_2 : vector<8x1xf32> to vector<8x128xf32>
    %sub3A_503 = vector.broadcast %get3A_501 : vector<1x128xf32> to vector<8x128xf32>
    %sub3A_504 = arith.subf %sub3A_502, %sub3A_503 : vector<8x128xf32>
    %get3A_505 = arith.constant 17 : index
    %get3A_506 = arith.constant 0 : index
    %get3A_507 = vector.load %arg3[%get3A_505, %get3A_506] : memref<32x128xf32, #tpu.memory_space<vmem>>, vector<1x128xf32>
    %sub3A_508 = vector.broadcast %slice3A_3 : vector<8x1xf32> to vector<8x128xf32>
    %sub3A_509 = vector.broadcast %get3A_507 : vector<1x128xf32> to vector<8x128xf32>
    %sub3A_510 = arith.subf %sub3A_508, %sub3A_509 : vector<8x128xf32>
    %mul3A_511 = arith.mulf %sub3A_498, %sub3A_498 : vector<8x128xf32>
    %mul3A_512 = arith.mulf %sub3A_504, %sub3A_504 : vector<8x128xf32>
    %add3A_513 = arith.addf %mul3A_511, %mul3A_512 : vector<8x128xf32>
    %mul3A_514 = arith.mulf %sub3A_510, %sub3A_510 : vector<8x128xf32>
    %add3A_515 = arith.addf %add3A_513, %mul3A_514 : vector<8x128xf32>
    %swap3A_516 = arith.constant 17 : index
    %swap3A_517 = arith.constant 0 : index
    %swap3A_518 = arith.constant 0 : index
    %swap3A_519 = vector.load %arg8[%swap3A_516, %swap3A_517, %swap3A_518] : memref<32x8x128xf32, #tpu.memory_space<vmem>>, vector<1x8x128xf32>
    %swap3A_520 = vector.shape_cast %swap3A_519 : vector<1x8x128xf32> to vector<8x128xf32>
    %swap3A_521 = vector.shape_cast %add3A_515 : vector<8x128xf32> to vector<1x8x128xf32>
    tpu.vector_store %arg8[%swap3A_516, %swap3A_517, %swap3A_518], %swap3A_521 {strides = array<i32>} : memref<32x8x128xf32, #tpu.memory_space<vmem>>, vector<1x8x128xf32>,
    %get3A_522 = arith.constant 18 : index
    %get3A_523 = arith.constant 0 : index
    %get3A_524 = vector.load %arg1[%get3A_522, %get3A_523] : memref<32x128xf32, #tpu.memory_space<vmem>>, vector<1x128xf32>
    %sub3A_525 = vector.broadcast %slice3A : vector<8x1xf32> to vector<8x128xf32>
    %sub3A_526 = vector.broadcast %get3A_524 : vector<1x128xf32> to vector<8x128xf32>
    %sub3A_527 = arith.subf %sub3A_525, %sub3A_526 : vector<8x128xf32>
    %get3A_528 = arith.constant 18 : index
    %get3A_529 = arith.constant 0 : index
    %get3A_530 = vector.load %arg2[%get3A_528, %get3A_529] : memref<32x128xf32, #tpu.memory_space<vmem>>, vector<1x128xf32>
    %sub3A_531 = vector.broadcast %slice3A_2 : vector<8x1xf32> to vector<8x128xf32>
    %sub3A_532 = vector.broadcast %get3A_530 : vector<1x128xf32> to vector<8x128xf32>
    %sub3A_533 = arith.subf %sub3A_531, %sub3A_532 : vector<8x128xf32>
    %get3A_534 = arith.constant 18 : index
    %get3A_535 = arith.constant 0 : index
    %get3A_536 = vector.load %arg3[%get3A_534, %get3A_535] : memref<32x128xf32, #tpu.memory_space<vmem>>, vector<1x128xf32>
    %sub3A_537 = vector.broadcast %slice3A_3 : vector<8x1xf32> to vector<8x128xf32>
    %sub3A_538 = vector.broadcast %get3A_536 : vector<1x128xf32> to vector<8x128xf32>
    %sub3A_539 = arith.subf %sub3A_537, %sub3A_538 : vector<8x128xf32>
    %mul3A_540 = arith.mulf %sub3A_527, %sub3A_527 : vector<8x128xf32>
    %mul3A_541 = arith.mulf %sub3A_533, %sub3A_533 : vector<8x128xf32>
    %add3A_542 = arith.addf %mul3A_540, %mul3A_541 : vector<8x128xf32>
    %mul3A_543 = arith.mulf %sub3A_539, %sub3A_539 : vector<8x128xf32>
    %add3A_544 = arith.addf %add3A_542, %mul3A_543 : vector<8x128xf32>
    %swap3A_545 = arith.constant 18 : index
    %swap3A_546 = arith.constant 0 : index
    %swap3A_547 = arith.constant 0 : index
    %swap3A_548 = vector.load %arg8[%swap3A_545, %swap3A_546, %swap3A_547] : memref<32x8x128xf32, #tpu.memory_space<vmem>>, vector<1x8x128xf32>
    %swap3A_549 = vector.shape_cast %swap3A_548 : vector<1x8x128xf32> to vector<8x128xf32>
    %swap3A_550 = vector.shape_cast %add3A_544 : vector<8x128xf32> to vector<1x8x128xf32>
    tpu.vector_store %arg8[%swap3A_545, %swap3A_546, %swap3A_547], %swap3A_550 {strides = array<i32>} : memref<32x8x128xf32, #tpu.memory_space<vmem>>, vector<1x8x128xf32>,
    %get3A_551 = arith.constant 19 : index
    %get3A_552 = arith.constant 0 : index
    %get3A_553 = vector.load %arg1[%get3A_551, %get3A_552] : memref<32x128xf32, #tpu.memory_space<vmem>>, vector<1x128xf32>
    %sub3A_554 = vector.broadcast %slice3A : vector<8x1xf32> to vector<8x128xf32>
    %sub3A_555 = vector.broadcast %get3A_553 : vector<1x128xf32> to vector<8x128xf32>
    %sub3A_556 = arith.subf %sub3A_554, %sub3A_555 : vector<8x128xf32>
    %get3A_557 = arith.constant 19 : index
    %get3A_558 = arith.constant 0 : index
    %get3A_559 = vector.load %arg2[%get3A_557, %get3A_558] : memref<32x128xf32, #tpu.memory_space<vmem>>, vector<1x128xf32>
    %sub3A_560 = vector.broadcast %slice3A_2 : vector<8x1xf32> to vector<8x128xf32>
    %sub3A_561 = vector.broadcast %get3A_559 : vector<1x128xf32> to vector<8x128xf32>
    %sub3A_562 = arith.subf %sub3A_560, %sub3A_561 : vector<8x128xf32>
    %get3A_563 = arith.constant 19 : index
    %get3A_564 = arith.constant 0 : index
    %get3A_565 = vector.load %arg3[%get3A_563, %get3A_564] : memref<32x128xf32, #tpu.memory_space<vmem>>, vector<1x128xf32>
    %sub3A_566 = vector.broadcast %slice3A_3 : vector<8x1xf32> to vector<8x128xf32>
    %sub3A_567 = vector.broadcast %get3A_565 : vector<1x128xf32> to vector<8x128xf32>
    %sub3A_568 = arith.subf %sub3A_566, %sub3A_567 : vector<8x128xf32>
    %mul3A_569 = arith.mulf %sub3A_556, %sub3A_556 : vector<8x128xf32>
    %mul3A_570 = arith.mulf %sub3A_562, %sub3A_562 : vector<8x128xf32>
    %add3A_571 = arith.addf %mul3A_569, %mul3A_570 : vector<8x128xf32>
    %mul3A_572 = arith.mulf %sub3A_568, %sub3A_568 : vector<8x128xf32>
    %add3A_573 = arith.addf %add3A_571, %mul3A_572 : vector<8x128xf32>
    %swap3A_574 = arith.constant 19 : index
    %swap3A_575 = arith.constant 0 : index
    %swap3A_576 = arith.constant 0 : index
    %swap3A_577 = vector.load %arg8[%swap3A_574, %swap3A_575, %swap3A_576] : memref<32x8x128xf32, #tpu.memory_space<vmem>>, vector<1x8x128xf32>
    %swap3A_578 = vector.shape_cast %swap3A_577 : vector<1x8x128xf32> to vector<8x128xf32>
    %swap3A_579 = vector.shape_cast %add3A_573 : vector<8x128xf32> to vector<1x8x128xf32>
    tpu.vector_store %arg8[%swap3A_574, %swap3A_575, %swap3A_576], %swap3A_579 {strides = array<i32>} : memref<32x8x128xf32, #tpu.memory_space<vmem>>, vector<1x8x128xf32>,
    %get3A_580 = arith.constant 20 : index
    %get3A_581 = arith.constant 0 : index
    %get3A_582 = vector.load %arg1[%get3A_580, %get3A_581] : memref<32x128xf32, #tpu.memory_space<vmem>>, vector<1x128xf32>
    %sub3A_583 = vector.broadcast %slice3A : vector<8x1xf32> to vector<8x128xf32>
    %sub3A_584 = vector.broadcast %get3A_582 : vector<1x128xf32> to vector<8x128xf32>
    %sub3A_585 = arith.subf %sub3A_583, %sub3A_584 : vector<8x128xf32>
    %get3A_586 = arith.constant 20 : index
    %get3A_587 = arith.constant 0 : index
    %get3A_588 = vector.load %arg2[%get3A_586, %get3A_587] : memref<32x128xf32, #tpu.memory_space<vmem>>, vector<1x128xf32>
    %sub3A_589 = vector.broadcast %slice3A_2 : vector<8x1xf32> to vector<8x128xf32>
    %sub3A_590 = vector.broadcast %get3A_588 : vector<1x128xf32> to vector<8x128xf32>
    %sub3A_591 = arith.subf %sub3A_589, %sub3A_590 : vector<8x128xf32>
    %get3A_592 = arith.constant 20 : index
    %get3A_593 = arith.constant 0 : index
    %get3A_594 = vector.load %arg3[%get3A_592, %get3A_593] : memref<32x128xf32, #tpu.memory_space<vmem>>, vector<1x128xf32>
    %sub3A_595 = vector.broadcast %slice3A_3 : vector<8x1xf32> to vector<8x128xf32>
    %sub3A_596 = vector.broadcast %get3A_594 : vector<1x128xf32> to vector<8x128xf32>
    %sub3A_597 = arith.subf %sub3A_595, %sub3A_596 : vector<8x128xf32>
    %mul3A_598 = arith.mulf %sub3A_585, %sub3A_585 : vector<8x128xf32>
    %mul3A_599 = arith.mulf %sub3A_591, %sub3A_591 : vector<8x128xf32>
    %add3A_600 = arith.addf %mul3A_598, %mul3A_599 : vector<8x128xf32>
    %mul3A_601 = arith.mulf %sub3A_597, %sub3A_597 : vector<8x128xf32>
    %add3A_602 = arith.addf %add3A_600, %mul3A_601 : vector<8x128xf32>
    %swap3A_603 = arith.constant 20 : index
    %swap3A_604 = arith.constant 0 : index
    %swap3A_605 = arith.constant 0 : index
    %swap3A_606 = vector.load %arg8[%swap3A_603, %swap3A_604, %swap3A_605] : memref<32x8x128xf32, #tpu.memory_space<vmem>>, vector<1x8x128xf32>
    %swap3A_607 = vector.shape_cast %swap3A_606 : vector<1x8x128xf32> to vector<8x128xf32>
    %swap3A_608 = vector.shape_cast %add3A_602 : vector<8x128xf32> to vector<1x8x128xf32>
    tpu.vector_store %arg8[%swap3A_603, %swap3A_604, %swap3A_605], %swap3A_608 {strides = array<i32>} : memref<32x8x128xf32, #tpu.memory_space<vmem>>, vector<1x8x128xf32>,
    %get3A_609 = arith.constant 21 : index
    %get3A_610 = arith.constant 0 : index
    %get3A_611 = vector.load %arg1[%get3A_609, %get3A_610] : memref<32x128xf32, #tpu.memory_space<vmem>>, vector<1x128xf32>
    %sub3A_612 = vector.broadcast %slice3A : vector<8x1xf32> to vector<8x128xf32>
    %sub3A_613 = vector.broadcast %get3A_611 : vector<1x128xf32> to vector<8x128xf32>
    %sub3A_614 = arith.subf %sub3A_612, %sub3A_613 : vector<8x128xf32>
    %get3A_615 = arith.constant 21 : index
    %get3A_616 = arith.constant 0 : index
    %get3A_617 = vector.load %arg2[%get3A_615, %get3A_616] : memref<32x128xf32, #tpu.memory_space<vmem>>, vector<1x128xf32>
    %sub3A_618 = vector.broadcast %slice3A_2 : vector<8x1xf32> to vector<8x128xf32>
    %sub3A_619 = vector.broadcast %get3A_617 : vector<1x128xf32> to vector<8x128xf32>
    %sub3A_620 = arith.subf %sub3A_618, %sub3A_619 : vector<8x128xf32>
    %get3A_621 = arith.constant 21 : index
    %get3A_622 = arith.constant 0 : index
    %get3A_623 = vector.load %arg3[%get3A_621, %get3A_622] : memref<32x128xf32, #tpu.memory_space<vmem>>, vector<1x128xf32>
    %sub3A_624 = vector.broadcast %slice3A_3 : vector<8x1xf32> to vector<8x128xf32>
    %sub3A_625 = vector.broadcast %get3A_623 : vector<1x128xf32> to vector<8x128xf32>
    %sub3A_626 = arith.subf %sub3A_624, %sub3A_625 : vector<8x128xf32>
    %mul3A_627 = arith.mulf %sub3A_614, %sub3A_614 : vector<8x128xf32>
    %mul3A_628 = arith.mulf %sub3A_620, %sub3A_620 : vector<8x128xf32>
    %add3A_629 = arith.addf %mul3A_627, %mul3A_628 : vector<8x128xf32>
    %mul3A_630 = arith.mulf %sub3A_626, %sub3A_626 : vector<8x128xf32>
    %add3A_631 = arith.addf %add3A_629, %mul3A_630 : vector<8x128xf32>
    %swap3A_632 = arith.constant 21 : index
    %swap3A_633 = arith.constant 0 : index
    %swap3A_634 = arith.constant 0 : index
    %swap3A_635 = vector.load %arg8[%swap3A_632, %swap3A_633, %swap3A_634] : memref<32x8x128xf32, #tpu.memory_space<vmem>>, vector<1x8x128xf32>
    %swap3A_636 = vector.shape_cast %swap3A_635 : vector<1x8x128xf32> to vector<8x128xf32>
    %swap3A_637 = vector.shape_cast %add3A_631 : vector<8x128xf32> to vector<1x8x128xf32>
    tpu.vector_store %arg8[%swap3A_632, %swap3A_633, %swap3A_634], %swap3A_637 {strides = array<i32>} : memref<32x8x128xf32, #tpu.memory_space<vmem>>, vector<1x8x128xf32>,
    %get3A_638 = arith.constant 22 : index
    %get3A_639 = arith.constant 0 : index
    %get3A_640 = vector.load %arg1[%get3A_638, %get3A_639] : memref<32x128xf32, #tpu.memory_space<vmem>>, vector<1x128xf32>
    %sub3A_641 = vector.broadcast %slice3A : vector<8x1xf32> to vector<8x128xf32>
    %sub3A_642 = vector.broadcast %get3A_640 : vector<1x128xf32> to vector<8x128xf32>
    %sub3A_643 = arith.subf %sub3A_641, %sub3A_642 : vector<8x128xf32>
    %get3A_644 = arith.constant 22 : index
    %get3A_645 = arith.constant 0 : index
    %get3A_646 = vector.load %arg2[%get3A_644, %get3A_645] : memref<32x128xf32, #tpu.memory_space<vmem>>, vector<1x128xf32>
    %sub3A_647 = vector.broadcast %slice3A_2 : vector<8x1xf32> to vector<8x128xf32>
    %sub3A_648 = vector.broadcast %get3A_646 : vector<1x128xf32> to vector<8x128xf32>
    %sub3A_649 = arith.subf %sub3A_647, %sub3A_648 : vector<8x128xf32>
    %get3A_650 = arith.constant 22 : index
    %get3A_651 = arith.constant 0 : index
    %get3A_652 = vector.load %arg3[%get3A_650, %get3A_651] : memref<32x128xf32, #tpu.memory_space<vmem>>, vector<1x128xf32>
    %sub3A_653 = vector.broadcast %slice3A_3 : vector<8x1xf32> to vector<8x128xf32>
    %sub3A_654 = vector.broadcast %get3A_652 : vector<1x128xf32> to vector<8x128xf32>
    %sub3A_655 = arith.subf %sub3A_653, %sub3A_654 : vector<8x128xf32>
    %mul3A_656 = arith.mulf %sub3A_643, %sub3A_643 : vector<8x128xf32>
    %mul3A_657 = arith.mulf %sub3A_649, %sub3A_649 : vector<8x128xf32>
    %add3A_658 = arith.addf %mul3A_656, %mul3A_657 : vector<8x128xf32>
    %mul3A_659 = arith.mulf %sub3A_655, %sub3A_655 : vector<8x128xf32>
    %add3A_660 = arith.addf %add3A_658, %mul3A_659 : vector<8x128xf32>
    %swap3A_661 = arith.constant 22 : index
    %swap3A_662 = arith.constant 0 : index
    %swap3A_663 = arith.constant 0 : index
    %swap3A_664 = vector.load %arg8[%swap3A_661, %swap3A_662, %swap3A_663] : memref<32x8x128xf32, #tpu.memory_space<vmem>>, vector<1x8x128xf32>
    %swap3A_665 = vector.shape_cast %swap3A_664 : vector<1x8x128xf32> to vector<8x128xf32>
    %swap3A_666 = vector.shape_cast %add3A_660 : vector<8x128xf32> to vector<1x8x128xf32>
    tpu.vector_store %arg8[%swap3A_661, %swap3A_662, %swap3A_663], %swap3A_666 {strides = array<i32>} : memref<32x8x128xf32, #tpu.memory_space<vmem>>, vector<1x8x128xf32>,
    %get3A_667 = arith.constant 23 : index
    %get3A_668 = arith.constant 0 : index
    %get3A_669 = vector.load %arg1[%get3A_667, %get3A_668] : memref<32x128xf32, #tpu.memory_space<vmem>>, vector<1x128xf32>
    %sub3A_670 = vector.broadcast %slice3A : vector<8x1xf32> to vector<8x128xf32>
    %sub3A_671 = vector.broadcast %get3A_669 : vector<1x128xf32> to vector<8x128xf32>
    %sub3A_672 = arith.subf %sub3A_670, %sub3A_671 : vector<8x128xf32>
    %get3A_673 = arith.constant 23 : index
    %get3A_674 = arith.constant 0 : index
    %get3A_675 = vector.load %arg2[%get3A_673, %get3A_674] : memref<32x128xf32, #tpu.memory_space<vmem>>, vector<1x128xf32>
    %sub3A_676 = vector.broadcast %slice3A_2 : vector<8x1xf32> to vector<8x128xf32>
    %sub3A_677 = vector.broadcast %get3A_675 : vector<1x128xf32> to vector<8x128xf32>
    %sub3A_678 = arith.subf %sub3A_676, %sub3A_677 : vector<8x128xf32>
    %get3A_679 = arith.constant 23 : index
    %get3A_680 = arith.constant 0 : index
    %get3A_681 = vector.load %arg3[%get3A_679, %get3A_680] : memref<32x128xf32, #tpu.memory_space<vmem>>, vector<1x128xf32>
    %sub3A_682 = vector.broadcast %slice3A_3 : vector<8x1xf32> to vector<8x128xf32>
    %sub3A_683 = vector.broadcast %get3A_681 : vector<1x128xf32> to vector<8x128xf32>
    %sub3A_684 = arith.subf %sub3A_682, %sub3A_683 : vector<8x128xf32>
    %mul3A_685 = arith.mulf %sub3A_672, %sub3A_672 : vector<8x128xf32>
    %mul3A_686 = arith.mulf %sub3A_678, %sub3A_678 : vector<8x128xf32>
    %add3A_687 = arith.addf %mul3A_685, %mul3A_686 : vector<8x128xf32>
    %mul3A_688 = arith.mulf %sub3A_684, %sub3A_684 : vector<8x128xf32>
    %add3A_689 = arith.addf %add3A_687, %mul3A_688 : vector<8x128xf32>
    %swap3A_690 = arith.constant 23 : index
    %swap3A_691 = arith.constant 0 : index
    %swap3A_692 = arith.constant 0 : index
    %swap3A_693 = vector.load %arg8[%swap3A_690, %swap3A_691, %swap3A_692] : memref<32x8x128xf32, #tpu.memory_space<vmem>>, vector<1x8x128xf32>
    %swap3A_694 = vector.shape_cast %swap3A_693 : vector<1x8x128xf32> to vector<8x128xf32>
    %swap3A_695 = vector.shape_cast %add3A_689 : vector<8x128xf32> to vector<1x8x128xf32>
    tpu.vector_store %arg8[%swap3A_690, %swap3A_691, %swap3A_692], %swap3A_695 {strides = array<i32>} : memref<32x8x128xf32, #tpu.memory_space<vmem>>, vector<1x8x128xf32>,
    %get3A_696 = arith.constant 24 : index
    %get3A_697 = arith.constant 0 : index
    %get3A_698 = vector.load %arg1[%get3A_696, %get3A_697] : memref<32x128xf32, #tpu.memory_space<vmem>>, vector<1x128xf32>
    %sub3A_699 = vector.broadcast %slice3A : vector<8x1xf32> to vector<8x128xf32>
    %sub3A_700 = vector.broadcast %get3A_698 : vector<1x128xf32> to vector<8x128xf32>
    %sub3A_701 = arith.subf %sub3A_699, %sub3A_700 : vector<8x128xf32>
    %get3A_702 = arith.constant 24 : index
    %get3A_703 = arith.constant 0 : index
    %get3A_704 = vector.load %arg2[%get3A_702, %get3A_703] : memref<32x128xf32, #tpu.memory_space<vmem>>, vector<1x128xf32>
    %sub3A_705 = vector.broadcast %slice3A_2 : vector<8x1xf32> to vector<8x128xf32>
    %sub3A_706 = vector.broadcast %get3A_704 : vector<1x128xf32> to vector<8x128xf32>
    %sub3A_707 = arith.subf %sub3A_705, %sub3A_706 : vector<8x128xf32>
    %get3A_708 = arith.constant 24 : index
    %get3A_709 = arith.constant 0 : index
    %get3A_710 = vector.load %arg3[%get3A_708, %get3A_709] : memref<32x128xf32, #tpu.memory_space<vmem>>, vector<1x128xf32>
    %sub3A_711 = vector.broadcast %slice3A_3 : vector<8x1xf32> to vector<8x128xf32>
    %sub3A_712 = vector.broadcast %get3A_710 : vector<1x128xf32> to vector<8x128xf32>
    %sub3A_713 = arith.subf %sub3A_711, %sub3A_712 : vector<8x128xf32>
    %mul3A_714 = arith.mulf %sub3A_701, %sub3A_701 : vector<8x128xf32>
    %mul3A_715 = arith.mulf %sub3A_707, %sub3A_707 : vector<8x128xf32>
    %add3A_716 = arith.addf %mul3A_714, %mul3A_715 : vector<8x128xf32>
    %mul3A_717 = arith.mulf %sub3A_713, %sub3A_713 : vector<8x128xf32>
    %add3A_718 = arith.addf %add3A_716, %mul3A_717 : vector<8x128xf32>
    %swap3A_719 = arith.constant 24 : index
    %swap3A_720 = arith.constant 0 : index
    %swap3A_721 = arith.constant 0 : index
    %swap3A_722 = vector.load %arg8[%swap3A_719, %swap3A_720, %swap3A_721] : memref<32x8x128xf32, #tpu.memory_space<vmem>>, vector<1x8x128xf32>
    %swap3A_723 = vector.shape_cast %swap3A_722 : vector<1x8x128xf32> to vector<8x128xf32>
    %swap3A_724 = vector.shape_cast %add3A_718 : vector<8x128xf32> to vector<1x8x128xf32>
    tpu.vector_store %arg8[%swap3A_719, %swap3A_720, %swap3A_721], %swap3A_724 {strides = array<i32>} : memref<32x8x128xf32, #tpu.memory_space<vmem>>, vector<1x8x128xf32>,
    %get3A_725 = arith.constant 25 : index
    %get3A_726 = arith.constant 0 : index
    %get3A_727 = vector.load %arg1[%get3A_725, %get3A_726] : memref<32x128xf32, #tpu.memory_space<vmem>>, vector<1x128xf32>
    %sub3A_728 = vector.broadcast %slice3A : vector<8x1xf32> to vector<8x128xf32>
    %sub3A_729 = vector.broadcast %get3A_727 : vector<1x128xf32> to vector<8x128xf32>
    %sub3A_730 = arith.subf %sub3A_728, %sub3A_729 : vector<8x128xf32>
    %get3A_731 = arith.constant 25 : index
    %get3A_732 = arith.constant 0 : index
    %get3A_733 = vector.load %arg2[%get3A_731, %get3A_732] : memref<32x128xf32, #tpu.memory_space<vmem>>, vector<1x128xf32>
    %sub3A_734 = vector.broadcast %slice3A_2 : vector<8x1xf32> to vector<8x128xf32>
    %sub3A_735 = vector.broadcast %get3A_733 : vector<1x128xf32> to vector<8x128xf32>
    %sub3A_736 = arith.subf %sub3A_734, %sub3A_735 : vector<8x128xf32>
    %get3A_737 = arith.constant 25 : index
    %get3A_738 = arith.constant 0 : index
    %get3A_739 = vector.load %arg3[%get3A_737, %get3A_738] : memref<32x128xf32, #tpu.memory_space<vmem>>, vector<1x128xf32>
    %sub3A_740 = vector.broadcast %slice3A_3 : vector<8x1xf32> to vector<8x128xf32>
    %sub3A_741 = vector.broadcast %get3A_739 : vector<1x128xf32> to vector<8x128xf32>
    %sub3A_742 = arith.subf %sub3A_740, %sub3A_741 : vector<8x128xf32>
    %mul3A_743 = arith.mulf %sub3A_730, %sub3A_730 : vector<8x128xf32>
    %mul3A_744 = arith.mulf %sub3A_736, %sub3A_736 : vector<8x128xf32>
    %add3A_745 = arith.addf %mul3A_743, %mul3A_744 : vector<8x128xf32>
    %mul3A_746 = arith.mulf %sub3A_742, %sub3A_742 : vector<8x128xf32>
    %add3A_747 = arith.addf %add3A_745, %mul3A_746 : vector<8x128xf32>
    %swap3A_748 = arith.constant 25 : index
    %swap3A_749 = arith.constant 0 : index
    %swap3A_750 = arith.constant 0 : index
    %swap3A_751 = vector.load %arg8[%swap3A_748, %swap3A_749, %swap3A_750] : memref<32x8x128xf32, #tpu.memory_space<vmem>>, vector<1x8x128xf32>
    %swap3A_752 = vector.shape_cast %swap3A_751 : vector<1x8x128xf32> to vector<8x128xf32>
    %swap3A_753 = vector.shape_cast %add3A_747 : vector<8x128xf32> to vector<1x8x128xf32>
    tpu.vector_store %arg8[%swap3A_748, %swap3A_749, %swap3A_750], %swap3A_753 {strides = array<i32>} : memref<32x8x128xf32, #tpu.memory_space<vmem>>, vector<1x8x128xf32>,
    %get3A_754 = arith.constant 26 : index
    %get3A_755 = arith.constant 0 : index
    %get3A_756 = vector.load %arg1[%get3A_754, %get3A_755] : memref<32x128xf32, #tpu.memory_space<vmem>>, vector<1x128xf32>
    %sub3A_757 = vector.broadcast %slice3A : vector<8x1xf32> to vector<8x128xf32>
    %sub3A_758 = vector.broadcast %get3A_756 : vector<1x128xf32> to vector<8x128xf32>
    %sub3A_759 = arith.subf %sub3A_757, %sub3A_758 : vector<8x128xf32>
    %get3A_760 = arith.constant 26 : index
    %get3A_761 = arith.constant 0 : index
    %get3A_762 = vector.load %arg2[%get3A_760, %get3A_761] : memref<32x128xf32, #tpu.memory_space<vmem>>, vector<1x128xf32>
    %sub3A_763 = vector.broadcast %slice3A_2 : vector<8x1xf32> to vector<8x128xf32>
    %sub3A_764 = vector.broadcast %get3A_762 : vector<1x128xf32> to vector<8x128xf32>
    %sub3A_765 = arith.subf %sub3A_763, %sub3A_764 : vector<8x128xf32>
    %get3A_766 = arith.constant 26 : index
    %get3A_767 = arith.constant 0 : index
    %get3A_768 = vector.load %arg3[%get3A_766, %get3A_767] : memref<32x128xf32, #tpu.memory_space<vmem>>, vector<1x128xf32>
    %sub3A_769 = vector.broadcast %slice3A_3 : vector<8x1xf32> to vector<8x128xf32>
    %sub3A_770 = vector.broadcast %get3A_768 : vector<1x128xf32> to vector<8x128xf32>
    %sub3A_771 = arith.subf %sub3A_769, %sub3A_770 : vector<8x128xf32>
    %mul3A_772 = arith.mulf %sub3A_759, %sub3A_759 : vector<8x128xf32>
    %mul3A_773 = arith.mulf %sub3A_765, %sub3A_765 : vector<8x128xf32>
    %add3A_774 = arith.addf %mul3A_772, %mul3A_773 : vector<8x128xf32>
    %mul3A_775 = arith.mulf %sub3A_771, %sub3A_771 : vector<8x128xf32>
    %add3A_776 = arith.addf %add3A_774, %mul3A_775 : vector<8x128xf32>
    %swap3A_777 = arith.constant 26 : index
    %swap3A_778 = arith.constant 0 : index
    %swap3A_779 = arith.constant 0 : index
    %swap3A_780 = vector.load %arg8[%swap3A_777, %swap3A_778, %swap3A_779] : memref<32x8x128xf32, #tpu.memory_space<vmem>>, vector<1x8x128xf32>
    %swap3A_781 = vector.shape_cast %swap3A_780 : vector<1x8x128xf32> to vector<8x128xf32>
    %swap3A_782 = vector.shape_cast %add3A_776 : vector<8x128xf32> to vector<1x8x128xf32>
    tpu.vector_store %arg8[%swap3A_777, %swap3A_778, %swap3A_779], %swap3A_782 {strides = array<i32>} : memref<32x8x128xf32, #tpu.memory_space<vmem>>, vector<1x8x128xf32>,
    %get3A_783 = arith.constant 27 : index
    %get3A_784 = arith.constant 0 : index
    %get3A_785 = vector.load %arg1[%get3A_783, %get3A_784] : memref<32x128xf32, #tpu.memory_space<vmem>>, vector<1x128xf32>
    %sub3A_786 = vector.broadcast %slice3A : vector<8x1xf32> to vector<8x128xf32>
    %sub3A_787 = vector.broadcast %get3A_785 : vector<1x128xf32> to vector<8x128xf32>
    %sub3A_788 = arith.subf %sub3A_786, %sub3A_787 : vector<8x128xf32>
    %get3A_789 = arith.constant 27 : index
    %get3A_790 = arith.constant 0 : index
    %get3A_791 = vector.load %arg2[%get3A_789, %get3A_790] : memref<32x128xf32, #tpu.memory_space<vmem>>, vector<1x128xf32>
    %sub3A_792 = vector.broadcast %slice3A_2 : vector<8x1xf32> to vector<8x128xf32>
    %sub3A_793 = vector.broadcast %get3A_791 : vector<1x128xf32> to vector<8x128xf32>
    %sub3A_794 = arith.subf %sub3A_792, %sub3A_793 : vector<8x128xf32>
    %get3A_795 = arith.constant 27 : index
    %get3A_796 = arith.constant 0 : index
    %get3A_797 = vector.load %arg3[%get3A_795, %get3A_796] : memref<32x128xf32, #tpu.memory_space<vmem>>, vector<1x128xf32>
    %sub3A_798 = vector.broadcast %slice3A_3 : vector<8x1xf32> to vector<8x128xf32>
    %sub3A_799 = vector.broadcast %get3A_797 : vector<1x128xf32> to vector<8x128xf32>
    %sub3A_800 = arith.subf %sub3A_798, %sub3A_799 : vector<8x128xf32>
    %mul3A_801 = arith.mulf %sub3A_788, %sub3A_788 : vector<8x128xf32>
    %mul3A_802 = arith.mulf %sub3A_794, %sub3A_794 : vector<8x128xf32>
    %add3A_803 = arith.addf %mul3A_801, %mul3A_802 : vector<8x128xf32>
    %mul3A_804 = arith.mulf %sub3A_800, %sub3A_800 : vector<8x128xf32>
    %add3A_805 = arith.addf %add3A_803, %mul3A_804 : vector<8x128xf32>
    %swap3A_806 = arith.constant 27 : index
    %swap3A_807 = arith.constant 0 : index
    %swap3A_808 = arith.constant 0 : index
    %swap3A_809 = vector.load %arg8[%swap3A_806, %swap3A_807, %swap3A_808] : memref<32x8x128xf32, #tpu.memory_space<vmem>>, vector<1x8x128xf32>
    %swap3A_810 = vector.shape_cast %swap3A_809 : vector<1x8x128xf32> to vector<8x128xf32>
    %swap3A_811 = vector.shape_cast %add3A_805 : vector<8x128xf32> to vector<1x8x128xf32>
    tpu.vector_store %arg8[%swap3A_806, %swap3A_807, %swap3A_808], %swap3A_811 {strides = array<i32>} : memref<32x8x128xf32, #tpu.memory_space<vmem>>, vector<1x8x128xf32>,
    %get3A_812 = arith.constant 28 : index
    %get3A_813 = arith.constant 0 : index
    %get3A_814 = vector.load %arg1[%get3A_812, %get3A_813] : memref<32x128xf32, #tpu.memory_space<vmem>>, vector<1x128xf32>
    %sub3A_815 = vector.broadcast %slice3A : vector<8x1xf32> to vector<8x128xf32>
    %sub3A_816 = vector.broadcast %get3A_814 : vector<1x128xf32> to vector<8x128xf32>
    %sub3A_817 = arith.subf %sub3A_815, %sub3A_816 : vector<8x128xf32>
    %get3A_818 = arith.constant 28 : index
    %get3A_819 = arith.constant 0 : index
    %get3A_820 = vector.load %arg2[%get3A_818, %get3A_819] : memref<32x128xf32, #tpu.memory_space<vmem>>, vector<1x128xf32>
    %sub3A_821 = vector.broadcast %slice3A_2 : vector<8x1xf32> to vector<8x128xf32>
    %sub3A_822 = vector.broadcast %get3A_820 : vector<1x128xf32> to vector<8x128xf32>
    %sub3A_823 = arith.subf %sub3A_821, %sub3A_822 : vector<8x128xf32>
    %get3A_824 = arith.constant 28 : index
    %get3A_825 = arith.constant 0 : index
    %get3A_826 = vector.load %arg3[%get3A_824, %get3A_825] : memref<32x128xf32, #tpu.memory_space<vmem>>, vector<1x128xf32>
    %sub3A_827 = vector.broadcast %slice3A_3 : vector<8x1xf32> to vector<8x128xf32>
    %sub3A_828 = vector.broadcast %get3A_826 : vector<1x128xf32> to vector<8x128xf32>
    %sub3A_829 = arith.subf %sub3A_827, %sub3A_828 : vector<8x128xf32>
    %mul3A_830 = arith.mulf %sub3A_817, %sub3A_817 : vector<8x128xf32>
    %mul3A_831 = arith.mulf %sub3A_823, %sub3A_823 : vector<8x128xf32>
    %add3A_832 = arith.addf %mul3A_830, %mul3A_831 : vector<8x128xf32>
    %mul3A_833 = arith.mulf %sub3A_829, %sub3A_829 : vector<8x128xf32>
    %add3A_834 = arith.addf %add3A_832, %mul3A_833 : vector<8x128xf32>
    %swap3A_835 = arith.constant 28 : index
    %swap3A_836 = arith.constant 0 : index
    %swap3A_837 = arith.constant 0 : index
    %swap3A_838 = vector.load %arg8[%swap3A_835, %swap3A_836, %swap3A_837] : memref<32x8x128xf32, #tpu.memory_space<vmem>>, vector<1x8x128xf32>
    %swap3A_839 = vector.shape_cast %swap3A_838 : vector<1x8x128xf32> to vector<8x128xf32>
    %swap3A_840 = vector.shape_cast %add3A_834 : vector<8x128xf32> to vector<1x8x128xf32>
    tpu.vector_store %arg8[%swap3A_835, %swap3A_836, %swap3A_837], %swap3A_840 {strides = array<i32>} : memref<32x8x128xf32, #tpu.memory_space<vmem>>, vector<1x8x128xf32>,
    %get3A_841 = arith.constant 29 : index
    %get3A_842 = arith.constant 0 : index
    %get3A_843 = vector.load %arg1[%get3A_841, %get3A_842] : memref<32x128xf32, #tpu.memory_space<vmem>>, vector<1x128xf32>
    %sub3A_844 = vector.broadcast %slice3A : vector<8x1xf32> to vector<8x128xf32>
    %sub3A_845 = vector.broadcast %get3A_843 : vector<1x128xf32> to vector<8x128xf32>
    %sub3A_846 = arith.subf %sub3A_844, %sub3A_845 : vector<8x128xf32>
    %get3A_847 = arith.constant 29 : index
    %get3A_848 = arith.constant 0 : index
    %get3A_849 = vector.load %arg2[%get3A_847, %get3A_848] : memref<32x128xf32, #tpu.memory_space<vmem>>, vector<1x128xf32>
    %sub3A_850 = vector.broadcast %slice3A_2 : vector<8x1xf32> to vector<8x128xf32>
    %sub3A_851 = vector.broadcast %get3A_849 : vector<1x128xf32> to vector<8x128xf32>
    %sub3A_852 = arith.subf %sub3A_850, %sub3A_851 : vector<8x128xf32>
    %get3A_853 = arith.constant 29 : index
    %get3A_854 = arith.constant 0 : index
    %get3A_855 = vector.load %arg3[%get3A_853, %get3A_854] : memref<32x128xf32, #tpu.memory_space<vmem>>, vector<1x128xf32>
    %sub3A_856 = vector.broadcast %slice3A_3 : vector<8x1xf32> to vector<8x128xf32>
    %sub3A_857 = vector.broadcast %get3A_855 : vector<1x128xf32> to vector<8x128xf32>
    %sub3A_858 = arith.subf %sub3A_856, %sub3A_857 : vector<8x128xf32>
    %mul3A_859 = arith.mulf %sub3A_846, %sub3A_846 : vector<8x128xf32>
    %mul3A_860 = arith.mulf %sub3A_852, %sub3A_852 : vector<8x128xf32>
    %add3A_861 = arith.addf %mul3A_859, %mul3A_860 : vector<8x128xf32>
    %mul3A_862 = arith.mulf %sub3A_858, %sub3A_858 : vector<8x128xf32>
    %add3A_863 = arith.addf %add3A_861, %mul3A_862 : vector<8x128xf32>
    %swap3A_864 = arith.constant 29 : index
    %swap3A_865 = arith.constant 0 : index
    %swap3A_866 = arith.constant 0 : index
    %swap3A_867 = vector.load %arg8[%swap3A_864, %swap3A_865, %swap3A_866] : memref<32x8x128xf32, #tpu.memory_space<vmem>>, vector<1x8x128xf32>
    %swap3A_868 = vector.shape_cast %swap3A_867 : vector<1x8x128xf32> to vector<8x128xf32>
    %swap3A_869 = vector.shape_cast %add3A_863 : vector<8x128xf32> to vector<1x8x128xf32>
    tpu.vector_store %arg8[%swap3A_864, %swap3A_865, %swap3A_866], %swap3A_869 {strides = array<i32>} : memref<32x8x128xf32, #tpu.memory_space<vmem>>, vector<1x8x128xf32>,
    %get3A_870 = arith.constant 30 : index
    %get3A_871 = arith.constant 0 : index
    %get3A_872 = vector.load %arg1[%get3A_870, %get3A_871] : memref<32x128xf32, #tpu.memory_space<vmem>>, vector<1x128xf32>
    %sub3A_873 = vector.broadcast %slice3A : vector<8x1xf32> to vector<8x128xf32>
    %sub3A_874 = vector.broadcast %get3A_872 : vector<1x128xf32> to vector<8x128xf32>
    %sub3A_875 = arith.subf %sub3A_873, %sub3A_874 : vector<8x128xf32>
    %get3A_876 = arith.constant 30 : index
    %get3A_877 = arith.constant 0 : index
    %get3A_878 = vector.load %arg2[%get3A_876, %get3A_877] : memref<32x128xf32, #tpu.memory_space<vmem>>, vector<1x128xf32>
    %sub3A_879 = vector.broadcast %slice3A_2 : vector<8x1xf32> to vector<8x128xf32>
    %sub3A_880 = vector.broadcast %get3A_878 : vector<1x128xf32> to vector<8x128xf32>
    %sub3A_881 = arith.subf %sub3A_879, %sub3A_880 : vector<8x128xf32>
    %get3A_882 = arith.constant 30 : index
    %get3A_883 = arith.constant 0 : index
    %get3A_884 = vector.load %arg3[%get3A_882, %get3A_883] : memref<32x128xf32, #tpu.memory_space<vmem>>, vector<1x128xf32>
    %sub3A_885 = vector.broadcast %slice3A_3 : vector<8x1xf32> to vector<8x128xf32>
    %sub3A_886 = vector.broadcast %get3A_884 : vector<1x128xf32> to vector<8x128xf32>
    %sub3A_887 = arith.subf %sub3A_885, %sub3A_886 : vector<8x128xf32>
    %mul3A_888 = arith.mulf %sub3A_875, %sub3A_875 : vector<8x128xf32>
    %mul3A_889 = arith.mulf %sub3A_881, %sub3A_881 : vector<8x128xf32>
    %add3A_890 = arith.addf %mul3A_888, %mul3A_889 : vector<8x128xf32>
    %mul3A_891 = arith.mulf %sub3A_887, %sub3A_887 : vector<8x128xf32>
    %add3A_892 = arith.addf %add3A_890, %mul3A_891 : vector<8x128xf32>
    %swap3A_893 = arith.constant 30 : index
    %swap3A_894 = arith.constant 0 : index
    %swap3A_895 = arith.constant 0 : index
    %swap3A_896 = vector.load %arg8[%swap3A_893, %swap3A_894, %swap3A_895] : memref<32x8x128xf32, #tpu.memory_space<vmem>>, vector<1x8x128xf32>
    %swap3A_897 = vector.shape_cast %swap3A_896 : vector<1x8x128xf32> to vector<8x128xf32>
    %swap3A_898 = vector.shape_cast %add3A_892 : vector<8x128xf32> to vector<1x8x128xf32>
    tpu.vector_store %arg8[%swap3A_893, %swap3A_894, %swap3A_895], %swap3A_898 {strides = array<i32>} : memref<32x8x128xf32, #tpu.memory_space<vmem>>, vector<1x8x128xf32>,
    %get3A_899 = arith.constant 31 : index
    %get3A_900 = arith.constant 0 : index
    %get3A_901 = vector.load %arg1[%get3A_899, %get3A_900] : memref<32x128xf32, #tpu.memory_space<vmem>>, vector<1x128xf32>
    %sub3A_902 = vector.broadcast %slice3A : vector<8x1xf32> to vector<8x128xf32>
    %sub3A_903 = vector.broadcast %get3A_901 : vector<1x128xf32> to vector<8x128xf32>
    %sub3A_904 = arith.subf %sub3A_902, %sub3A_903 : vector<8x128xf32>
    %get3A_905 = arith.constant 31 : index
    %get3A_906 = arith.constant 0 : index
    %get3A_907 = vector.load %arg2[%get3A_905, %get3A_906] : memref<32x128xf32, #tpu.memory_space<vmem>>, vector<1x128xf32>
    %sub3A_908 = vector.broadcast %slice3A_2 : vector<8x1xf32> to vector<8x128xf32>
    %sub3A_909 = vector.broadcast %get3A_907 : vector<1x128xf32> to vector<8x128xf32>
    %sub3A_910 = arith.subf %sub3A_908, %sub3A_909 : vector<8x128xf32>
    %get3A_911 = arith.constant 31 : index
    %get3A_912 = arith.constant 0 : index
    %get3A_913 = vector.load %arg3[%get3A_911, %get3A_912] : memref<32x128xf32, #tpu.memory_space<vmem>>, vector<1x128xf32>
    %sub3A_914 = vector.broadcast %slice3A_3 : vector<8x1xf32> to vector<8x128xf32>
    %sub3A_915 = vector.broadcast %get3A_913 : vector<1x128xf32> to vector<8x128xf32>
    %sub3A_916 = arith.subf %sub3A_914, %sub3A_915 : vector<8x128xf32>
    %mul3A_917 = arith.mulf %sub3A_904, %sub3A_904 : vector<8x128xf32>
    %mul3A_918 = arith.mulf %sub3A_910, %sub3A_910 : vector<8x128xf32>
    %add3A_919 = arith.addf %mul3A_917, %mul3A_918 : vector<8x128xf32>
    %mul3A_920 = arith.mulf %sub3A_916, %sub3A_916 : vector<8x128xf32>
    %add3A_921 = arith.addf %add3A_919, %mul3A_920 : vector<8x128xf32>
    %swap3A_922 = arith.constant 31 : index
    %swap3A_923 = arith.constant 0 : index
    %swap3A_924 = arith.constant 0 : index
    %swap3A_925 = vector.load %arg8[%swap3A_922, %swap3A_923, %swap3A_924] : memref<32x8x128xf32, #tpu.memory_space<vmem>>, vector<1x8x128xf32>
    %swap3A_926 = vector.shape_cast %swap3A_925 : vector<1x8x128xf32> to vector<8x128xf32>
    %swap3A_927 = vector.shape_cast %add3A_921 : vector<8x128xf32> to vector<1x8x128xf32>
    tpu.vector_store %arg8[%swap3A_922, %swap3A_923, %swap3A_924], %swap3A_927 {strides = array<i32>} : memref<32x8x128xf32, #tpu.memory_space<vmem>>, vector<1x8x128xf32>,
    %iota3A = tpu.iota {dimensions = array<i32: 1>} : vector<8x32xi32>
    %broadcast_in_dim3A = arith.constant 0 : i32
    %broadcast_in_dim3A_928 = vector.broadcast %broadcast_in_dim3A : i32 to vector<8x32xi32>
    %broadcast_in_dim3A_929 = arith.constant 0.000000e+00 : f32
    %broadcast_in_dim3A_930 = vector.broadcast %broadcast_in_dim3A_929 : f32 to vector<8x32xf32>
    %scan3A = arith.constant 0 : i32
    %scan3A_931 = arith.constant 32 : i32
    %scan3A_932 = arith.addi %scan3A, %scan3A_931 : i32
    %scan3A_933 = arith.constant 1 : i32
    %scan3A_934:2 = scf.for %scan3A_942 = %scan3A to %scan3A_932 step %scan3A_933 iter_args(%scan3A_943 = %broadcast_in_dim3A_928, %scan3A_944 = %broadcast_in_dim3A_930) -> (vector<8x32xi32>, vector<8x32xf32>)  : i32 {
      %get3A_945 = arith.constant 0 : index
      %get3A_946 = arith.constant 0 : index
      %get3A_947 = arith.constant 0 : index
      %get3A_948 = vector.load %arg8[%get3A_945, %get3A_946, %get3A_947] : memref<32x8x128xf32, #tpu.memory_space<vmem>>, vector<32x8x128xf32>
      %get3A_949 = arith.constant 0 : index
      %get3A_950 = arith.constant 0 : index
      %get3A_951 = arith.constant 0 : index
      %get3A_952 = vector.load %arg5[%get3A_949, %get3A_950, %get3A_951] : memref<32x8x128xf32, #tpu.memory_space<vmem>>, vector<32x8x128xf32>
      %reduce_min3A = arith.constant dense<0x7F800000> : vector<8x128xf32>
      %reduce_min3A_953 = vector.multi_reduction <minimumf>, %get3A_948, %reduce_min3A [0] : vector<32x8x128xf32> to vector<8x128xf32>
      %reduce_min3A_954 = arith.constant dense<0x7F800000> : vector<8xf32>
      %reduce_min3A_955 = vector.multi_reduction <minimumf>, %reduce_min3A_953, %reduce_min3A_954 [1] : vector<8x128xf32> to vector<8xf32>
      %broadcast_in_dim3A_956 = vector.shape_cast %reduce_min3A_955 : vector<8xf32> to vector<8x1xf32>
      %broadcast_in_dim3A_957 = vector.shape_cast %broadcast_in_dim3A_956 : vector<8x1xf32> to vector<1x8x1xf32>
      %eq3A = vector.broadcast %broadcast_in_dim3A_957 : vector<1x8x1xf32> to vector<32x8x128xf32>
      %eq3A_958 = arith.cmpf oeq, %get3A_948, %eq3A : vector<32x8x128xf32>
      %jit3A = arith.constant 3.400000e+38 : f32
      %broadcast_in_dim3A_959 = vector.broadcast %jit3A : f32 to vector<32x8x128xf32>
      %select_n3A = arith.select %eq3A_958, %get3A_952, %broadcast_in_dim3A_959 : vector<32x8x128xi1>, vector<32x8x128xf32>
      %reduce_min3A_960 = arith.constant dense<0x7F800000> : vector<8x128xf32>
      %reduce_min3A_961 = vector.multi_reduction <minimumf>, %select_n3A, %reduce_min3A_960 [0] : vector<32x8x128xf32> to vector<8x128xf32>
      %reduce_min3A_962 = arith.constant dense<0x7F800000> : vector<8xf32>
      %reduce_min3A_963 = vector.multi_reduction <minimumf>, %reduce_min3A_961, %reduce_min3A_962 [1] : vector<8x128xf32> to vector<8xf32>
      %broadcast_in_dim3A_964 = vector.shape_cast %reduce_min3A_963 : vector<8xf32> to vector<8x1xf32>
      %broadcast_in_dim3A_965 = vector.shape_cast %broadcast_in_dim3A_964 : vector<8x1xf32> to vector<1x8x1xf32>
      %eq3A_966 = vector.broadcast %broadcast_in_dim3A_965 : vector<1x8x1xf32> to vector<32x8x128xf32>
      %eq3A_967 = arith.cmpf oeq, %get3A_952, %eq3A_966 : vector<32x8x128xf32>
      %jit3A_968 = arith.constant 0x7F800000 : f32
      %broadcast_in_dim3A_969 = vector.broadcast %jit3A_968 : f32 to vector<32x8x128xf32>
      %select_n3A_970 = arith.select %eq3A_967, %broadcast_in_dim3A_969, %get3A_948 : vector<32x8x128xi1>, vector<32x8x128xf32>
      %swap3A_971 = arith.constant 0 : index
      %swap3A_972 = arith.constant 0 : index
      %swap3A_973 = arith.constant 0 : index
      %swap3A_974 = vector.load %arg8[%swap3A_971, %swap3A_972, %swap3A_973] : memref<32x8x128xf32, #tpu.memory_space<vmem>>, vector<32x8x128xf32>
      tpu.vector_store %arg8[%swap3A_971, %swap3A_972, %swap3A_973], %select_n3A_970 {strides = array<i32>} : memref<32x8x128xf32, #tpu.memory_space<vmem>>, vector<32x8x128xf32>,
      %eq3A_975 = vector.broadcast %scan3A_942 : i32 to vector<8x32xi32>
      %eq3A_976 = arith.cmpi eq, %iota3A, %eq3A_975 : vector<8x32xi32>
      %convert_element_type3A = arith.fptosi %broadcast_in_dim3A_964 : vector<8x1xf32> to vector<8x1xi32>
      %broadcast_in_dim3A_977 = vector.shape_cast %convert_element_type3A : vector<8x1xi32> to vector<8x1xi32>
      %broadcast_in_dim3A_978 = vector.broadcast %broadcast_in_dim3A_977 : vector<8x1xi32> to vector<8x32xi32>
      %select_n3A_979 = arith.select %eq3A_976, %broadcast_in_dim3A_978, %scan3A_943 : vector<8x32xi1>, vector<8x32xi32>
      %eq3A_980 = vector.broadcast %scan3A_942 : i32 to vector<8x32xi32>
      %eq3A_981 = arith.cmpi eq, %iota3A, %eq3A_980 : vector<8x32xi32>
      %le3A = arith.constant 1.600000e-01 : f32
      %le3A_982 = vector.broadcast %le3A : f32 to vector<8x1xf32>
      %le3A_983 = arith.cmpf ole, %broadcast_in_dim3A_956, %le3A_982 : vector<8x1xf32>
      %jit3A_984 = arith.constant 1.000000e+00 : f32
      %jit3A_985 = arith.constant 0.000000e+00 : f32
      %broadcast_in_dim3A_986 = vector.broadcast %jit3A_984 : f32 to vector<8x1xf32>
      %broadcast_in_dim3A_987 = vector.broadcast %jit3A_985 : f32 to vector<8x1xf32>
      %select_n3A_988 = arith.select %le3A_983, %broadcast_in_dim3A_986, %broadcast_in_dim3A_987 : vector<8x1xi1>, vector<8x1xf32>
      %broadcast_in_dim3A_989 = vector.shape_cast %select_n3A_988 : vector<8x1xf32> to vector<8x1xf32>
      %broadcast_in_dim3A_990 = vector.broadcast %broadcast_in_dim3A_989 : vector<8x1xf32> to vector<8x32xf32>
      %select_n3A_991 = arith.select %eq3A_981, %broadcast_in_dim3A_990, %scan3A_944 : vector<8x32xi1>, vector<8x32xf32>
      scf.yield %select_n3A_979, %select_n3A_991 : vector<8x32xi32>, vector<8x32xf32>
    }
    %scan3A_935 = arith.constant 32 : i32
    %swap3A_936 = arith.constant 0 : index
    %swap3A_937 = arith.constant 0 : index
    %swap3A_938 = vector.load %arg6[%swap3A_936, %swap3A_937] : memref<8x32xi32, #tpu.memory_space<vmem>>, vector<8x32xi32>
    tpu.vector_store %arg6[%swap3A_936, %swap3A_937], %scan3A_934#0 {strides = array<i32>} : memref<8x32xi32, #tpu.memory_space<vmem>>, vector<8x32xi32>,
    %swap3A_939 = arith.constant 0 : index
    %swap3A_940 = arith.constant 0 : index
    %swap3A_941 = vector.load %arg7[%swap3A_939, %swap3A_940] : memref<8x32xf32, #tpu.memory_space<vmem>>, vector<8x32xf32>
    tpu.vector_store %arg7[%swap3A_939, %swap3A_940], %scan3A_934#1 {strides = array<i32>} : memref<8x32xf32, #tpu.memory_space<vmem>>, vector<8x32xf32>,
    return
  }
  func.func @transform_0(%arg0: i32) -> (i32, i32) {
    %c0_i32 = arith.constant 0 : i32
    %c0_i32_0 = arith.constant 0 : i32
    %c0_i32_1 = arith.constant 0 : i32
    return %c0_i32, %c0_i32_0 : i32, i32
  }
  func.func @transform_1(%arg0: i32) -> (i32, i32) {
    %c0_i32 = arith.constant 0 : i32
    %c0_i32_0 = arith.constant 0 : i32
    %c0_i32_1 = arith.constant 0 : i32
    return %c0_i32, %c0_i32_0 : i32, i32
  }
  func.func @transform_2(%arg0: i32) -> (i32, i32) {
    %c0_i32 = arith.constant 0 : i32
    %c0_i32_0 = arith.constant 0 : i32
    %c0_i32_1 = arith.constant 0 : i32
    return %c0_i32, %c0_i32_0 : i32, i32
  }
  func.func @transform_3(%arg0: i32) -> (i32, i32) {
    %c0_i32 = arith.constant 0 : i32
    %c0_i32_0 = arith.constant 0 : i32
    return %arg0, %c0_i32 : i32, i32
  }
  func.func @transform_4(%arg0: i32) -> (i32, i32, i32) {
    %c0_i32 = arith.constant 0 : i32
    %c0_i32_0 = arith.constant 0 : i32
    %c0_i32_1 = arith.constant 0 : i32
    %c0_i32_2 = arith.constant 0 : i32
    return %c0_i32, %c0_i32_0, %c0_i32_1 : i32, i32, i32
  }
  func.func @transform_5(%arg0: i32) -> (i32, i32) {
    %c0_i32 = arith.constant 0 : i32
    %c0_i32_0 = arith.constant 0 : i32
    return %arg0, %c0_i32 : i32, i32
  }
  func.func @transform_6(%arg0: i32) -> (i32, i32) {
    %c0_i32 = arith.constant 0 : i32
    %c0_i32_0 = arith.constant 0 : i32
    return %arg0, %c0_i32 : i32, i32
  }
}

module attributes {stable_mosaic.version = 14 : i64} {
  func.func @_mlp_pool_body(%arg0: i32, %arg1: memref<4096x128xf32, #tpu.memory_space<vmem>>, %arg2: memref<128x128xf32, #tpu.memory_space<vmem>>, %arg3: memref<4096x1xf32, #tpu.memory_space<vmem>>, %arg4: memref<128x64xf32, #tpu.memory_space<vmem>>, %arg5: memref<1x64xf32, #tpu.memory_space<vmem>>, %arg6: memref<64x64xf32, #tpu.memory_space<vmem>>, %arg7: memref<1x64xf32, #tpu.memory_space<vmem>>, %arg8: memref<64x128xf32, #tpu.memory_space<vmem>>, %arg9: memref<1x128xf32, #tpu.memory_space<vmem>>, %arg10: memref<128x128xf32, #tpu.memory_space<vmem>>, %arg11: memref<1x128xf32, #tpu.memory_space<vmem>>, %arg12: memref<128x128xf32, #tpu.memory_space<vmem>>) attributes {dimension_semantics = [#tpu.dimension_semantics<arbitrary>], iteration_bounds = array<i64: 32>, scalar_prefetch = 0 : i64, scratch_operands = 0 : i64, tpu.core_type = #tpu.core_type<tc>, window_params = [{transform_indices = @transform_0, window_bounds = array<i64: 4096, 128>}, {transform_indices = @transform_1, window_bounds = array<i64: 128, 128>}, {transform_indices = @transform_2, window_bounds = array<i64: 4096, 1>}, {pipeline_mode = #tpu.pipeline_mode<synchronous>, transform_indices = @transform_3, window_bounds = array<i64: 128, 64>}, {pipeline_mode = #tpu.pipeline_mode<synchronous>, transform_indices = @transform_4, window_bounds = array<i64: 1, 64>}, {pipeline_mode = #tpu.pipeline_mode<synchronous>, transform_indices = @transform_5, window_bounds = array<i64: 64, 64>}, {pipeline_mode = #tpu.pipeline_mode<synchronous>, transform_indices = @transform_6, window_bounds = array<i64: 1, 64>}, {pipeline_mode = #tpu.pipeline_mode<synchronous>, transform_indices = @transform_7, window_bounds = array<i64: 64, 128>}, {pipeline_mode = #tpu.pipeline_mode<synchronous>, transform_indices = @transform_8, window_bounds = array<i64: 1, 128>}, {pipeline_mode = #tpu.pipeline_mode<synchronous>, transform_indices = @transform_9, window_bounds = array<i64: 128, 128>}, {pipeline_mode = #tpu.pipeline_mode<synchronous>, transform_indices = @transform_10, window_bounds = array<i64: 1, 128>}, {transform_indices = @transform_11, window_bounds = array<i64: 128, 128>}]} {
    %get3A = arith.constant 0 : index
    %get3A_0 = arith.constant 0 : index
    %get3A_1 = vector.load %arg2[%get3A, %get3A_0] : memref<128x128xf32, #tpu.memory_space<vmem>>, vector<128x128xf32>
    %broadcast_in_dim3A = vector.shape_cast %get3A_1 : vector<128x128xf32> to vector<128x1x128xf32>
    %broadcast_in_dim3A_2 = vector.shape_cast %broadcast_in_dim3A : vector<128x1x128xf32> to vector<128x1x128xf32>
    %broadcast_in_dim3A_3 = vector.broadcast %broadcast_in_dim3A_2 : vector<128x1x128xf32> to vector<128x32x128xf32>
    %get3A_4 = arith.constant 0 : index
    %get3A_5 = arith.constant 0 : index
    %get3A_6 = vector.load %arg1[%get3A_4, %get3A_5] : memref<4096x128xf32, #tpu.memory_space<vmem>>, vector<4096x128xf32>
    %reshape3A = vector.shape_cast %broadcast_in_dim3A_3 : vector<128x32x128xf32> to vector<4096x128xf32>
    %sub3A = arith.subf %get3A_6, %reshape3A : vector<4096x128xf32>
    %get3A_7 = arith.constant 0 : index
    %get3A_8 = arith.constant 0 : index
    %get3A_9 = vector.load %arg4[%get3A_7, %get3A_8] : memref<128x64xf32, #tpu.memory_space<vmem>>, vector<128x64xf32>
    %dot_general3A = arith.constant dense<0.000000e+00> : vector<4096x64xf32>
    %dot_general3A_10 = tpu.matmul %sub3A, %get3A_9, %dot_general3A {dimension_numbers = #tpu.dot_dimension_numbers<[1], [0], [0], [1], [0, 0, 1, 1], [], []>, transpose_lhs_hint = false} : vector<4096x128xf32>, vector<128x64xf32>, vector<4096x64xf32> -> vector<4096x64xf32>
    %get3A_11 = arith.constant 0 : index
    %get3A_12 = arith.constant 0 : index
    %get3A_13 = vector.load %arg5[%get3A_11, %get3A_12] : memref<1x64xf32, #tpu.memory_space<vmem>>, vector<1x64xf32>
    %add3A = vector.broadcast %get3A_13 : vector<1x64xf32> to vector<4096x64xf32>
    %add3A_14 = arith.addf %dot_general3A_10, %add3A : vector<4096x64xf32>
    %max3A = arith.constant 0.000000e+00 : f32
    %max3A_15 = vector.broadcast %max3A : f32 to vector<4096x64xf32>
    %max3A_16 = arith.maximumf %add3A_14, %max3A_15 : vector<4096x64xf32>
    %get3A_17 = arith.constant 0 : index
    %get3A_18 = arith.constant 0 : index
    %get3A_19 = vector.load %arg6[%get3A_17, %get3A_18] : memref<64x64xf32, #tpu.memory_space<vmem>>, vector<64x64xf32>
    %dot_general3A_20 = arith.constant dense<0.000000e+00> : vector<4096x64xf32>
    %dot_general3A_21 = tpu.matmul %max3A_16, %get3A_19, %dot_general3A_20 {dimension_numbers = #tpu.dot_dimension_numbers<[1], [0], [0], [1], [0, 0, 1, 1], [], []>, transpose_lhs_hint = false} : vector<4096x64xf32>, vector<64x64xf32>, vector<4096x64xf32> -> vector<4096x64xf32>
    %get3A_22 = arith.constant 0 : index
    %get3A_23 = arith.constant 0 : index
    %get3A_24 = vector.load %arg7[%get3A_22, %get3A_23] : memref<1x64xf32, #tpu.memory_space<vmem>>, vector<1x64xf32>
    %add3A_25 = vector.broadcast %get3A_24 : vector<1x64xf32> to vector<4096x64xf32>
    %add3A_26 = arith.addf %dot_general3A_21, %add3A_25 : vector<4096x64xf32>
    %max3A_27 = arith.constant 0.000000e+00 : f32
    %max3A_28 = vector.broadcast %max3A_27 : f32 to vector<4096x64xf32>
    %max3A_29 = arith.maximumf %add3A_26, %max3A_28 : vector<4096x64xf32>
    %get3A_30 = arith.constant 0 : index
    %get3A_31 = arith.constant 0 : index
    %get3A_32 = vector.load %arg8[%get3A_30, %get3A_31] : memref<64x128xf32, #tpu.memory_space<vmem>>, vector<64x128xf32>
    %dot_general3A_33 = arith.constant dense<0.000000e+00> : vector<4096x128xf32>
    %dot_general3A_34 = tpu.matmul %max3A_29, %get3A_32, %dot_general3A_33 {dimension_numbers = #tpu.dot_dimension_numbers<[1], [0], [0], [1], [0, 0, 1, 1], [], []>, transpose_lhs_hint = false} : vector<4096x64xf32>, vector<64x128xf32>, vector<4096x128xf32> -> vector<4096x128xf32>
    %get3A_35 = arith.constant 0 : index
    %get3A_36 = arith.constant 0 : index
    %get3A_37 = vector.load %arg9[%get3A_35, %get3A_36] : memref<1x128xf32, #tpu.memory_space<vmem>>, vector<1x128xf32>
    %add3A_38 = vector.broadcast %get3A_37 : vector<1x128xf32> to vector<4096x128xf32>
    %add3A_39 = arith.addf %dot_general3A_34, %add3A_38 : vector<4096x128xf32>
    %get3A_40 = arith.constant 0 : index
    %get3A_41 = arith.constant 0 : index
    %get3A_42 = vector.load %arg3[%get3A_40, %get3A_41] : memref<4096x1xf32, #tpu.memory_space<vmem>>, vector<4096x1xf32>
    %mul3A = vector.broadcast %get3A_42 : vector<4096x1xf32> to vector<4096x128xf32>
    %mul3A_43 = arith.mulf %add3A_39, %mul3A : vector<4096x128xf32>
    %sub3A_44 = arith.constant 1.000000e+00 : f32
    %sub3A_45 = vector.broadcast %sub3A_44 : f32 to vector<4096x1xf32>
    %sub3A_46 = arith.subf %get3A_42, %sub3A_45 : vector<4096x1xf32>
    %mul3A_47 = arith.constant 3.400000e+38 : f32
    %mul3A_48 = vector.broadcast %mul3A_47 : f32 to vector<4096x1xf32>
    %mul3A_49 = arith.mulf %sub3A_46, %mul3A_48 : vector<4096x1xf32>
    %add3A_50 = vector.broadcast %mul3A_49 : vector<4096x1xf32> to vector<4096x128xf32>
    %add3A_51 = arith.addf %mul3A_43, %add3A_50 : vector<4096x128xf32>
    %reshape3A_52 = vector.shape_cast %add3A_51 : vector<4096x128xf32> to vector<128x32x128xf32>
    %reduce_max3A = arith.constant dense<0xFF800000> : vector<128x128xf32>
    %reduce_max3A_53 = vector.multi_reduction <maximumf>, %reshape3A_52, %reduce_max3A [1] : vector<128x32x128xf32> to vector<128x128xf32>
    %get3A_54 = arith.constant 0 : index
    %get3A_55 = arith.constant 0 : index
    %get3A_56 = vector.load %arg10[%get3A_54, %get3A_55] : memref<128x128xf32, #tpu.memory_space<vmem>>, vector<128x128xf32>
    %dot_general3A_57 = arith.constant dense<0.000000e+00> : vector<128x128xf32>
    %dot_general3A_58 = tpu.matmul %reduce_max3A_53, %get3A_56, %dot_general3A_57 {dimension_numbers = #tpu.dot_dimension_numbers<[1], [0], [0], [1], [0, 0, 1, 1], [], []>, transpose_lhs_hint = false} : vector<128x128xf32>, vector<128x128xf32>, vector<128x128xf32> -> vector<128x128xf32>
    %get3A_59 = arith.constant 0 : index
    %get3A_60 = arith.constant 0 : index
    %get3A_61 = vector.load %arg11[%get3A_59, %get3A_60] : memref<1x128xf32, #tpu.memory_space<vmem>>, vector<1x128xf32>
    %add3A_62 = vector.broadcast %get3A_61 : vector<1x128xf32> to vector<128x128xf32>
    %add3A_63 = arith.addf %dot_general3A_58, %add3A_62 : vector<128x128xf32>
    %swap3A = arith.constant 0 : index
    %swap3A_64 = arith.constant 0 : index
    %swap3A_65 = vector.load %arg12[%swap3A, %swap3A_64] : memref<128x128xf32, #tpu.memory_space<vmem>>, vector<128x128xf32>
    tpu.vector_store %arg12[%swap3A, %swap3A_64], %add3A_63 {strides = array<i32>} : memref<128x128xf32, #tpu.memory_space<vmem>>, vector<128x128xf32>,
    return
  }
  func.func @transform_0(%arg0: i32) -> (i32, i32) {
    %c0_i32 = arith.constant 0 : i32
    %c0_i32_0 = arith.constant 0 : i32
    return %arg0, %c0_i32 : i32, i32
  }
  func.func @transform_1(%arg0: i32) -> (i32, i32) {
    %c0_i32 = arith.constant 0 : i32
    %c0_i32_0 = arith.constant 0 : i32
    return %arg0, %c0_i32 : i32, i32
  }
  func.func @transform_2(%arg0: i32) -> (i32, i32) {
    %c0_i32 = arith.constant 0 : i32
    %c0_i32_0 = arith.constant 0 : i32
    return %arg0, %c0_i32 : i32, i32
  }
  func.func @transform_3(%arg0: i32) -> (i32, i32) {
    %c0_i32 = arith.constant 0 : i32
    %c0_i32_0 = arith.constant 0 : i32
    %c0_i32_1 = arith.constant 0 : i32
    return %c0_i32, %c0_i32_0 : i32, i32
  }
  func.func @transform_4(%arg0: i32) -> (i32, i32) {
    %c0_i32 = arith.constant 0 : i32
    %c0_i32_0 = arith.constant 0 : i32
    %c0_i32_1 = arith.constant 0 : i32
    return %c0_i32, %c0_i32_0 : i32, i32
  }
  func.func @transform_5(%arg0: i32) -> (i32, i32) {
    %c0_i32 = arith.constant 0 : i32
    %c0_i32_0 = arith.constant 0 : i32
    %c0_i32_1 = arith.constant 0 : i32
    return %c0_i32, %c0_i32_0 : i32, i32
  }
  func.func @transform_6(%arg0: i32) -> (i32, i32) {
    %c0_i32 = arith.constant 0 : i32
    %c0_i32_0 = arith.constant 0 : i32
    %c0_i32_1 = arith.constant 0 : i32
    return %c0_i32, %c0_i32_0 : i32, i32
  }
  func.func @transform_7(%arg0: i32) -> (i32, i32) {
    %c0_i32 = arith.constant 0 : i32
    %c0_i32_0 = arith.constant 0 : i32
    %c0_i32_1 = arith.constant 0 : i32
    return %c0_i32, %c0_i32_0 : i32, i32
  }
  func.func @transform_8(%arg0: i32) -> (i32, i32) {
    %c0_i32 = arith.constant 0 : i32
    %c0_i32_0 = arith.constant 0 : i32
    %c0_i32_1 = arith.constant 0 : i32
    return %c0_i32, %c0_i32_0 : i32, i32
  }
  func.func @transform_9(%arg0: i32) -> (i32, i32) {
    %c0_i32 = arith.constant 0 : i32
    %c0_i32_0 = arith.constant 0 : i32
    %c0_i32_1 = arith.constant 0 : i32
    return %c0_i32, %c0_i32_0 : i32, i32
  }
  func.func @transform_10(%arg0: i32) -> (i32, i32) {
    %c0_i32 = arith.constant 0 : i32
    %c0_i32_0 = arith.constant 0 : i32
    %c0_i32_1 = arith.constant 0 : i32
    return %c0_i32, %c0_i32_0 : i32, i32
  }
  func.func @transform_11(%arg0: i32) -> (i32, i32) {
    %c0_i32 = arith.constant 0 : i32
    %c0_i32_0 = arith.constant 0 : i32
    return %arg0, %c0_i32 : i32, i32
  }
}

module attributes {stable_mosaic.version = 14 : i64} {
  func.func @_fps_body(%arg0: memref<8x128xf32, #tpu.memory_space<vmem>>, %arg1: memref<8x128xf32, #tpu.memory_space<vmem>>, %arg2: memref<8x128xf32, #tpu.memory_space<vmem>>, %arg3: memref<3072xf32, #tpu.memory_space<smem>>, %arg4: memref<8x128xf32, #tpu.memory_space<vmem>>, %arg5: memref<256xi32, #tpu.memory_space<smem>>, %arg6: memref<768xf32, #tpu.memory_space<smem>>) attributes {dimension_semantics = [], scalar_prefetch = 0 : i64, scratch_operands = 0 : i64, tpu.core_type = #tpu.core_type<tc>} {
    %get3A = arith.constant 0 : index
    %get3A_0 = arith.constant 0 : index
    %get3A_1 = vector.load %arg0[%get3A, %get3A_0] : memref<8x128xf32, #tpu.memory_space<vmem>>, vector<8x128xf32>
    %get3A_2 = arith.constant 0 : index
    %get3A_3 = arith.constant 0 : index
    %get3A_4 = vector.load %arg1[%get3A_2, %get3A_3] : memref<8x128xf32, #tpu.memory_space<vmem>>, vector<8x128xf32>
    %get3A_5 = arith.constant 0 : index
    %get3A_6 = arith.constant 0 : index
    %get3A_7 = vector.load %arg2[%get3A_5, %get3A_6] : memref<8x128xf32, #tpu.memory_space<vmem>>, vector<8x128xf32>
    %get3A_8 = arith.constant 0 : index
    %get3A_9 = arith.constant 0 : index
    %get3A_10 = vector.load %arg4[%get3A_8, %get3A_9] : memref<8x128xf32, #tpu.memory_space<vmem>>, vector<8x128xf32>
    %swap3A = arith.constant 0 : i32
    %swap3A_11 = arith.constant 0 : index
    %swap3A_12 = memref.load %arg5[%swap3A_11] : memref<256xi32, #tpu.memory_space<smem>>
    memref.store %swap3A, %arg5[%swap3A_11] : memref<256xi32, #tpu.memory_space<smem>>
    %get3A_13 = arith.constant 0 : index
    %get3A_14 = memref.load %arg3[%get3A_13] : memref<3072xf32, #tpu.memory_space<smem>>
    %get3A_15 = arith.constant 1 : index
    %get3A_16 = memref.load %arg3[%get3A_15] : memref<3072xf32, #tpu.memory_space<smem>>
    %get3A_17 = arith.constant 2 : index
    %get3A_18 = memref.load %arg3[%get3A_17] : memref<3072xf32, #tpu.memory_space<smem>>
    %swap3A_19 = arith.constant 0 : index
    %swap3A_20 = memref.load %arg6[%swap3A_19] : memref<768xf32, #tpu.memory_space<smem>>
    memref.store %get3A_14, %arg6[%swap3A_19] : memref<768xf32, #tpu.memory_space<smem>>
    %swap3A_21 = arith.constant 1 : index
    %swap3A_22 = memref.load %arg6[%swap3A_21] : memref<768xf32, #tpu.memory_space<smem>>
    memref.store %get3A_16, %arg6[%swap3A_21] : memref<768xf32, #tpu.memory_space<smem>>
    %swap3A_23 = arith.constant 2 : index
    %swap3A_24 = memref.load %arg6[%swap3A_23] : memref<768xf32, #tpu.memory_space<smem>>
    memref.store %get3A_18, %arg6[%swap3A_23] : memref<768xf32, #tpu.memory_space<smem>>
    %broadcast_in_dim3A = arith.constant 0x7F800000 : f32
    %broadcast_in_dim3A_25 = vector.broadcast %broadcast_in_dim3A : f32 to vector<8x128xf32>
    %scan3A = arith.constant 1 : i32
    %scan3A_26 = arith.constant 255 : i32
    %scan3A_27 = arith.addi %scan3A, %scan3A_26 : i32
    %scan3A_28 = arith.constant 1 : i32
    %scan3A_29:4 = scf.for %scan3A_31 = %scan3A to %scan3A_27 step %scan3A_28 iter_args(%scan3A_32 = %get3A_14, %scan3A_33 = %get3A_16, %scan3A_34 = %get3A_18, %scan3A_35 = %broadcast_in_dim3A_25) -> (f32, f32, f32, vector<8x128xf32>)  : i32 {
      %sub3A = vector.broadcast %scan3A_32 : f32 to vector<8x128xf32>
      %sub3A_36 = arith.subf %get3A_1, %sub3A : vector<8x128xf32>
      %sub3A_37 = vector.broadcast %scan3A_33 : f32 to vector<8x128xf32>
      %sub3A_38 = arith.subf %get3A_4, %sub3A_37 : vector<8x128xf32>
      %sub3A_39 = vector.broadcast %scan3A_34 : f32 to vector<8x128xf32>
      %sub3A_40 = arith.subf %get3A_7, %sub3A_39 : vector<8x128xf32>
      %mul3A = arith.mulf %sub3A_36, %sub3A_36 : vector<8x128xf32>
      %mul3A_41 = arith.mulf %sub3A_38, %sub3A_38 : vector<8x128xf32>
      %add3A = arith.addf %mul3A, %mul3A_41 : vector<8x128xf32>
      %mul3A_42 = arith.mulf %sub3A_40, %sub3A_40 : vector<8x128xf32>
      %add3A_43 = arith.addf %add3A, %mul3A_42 : vector<8x128xf32>
      %min3A = arith.minimumf %scan3A_35, %add3A_43 : vector<8x128xf32>
      %reduce_max3A = vector.shape_cast %min3A : vector<8x128xf32> to vector<1x8x128xf32>
      %reduce_max3A_44 = arith.constant dense<0xFF800000> : vector<1xf32>
      %reduce_max3A_45 = vector.multi_reduction <maximumf>, %reduce_max3A, %reduce_max3A_44 [1, 2] : vector<1x8x128xf32> to vector<1xf32>
      %reduce_max3A_46 = vector.shape_cast %reduce_max3A_45 : vector<1xf32> to vector<1x1x1xf32>
      %reduce_max3A_47 = vector.extract %reduce_max3A_46[0, 0, 0] : f32 from vector<1x1x1xf32>
      %eq3A = vector.broadcast %reduce_max3A_47 : f32 to vector<8x128xf32>
      %eq3A_48 = arith.cmpf oeq, %min3A, %eq3A : vector<8x128xf32>
      %jit3A = arith.constant 3.400000e+38 : f32
      %broadcast_in_dim3A_49 = vector.broadcast %jit3A : f32 to vector<8x128xf32>
      %select_n3A = arith.select %eq3A_48, %get3A_10, %broadcast_in_dim3A_49 : vector<8x128xi1>, vector<8x128xf32>
      %reduce_min3A = vector.shape_cast %select_n3A : vector<8x128xf32> to vector<1x8x128xf32>
      %reduce_min3A_50 = arith.constant dense<0x7F800000> : vector<1xf32>
      %reduce_min3A_51 = vector.multi_reduction <minimumf>, %reduce_min3A, %reduce_min3A_50 [1, 2] : vector<1x8x128xf32> to vector<1xf32>
      %reduce_min3A_52 = vector.shape_cast %reduce_min3A_51 : vector<1xf32> to vector<1x1x1xf32>
      %reduce_min3A_53 = vector.extract %reduce_min3A_52[0, 0, 0] : f32 from vector<1x1x1xf32>
      %convert_element_type3A = arith.fptosi %reduce_min3A_53 : f32 to i32
      %mul3A_54 = arith.constant 3 : i32
      %mul3A_55 = arith.muli %mul3A_54, %convert_element_type3A : i32
      %get3A_56 = arith.index_cast %mul3A_55 : i32 to index
      %get3A_57 = memref.load %arg3[%get3A_56] : memref<3072xf32, #tpu.memory_space<smem>>
      %mul3A_58 = arith.constant 3 : i32
      %mul3A_59 = arith.muli %mul3A_58, %convert_element_type3A : i32
      %add3A_60 = arith.constant 1 : i32
      %add3A_61 = arith.addi %mul3A_59, %add3A_60 : i32
      %get3A_62 = arith.index_cast %add3A_61 : i32 to index
      %get3A_63 = memref.load %arg3[%get3A_62] : memref<3072xf32, #tpu.memory_space<smem>>
      %mul3A_64 = arith.constant 3 : i32
      %mul3A_65 = arith.muli %mul3A_64, %convert_element_type3A : i32
      %add3A_66 = arith.constant 2 : i32
      %add3A_67 = arith.addi %mul3A_65, %add3A_66 : i32
      %get3A_68 = arith.index_cast %add3A_67 : i32 to index
      %get3A_69 = memref.load %arg3[%get3A_68] : memref<3072xf32, #tpu.memory_space<smem>>
      %swap3A_70 = arith.index_cast %scan3A_31 : i32 to index
      %swap3A_71 = memref.load %arg5[%swap3A_70] : memref<256xi32, #tpu.memory_space<smem>>
      memref.store %convert_element_type3A, %arg5[%swap3A_70] : memref<256xi32, #tpu.memory_space<smem>>
      %mul3A_72 = arith.constant 3 : i32
      %mul3A_73 = arith.muli %mul3A_72, %scan3A_31 : i32
      %swap3A_74 = arith.index_cast %mul3A_73 : i32 to index
      %swap3A_75 = memref.load %arg6[%swap3A_74] : memref<768xf32, #tpu.memory_space<smem>>
      memref.store %get3A_57, %arg6[%swap3A_74] : memref<768xf32, #tpu.memory_space<smem>>
      %mul3A_76 = arith.constant 3 : i32
      %mul3A_77 = arith.muli %mul3A_76, %scan3A_31 : i32
      %add3A_78 = arith.constant 1 : i32
      %add3A_79 = arith.addi %mul3A_77, %add3A_78 : i32
      %swap3A_80 = arith.index_cast %add3A_79 : i32 to index
      %swap3A_81 = memref.load %arg6[%swap3A_80] : memref<768xf32, #tpu.memory_space<smem>>
      memref.store %get3A_63, %arg6[%swap3A_80] : memref<768xf32, #tpu.memory_space<smem>>
      %mul3A_82 = arith.constant 3 : i32
      %mul3A_83 = arith.muli %mul3A_82, %scan3A_31 : i32
      %add3A_84 = arith.constant 2 : i32
      %add3A_85 = arith.addi %mul3A_83, %add3A_84 : i32
      %swap3A_86 = arith.index_cast %add3A_85 : i32 to index
      %swap3A_87 = memref.load %arg6[%swap3A_86] : memref<768xf32, #tpu.memory_space<smem>>
      memref.store %get3A_69, %arg6[%swap3A_86] : memref<768xf32, #tpu.memory_space<smem>>
      scf.yield %get3A_57, %get3A_63, %get3A_69, %min3A : f32, f32, f32, vector<8x128xf32>
    }
    %scan3A_30 = arith.constant 255 : i32
    return
  }
}

module attributes {stable_mosaic.version = 14 : i64} {
  func.func @_knn_body(%arg0: i32, %arg1: memref<8x128xf32, #tpu.memory_space<vmem>>, %arg2: memref<8x128xf32, #tpu.memory_space<vmem>>, %arg3: memref<8x128xf32, #tpu.memory_space<vmem>>, %arg4: memref<8x3xf32, #tpu.memory_space<vmem>>, %arg5: memref<8x8x128xf32, #tpu.memory_space<vmem>>, %arg6: memref<8x32xi32, #tpu.memory_space<vmem>>, %arg7: memref<8x32xf32, #tpu.memory_space<vmem>>, %arg8: memref<8x8x128xf32, #tpu.memory_space<vmem>>) attributes {dimension_semantics = [#tpu.dimension_semantics<arbitrary>], iteration_bounds = array<i64: 32>, scalar_prefetch = 0 : i64, scratch_operands = 1 : i64, tpu.core_type = #tpu.core_type<tc>, window_params = [{pipeline_mode = #tpu.pipeline_mode<synchronous>, transform_indices = @transform_0, window_bounds = array<i64: 8, 128>}, {pipeline_mode = #tpu.pipeline_mode<synchronous>, transform_indices = @transform_1, window_bounds = array<i64: 8, 128>}, {pipeline_mode = #tpu.pipeline_mode<synchronous>, transform_indices = @transform_2, window_bounds = array<i64: 8, 128>}, {transform_indices = @transform_3, window_bounds = array<i64: 8, 3>}, {pipeline_mode = #tpu.pipeline_mode<synchronous>, transform_indices = @transform_4, window_bounds = array<i64: 8, 8, 128>}, {transform_indices = @transform_5, window_bounds = array<i64: 8, 32>}, {transform_indices = @transform_6, window_bounds = array<i64: 8, 32>}]} {
    %get3A = arith.constant 0 : index
    %get3A_0 = arith.constant 0 : index
    %get3A_1 = vector.load %arg4[%get3A, %get3A_0] : memref<8x3xf32, #tpu.memory_space<vmem>>, vector<8x3xf32>
    %slice3A = vector.extract_strided_slice %get3A_1 {offsets = [0, 0], sizes = [8, 1], strides = [1, 1]} : vector<8x3xf32> to vector<8x1xf32>
    %slice3A_2 = vector.extract_strided_slice %get3A_1 {offsets = [0, 1], sizes = [8, 1], strides = [1, 1]} : vector<8x3xf32> to vector<8x1xf32>
    %slice3A_3 = vector.extract_strided_slice %get3A_1 {offsets = [0, 2], sizes = [8, 1], strides = [1, 1]} : vector<8x3xf32> to vector<8x1xf32>
    %get3A_4 = arith.constant 0 : index
    %get3A_5 = arith.constant 0 : index
    %get3A_6 = vector.load %arg1[%get3A_4, %get3A_5] : memref<8x128xf32, #tpu.memory_space<vmem>>, vector<1x128xf32>
    %sub3A = vector.broadcast %slice3A : vector<8x1xf32> to vector<8x128xf32>
    %sub3A_7 = vector.broadcast %get3A_6 : vector<1x128xf32> to vector<8x128xf32>
    %sub3A_8 = arith.subf %sub3A, %sub3A_7 : vector<8x128xf32>
    %get3A_9 = arith.constant 0 : index
    %get3A_10 = arith.constant 0 : index
    %get3A_11 = vector.load %arg2[%get3A_9, %get3A_10] : memref<8x128xf32, #tpu.memory_space<vmem>>, vector<1x128xf32>
    %sub3A_12 = vector.broadcast %slice3A_2 : vector<8x1xf32> to vector<8x128xf32>
    %sub3A_13 = vector.broadcast %get3A_11 : vector<1x128xf32> to vector<8x128xf32>
    %sub3A_14 = arith.subf %sub3A_12, %sub3A_13 : vector<8x128xf32>
    %get3A_15 = arith.constant 0 : index
    %get3A_16 = arith.constant 0 : index
    %get3A_17 = vector.load %arg3[%get3A_15, %get3A_16] : memref<8x128xf32, #tpu.memory_space<vmem>>, vector<1x128xf32>
    %sub3A_18 = vector.broadcast %slice3A_3 : vector<8x1xf32> to vector<8x128xf32>
    %sub3A_19 = vector.broadcast %get3A_17 : vector<1x128xf32> to vector<8x128xf32>
    %sub3A_20 = arith.subf %sub3A_18, %sub3A_19 : vector<8x128xf32>
    %mul3A = arith.mulf %sub3A_8, %sub3A_8 : vector<8x128xf32>
    %mul3A_21 = arith.mulf %sub3A_14, %sub3A_14 : vector<8x128xf32>
    %add3A = arith.addf %mul3A, %mul3A_21 : vector<8x128xf32>
    %mul3A_22 = arith.mulf %sub3A_20, %sub3A_20 : vector<8x128xf32>
    %add3A_23 = arith.addf %add3A, %mul3A_22 : vector<8x128xf32>
    %swap3A = arith.constant 0 : index
    %swap3A_24 = arith.constant 0 : index
    %swap3A_25 = arith.constant 0 : index
    %swap3A_26 = vector.load %arg8[%swap3A, %swap3A_24, %swap3A_25] : memref<8x8x128xf32, #tpu.memory_space<vmem>>, vector<1x8x128xf32>
    %swap3A_27 = vector.shape_cast %swap3A_26 : vector<1x8x128xf32> to vector<8x128xf32>
    %swap3A_28 = vector.shape_cast %add3A_23 : vector<8x128xf32> to vector<1x8x128xf32>
    tpu.vector_store %arg8[%swap3A, %swap3A_24, %swap3A_25], %swap3A_28 {strides = array<i32>} : memref<8x8x128xf32, #tpu.memory_space<vmem>>, vector<1x8x128xf32>,
    %get3A_29 = arith.constant 1 : index
    %get3A_30 = arith.constant 0 : index
    %get3A_31 = vector.load %arg1[%get3A_29, %get3A_30] : memref<8x128xf32, #tpu.memory_space<vmem>>, vector<1x128xf32>
    %sub3A_32 = vector.broadcast %slice3A : vector<8x1xf32> to vector<8x128xf32>
    %sub3A_33 = vector.broadcast %get3A_31 : vector<1x128xf32> to vector<8x128xf32>
    %sub3A_34 = arith.subf %sub3A_32, %sub3A_33 : vector<8x128xf32>
    %get3A_35 = arith.constant 1 : index
    %get3A_36 = arith.constant 0 : index
    %get3A_37 = vector.load %arg2[%get3A_35, %get3A_36] : memref<8x128xf32, #tpu.memory_space<vmem>>, vector<1x128xf32>
    %sub3A_38 = vector.broadcast %slice3A_2 : vector<8x1xf32> to vector<8x128xf32>
    %sub3A_39 = vector.broadcast %get3A_37 : vector<1x128xf32> to vector<8x128xf32>
    %sub3A_40 = arith.subf %sub3A_38, %sub3A_39 : vector<8x128xf32>
    %get3A_41 = arith.constant 1 : index
    %get3A_42 = arith.constant 0 : index
    %get3A_43 = vector.load %arg3[%get3A_41, %get3A_42] : memref<8x128xf32, #tpu.memory_space<vmem>>, vector<1x128xf32>
    %sub3A_44 = vector.broadcast %slice3A_3 : vector<8x1xf32> to vector<8x128xf32>
    %sub3A_45 = vector.broadcast %get3A_43 : vector<1x128xf32> to vector<8x128xf32>
    %sub3A_46 = arith.subf %sub3A_44, %sub3A_45 : vector<8x128xf32>
    %mul3A_47 = arith.mulf %sub3A_34, %sub3A_34 : vector<8x128xf32>
    %mul3A_48 = arith.mulf %sub3A_40, %sub3A_40 : vector<8x128xf32>
    %add3A_49 = arith.addf %mul3A_47, %mul3A_48 : vector<8x128xf32>
    %mul3A_50 = arith.mulf %sub3A_46, %sub3A_46 : vector<8x128xf32>
    %add3A_51 = arith.addf %add3A_49, %mul3A_50 : vector<8x128xf32>
    %swap3A_52 = arith.constant 1 : index
    %swap3A_53 = arith.constant 0 : index
    %swap3A_54 = arith.constant 0 : index
    %swap3A_55 = vector.load %arg8[%swap3A_52, %swap3A_53, %swap3A_54] : memref<8x8x128xf32, #tpu.memory_space<vmem>>, vector<1x8x128xf32>
    %swap3A_56 = vector.shape_cast %swap3A_55 : vector<1x8x128xf32> to vector<8x128xf32>
    %swap3A_57 = vector.shape_cast %add3A_51 : vector<8x128xf32> to vector<1x8x128xf32>
    tpu.vector_store %arg8[%swap3A_52, %swap3A_53, %swap3A_54], %swap3A_57 {strides = array<i32>} : memref<8x8x128xf32, #tpu.memory_space<vmem>>, vector<1x8x128xf32>,
    %get3A_58 = arith.constant 2 : index
    %get3A_59 = arith.constant 0 : index
    %get3A_60 = vector.load %arg1[%get3A_58, %get3A_59] : memref<8x128xf32, #tpu.memory_space<vmem>>, vector<1x128xf32>
    %sub3A_61 = vector.broadcast %slice3A : vector<8x1xf32> to vector<8x128xf32>
    %sub3A_62 = vector.broadcast %get3A_60 : vector<1x128xf32> to vector<8x128xf32>
    %sub3A_63 = arith.subf %sub3A_61, %sub3A_62 : vector<8x128xf32>
    %get3A_64 = arith.constant 2 : index
    %get3A_65 = arith.constant 0 : index
    %get3A_66 = vector.load %arg2[%get3A_64, %get3A_65] : memref<8x128xf32, #tpu.memory_space<vmem>>, vector<1x128xf32>
    %sub3A_67 = vector.broadcast %slice3A_2 : vector<8x1xf32> to vector<8x128xf32>
    %sub3A_68 = vector.broadcast %get3A_66 : vector<1x128xf32> to vector<8x128xf32>
    %sub3A_69 = arith.subf %sub3A_67, %sub3A_68 : vector<8x128xf32>
    %get3A_70 = arith.constant 2 : index
    %get3A_71 = arith.constant 0 : index
    %get3A_72 = vector.load %arg3[%get3A_70, %get3A_71] : memref<8x128xf32, #tpu.memory_space<vmem>>, vector<1x128xf32>
    %sub3A_73 = vector.broadcast %slice3A_3 : vector<8x1xf32> to vector<8x128xf32>
    %sub3A_74 = vector.broadcast %get3A_72 : vector<1x128xf32> to vector<8x128xf32>
    %sub3A_75 = arith.subf %sub3A_73, %sub3A_74 : vector<8x128xf32>
    %mul3A_76 = arith.mulf %sub3A_63, %sub3A_63 : vector<8x128xf32>
    %mul3A_77 = arith.mulf %sub3A_69, %sub3A_69 : vector<8x128xf32>
    %add3A_78 = arith.addf %mul3A_76, %mul3A_77 : vector<8x128xf32>
    %mul3A_79 = arith.mulf %sub3A_75, %sub3A_75 : vector<8x128xf32>
    %add3A_80 = arith.addf %add3A_78, %mul3A_79 : vector<8x128xf32>
    %swap3A_81 = arith.constant 2 : index
    %swap3A_82 = arith.constant 0 : index
    %swap3A_83 = arith.constant 0 : index
    %swap3A_84 = vector.load %arg8[%swap3A_81, %swap3A_82, %swap3A_83] : memref<8x8x128xf32, #tpu.memory_space<vmem>>, vector<1x8x128xf32>
    %swap3A_85 = vector.shape_cast %swap3A_84 : vector<1x8x128xf32> to vector<8x128xf32>
    %swap3A_86 = vector.shape_cast %add3A_80 : vector<8x128xf32> to vector<1x8x128xf32>
    tpu.vector_store %arg8[%swap3A_81, %swap3A_82, %swap3A_83], %swap3A_86 {strides = array<i32>} : memref<8x8x128xf32, #tpu.memory_space<vmem>>, vector<1x8x128xf32>,
    %get3A_87 = arith.constant 3 : index
    %get3A_88 = arith.constant 0 : index
    %get3A_89 = vector.load %arg1[%get3A_87, %get3A_88] : memref<8x128xf32, #tpu.memory_space<vmem>>, vector<1x128xf32>
    %sub3A_90 = vector.broadcast %slice3A : vector<8x1xf32> to vector<8x128xf32>
    %sub3A_91 = vector.broadcast %get3A_89 : vector<1x128xf32> to vector<8x128xf32>
    %sub3A_92 = arith.subf %sub3A_90, %sub3A_91 : vector<8x128xf32>
    %get3A_93 = arith.constant 3 : index
    %get3A_94 = arith.constant 0 : index
    %get3A_95 = vector.load %arg2[%get3A_93, %get3A_94] : memref<8x128xf32, #tpu.memory_space<vmem>>, vector<1x128xf32>
    %sub3A_96 = vector.broadcast %slice3A_2 : vector<8x1xf32> to vector<8x128xf32>
    %sub3A_97 = vector.broadcast %get3A_95 : vector<1x128xf32> to vector<8x128xf32>
    %sub3A_98 = arith.subf %sub3A_96, %sub3A_97 : vector<8x128xf32>
    %get3A_99 = arith.constant 3 : index
    %get3A_100 = arith.constant 0 : index
    %get3A_101 = vector.load %arg3[%get3A_99, %get3A_100] : memref<8x128xf32, #tpu.memory_space<vmem>>, vector<1x128xf32>
    %sub3A_102 = vector.broadcast %slice3A_3 : vector<8x1xf32> to vector<8x128xf32>
    %sub3A_103 = vector.broadcast %get3A_101 : vector<1x128xf32> to vector<8x128xf32>
    %sub3A_104 = arith.subf %sub3A_102, %sub3A_103 : vector<8x128xf32>
    %mul3A_105 = arith.mulf %sub3A_92, %sub3A_92 : vector<8x128xf32>
    %mul3A_106 = arith.mulf %sub3A_98, %sub3A_98 : vector<8x128xf32>
    %add3A_107 = arith.addf %mul3A_105, %mul3A_106 : vector<8x128xf32>
    %mul3A_108 = arith.mulf %sub3A_104, %sub3A_104 : vector<8x128xf32>
    %add3A_109 = arith.addf %add3A_107, %mul3A_108 : vector<8x128xf32>
    %swap3A_110 = arith.constant 3 : index
    %swap3A_111 = arith.constant 0 : index
    %swap3A_112 = arith.constant 0 : index
    %swap3A_113 = vector.load %arg8[%swap3A_110, %swap3A_111, %swap3A_112] : memref<8x8x128xf32, #tpu.memory_space<vmem>>, vector<1x8x128xf32>
    %swap3A_114 = vector.shape_cast %swap3A_113 : vector<1x8x128xf32> to vector<8x128xf32>
    %swap3A_115 = vector.shape_cast %add3A_109 : vector<8x128xf32> to vector<1x8x128xf32>
    tpu.vector_store %arg8[%swap3A_110, %swap3A_111, %swap3A_112], %swap3A_115 {strides = array<i32>} : memref<8x8x128xf32, #tpu.memory_space<vmem>>, vector<1x8x128xf32>,
    %get3A_116 = arith.constant 4 : index
    %get3A_117 = arith.constant 0 : index
    %get3A_118 = vector.load %arg1[%get3A_116, %get3A_117] : memref<8x128xf32, #tpu.memory_space<vmem>>, vector<1x128xf32>
    %sub3A_119 = vector.broadcast %slice3A : vector<8x1xf32> to vector<8x128xf32>
    %sub3A_120 = vector.broadcast %get3A_118 : vector<1x128xf32> to vector<8x128xf32>
    %sub3A_121 = arith.subf %sub3A_119, %sub3A_120 : vector<8x128xf32>
    %get3A_122 = arith.constant 4 : index
    %get3A_123 = arith.constant 0 : index
    %get3A_124 = vector.load %arg2[%get3A_122, %get3A_123] : memref<8x128xf32, #tpu.memory_space<vmem>>, vector<1x128xf32>
    %sub3A_125 = vector.broadcast %slice3A_2 : vector<8x1xf32> to vector<8x128xf32>
    %sub3A_126 = vector.broadcast %get3A_124 : vector<1x128xf32> to vector<8x128xf32>
    %sub3A_127 = arith.subf %sub3A_125, %sub3A_126 : vector<8x128xf32>
    %get3A_128 = arith.constant 4 : index
    %get3A_129 = arith.constant 0 : index
    %get3A_130 = vector.load %arg3[%get3A_128, %get3A_129] : memref<8x128xf32, #tpu.memory_space<vmem>>, vector<1x128xf32>
    %sub3A_131 = vector.broadcast %slice3A_3 : vector<8x1xf32> to vector<8x128xf32>
    %sub3A_132 = vector.broadcast %get3A_130 : vector<1x128xf32> to vector<8x128xf32>
    %sub3A_133 = arith.subf %sub3A_131, %sub3A_132 : vector<8x128xf32>
    %mul3A_134 = arith.mulf %sub3A_121, %sub3A_121 : vector<8x128xf32>
    %mul3A_135 = arith.mulf %sub3A_127, %sub3A_127 : vector<8x128xf32>
    %add3A_136 = arith.addf %mul3A_134, %mul3A_135 : vector<8x128xf32>
    %mul3A_137 = arith.mulf %sub3A_133, %sub3A_133 : vector<8x128xf32>
    %add3A_138 = arith.addf %add3A_136, %mul3A_137 : vector<8x128xf32>
    %swap3A_139 = arith.constant 4 : index
    %swap3A_140 = arith.constant 0 : index
    %swap3A_141 = arith.constant 0 : index
    %swap3A_142 = vector.load %arg8[%swap3A_139, %swap3A_140, %swap3A_141] : memref<8x8x128xf32, #tpu.memory_space<vmem>>, vector<1x8x128xf32>
    %swap3A_143 = vector.shape_cast %swap3A_142 : vector<1x8x128xf32> to vector<8x128xf32>
    %swap3A_144 = vector.shape_cast %add3A_138 : vector<8x128xf32> to vector<1x8x128xf32>
    tpu.vector_store %arg8[%swap3A_139, %swap3A_140, %swap3A_141], %swap3A_144 {strides = array<i32>} : memref<8x8x128xf32, #tpu.memory_space<vmem>>, vector<1x8x128xf32>,
    %get3A_145 = arith.constant 5 : index
    %get3A_146 = arith.constant 0 : index
    %get3A_147 = vector.load %arg1[%get3A_145, %get3A_146] : memref<8x128xf32, #tpu.memory_space<vmem>>, vector<1x128xf32>
    %sub3A_148 = vector.broadcast %slice3A : vector<8x1xf32> to vector<8x128xf32>
    %sub3A_149 = vector.broadcast %get3A_147 : vector<1x128xf32> to vector<8x128xf32>
    %sub3A_150 = arith.subf %sub3A_148, %sub3A_149 : vector<8x128xf32>
    %get3A_151 = arith.constant 5 : index
    %get3A_152 = arith.constant 0 : index
    %get3A_153 = vector.load %arg2[%get3A_151, %get3A_152] : memref<8x128xf32, #tpu.memory_space<vmem>>, vector<1x128xf32>
    %sub3A_154 = vector.broadcast %slice3A_2 : vector<8x1xf32> to vector<8x128xf32>
    %sub3A_155 = vector.broadcast %get3A_153 : vector<1x128xf32> to vector<8x128xf32>
    %sub3A_156 = arith.subf %sub3A_154, %sub3A_155 : vector<8x128xf32>
    %get3A_157 = arith.constant 5 : index
    %get3A_158 = arith.constant 0 : index
    %get3A_159 = vector.load %arg3[%get3A_157, %get3A_158] : memref<8x128xf32, #tpu.memory_space<vmem>>, vector<1x128xf32>
    %sub3A_160 = vector.broadcast %slice3A_3 : vector<8x1xf32> to vector<8x128xf32>
    %sub3A_161 = vector.broadcast %get3A_159 : vector<1x128xf32> to vector<8x128xf32>
    %sub3A_162 = arith.subf %sub3A_160, %sub3A_161 : vector<8x128xf32>
    %mul3A_163 = arith.mulf %sub3A_150, %sub3A_150 : vector<8x128xf32>
    %mul3A_164 = arith.mulf %sub3A_156, %sub3A_156 : vector<8x128xf32>
    %add3A_165 = arith.addf %mul3A_163, %mul3A_164 : vector<8x128xf32>
    %mul3A_166 = arith.mulf %sub3A_162, %sub3A_162 : vector<8x128xf32>
    %add3A_167 = arith.addf %add3A_165, %mul3A_166 : vector<8x128xf32>
    %swap3A_168 = arith.constant 5 : index
    %swap3A_169 = arith.constant 0 : index
    %swap3A_170 = arith.constant 0 : index
    %swap3A_171 = vector.load %arg8[%swap3A_168, %swap3A_169, %swap3A_170] : memref<8x8x128xf32, #tpu.memory_space<vmem>>, vector<1x8x128xf32>
    %swap3A_172 = vector.shape_cast %swap3A_171 : vector<1x8x128xf32> to vector<8x128xf32>
    %swap3A_173 = vector.shape_cast %add3A_167 : vector<8x128xf32> to vector<1x8x128xf32>
    tpu.vector_store %arg8[%swap3A_168, %swap3A_169, %swap3A_170], %swap3A_173 {strides = array<i32>} : memref<8x8x128xf32, #tpu.memory_space<vmem>>, vector<1x8x128xf32>,
    %get3A_174 = arith.constant 6 : index
    %get3A_175 = arith.constant 0 : index
    %get3A_176 = vector.load %arg1[%get3A_174, %get3A_175] : memref<8x128xf32, #tpu.memory_space<vmem>>, vector<1x128xf32>
    %sub3A_177 = vector.broadcast %slice3A : vector<8x1xf32> to vector<8x128xf32>
    %sub3A_178 = vector.broadcast %get3A_176 : vector<1x128xf32> to vector<8x128xf32>
    %sub3A_179 = arith.subf %sub3A_177, %sub3A_178 : vector<8x128xf32>
    %get3A_180 = arith.constant 6 : index
    %get3A_181 = arith.constant 0 : index
    %get3A_182 = vector.load %arg2[%get3A_180, %get3A_181] : memref<8x128xf32, #tpu.memory_space<vmem>>, vector<1x128xf32>
    %sub3A_183 = vector.broadcast %slice3A_2 : vector<8x1xf32> to vector<8x128xf32>
    %sub3A_184 = vector.broadcast %get3A_182 : vector<1x128xf32> to vector<8x128xf32>
    %sub3A_185 = arith.subf %sub3A_183, %sub3A_184 : vector<8x128xf32>
    %get3A_186 = arith.constant 6 : index
    %get3A_187 = arith.constant 0 : index
    %get3A_188 = vector.load %arg3[%get3A_186, %get3A_187] : memref<8x128xf32, #tpu.memory_space<vmem>>, vector<1x128xf32>
    %sub3A_189 = vector.broadcast %slice3A_3 : vector<8x1xf32> to vector<8x128xf32>
    %sub3A_190 = vector.broadcast %get3A_188 : vector<1x128xf32> to vector<8x128xf32>
    %sub3A_191 = arith.subf %sub3A_189, %sub3A_190 : vector<8x128xf32>
    %mul3A_192 = arith.mulf %sub3A_179, %sub3A_179 : vector<8x128xf32>
    %mul3A_193 = arith.mulf %sub3A_185, %sub3A_185 : vector<8x128xf32>
    %add3A_194 = arith.addf %mul3A_192, %mul3A_193 : vector<8x128xf32>
    %mul3A_195 = arith.mulf %sub3A_191, %sub3A_191 : vector<8x128xf32>
    %add3A_196 = arith.addf %add3A_194, %mul3A_195 : vector<8x128xf32>
    %swap3A_197 = arith.constant 6 : index
    %swap3A_198 = arith.constant 0 : index
    %swap3A_199 = arith.constant 0 : index
    %swap3A_200 = vector.load %arg8[%swap3A_197, %swap3A_198, %swap3A_199] : memref<8x8x128xf32, #tpu.memory_space<vmem>>, vector<1x8x128xf32>
    %swap3A_201 = vector.shape_cast %swap3A_200 : vector<1x8x128xf32> to vector<8x128xf32>
    %swap3A_202 = vector.shape_cast %add3A_196 : vector<8x128xf32> to vector<1x8x128xf32>
    tpu.vector_store %arg8[%swap3A_197, %swap3A_198, %swap3A_199], %swap3A_202 {strides = array<i32>} : memref<8x8x128xf32, #tpu.memory_space<vmem>>, vector<1x8x128xf32>,
    %get3A_203 = arith.constant 7 : index
    %get3A_204 = arith.constant 0 : index
    %get3A_205 = vector.load %arg1[%get3A_203, %get3A_204] : memref<8x128xf32, #tpu.memory_space<vmem>>, vector<1x128xf32>
    %sub3A_206 = vector.broadcast %slice3A : vector<8x1xf32> to vector<8x128xf32>
    %sub3A_207 = vector.broadcast %get3A_205 : vector<1x128xf32> to vector<8x128xf32>
    %sub3A_208 = arith.subf %sub3A_206, %sub3A_207 : vector<8x128xf32>
    %get3A_209 = arith.constant 7 : index
    %get3A_210 = arith.constant 0 : index
    %get3A_211 = vector.load %arg2[%get3A_209, %get3A_210] : memref<8x128xf32, #tpu.memory_space<vmem>>, vector<1x128xf32>
    %sub3A_212 = vector.broadcast %slice3A_2 : vector<8x1xf32> to vector<8x128xf32>
    %sub3A_213 = vector.broadcast %get3A_211 : vector<1x128xf32> to vector<8x128xf32>
    %sub3A_214 = arith.subf %sub3A_212, %sub3A_213 : vector<8x128xf32>
    %get3A_215 = arith.constant 7 : index
    %get3A_216 = arith.constant 0 : index
    %get3A_217 = vector.load %arg3[%get3A_215, %get3A_216] : memref<8x128xf32, #tpu.memory_space<vmem>>, vector<1x128xf32>
    %sub3A_218 = vector.broadcast %slice3A_3 : vector<8x1xf32> to vector<8x128xf32>
    %sub3A_219 = vector.broadcast %get3A_217 : vector<1x128xf32> to vector<8x128xf32>
    %sub3A_220 = arith.subf %sub3A_218, %sub3A_219 : vector<8x128xf32>
    %mul3A_221 = arith.mulf %sub3A_208, %sub3A_208 : vector<8x128xf32>
    %mul3A_222 = arith.mulf %sub3A_214, %sub3A_214 : vector<8x128xf32>
    %add3A_223 = arith.addf %mul3A_221, %mul3A_222 : vector<8x128xf32>
    %mul3A_224 = arith.mulf %sub3A_220, %sub3A_220 : vector<8x128xf32>
    %add3A_225 = arith.addf %add3A_223, %mul3A_224 : vector<8x128xf32>
    %swap3A_226 = arith.constant 7 : index
    %swap3A_227 = arith.constant 0 : index
    %swap3A_228 = arith.constant 0 : index
    %swap3A_229 = vector.load %arg8[%swap3A_226, %swap3A_227, %swap3A_228] : memref<8x8x128xf32, #tpu.memory_space<vmem>>, vector<1x8x128xf32>
    %swap3A_230 = vector.shape_cast %swap3A_229 : vector<1x8x128xf32> to vector<8x128xf32>
    %swap3A_231 = vector.shape_cast %add3A_225 : vector<8x128xf32> to vector<1x8x128xf32>
    tpu.vector_store %arg8[%swap3A_226, %swap3A_227, %swap3A_228], %swap3A_231 {strides = array<i32>} : memref<8x8x128xf32, #tpu.memory_space<vmem>>, vector<1x8x128xf32>,
    %iota3A = tpu.iota {dimensions = array<i32: 1>} : vector<8x32xi32>
    %broadcast_in_dim3A = arith.constant 0 : i32
    %broadcast_in_dim3A_232 = vector.broadcast %broadcast_in_dim3A : i32 to vector<8x32xi32>
    %broadcast_in_dim3A_233 = arith.constant 0.000000e+00 : f32
    %broadcast_in_dim3A_234 = vector.broadcast %broadcast_in_dim3A_233 : f32 to vector<8x32xf32>
    %scan3A = arith.constant 0 : i32
    %scan3A_235 = arith.constant 32 : i32
    %scan3A_236 = arith.addi %scan3A, %scan3A_235 : i32
    %scan3A_237 = arith.constant 1 : i32
    %scan3A_238:2 = scf.for %scan3A_246 = %scan3A to %scan3A_236 step %scan3A_237 iter_args(%scan3A_247 = %broadcast_in_dim3A_232, %scan3A_248 = %broadcast_in_dim3A_234) -> (vector<8x32xi32>, vector<8x32xf32>)  : i32 {
      %get3A_249 = arith.constant 0 : index
      %get3A_250 = arith.constant 0 : index
      %get3A_251 = arith.constant 0 : index
      %get3A_252 = vector.load %arg8[%get3A_249, %get3A_250, %get3A_251] : memref<8x8x128xf32, #tpu.memory_space<vmem>>, vector<8x8x128xf32>
      %get3A_253 = arith.constant 0 : index
      %get3A_254 = arith.constant 0 : index
      %get3A_255 = arith.constant 0 : index
      %get3A_256 = vector.load %arg5[%get3A_253, %get3A_254, %get3A_255] : memref<8x8x128xf32, #tpu.memory_space<vmem>>, vector<8x8x128xf32>
      %reduce_min3A = arith.constant dense<0x7F800000> : vector<8x128xf32>
      %reduce_min3A_257 = vector.multi_reduction <minimumf>, %get3A_252, %reduce_min3A [0] : vector<8x8x128xf32> to vector<8x128xf32>
      %reduce_min3A_258 = arith.constant dense<0x7F800000> : vector<8xf32>
      %reduce_min3A_259 = vector.multi_reduction <minimumf>, %reduce_min3A_257, %reduce_min3A_258 [1] : vector<8x128xf32> to vector<8xf32>
      %broadcast_in_dim3A_260 = vector.shape_cast %reduce_min3A_259 : vector<8xf32> to vector<8x1xf32>
      %broadcast_in_dim3A_261 = vector.shape_cast %broadcast_in_dim3A_260 : vector<8x1xf32> to vector<1x8x1xf32>
      %eq3A = vector.broadcast %broadcast_in_dim3A_261 : vector<1x8x1xf32> to vector<8x8x128xf32>
      %eq3A_262 = arith.cmpf oeq, %get3A_252, %eq3A : vector<8x8x128xf32>
      %jit3A = arith.constant 3.400000e+38 : f32
      %broadcast_in_dim3A_263 = vector.broadcast %jit3A : f32 to vector<8x8x128xf32>
      %select_n3A = arith.select %eq3A_262, %get3A_256, %broadcast_in_dim3A_263 : vector<8x8x128xi1>, vector<8x8x128xf32>
      %reduce_min3A_264 = arith.constant dense<0x7F800000> : vector<8x128xf32>
      %reduce_min3A_265 = vector.multi_reduction <minimumf>, %select_n3A, %reduce_min3A_264 [0] : vector<8x8x128xf32> to vector<8x128xf32>
      %reduce_min3A_266 = arith.constant dense<0x7F800000> : vector<8xf32>
      %reduce_min3A_267 = vector.multi_reduction <minimumf>, %reduce_min3A_265, %reduce_min3A_266 [1] : vector<8x128xf32> to vector<8xf32>
      %broadcast_in_dim3A_268 = vector.shape_cast %reduce_min3A_267 : vector<8xf32> to vector<8x1xf32>
      %broadcast_in_dim3A_269 = vector.shape_cast %broadcast_in_dim3A_268 : vector<8x1xf32> to vector<1x8x1xf32>
      %eq3A_270 = vector.broadcast %broadcast_in_dim3A_269 : vector<1x8x1xf32> to vector<8x8x128xf32>
      %eq3A_271 = arith.cmpf oeq, %get3A_256, %eq3A_270 : vector<8x8x128xf32>
      %jit3A_272 = arith.constant 0x7F800000 : f32
      %broadcast_in_dim3A_273 = vector.broadcast %jit3A_272 : f32 to vector<8x8x128xf32>
      %select_n3A_274 = arith.select %eq3A_271, %broadcast_in_dim3A_273, %get3A_252 : vector<8x8x128xi1>, vector<8x8x128xf32>
      %swap3A_275 = arith.constant 0 : index
      %swap3A_276 = arith.constant 0 : index
      %swap3A_277 = arith.constant 0 : index
      %swap3A_278 = vector.load %arg8[%swap3A_275, %swap3A_276, %swap3A_277] : memref<8x8x128xf32, #tpu.memory_space<vmem>>, vector<8x8x128xf32>
      tpu.vector_store %arg8[%swap3A_275, %swap3A_276, %swap3A_277], %select_n3A_274 {strides = array<i32>} : memref<8x8x128xf32, #tpu.memory_space<vmem>>, vector<8x8x128xf32>,
      %eq3A_279 = vector.broadcast %scan3A_246 : i32 to vector<8x32xi32>
      %eq3A_280 = arith.cmpi eq, %iota3A, %eq3A_279 : vector<8x32xi32>
      %convert_element_type3A = arith.fptosi %broadcast_in_dim3A_268 : vector<8x1xf32> to vector<8x1xi32>
      %broadcast_in_dim3A_281 = vector.shape_cast %convert_element_type3A : vector<8x1xi32> to vector<8x1xi32>
      %broadcast_in_dim3A_282 = vector.broadcast %broadcast_in_dim3A_281 : vector<8x1xi32> to vector<8x32xi32>
      %select_n3A_283 = arith.select %eq3A_280, %broadcast_in_dim3A_282, %scan3A_247 : vector<8x32xi1>, vector<8x32xi32>
      %eq3A_284 = vector.broadcast %scan3A_246 : i32 to vector<8x32xi32>
      %eq3A_285 = arith.cmpi eq, %iota3A, %eq3A_284 : vector<8x32xi32>
      %le3A = arith.constant 6.400000e-01 : f32
      %le3A_286 = vector.broadcast %le3A : f32 to vector<8x1xf32>
      %le3A_287 = arith.cmpf ole, %broadcast_in_dim3A_260, %le3A_286 : vector<8x1xf32>
      %jit3A_288 = arith.constant 1.000000e+00 : f32
      %jit3A_289 = arith.constant 0.000000e+00 : f32
      %broadcast_in_dim3A_290 = vector.broadcast %jit3A_288 : f32 to vector<8x1xf32>
      %broadcast_in_dim3A_291 = vector.broadcast %jit3A_289 : f32 to vector<8x1xf32>
      %select_n3A_292 = arith.select %le3A_287, %broadcast_in_dim3A_290, %broadcast_in_dim3A_291 : vector<8x1xi1>, vector<8x1xf32>
      %broadcast_in_dim3A_293 = vector.shape_cast %select_n3A_292 : vector<8x1xf32> to vector<8x1xf32>
      %broadcast_in_dim3A_294 = vector.broadcast %broadcast_in_dim3A_293 : vector<8x1xf32> to vector<8x32xf32>
      %select_n3A_295 = arith.select %eq3A_285, %broadcast_in_dim3A_294, %scan3A_248 : vector<8x32xi1>, vector<8x32xf32>
      scf.yield %select_n3A_283, %select_n3A_295 : vector<8x32xi32>, vector<8x32xf32>
    }
    %scan3A_239 = arith.constant 32 : i32
    %swap3A_240 = arith.constant 0 : index
    %swap3A_241 = arith.constant 0 : index
    %swap3A_242 = vector.load %arg6[%swap3A_240, %swap3A_241] : memref<8x32xi32, #tpu.memory_space<vmem>>, vector<8x32xi32>
    tpu.vector_store %arg6[%swap3A_240, %swap3A_241], %scan3A_238#0 {strides = array<i32>} : memref<8x32xi32, #tpu.memory_space<vmem>>, vector<8x32xi32>,
    %swap3A_243 = arith.constant 0 : index
    %swap3A_244 = arith.constant 0 : index
    %swap3A_245 = vector.load %arg7[%swap3A_243, %swap3A_244] : memref<8x32xf32, #tpu.memory_space<vmem>>, vector<8x32xf32>
    tpu.vector_store %arg7[%swap3A_243, %swap3A_244], %scan3A_238#1 {strides = array<i32>} : memref<8x32xf32, #tpu.memory_space<vmem>>, vector<8x32xf32>,
    return
  }
  func.func @transform_0(%arg0: i32) -> (i32, i32) {
    %c0_i32 = arith.constant 0 : i32
    %c0_i32_0 = arith.constant 0 : i32
    %c0_i32_1 = arith.constant 0 : i32
    return %c0_i32, %c0_i32_0 : i32, i32
  }
  func.func @transform_1(%arg0: i32) -> (i32, i32) {
    %c0_i32 = arith.constant 0 : i32
    %c0_i32_0 = arith.constant 0 : i32
    %c0_i32_1 = arith.constant 0 : i32
    return %c0_i32, %c0_i32_0 : i32, i32
  }
  func.func @transform_2(%arg0: i32) -> (i32, i32) {
    %c0_i32 = arith.constant 0 : i32
    %c0_i32_0 = arith.constant 0 : i32
    %c0_i32_1 = arith.constant 0 : i32
    return %c0_i32, %c0_i32_0 : i32, i32
  }
  func.func @transform_3(%arg0: i32) -> (i32, i32) {
    %c0_i32 = arith.constant 0 : i32
    %c0_i32_0 = arith.constant 0 : i32
    return %arg0, %c0_i32 : i32, i32
  }
  func.func @transform_4(%arg0: i32) -> (i32, i32, i32) {
    %c0_i32 = arith.constant 0 : i32
    %c0_i32_0 = arith.constant 0 : i32
    %c0_i32_1 = arith.constant 0 : i32
    %c0_i32_2 = arith.constant 0 : i32
    return %c0_i32, %c0_i32_0, %c0_i32_1 : i32, i32, i32
  }
  func.func @transform_5(%arg0: i32) -> (i32, i32) {
    %c0_i32 = arith.constant 0 : i32
    %c0_i32_0 = arith.constant 0 : i32
    return %arg0, %c0_i32 : i32, i32
  }
  func.func @transform_6(%arg0: i32) -> (i32, i32) {
    %c0_i32 = arith.constant 0 : i32
    %c0_i32_0 = arith.constant 0 : i32
    return %arg0, %c0_i32 : i32, i32
  }
}

module attributes {stable_mosaic.version = 14 : i64} {
  func.func @_mlp_pool_body(%arg0: i32, %arg1: memref<4096x256xf32, #tpu.memory_space<vmem>>, %arg2: memref<128x256xf32, #tpu.memory_space<vmem>>, %arg3: memref<4096x1xf32, #tpu.memory_space<vmem>>, %arg4: memref<256x128xf32, #tpu.memory_space<vmem>>, %arg5: memref<1x128xf32, #tpu.memory_space<vmem>>, %arg6: memref<128x128xf32, #tpu.memory_space<vmem>>, %arg7: memref<1x128xf32, #tpu.memory_space<vmem>>, %arg8: memref<128x256xf32, #tpu.memory_space<vmem>>, %arg9: memref<1x256xf32, #tpu.memory_space<vmem>>, %arg10: memref<256x256xf32, #tpu.memory_space<vmem>>, %arg11: memref<1x256xf32, #tpu.memory_space<vmem>>, %arg12: memref<128x256xf32, #tpu.memory_space<vmem>>) attributes {dimension_semantics = [#tpu.dimension_semantics<arbitrary>], iteration_bounds = array<i64: 8>, scalar_prefetch = 0 : i64, scratch_operands = 0 : i64, tpu.core_type = #tpu.core_type<tc>, window_params = [{transform_indices = @transform_0, window_bounds = array<i64: 4096, 256>}, {transform_indices = @transform_1, window_bounds = array<i64: 128, 256>}, {transform_indices = @transform_2, window_bounds = array<i64: 4096, 1>}, {pipeline_mode = #tpu.pipeline_mode<synchronous>, transform_indices = @transform_3, window_bounds = array<i64: 256, 128>}, {pipeline_mode = #tpu.pipeline_mode<synchronous>, transform_indices = @transform_4, window_bounds = array<i64: 1, 128>}, {pipeline_mode = #tpu.pipeline_mode<synchronous>, transform_indices = @transform_5, window_bounds = array<i64: 128, 128>}, {pipeline_mode = #tpu.pipeline_mode<synchronous>, transform_indices = @transform_6, window_bounds = array<i64: 1, 128>}, {pipeline_mode = #tpu.pipeline_mode<synchronous>, transform_indices = @transform_7, window_bounds = array<i64: 128, 256>}, {pipeline_mode = #tpu.pipeline_mode<synchronous>, transform_indices = @transform_8, window_bounds = array<i64: 1, 256>}, {pipeline_mode = #tpu.pipeline_mode<synchronous>, transform_indices = @transform_9, window_bounds = array<i64: 256, 256>}, {pipeline_mode = #tpu.pipeline_mode<synchronous>, transform_indices = @transform_10, window_bounds = array<i64: 1, 256>}, {transform_indices = @transform_11, window_bounds = array<i64: 128, 256>}]} {
    %get3A = arith.constant 0 : index
    %get3A_0 = arith.constant 0 : index
    %get3A_1 = vector.load %arg2[%get3A, %get3A_0] : memref<128x256xf32, #tpu.memory_space<vmem>>, vector<128x256xf32>
    %broadcast_in_dim3A = vector.shape_cast %get3A_1 : vector<128x256xf32> to vector<128x1x256xf32>
    %broadcast_in_dim3A_2 = vector.shape_cast %broadcast_in_dim3A : vector<128x1x256xf32> to vector<128x1x256xf32>
    %broadcast_in_dim3A_3 = vector.broadcast %broadcast_in_dim3A_2 : vector<128x1x256xf32> to vector<128x32x256xf32>
    %get3A_4 = arith.constant 0 : index
    %get3A_5 = arith.constant 0 : index
    %get3A_6 = vector.load %arg1[%get3A_4, %get3A_5] : memref<4096x256xf32, #tpu.memory_space<vmem>>, vector<4096x256xf32>
    %reshape3A = vector.shape_cast %broadcast_in_dim3A_3 : vector<128x32x256xf32> to vector<4096x256xf32>
    %sub3A = arith.subf %get3A_6, %reshape3A : vector<4096x256xf32>
    %get3A_7 = arith.constant 0 : index
    %get3A_8 = arith.constant 0 : index
    %get3A_9 = vector.load %arg4[%get3A_7, %get3A_8] : memref<256x128xf32, #tpu.memory_space<vmem>>, vector<256x128xf32>
    %dot_general3A = arith.constant dense<0.000000e+00> : vector<4096x128xf32>
    %dot_general3A_10 = tpu.matmul %sub3A, %get3A_9, %dot_general3A {dimension_numbers = #tpu.dot_dimension_numbers<[1], [0], [0], [1], [0, 0, 1, 1], [], []>, transpose_lhs_hint = false} : vector<4096x256xf32>, vector<256x128xf32>, vector<4096x128xf32> -> vector<4096x128xf32>
    %get3A_11 = arith.constant 0 : index
    %get3A_12 = arith.constant 0 : index
    %get3A_13 = vector.load %arg5[%get3A_11, %get3A_12] : memref<1x128xf32, #tpu.memory_space<vmem>>, vector<1x128xf32>
    %add3A = vector.broadcast %get3A_13 : vector<1x128xf32> to vector<4096x128xf32>
    %add3A_14 = arith.addf %dot_general3A_10, %add3A : vector<4096x128xf32>
    %max3A = arith.constant 0.000000e+00 : f32
    %max3A_15 = vector.broadcast %max3A : f32 to vector<4096x128xf32>
    %max3A_16 = arith.maximumf %add3A_14, %max3A_15 : vector<4096x128xf32>
    %get3A_17 = arith.constant 0 : index
    %get3A_18 = arith.constant 0 : index
    %get3A_19 = vector.load %arg6[%get3A_17, %get3A_18] : memref<128x128xf32, #tpu.memory_space<vmem>>, vector<128x128xf32>
    %dot_general3A_20 = arith.constant dense<0.000000e+00> : vector<4096x128xf32>
    %dot_general3A_21 = tpu.matmul %max3A_16, %get3A_19, %dot_general3A_20 {dimension_numbers = #tpu.dot_dimension_numbers<[1], [0], [0], [1], [0, 0, 1, 1], [], []>, transpose_lhs_hint = false} : vector<4096x128xf32>, vector<128x128xf32>, vector<4096x128xf32> -> vector<4096x128xf32>
    %get3A_22 = arith.constant 0 : index
    %get3A_23 = arith.constant 0 : index
    %get3A_24 = vector.load %arg7[%get3A_22, %get3A_23] : memref<1x128xf32, #tpu.memory_space<vmem>>, vector<1x128xf32>
    %add3A_25 = vector.broadcast %get3A_24 : vector<1x128xf32> to vector<4096x128xf32>
    %add3A_26 = arith.addf %dot_general3A_21, %add3A_25 : vector<4096x128xf32>
    %max3A_27 = arith.constant 0.000000e+00 : f32
    %max3A_28 = vector.broadcast %max3A_27 : f32 to vector<4096x128xf32>
    %max3A_29 = arith.maximumf %add3A_26, %max3A_28 : vector<4096x128xf32>
    %get3A_30 = arith.constant 0 : index
    %get3A_31 = arith.constant 0 : index
    %get3A_32 = vector.load %arg8[%get3A_30, %get3A_31] : memref<128x256xf32, #tpu.memory_space<vmem>>, vector<128x256xf32>
    %dot_general3A_33 = arith.constant dense<0.000000e+00> : vector<4096x256xf32>
    %dot_general3A_34 = tpu.matmul %max3A_29, %get3A_32, %dot_general3A_33 {dimension_numbers = #tpu.dot_dimension_numbers<[1], [0], [0], [1], [0, 0, 1, 1], [], []>, transpose_lhs_hint = false} : vector<4096x128xf32>, vector<128x256xf32>, vector<4096x256xf32> -> vector<4096x256xf32>
    %get3A_35 = arith.constant 0 : index
    %get3A_36 = arith.constant 0 : index
    %get3A_37 = vector.load %arg9[%get3A_35, %get3A_36] : memref<1x256xf32, #tpu.memory_space<vmem>>, vector<1x256xf32>
    %add3A_38 = vector.broadcast %get3A_37 : vector<1x256xf32> to vector<4096x256xf32>
    %add3A_39 = arith.addf %dot_general3A_34, %add3A_38 : vector<4096x256xf32>
    %get3A_40 = arith.constant 0 : index
    %get3A_41 = arith.constant 0 : index
    %get3A_42 = vector.load %arg3[%get3A_40, %get3A_41] : memref<4096x1xf32, #tpu.memory_space<vmem>>, vector<4096x1xf32>
    %mul3A = vector.broadcast %get3A_42 : vector<4096x1xf32> to vector<4096x256xf32>
    %mul3A_43 = arith.mulf %add3A_39, %mul3A : vector<4096x256xf32>
    %sub3A_44 = arith.constant 1.000000e+00 : f32
    %sub3A_45 = vector.broadcast %sub3A_44 : f32 to vector<4096x1xf32>
    %sub3A_46 = arith.subf %get3A_42, %sub3A_45 : vector<4096x1xf32>
    %mul3A_47 = arith.constant 3.400000e+38 : f32
    %mul3A_48 = vector.broadcast %mul3A_47 : f32 to vector<4096x1xf32>
    %mul3A_49 = arith.mulf %sub3A_46, %mul3A_48 : vector<4096x1xf32>
    %add3A_50 = vector.broadcast %mul3A_49 : vector<4096x1xf32> to vector<4096x256xf32>
    %add3A_51 = arith.addf %mul3A_43, %add3A_50 : vector<4096x256xf32>
    %reshape3A_52 = vector.shape_cast %add3A_51 : vector<4096x256xf32> to vector<128x32x256xf32>
    %reduce_max3A = arith.constant dense<0xFF800000> : vector<128x256xf32>
    %reduce_max3A_53 = vector.multi_reduction <maximumf>, %reshape3A_52, %reduce_max3A [1] : vector<128x32x256xf32> to vector<128x256xf32>
    %get3A_54 = arith.constant 0 : index
    %get3A_55 = arith.constant 0 : index
    %get3A_56 = vector.load %arg10[%get3A_54, %get3A_55] : memref<256x256xf32, #tpu.memory_space<vmem>>, vector<256x256xf32>
    %dot_general3A_57 = arith.constant dense<0.000000e+00> : vector<128x256xf32>
    %dot_general3A_58 = tpu.matmul %reduce_max3A_53, %get3A_56, %dot_general3A_57 {dimension_numbers = #tpu.dot_dimension_numbers<[1], [0], [0], [1], [0, 0, 1, 1], [], []>, transpose_lhs_hint = false} : vector<128x256xf32>, vector<256x256xf32>, vector<128x256xf32> -> vector<128x256xf32>
    %get3A_59 = arith.constant 0 : index
    %get3A_60 = arith.constant 0 : index
    %get3A_61 = vector.load %arg11[%get3A_59, %get3A_60] : memref<1x256xf32, #tpu.memory_space<vmem>>, vector<1x256xf32>
    %add3A_62 = vector.broadcast %get3A_61 : vector<1x256xf32> to vector<128x256xf32>
    %add3A_63 = arith.addf %dot_general3A_58, %add3A_62 : vector<128x256xf32>
    %swap3A = arith.constant 0 : index
    %swap3A_64 = arith.constant 0 : index
    %swap3A_65 = vector.load %arg12[%swap3A, %swap3A_64] : memref<128x256xf32, #tpu.memory_space<vmem>>, vector<128x256xf32>
    tpu.vector_store %arg12[%swap3A, %swap3A_64], %add3A_63 {strides = array<i32>} : memref<128x256xf32, #tpu.memory_space<vmem>>, vector<128x256xf32>,
    return
  }
  func.func @transform_0(%arg0: i32) -> (i32, i32) {
    %c0_i32 = arith.constant 0 : i32
    %c0_i32_0 = arith.constant 0 : i32
    return %arg0, %c0_i32 : i32, i32
  }
  func.func @transform_1(%arg0: i32) -> (i32, i32) {
    %c0_i32 = arith.constant 0 : i32
    %c0_i32_0 = arith.constant 0 : i32
    return %arg0, %c0_i32 : i32, i32
  }
  func.func @transform_2(%arg0: i32) -> (i32, i32) {
    %c0_i32 = arith.constant 0 : i32
    %c0_i32_0 = arith.constant 0 : i32
    return %arg0, %c0_i32 : i32, i32
  }
  func.func @transform_3(%arg0: i32) -> (i32, i32) {
    %c0_i32 = arith.constant 0 : i32
    %c0_i32_0 = arith.constant 0 : i32
    %c0_i32_1 = arith.constant 0 : i32
    return %c0_i32, %c0_i32_0 : i32, i32
  }
  func.func @transform_4(%arg0: i32) -> (i32, i32) {
    %c0_i32 = arith.constant 0 : i32
    %c0_i32_0 = arith.constant 0 : i32
    %c0_i32_1 = arith.constant 0 : i32
    return %c0_i32, %c0_i32_0 : i32, i32
  }
  func.func @transform_5(%arg0: i32) -> (i32, i32) {
    %c0_i32 = arith.constant 0 : i32
    %c0_i32_0 = arith.constant 0 : i32
    %c0_i32_1 = arith.constant 0 : i32
    return %c0_i32, %c0_i32_0 : i32, i32
  }
  func.func @transform_6(%arg0: i32) -> (i32, i32) {
    %c0_i32 = arith.constant 0 : i32
    %c0_i32_0 = arith.constant 0 : i32
    %c0_i32_1 = arith.constant 0 : i32
    return %c0_i32, %c0_i32_0 : i32, i32
  }
  func.func @transform_7(%arg0: i32) -> (i32, i32) {
    %c0_i32 = arith.constant 0 : i32
    %c0_i32_0 = arith.constant 0 : i32
    %c0_i32_1 = arith.constant 0 : i32
    return %c0_i32, %c0_i32_0 : i32, i32
  }
  func.func @transform_8(%arg0: i32) -> (i32, i32) {
    %c0_i32 = arith.constant 0 : i32
    %c0_i32_0 = arith.constant 0 : i32
    %c0_i32_1 = arith.constant 0 : i32
    return %c0_i32, %c0_i32_0 : i32, i32
  }
  func.func @transform_9(%arg0: i32) -> (i32, i32) {
    %c0_i32 = arith.constant 0 : i32
    %c0_i32_0 = arith.constant 0 : i32
    %c0_i32_1 = arith.constant 0 : i32
    return %c0_i32, %c0_i32_0 : i32, i32
  }
  func.func @transform_10(%arg0: i32) -> (i32, i32) {
    %c0_i32 = arith.constant 0 : i32
    %c0_i32_0 = arith.constant 0 : i32
    %c0_i32_1 = arith.constant 0 : i32
    return %c0_i32, %c0_i32_0 : i32, i32
  }
  func.func @transform_11(%arg0: i32) -> (i32, i32) {
    %c0_i32 = arith.constant 0 : i32
    %c0_i32_0 = arith.constant 0 : i32
    return %arg0, %c0_i32 : i32, i32
  }
}

module attributes {stable_mosaic.version = 14 : i64} {
  func.func @_mlp_pool_body(%arg0: i32, %arg1: memref<2048x384xf32, #tpu.memory_space<vmem>>, %arg2: memref<64x384xf32, #tpu.memory_space<vmem>>, %arg3: memref<2048x1xf32, #tpu.memory_space<vmem>>, %arg4: memref<384x256xf32, #tpu.memory_space<vmem>>, %arg5: memref<1x256xf32, #tpu.memory_space<vmem>>, %arg6: memref<256x256xf32, #tpu.memory_space<vmem>>, %arg7: memref<1x256xf32, #tpu.memory_space<vmem>>, %arg8: memref<256x512xf32, #tpu.memory_space<vmem>>, %arg9: memref<1x512xf32, #tpu.memory_space<vmem>>, %arg10: memref<512x512xf32, #tpu.memory_space<vmem>>, %arg11: memref<1x512xf32, #tpu.memory_space<vmem>>, %arg12: memref<64x512xf32, #tpu.memory_space<vmem>>) attributes {dimension_semantics = [#tpu.dimension_semantics<arbitrary>], iteration_bounds = array<i64: 4>, scalar_prefetch = 0 : i64, scratch_operands = 0 : i64, tpu.core_type = #tpu.core_type<tc>, window_params = [{transform_indices = @transform_0, window_bounds = array<i64: 2048, 384>}, {transform_indices = @transform_1, window_bounds = array<i64: 64, 384>}, {transform_indices = @transform_2, window_bounds = array<i64: 2048, 1>}, {pipeline_mode = #tpu.pipeline_mode<synchronous>, transform_indices = @transform_3, window_bounds = array<i64: 384, 256>}, {pipeline_mode = #tpu.pipeline_mode<synchronous>, transform_indices = @transform_4, window_bounds = array<i64: 1, 256>}, {pipeline_mode = #tpu.pipeline_mode<synchronous>, transform_indices = @transform_5, window_bounds = array<i64: 256, 256>}, {pipeline_mode = #tpu.pipeline_mode<synchronous>, transform_indices = @transform_6, window_bounds = array<i64: 1, 256>}, {pipeline_mode = #tpu.pipeline_mode<synchronous>, transform_indices = @transform_7, window_bounds = array<i64: 256, 512>}, {pipeline_mode = #tpu.pipeline_mode<synchronous>, transform_indices = @transform_8, window_bounds = array<i64: 1, 512>}, {pipeline_mode = #tpu.pipeline_mode<synchronous>, transform_indices = @transform_9, window_bounds = array<i64: 512, 512>}, {pipeline_mode = #tpu.pipeline_mode<synchronous>, transform_indices = @transform_10, window_bounds = array<i64: 1, 512>}, {transform_indices = @transform_11, window_bounds = array<i64: 64, 512>}]} {
    %get3A = arith.constant 0 : index
    %get3A_0 = arith.constant 0 : index
    %get3A_1 = vector.load %arg2[%get3A, %get3A_0] : memref<64x384xf32, #tpu.memory_space<vmem>>, vector<64x384xf32>
    %broadcast_in_dim3A = vector.shape_cast %get3A_1 : vector<64x384xf32> to vector<64x1x384xf32>
    %broadcast_in_dim3A_2 = vector.shape_cast %broadcast_in_dim3A : vector<64x1x384xf32> to vector<64x1x384xf32>
    %broadcast_in_dim3A_3 = vector.broadcast %broadcast_in_dim3A_2 : vector<64x1x384xf32> to vector<64x32x384xf32>
    %get3A_4 = arith.constant 0 : index
    %get3A_5 = arith.constant 0 : index
    %get3A_6 = vector.load %arg1[%get3A_4, %get3A_5] : memref<2048x384xf32, #tpu.memory_space<vmem>>, vector<2048x384xf32>
    %reshape3A = vector.shape_cast %broadcast_in_dim3A_3 : vector<64x32x384xf32> to vector<2048x384xf32>
    %sub3A = arith.subf %get3A_6, %reshape3A : vector<2048x384xf32>
    %get3A_7 = arith.constant 0 : index
    %get3A_8 = arith.constant 0 : index
    %get3A_9 = vector.load %arg4[%get3A_7, %get3A_8] : memref<384x256xf32, #tpu.memory_space<vmem>>, vector<384x256xf32>
    %dot_general3A = arith.constant dense<0.000000e+00> : vector<2048x256xf32>
    %dot_general3A_10 = tpu.matmul %sub3A, %get3A_9, %dot_general3A {dimension_numbers = #tpu.dot_dimension_numbers<[1], [0], [0], [1], [0, 0, 1, 1], [], []>, transpose_lhs_hint = false} : vector<2048x384xf32>, vector<384x256xf32>, vector<2048x256xf32> -> vector<2048x256xf32>
    %get3A_11 = arith.constant 0 : index
    %get3A_12 = arith.constant 0 : index
    %get3A_13 = vector.load %arg5[%get3A_11, %get3A_12] : memref<1x256xf32, #tpu.memory_space<vmem>>, vector<1x256xf32>
    %add3A = vector.broadcast %get3A_13 : vector<1x256xf32> to vector<2048x256xf32>
    %add3A_14 = arith.addf %dot_general3A_10, %add3A : vector<2048x256xf32>
    %max3A = arith.constant 0.000000e+00 : f32
    %max3A_15 = vector.broadcast %max3A : f32 to vector<2048x256xf32>
    %max3A_16 = arith.maximumf %add3A_14, %max3A_15 : vector<2048x256xf32>
    %get3A_17 = arith.constant 0 : index
    %get3A_18 = arith.constant 0 : index
    %get3A_19 = vector.load %arg6[%get3A_17, %get3A_18] : memref<256x256xf32, #tpu.memory_space<vmem>>, vector<256x256xf32>
    %dot_general3A_20 = arith.constant dense<0.000000e+00> : vector<2048x256xf32>
    %dot_general3A_21 = tpu.matmul %max3A_16, %get3A_19, %dot_general3A_20 {dimension_numbers = #tpu.dot_dimension_numbers<[1], [0], [0], [1], [0, 0, 1, 1], [], []>, transpose_lhs_hint = false} : vector<2048x256xf32>, vector<256x256xf32>, vector<2048x256xf32> -> vector<2048x256xf32>
    %get3A_22 = arith.constant 0 : index
    %get3A_23 = arith.constant 0 : index
    %get3A_24 = vector.load %arg7[%get3A_22, %get3A_23] : memref<1x256xf32, #tpu.memory_space<vmem>>, vector<1x256xf32>
    %add3A_25 = vector.broadcast %get3A_24 : vector<1x256xf32> to vector<2048x256xf32>
    %add3A_26 = arith.addf %dot_general3A_21, %add3A_25 : vector<2048x256xf32>
    %max3A_27 = arith.constant 0.000000e+00 : f32
    %max3A_28 = vector.broadcast %max3A_27 : f32 to vector<2048x256xf32>
    %max3A_29 = arith.maximumf %add3A_26, %max3A_28 : vector<2048x256xf32>
    %get3A_30 = arith.constant 0 : index
    %get3A_31 = arith.constant 0 : index
    %get3A_32 = vector.load %arg8[%get3A_30, %get3A_31] : memref<256x512xf32, #tpu.memory_space<vmem>>, vector<256x512xf32>
    %dot_general3A_33 = arith.constant dense<0.000000e+00> : vector<2048x512xf32>
    %dot_general3A_34 = tpu.matmul %max3A_29, %get3A_32, %dot_general3A_33 {dimension_numbers = #tpu.dot_dimension_numbers<[1], [0], [0], [1], [0, 0, 1, 1], [], []>, transpose_lhs_hint = false} : vector<2048x256xf32>, vector<256x512xf32>, vector<2048x512xf32> -> vector<2048x512xf32>
    %get3A_35 = arith.constant 0 : index
    %get3A_36 = arith.constant 0 : index
    %get3A_37 = vector.load %arg9[%get3A_35, %get3A_36] : memref<1x512xf32, #tpu.memory_space<vmem>>, vector<1x512xf32>
    %add3A_38 = vector.broadcast %get3A_37 : vector<1x512xf32> to vector<2048x512xf32>
    %add3A_39 = arith.addf %dot_general3A_34, %add3A_38 : vector<2048x512xf32>
    %get3A_40 = arith.constant 0 : index
    %get3A_41 = arith.constant 0 : index
    %get3A_42 = vector.load %arg3[%get3A_40, %get3A_41] : memref<2048x1xf32, #tpu.memory_space<vmem>>, vector<2048x1xf32>
    %mul3A = vector.broadcast %get3A_42 : vector<2048x1xf32> to vector<2048x512xf32>
    %mul3A_43 = arith.mulf %add3A_39, %mul3A : vector<2048x512xf32>
    %sub3A_44 = arith.constant 1.000000e+00 : f32
    %sub3A_45 = vector.broadcast %sub3A_44 : f32 to vector<2048x1xf32>
    %sub3A_46 = arith.subf %get3A_42, %sub3A_45 : vector<2048x1xf32>
    %mul3A_47 = arith.constant 3.400000e+38 : f32
    %mul3A_48 = vector.broadcast %mul3A_47 : f32 to vector<2048x1xf32>
    %mul3A_49 = arith.mulf %sub3A_46, %mul3A_48 : vector<2048x1xf32>
    %add3A_50 = vector.broadcast %mul3A_49 : vector<2048x1xf32> to vector<2048x512xf32>
    %add3A_51 = arith.addf %mul3A_43, %add3A_50 : vector<2048x512xf32>
    %reshape3A_52 = vector.shape_cast %add3A_51 : vector<2048x512xf32> to vector<64x32x512xf32>
    %reduce_max3A = arith.constant dense<0xFF800000> : vector<64x512xf32>
    %reduce_max3A_53 = vector.multi_reduction <maximumf>, %reshape3A_52, %reduce_max3A [1] : vector<64x32x512xf32> to vector<64x512xf32>
    %get3A_54 = arith.constant 0 : index
    %get3A_55 = arith.constant 0 : index
    %get3A_56 = vector.load %arg10[%get3A_54, %get3A_55] : memref<512x512xf32, #tpu.memory_space<vmem>>, vector<512x512xf32>
    %dot_general3A_57 = arith.constant dense<0.000000e+00> : vector<64x512xf32>
    %dot_general3A_58 = tpu.matmul %reduce_max3A_53, %get3A_56, %dot_general3A_57 {dimension_numbers = #tpu.dot_dimension_numbers<[1], [0], [0], [1], [0, 0, 1, 1], [], []>, transpose_lhs_hint = false} : vector<64x512xf32>, vector<512x512xf32>, vector<64x512xf32> -> vector<64x512xf32>
    %get3A_59 = arith.constant 0 : index
    %get3A_60 = arith.constant 0 : index
    %get3A_61 = vector.load %arg11[%get3A_59, %get3A_60] : memref<1x512xf32, #tpu.memory_space<vmem>>, vector<1x512xf32>
    %add3A_62 = vector.broadcast %get3A_61 : vector<1x512xf32> to vector<64x512xf32>
    %add3A_63 = arith.addf %dot_general3A_58, %add3A_62 : vector<64x512xf32>
    %swap3A = arith.constant 0 : index
    %swap3A_64 = arith.constant 0 : index
    %swap3A_65 = vector.load %arg12[%swap3A, %swap3A_64] : memref<64x512xf32, #tpu.memory_space<vmem>>, vector<64x512xf32>
    tpu.vector_store %arg12[%swap3A, %swap3A_64], %add3A_63 {strides = array<i32>} : memref<64x512xf32, #tpu.memory_space<vmem>>, vector<64x512xf32>,
    return
  }
  func.func @transform_0(%arg0: i32) -> (i32, i32) {
    %c0_i32 = arith.constant 0 : i32
    %c0_i32_0 = arith.constant 0 : i32
    return %arg0, %c0_i32 : i32, i32
  }
  func.func @transform_1(%arg0: i32) -> (i32, i32) {
    %c0_i32 = arith.constant 0 : i32
    %c0_i32_0 = arith.constant 0 : i32
    return %arg0, %c0_i32 : i32, i32
  }
  func.func @transform_2(%arg0: i32) -> (i32, i32) {
    %c0_i32 = arith.constant 0 : i32
    %c0_i32_0 = arith.constant 0 : i32
    return %arg0, %c0_i32 : i32, i32
  }
  func.func @transform_3(%arg0: i32) -> (i32, i32) {
    %c0_i32 = arith.constant 0 : i32
    %c0_i32_0 = arith.constant 0 : i32
    %c0_i32_1 = arith.constant 0 : i32
    return %c0_i32, %c0_i32_0 : i32, i32
  }
  func.func @transform_4(%arg0: i32) -> (i32, i32) {
    %c0_i32 = arith.constant 0 : i32
    %c0_i32_0 = arith.constant 0 : i32
    %c0_i32_1 = arith.constant 0 : i32
    return %c0_i32, %c0_i32_0 : i32, i32
  }
  func.func @transform_5(%arg0: i32) -> (i32, i32) {
    %c0_i32 = arith.constant 0 : i32
    %c0_i32_0 = arith.constant 0 : i32
    %c0_i32_1 = arith.constant 0 : i32
    return %c0_i32, %c0_i32_0 : i32, i32
  }
  func.func @transform_6(%arg0: i32) -> (i32, i32) {
    %c0_i32 = arith.constant 0 : i32
    %c0_i32_0 = arith.constant 0 : i32
    %c0_i32_1 = arith.constant 0 : i32
    return %c0_i32, %c0_i32_0 : i32, i32
  }
  func.func @transform_7(%arg0: i32) -> (i32, i32) {
    %c0_i32 = arith.constant 0 : i32
    %c0_i32_0 = arith.constant 0 : i32
    %c0_i32_1 = arith.constant 0 : i32
    return %c0_i32, %c0_i32_0 : i32, i32
  }
  func.func @transform_8(%arg0: i32) -> (i32, i32) {
    %c0_i32 = arith.constant 0 : i32
    %c0_i32_0 = arith.constant 0 : i32
    %c0_i32_1 = arith.constant 0 : i32
    return %c0_i32, %c0_i32_0 : i32, i32
  }
  func.func @transform_9(%arg0: i32) -> (i32, i32) {
    %c0_i32 = arith.constant 0 : i32
    %c0_i32_0 = arith.constant 0 : i32
    %c0_i32_1 = arith.constant 0 : i32
    return %c0_i32, %c0_i32_0 : i32, i32
  }
  func.func @transform_10(%arg0: i32) -> (i32, i32) {
    %c0_i32 = arith.constant 0 : i32
    %c0_i32_0 = arith.constant 0 : i32
    %c0_i32_1 = arith.constant 0 : i32
    return %c0_i32, %c0_i32_0 : i32, i32
  }
  func.func @transform_11(%arg0: i32) -> (i32, i32) {
    %c0_i32 = arith.constant 0 : i32
    %c0_i32_0 = arith.constant 0 : i32
    return %arg0, %c0_i32 : i32, i32
  }
}

module attributes {stable_mosaic.version = 14 : i64} {
  func.func @_head_body(%arg0: memref<256x640xf32, #tpu.memory_space<vmem>>, %arg1: memref<640x512xf32, #tpu.memory_space<vmem>>, %arg2: memref<1x512xf32, #tpu.memory_space<vmem>>, %arg3: memref<512x1024xf32, #tpu.memory_space<vmem>>, %arg4: memref<1x1024xf32, #tpu.memory_space<vmem>>, %arg5: memref<1024x512xf32, #tpu.memory_space<vmem>>, %arg6: memref<1x512xf32, #tpu.memory_space<vmem>>, %arg7: memref<512x256xf32, #tpu.memory_space<vmem>>, %arg8: memref<1x256xf32, #tpu.memory_space<vmem>>, %arg9: memref<256x128xf32, #tpu.memory_space<vmem>>, %arg10: memref<1x128xf32, #tpu.memory_space<vmem>>, %arg11: memref<1x128xf32, #tpu.memory_space<vmem>>) attributes {dimension_semantics = [], scalar_prefetch = 0 : i64, scratch_operands = 0 : i64, tpu.core_type = #tpu.core_type<tc>} {
    %get3A = arith.constant 0 : index
    %get3A_0 = arith.constant 0 : index
    %get3A_1 = vector.load %arg0[%get3A, %get3A_0] : memref<256x640xf32, #tpu.memory_space<vmem>>, vector<256x640xf32>
    %get3A_2 = arith.constant 0 : index
    %get3A_3 = arith.constant 0 : index
    %get3A_4 = vector.load %arg1[%get3A_2, %get3A_3] : memref<640x512xf32, #tpu.memory_space<vmem>>, vector<640x512xf32>
    %dot_general3A = arith.constant dense<0.000000e+00> : vector<256x512xf32>
    %dot_general3A_5 = tpu.matmul %get3A_1, %get3A_4, %dot_general3A {dimension_numbers = #tpu.dot_dimension_numbers<[1], [0], [0], [1], [0, 0, 1, 1], [], []>, transpose_lhs_hint = false} : vector<256x640xf32>, vector<640x512xf32>, vector<256x512xf32> -> vector<256x512xf32>
    %get3A_6 = arith.constant 0 : index
    %get3A_7 = arith.constant 0 : index
    %get3A_8 = vector.load %arg2[%get3A_6, %get3A_7] : memref<1x512xf32, #tpu.memory_space<vmem>>, vector<1x512xf32>
    %add3A = vector.broadcast %get3A_8 : vector<1x512xf32> to vector<256x512xf32>
    %add3A_9 = arith.addf %dot_general3A_5, %add3A : vector<256x512xf32>
    %max3A = arith.constant 0.000000e+00 : f32
    %max3A_10 = vector.broadcast %max3A : f32 to vector<256x512xf32>
    %max3A_11 = arith.maximumf %add3A_9, %max3A_10 : vector<256x512xf32>
    %get3A_12 = arith.constant 0 : index
    %get3A_13 = arith.constant 0 : index
    %get3A_14 = vector.load %arg3[%get3A_12, %get3A_13] : memref<512x1024xf32, #tpu.memory_space<vmem>>, vector<512x1024xf32>
    %dot_general3A_15 = arith.constant dense<0.000000e+00> : vector<256x1024xf32>
    %dot_general3A_16 = tpu.matmul %max3A_11, %get3A_14, %dot_general3A_15 {dimension_numbers = #tpu.dot_dimension_numbers<[1], [0], [0], [1], [0, 0, 1, 1], [], []>, transpose_lhs_hint = false} : vector<256x512xf32>, vector<512x1024xf32>, vector<256x1024xf32> -> vector<256x1024xf32>
    %get3A_17 = arith.constant 0 : index
    %get3A_18 = arith.constant 0 : index
    %get3A_19 = vector.load %arg4[%get3A_17, %get3A_18] : memref<1x1024xf32, #tpu.memory_space<vmem>>, vector<1x1024xf32>
    %add3A_20 = vector.broadcast %get3A_19 : vector<1x1024xf32> to vector<256x1024xf32>
    %add3A_21 = arith.addf %dot_general3A_16, %add3A_20 : vector<256x1024xf32>
    %reduce_max3A = arith.constant dense<0xFF800000> : vector<1024xf32>
    %reduce_max3A_22 = vector.multi_reduction <maximumf>, %add3A_21, %reduce_max3A [0] : vector<256x1024xf32> to vector<1024xf32>
    %broadcast_in_dim3A = vector.shape_cast %reduce_max3A_22 : vector<1024xf32> to vector<1x1024xf32>
    %get3A_23 = arith.constant 0 : index
    %get3A_24 = arith.constant 0 : index
    %get3A_25 = vector.load %arg5[%get3A_23, %get3A_24] : memref<1024x512xf32, #tpu.memory_space<vmem>>, vector<1024x512xf32>
    %dot_general3A_26 = arith.constant dense<0.000000e+00> : vector<1x512xf32>
    %dot_general3A_27 = tpu.matmul %broadcast_in_dim3A, %get3A_25, %dot_general3A_26 {dimension_numbers = #tpu.dot_dimension_numbers<[1], [0], [0], [1], [0, 0, 1, 1], [], []>, transpose_lhs_hint = false} : vector<1x1024xf32>, vector<1024x512xf32>, vector<1x512xf32> -> vector<1x512xf32>
    %get3A_28 = arith.constant 0 : index
    %get3A_29 = arith.constant 0 : index
    %get3A_30 = vector.load %arg6[%get3A_28, %get3A_29] : memref<1x512xf32, #tpu.memory_space<vmem>>, vector<1x512xf32>
    %add3A_31 = arith.addf %dot_general3A_27, %get3A_30 : vector<1x512xf32>
    %max3A_32 = arith.constant 0.000000e+00 : f32
    %max3A_33 = vector.broadcast %max3A_32 : f32 to vector<1x512xf32>
    %max3A_34 = arith.maximumf %add3A_31, %max3A_33 : vector<1x512xf32>
    %get3A_35 = arith.constant 0 : index
    %get3A_36 = arith.constant 0 : index
    %get3A_37 = vector.load %arg7[%get3A_35, %get3A_36] : memref<512x256xf32, #tpu.memory_space<vmem>>, vector<512x256xf32>
    %dot_general3A_38 = arith.constant dense<0.000000e+00> : vector<1x256xf32>
    %dot_general3A_39 = tpu.matmul %max3A_34, %get3A_37, %dot_general3A_38 {dimension_numbers = #tpu.dot_dimension_numbers<[1], [0], [0], [1], [0, 0, 1, 1], [], []>, transpose_lhs_hint = false} : vector<1x512xf32>, vector<512x256xf32>, vector<1x256xf32> -> vector<1x256xf32>
    %get3A_40 = arith.constant 0 : index
    %get3A_41 = arith.constant 0 : index
    %get3A_42 = vector.load %arg8[%get3A_40, %get3A_41] : memref<1x256xf32, #tpu.memory_space<vmem>>, vector<1x256xf32>
    %add3A_43 = arith.addf %dot_general3A_39, %get3A_42 : vector<1x256xf32>
    %max3A_44 = arith.constant 0.000000e+00 : f32
    %max3A_45 = vector.broadcast %max3A_44 : f32 to vector<1x256xf32>
    %max3A_46 = arith.maximumf %add3A_43, %max3A_45 : vector<1x256xf32>
    %get3A_47 = arith.constant 0 : index
    %get3A_48 = arith.constant 0 : index
    %get3A_49 = vector.load %arg9[%get3A_47, %get3A_48] : memref<256x128xf32, #tpu.memory_space<vmem>>, vector<256x128xf32>
    %dot_general3A_50 = arith.constant dense<0.000000e+00> : vector<1x128xf32>
    %dot_general3A_51 = tpu.matmul %max3A_46, %get3A_49, %dot_general3A_50 {dimension_numbers = #tpu.dot_dimension_numbers<[1], [0], [0], [1], [0, 0, 1, 1], [], []>, transpose_lhs_hint = false} : vector<1x256xf32>, vector<256x128xf32>, vector<1x128xf32> -> vector<1x128xf32>
    %get3A_52 = arith.constant 0 : index
    %get3A_53 = arith.constant 0 : index
    %get3A_54 = vector.load %arg10[%get3A_52, %get3A_53] : memref<1x128xf32, #tpu.memory_space<vmem>>, vector<1x128xf32>
    %add3A_55 = arith.addf %dot_general3A_51, %get3A_54 : vector<1x128xf32>
    %swap3A = arith.constant 0 : index
    %swap3A_56 = arith.constant 0 : index
    %swap3A_57 = vector.load %arg11[%swap3A, %swap3A_56] : memref<1x128xf32, #tpu.memory_space<vmem>>, vector<1x128xf32>
    tpu.vector_store %arg11[%swap3A, %swap3A_56], %add3A_55 {strides = array<i32>} : memref<1x128xf32, #tpu.memory_space<vmem>>, vector<1x128xf32>,
    return
  }
}

</mosaic_0001>

<sc_bundles>
// kernel: kernel.15.cloned.1.call-start
scs
__scs_entry_jumppad:
0x0: {  	(pc) =	sbr.rel $0x88, $3  }
0x1: {  	(tag) =	ssettag $0x0;
	lr =	simm.s32 $0x1  }
0x2: {  	[smem:$0x3F7D] =	sst lr;
	_ =	strace $0xD0000000  }
0x3: {  	_ = 	snop  }
0x4: {  	_ = 	snop  }
0x5: {  	_ = 	snop  }
0x6: {  	_ = 	snop  }
0x7: {  	_ = 	snop  }
__scs_overlays_trampoline_lowered:
0x8: {  	[smem:$0x3F8C] =	sst s0  }
0x9: {  	[smem:$0x3F8D] =	sst s1  }
0xa: {  	[smem:$0x3F8E] =	sst s2  }
0xb: {  	[smem:$0x3F8F] =	sst s3  }
0xc: {  	[smem:$0x3F90] =	sst s4  }
0xd: {  	[smem:$0x3F91] =	sst s5  }
0xe: {  	[smem:$0x3F92] =	sst s6  }
0xf: {  	[smem:$0x3F93] =	sst s7  }
0x10: {  	[smem:$0x3F94] =	sst s8  }
0x11: {  	[smem:$0x3F95] =	sst s9;
	s0 =	simm.s32 @!p0 $0x0  }
0x12: {  	s1 =	sld [smem:$0x3F7B];
	s0 =	simm.s32 @p0 $0x1  }
0x13: {  	[smem:$0x3F96] =	sst s0;
	s0 =	simm.s32 @!p1 $0x0  }
0x14: {  	s2 =	sld [smem:$0x3F7A];
	s0 =	simm.s32 @p1 $0x1  }
0x15: {  	[smem:$0x3F97] =	sst s0;
	s0 =	simm.s32 @!p2 $0x0  }
0x16: {  	s3 =	sld [smem:$0x3FDB];
	s0 =	simm.s32 @p2 $0x1  }
0x17: {  	s4 =	simm.s32 $0x1BF5;
	[smem:$0x3F99] =	sst s0  }
0x18: {  	s0 =	sld [smem:$0x3F7C];
	_ =	swait.ge [sflag:s4], $0x0  }
0x19: {  	s7 =	sld [smem:$0x3F7D]  }
0x1a: {  	s8 =	sadd.s32 $0xFFFFE003, lr  }
0x1b: {  	s9 =	sadd.s32 $0xFFFFFEF7, lr;
	s5 =	simm.s32 $0xFFFFFFFF;
	p2 =	slt.u32 s8, $0xFFFFF086  }
0x1c: {  	p1 =	slt.u32 s9, $0xF7A;
	s5 =	simm.s32 @!p2 $0x0  }
0x1d: {  	s5 =	simm.s32 @p1 $0x1;
	p0 =	seq.s32 s7, s2  }
0x1e: {  	s7 =	smul.u32 @!p0 $0xF7A, s2;
	p2 =	seq.s32 @!p0 s5, $0x0  }
0x1f: {  	s9 =	smul.u32 $0xF7A, s1;
	s8 =	simm.s32 @!p0 $0x1BF5;
	p2 =	por !p2, p0  }
0x20: {  	[sflag:s8] =	ssyncset.s32 @!p0 $0xFFFFF086;
	s6 =	sadd.s32 @!p0 s3, s7;
	s7 =	simm.s32 @!p0 $0x108  }
0x21: {  	s3 =	sadd.s32 s3, s9;
	s6 =	sadd.s32 @!p0 $0x88, s6;
	s7 =	simm.s32 @p2 $0x1082  }
0x22: {  	[simem:s7], [sflag:s8] =	dma.local @!p0 [hbm:s6], $0xF7A  }
0x23: {  	s9 =	sor.u32 $0xD0000000, s2;
	s6 =	simm.s32 $0x108;
	_ =	swait.ge @!p0 [sflag:s8], $0x0  }
0x24: {  	s3 =	sadd.s32 $0x88, s3;
	s6 =	simm.s32 @!p1 $0x1082;
	[sflag:s4] =	ssyncset.s32 $0xFFFFF086  }
0x25: {  	[simem:s6], [sflag:s4] =	dma.local [hbm:s3], $0xF7A  }
0x26: {  	[smem:$0x3F7D] =	sst s1;
	(tag) =	ssettag s2;
	_ =	strace s9  }
0x27: {  	s1 =	sld [smem:$0x3F8D]  }
0x28: {  	s2 =	sld [smem:$0x3F8E]  }
0x29: {  	s4 =	sld [smem:$0x3F90]  }
0x2a: {  	p0 =	seq.s32 s5, $0x0;
	s5 =	sld [smem:$0x3F91]  }
0x2b: {  	s6 =	sld [smem:$0x3F92]  }
0x2c: {  	s7 =	sld [smem:$0x3F93]  }
0x2d: {  	s3 =	simm.s32 $0x108;
	s8 =	sld [smem:$0x3F94]  }
0x2e: {  	s3 =	simm.s32 @!p0 $0x1082;
	s9 =	sld [smem:$0x3F95]  }
0x2f: {  	lr =	sadd.s32 s0, s3;
	s0 =	sld [smem:$0x3F8C]  }
0x30: {  	s3 =	sld [smem:$0x3F8F]  }
0x31: {  	[smem:$0x3F98] =	sst s10  }
0x32: {  	s10 =	sld [smem:$0x3F96];
	_ =	sdelay $0x3  }
0x33: {  	p0 =	seq.s32 s10, $0x1;
	s10 =	sld [smem:$0x3F98];
	_ =	sdelay $0x3  }
0x34: {  	[smem:$0x3F98] =	sst s10  }
0x35: {  	s10 =	sld [smem:$0x3F97];
	_ =	sdelay $0x3  }
0x36: {  	p1 =	seq.s32 s10, $0x1;
	s10 =	sld [smem:$0x3F98];
	_ =	sdelay $0x3  }
0x37: {  	[smem:$0x3F98] =	sst s10  }
0x38: {  	s10 =	sld [smem:$0x3F99]  }
0x39: {  	_ = 	snop;
	(pc) =	sbr.ind lr, $3  }
0x3a: {  	_ = 	snop  }
0x3b: {  	_ = 	snop  }
0x3c: {  	p2 =	seq.s32 s10, $0x1;
	s10 =	sld [smem:$0x3F98]  }
0x3d: {  	_ =	shalt  }
0x3e: {  	_ =	shalt  }
0x3f: {  	_ =	shalt  }
0x40: {  	_ =	shalt  }
0x41: {  	_ =	shalt  }
0x42: {  	_ =	shalt  }
0x43: {  	_ =	shalt  }
0x44: {  	_ =	shalt  }
0x45: {  	_ =	shalt  }
0x46: {  	_ =	shalt  }
0x47: {  	_ =	shalt  }
0x48: {  	_ =	shalt  }
0x49: {  	_ =	shalt  }
0x4a: {  	_ =	shalt  }
0x4b: {  	_ =	shalt  }
0x4c: {  	_ =	shalt  }
0x4d: {  	_ =	shalt  }
0x4e: {  	_ =	shalt  }
0x4f: {  	_ =	shalt  }
0x50: {  	_ =	shalt  }
0x51: {  	_ =	shalt  }
0x52: {  	_ =	shalt  }
0x53: {  	_ =	shalt  }
0x54: {  	_ =	shalt  }
0x55: {  	_ =	shalt  }
0x56: {  	_ =	shalt  }
0x57: {  	_ =	shalt  }
0x58: {  	_ =	shalt  }
0x59: {  	_ =	shalt  }
0x5a: {  	_ =	shalt  }
0x5b: {  	_ =	shalt  }
0x5c: {  	_ =	shalt  }
0x5d: {  	_ =	shalt  }
0x5e: {  	_ =	shalt  }
0x5f: {  	_ =	shalt  }
0x60: {  	_ =	shalt  }
0x61: {  	_ =	shalt  }
0x62: {  	_ =	shalt  }
0x63: {  	_ =	shalt  }
0x64: {  	_ =	shalt  }
0x65: {  	_ =	shalt  }
0x66: {  	_ =	shalt  }
0x67: {  	_ =	shalt  }
0x68: {  	_ =	shalt  }
0x69: {  	_ =	shalt  }
0x6a: {  	_ =	shalt  }
0x6b: {  	_ =	shalt  }
0x6c: {  	_ =	shalt  }
0x6d: {  	_ =	shalt  }
0x6e: {  	_ =	shalt  }
0x6f: {  	_ =	shalt  }
0x70: {  	_ =	shalt  }
0x71: {  	_ =	shalt  }
0x72: {  	_ =	shalt  }
0x73: {  	_ =	shalt  }
0x74: {  	_ =	shalt  }
0x75: {  	_ =	shalt  }
0x76: {  	_ =	shalt  }
0x77: {  	_ =	shalt  }
0x78: {  	_ =	shalt  }
0x79: {  	_ =	shalt  }
0x7a: {  	_ =	shalt  }
0x7b: {  	_ =	shalt  }
0x7c: {  	_ =	shalt  }
0x7d: {  	_ =	shalt  }
0x7e: {  	_ =	shalt  }
0x7f: {  	_ =	shalt  }
0x80: {  	_ =	shalt  }
0x81: {  	_ =	shalt  }
0x82: {  	_ =	shalt  }
0x83: {  	_ =	shalt  }
0x84: {  	_ =	shalt  }
0x85: {  	_ =	shalt  }
0x86: {  	_ =	shalt  }
0x87: {  	_ =	shalt  }
.Lfunc_end0:
.L_simem_size_0:
called_computation_lowered:
.L_overlay_start_0:
0x88: {  	s2 =	sld [smem:$0x3FD9]  }
0x89: {  	s3 =	sld [smem:$0x3FFE];
	_ =	sdelay $0x1  }
0x8a: {  	s1 =	srdreg.scid  }
0x8b: {  	s0 =	sand.u32 $0x1, s1  }
0x8c: {  	s16 =	sshll.u32 s0, $0xA;
	s2 =	sadd.s32 s3, s2  }
0x8d: {  	s2 =	sadd.s32 s2, s16  }
0x8e: {  	[smem:$0x3FA4] =	sst s2  }
0x8f: {  	_ = 	snop  }
0x90: {  	(tm) =	ssettm $0x1  }
0x91: {  	s17 =	sld [smem:$0x3FFB];
	_ =	sdelay $0x3  }
0x92: {  	_ =	strace s17  }
0x93: {  	s2 =	sld [smem:$0x3FFC];
	_ =	sdelay $0x3  }
0x94: {  	_ =	strace s2  }
0x95: {  	s2 =	sld [smem:$0x3FFD];
	_ =	sdelay $0x3  }
0x96: {  	_ =	strace s2  }
0x97: {  	_ =	strace $0x8FFFFFFF  }
0x98: {  	s18 =	sld [smem:$0x3FDB];
	_ =	sdelay $0x1  }
0x99: {  	s19 =	simm.s32 $_scs_section_size  }
0x9a: {  	s4 =	simm.s32 $_size__tile_overlayer_lowered;
	s5 =	simm.s32 $_tile_overlayer_lowered  }
0x9b: {  	s22 =	simm.s32 $0x1BFF;
	s21 =	sshll.u32 s5, $0x1;
	s2 =	sadd.s32 s19, s18  }
0x9c: {  	s6 =	simm.s32 $0x0;
	s20 =	sshll.u32 s4, $0x1;
	s4 =	sadd.s32 s21, s2  }
0x9d: {  	[timem:s6], [sflag:s22] =	dma.local [hbm:s4], s20  }
0x9e: {  	_ =	swait.ge [sflag:s22], s20  }
0x9f: {  	s3 =	ssub.s32 $0x0, s20;
	[sflag:s22] =	ssyncset.done $0x0  }
0xa0: {  	[sflag:s22] =	ssyncadd.s32 s3;
	_ =	sdelay $0x1  }
0xa1: {  	s23 =	simm.s32 $0x1B8B  }
0xa2: {  	_ =	swait.ge [sflag:s23], $0x1  }
0xa3: {  	[sflag:s23] =	ssyncset.done $0x0  }
0xa4: {  	s25 =	simm.s32 $0x1B8E;
	s24 =	sld [smem:$0x3FFE];
	[sflag:s23] =	ssyncadd.s32 $0xFFFFFFFF  }
0xa5: {  	s26 =	simm.s32 $execute0_lowered;
	[smem:$0x3FD2] =	sst s25  }
0xa6: {  	s4 =	sshll.u32 s26, $0x1;
	_ =	strace $0x80000046;
	[dreg:$0x1] =	wrdreg $0xFFFFFFFF  }
0xa7: {  	s28 =	simm.s32 $_size_execute0_lowered;
	s2 =	sadd.s32 s2, s4;
	[dreg:$0x0] =	wrdreg $0x0  }
0xa8: {  	s4 =	sshll.u32 s28, $0x1;
	[dreg:$0x2] =	wrdreg s2  }
0xa9: {  	[dreg:$0x3] =	wrdreg s4  }
0xaa: {  	[dreg:$0x4] =	wrdreg $0xC0  }
0xab: {  	_ =	task [dreg:s6], $0x5FFFF  }
0xac: {  	[dreg:$0x1] =	wrdreg $0xFFFFFFFF  }
0xad: {  	[dreg:$0x0] =	wrdreg $0x60  }
0xae: {  	[dreg:$0x2] =	wrdreg s24  }
0xaf: {  	[dreg:$0x3] =	wrdreg $0x9  }
0xb0: {  	_ =	task.clear_ibuf [dreg:s6], $0x4FFFF;
	_ =	strace $0x90000046  }
0xb1: {  	s29 =	simm.s32 $0x9;
	_ =	strace $0x80000048  }
0xb2: {  	_ =	swait.ge [sflag:s29], $0x1  }
0xb3: {  	[sflag:s29] =	ssyncadd.s32 $0xFFFFFFFF  }
0xb4: {  	_ =	strace $0x90000048  }
0xb5: {  	_ =	sfence  }
0xb6: {  	s30 =	sld [smem:$0x0];
	_ =	sdelay $0x2  }
0xb7: {  	s31 =	sshll.u32 s1, $0xD;
	s1 =	sshrl.u32 s1, $0x2  }
0xb8: {  	s3 =	sand.u32 $0x4000, s31;
	s1 =	sadd.s32 s1, s30  }
0xb9: {  	s0 =	sor.u32 s3, s0;
	s1 =	sshll.u32 s1, $0x11  }
0xba: {  	s0 =	sor.u32 s1, s0  }
0xbb: {  	s0 =	sadd.s32 $0x8F2B, s0  }
0xbc: {  	[sflag:s0] =	ssyncadd.remote.s32 $0x1  }
0xbd: {  	_ =	sfence.sel $0xFFFF  }
0xbe: {  	[dreg:$0x0] =	wrdreg $0xFFFFFFFF;
	(pc) =	sbr.abs _section_cstart, $3  }
0xbf: {  	[dreg:$0x1] =	wrdreg $0xFFFFFFFF  }
0xc0: {  	_ =	task.clear_ibuf [dreg:s6], $0x2FFFF;
	_ =	strace $0x9FFFFFFF  }
0xc1: {  	(tm) =	ssettm $0x7FFFFFFF  }
tec
execute0_lowered:
.L_overlay_start_1:
0x0: {  	(tag) =	ssettag $0x1  }
0x1: {  	s4 =	rddreg [dreg:$0x0]  }
0x2: {  	s0 =	rddreg [dreg:$0x1];
	s2 =	simm.s32 $0x0;
	s3 =	srdreg.scid  }
0x3: {  	s1 =	stileid.u32;
	s10 =	simm.s32 $0x0;
	[smem:$0x7FF] =	sst s2  }
0x4: {  	s5 =	sand.u32 $0x1, s3;
	s6 =	sshll.u32 s1, $0xD;
	s3 =	sadd.s32 $0x9000, s4  }
0x5: {  	s8 =	sshll.u32 s1, $0x11;
	_ =	strace $0x80000047;
	s7 =	sshll.u32 s5, $0xC  }
0x6: {  	s31 =	ssub.s32 $0x2, s5;
	s8 =	sadd.s32 s8, s4;
	s5 =	sshll.u32 s5, $0x10  }
0x7: {  	s6 =	sor.u32 s7, s6;
	s9 =	sshrl.u32 s31, $0x1;
	s5 =	sadd.s32 s5, s8  }
0x8: {  	s8 =	simm.s32 $0x200;
	s6 =	sshrl.u32 s6, $0x3;
	s7 =	ssub.s32 s31, s9  }
0x9: {  	s5 =	sadd.s32 $0x29000, s5;
	s9 =	simm.s32 $0x1;
	s6 =	sadd.s32 s6, s4  }
0xa: {  	s4 =	smax.u32 s7, $0x1;
	s7 =	simm.s32 $0x2;
	s6 =	sadd.s32 $0x5000, s6  }
.LBB2_1:
0xb: {  	s11 =	sadd.s32 $0x0, s6  }
0xc: {  	[tilespmem:s2], [sflag:$0x2] =	stream.linear.gather [hbm4b:s11+s2], $0x200, $0x38;
	[tilespmem:$0x10200] =	vst v63  }
0xd: {  	_ =	swait.ge [sflag:s7], $0x200  }
0xe: {  	[sflag:s7] =	ssyncset.done $0x0  }
0xf: {  	[sflag:s7] =	ssyncadd.s32 $0xFFFFFE00  }
0x10: {  	[tilespmem:s8], [sflag:$0x1] =	stream.indirect.gather [hbm4b:s3+s8], $0x80, s2, s8, $0xb8;
	[tilespmem:$0x10200] =	vst v63  }
0x11: {  	_ =	swait.ge [sflag:s9], $0x10000  }
0x12: {  	[sflag:s9] =	ssyncset.done $0x0  }
0x13: {  	[sflag:s9] =	ssyncadd.s32 $0xFFFF0000  }
0x14: {  	[hbm4b:s5+s2] =	stream.linear.scatter [tilespmem:s8], [sflag:$0x2], $0x10000, $0x38;
	[tilespmem:$0x10200] =	vst v63  }
0x15: {  	s12 =	simm.s32 $0x40;
	_ =	swait.ge [sflag:s7], $0x10000  }
0x16: {  	s13 =	simm.s32 $0x80;
	s11 =	sadd.s32 $0x2000, s5;
	[sflag:s7] =	ssyncset.done $0x0  }
.LBB2_2:
0x17: {  	s14 =	sadd.s32 s12, s6  }
0x18: {  	[sflag:s7] =	ssyncadd.s32 $0xFFFF0000;
	s12 =	smov.u32 s13;
	s15 =	sadd.s32 $0x40, s13  }
0x19: {  	[tilespmem:s2], [sflag:$0x2] =	stream.linear.gather [hbm4b:s14+s2], $0x200, $0x38;
	[tilespmem:$0x10200] =	vst v63  }
0x1a: {  	p0 =	sne.s32 s13, $0x1C0;
	_ =	swait.ge [sflag:s7], $0x200  }
0x1b: {  	[sflag:s7] =	ssyncset.done $0x0  }
0x1c: {  	[sflag:s7] =	ssyncadd.s32 $0xFFFFFE00  }
0x1d: {  	[tilespmem:s8], [sflag:$0x1] =	stream.indirect.gather [hbm4b:s3+s8], $0x80, s2, s8, $0xb8;
	[tilespmem:$0x10200] =	vst v63  }
0x1e: {  	_ =	swait.ge [sflag:s9], $0x10000  }
.Ltmp0:
0x1f: {  	[sflag:s9] =	ssyncset.done $0x0;
	(pc) =	sbr.rel @p0 .LBB2_2-.Ltmp0, $4  }
0x20: {  	[sflag:s9] =	ssyncadd.s32 $0xFFFF0000  }
0x21: {  	[hbm4b:s11+s2] =	stream.linear.scatter [tilespmem:s8], [sflag:$0x2], $0x10000, $0x38;
	[tilespmem:$0x10200] =	vst v63  }
0x22: {  	_ =	swait.ge [sflag:s7], $0x10000  }
0x23: {  	s13 =	smov.u32 s15;
	s11 =	sadd.s32 $0x2000, s11;
	[sflag:s7] =	ssyncset.done $0x0  }
0x24: {  	s12 =	sadd.s32 s12, s6;
	[sflag:s7] =	ssyncadd.s32 $0xFFFF0000  }
0x25: {  	[tilespmem:s2], [sflag:$0x2] =	stream.linear.gather [hbm4b:s12+s2], $0x200, $0x38;
	[tilespmem:$0x10200] =	vst v63  }
0x26: {  	_ =	swait.ge [sflag:s7], $0x200  }
0x27: {  	[sflag:s7] =	ssyncset.done $0x0  }
0x28: {  	[sflag:s7] =	ssyncadd.s32 $0xFFFFFE00  }
0x29: {  	[tilespmem:s8], [sflag:$0x1] =	stream.indirect.gather [hbm4b:s3+s8], $0x80, s2, s8, $0xb8;
	[tilespmem:$0x10200] =	vst v63  }
0x2a: {  	s10 =	sadd.s32 $0x1, s10;
	_ =	swait.ge [sflag:s9], $0x10000  }
0x2b: {  	p0 =	sne.s32 s10, s4;
	[sflag:s9] =	ssyncset.done $0x0  }
.Ltmp1:
0x2c: {  	[sflag:s9] =	ssyncadd.s32 $0xFFFF0000;
	(pc) =	sbr.rel @p0 .LBB2_1-.Ltmp1, $4  }
0x2d: {  	[hbm4b:s11+s2] =	stream.linear.scatter [tilespmem:s8], [sflag:$0x2], $0x10000, $0x38;
	[tilespmem:$0x10200] =	vst v63  }
0x2e: {  	_ =	swait.ge [sflag:s7], $0x10000  }
0x2f: {  	[sflag:s7] =	ssyncset.done $0x0  }
0x30: {  	[sflag:s7] =	ssyncadd.s32 $0xFFFF0000  }
0x31: {  	_ =	sfence.sel $0x180000  }
0x32: {  	[bflag:$0x0] =	sbarrier.arrive $0xFFFF  }
0x33: {  	p0 =	sne.s32 s1, $0x0;
	_ =	strace $0x90000047  }
0x34: {  	s0 =	sadd.s32 @!p0 $0x100000, s0;
	[bflag:$0x2] =	sbarrier.arrive $0xFFFF  }
0x35: {  	[sflag:s0] =	ssyncadd.tile.s32 @!p0 $0x1;
	_ =	shalt  }
.Lfunc_end2:
_tile_overlayer_lowered:
.L_overlay_start_2:
0x36: {  	(tag) =	ssettag $0x2  }
0x37: {  	s0 =	rddreg [dreg:$0x0];
	s2 =	stileid.u32  }
0x38: {  	s1 =	rddreg [dreg:$0x1];
	p0 =	sne.s32 s2, $0x0  }
0x39: {  	s3 =	rddreg [dreg:$0x2];
	[bflag:$0x3] =	sbarrier.arrive $0xFFFF;
	s2 =	simm.s32 @!p0 $0x1C02  }
0x3a: {  	[timem:s3], [sflag:s2] =	dma.local @!p0 [hbm:s0], s1  }
0x3b: {  	s0 =	simm.s32 @!p0 $0x2  }
0x3c: {  	_ =	swait.ge @!p0 [sflag:s0], s1  }
0x3d: {  	s1 =	ssub.s32 @!p0 $0x0, s1;
	[sflag:s0] =	ssyncset.done @!p0 $0x0  }
0x3e: {  	[sflag:s0] =	ssyncadd.s32 @!p0 s1  }
0x3f: {  	[bflag:$0x3] =	sbarrier.arrive $0xFFFF  }
0x40: {  	_ =	shalt  }

// kernel: kernel.18.cloned.1.call-start
scs
__scs_entry_jumppad:
0x0: {  	(pc) =	sbr.rel $0x88, $3  }
0x1: {  	(tag) =	ssettag $0x0;
	lr =	simm.s32 $0x1  }
0x2: {  	[smem:$0x3F7D] =	sst lr;
	_ =	strace $0xD0000000  }
0x3: {  	_ = 	snop  }
0x4: {  	_ = 	snop  }
0x5: {  	_ = 	snop  }
0x6: {  	_ = 	snop  }
0x7: {  	_ = 	snop  }
__scs_overlays_trampoline_lowered:
0x8: {  	[smem:$0x3F8C] =	sst s0  }
0x9: {  	[smem:$0x3F8D] =	sst s1  }
0xa: {  	[smem:$0x3F8E] =	sst s2  }
0xb: {  	[smem:$0x3F8F] =	sst s3  }
0xc: {  	[smem:$0x3F90] =	sst s4  }
0xd: {  	[smem:$0x3F91] =	sst s5  }
0xe: {  	[smem:$0x3F92] =	sst s6  }
0xf: {  	[smem:$0x3F93] =	sst s7  }
0x10: {  	[smem:$0x3F94] =	sst s8  }
0x11: {  	[smem:$0x3F95] =	sst s9;
	s0 =	simm.s32 @!p0 $0x0  }
0x12: {  	s1 =	sld [smem:$0x3F7B];
	s0 =	simm.s32 @p0 $0x1  }
0x13: {  	[smem:$0x3F96] =	sst s0;
	s0 =	simm.s32 @!p1 $0x0  }
0x14: {  	s2 =	sld [smem:$0x3F7A];
	s0 =	simm.s32 @p1 $0x1  }
0x15: {  	[smem:$0x3F97] =	sst s0;
	s0 =	simm.s32 @!p2 $0x0  }
0x16: {  	s3 =	sld [smem:$0x3FDB];
	s0 =	simm.s32 @p2 $0x1  }
0x17: {  	s4 =	simm.s32 $0x1BF5;
	[smem:$0x3F99] =	sst s0  }
0x18: {  	s0 =	sld [smem:$0x3F7C];
	_ =	swait.ge [sflag:s4], $0x0  }
0x19: {  	s7 =	sld [smem:$0x3F7D]  }
0x1a: {  	s8 =	sadd.s32 $0xFFFFE003, lr  }
0x1b: {  	s9 =	sadd.s32 $0xFFFFFEF7, lr;
	s5 =	simm.s32 $0xFFFFFFFF;
	p2 =	slt.u32 s8, $0xFFFFF086  }
0x1c: {  	p1 =	slt.u32 s9, $0xF7A;
	s5 =	simm.s32 @!p2 $0x0  }
0x1d: {  	s5 =	simm.s32 @p1 $0x1;
	p0 =	seq.s32 s7, s2  }
0x1e: {  	s7 =	smul.u32 @!p0 $0xF7A, s2;
	p2 =	seq.s32 @!p0 s5, $0x0  }
0x1f: {  	s9 =	smul.u32 $0xF7A, s1;
	s8 =	simm.s32 @!p0 $0x1BF5;
	p2 =	por !p2, p0  }
0x20: {  	[sflag:s8] =	ssyncset.s32 @!p0 $0xFFFFF086;
	s6 =	sadd.s32 @!p0 s3, s7;
	s7 =	simm.s32 @!p0 $0x108  }
0x21: {  	s3 =	sadd.s32 s3, s9;
	s6 =	sadd.s32 @!p0 $0x88, s6;
	s7 =	simm.s32 @p2 $0x1082  }
0x22: {  	[simem:s7], [sflag:s8] =	dma.local @!p0 [hbm:s6], $0xF7A  }
0x23: {  	s9 =	sor.u32 $0xD0000000, s2;
	s6 =	simm.s32 $0x108;
	_ =	swait.ge @!p0 [sflag:s8], $0x0  }
0x24: {  	s3 =	sadd.s32 $0x88, s3;
	s6 =	simm.s32 @!p1 $0x1082;
	[sflag:s4] =	ssyncset.s32 $0xFFFFF086  }
0x25: {  	[simem:s6], [sflag:s4] =	dma.local [hbm:s3], $0xF7A  }
0x26: {  	[smem:$0x3F7D] =	sst s1;
	(tag) =	ssettag s2;
	_ =	strace s9  }
0x27: {  	s1 =	sld [smem:$0x3F8D]  }
0x28: {  	s2 =	sld [smem:$0x3F8E]  }
0x29: {  	s4 =	sld [smem:$0x3F90]  }
0x2a: {  	p0 =	seq.s32 s5, $0x0;
	s5 =	sld [smem:$0x3F91]  }
0x2b: {  	s6 =	sld [smem:$0x3F92]  }
0x2c: {  	s7 =	sld [smem:$0x3F93]  }
0x2d: {  	s3 =	simm.s32 $0x108;
	s8 =	sld [smem:$0x3F94]  }
0x2e: {  	s3 =	simm.s32 @!p0 $0x1082;
	s9 =	sld [smem:$0x3F95]  }
0x2f: {  	lr =	sadd.s32 s0, s3;
	s0 =	sld [smem:$0x3F8C]  }
0x30: {  	s3 =	sld [smem:$0x3F8F]  }
0x31: {  	[smem:$0x3F98] =	sst s10  }
0x32: {  	s10 =	sld [smem:$0x3F96];
	_ =	sdelay $0x3  }
0x33: {  	p0 =	seq.s32 s10, $0x1;
	s10 =	sld [smem:$0x3F98];
	_ =	sdelay $0x3  }
0x34: {  	[smem:$0x3F98] =	sst s10  }
0x35: {  	s10 =	sld [smem:$0x3F97];
	_ =	sdelay $0x3  }
0x36: {  	p1 =	seq.s32 s10, $0x1;
	s10 =	sld [smem:$0x3F98];
	_ =	sdelay $0x3  }
0x37: {  	[smem:$0x3F98] =	sst s10  }
0x38: {  	s10 =	sld [smem:$0x3F99]  }
0x39: {  	_ = 	snop;
	(pc) =	sbr.ind lr, $3  }
0x3a: {  	_ = 	snop  }
0x3b: {  	_ = 	snop  }
0x3c: {  	p2 =	seq.s32 s10, $0x1;
	s10 =	sld [smem:$0x3F98]  }
0x3d: {  	_ =	shalt  }
0x3e: {  	_ =	shalt  }
0x3f: {  	_ =	shalt  }
0x40: {  	_ =	shalt  }
0x41: {  	_ =	shalt  }
0x42: {  	_ =	shalt  }
0x43: {  	_ =	shalt  }
0x44: {  	_ =	shalt  }
0x45: {  	_ =	shalt  }
0x46: {  	_ =	shalt  }
0x47: {  	_ =	shalt  }
0x48: {  	_ =	shalt  }
0x49: {  	_ =	shalt  }
0x4a: {  	_ =	shalt  }
0x4b: {  	_ =	shalt  }
0x4c: {  	_ =	shalt  }
0x4d: {  	_ =	shalt  }
0x4e: {  	_ =	shalt  }
0x4f: {  	_ =	shalt  }
0x50: {  	_ =	shalt  }
0x51: {  	_ =	shalt  }
0x52: {  	_ =	shalt  }
0x53: {  	_ =	shalt  }
0x54: {  	_ =	shalt  }
0x55: {  	_ =	shalt  }
0x56: {  	_ =	shalt  }
0x57: {  	_ =	shalt  }
0x58: {  	_ =	shalt  }
0x59: {  	_ =	shalt  }
0x5a: {  	_ =	shalt  }
0x5b: {  	_ =	shalt  }
0x5c: {  	_ =	shalt  }
0x5d: {  	_ =	shalt  }
0x5e: {  	_ =	shalt  }
0x5f: {  	_ =	shalt  }
0x60: {  	_ =	shalt  }
0x61: {  	_ =	shalt  }
0x62: {  	_ =	shalt  }
0x63: {  	_ =	shalt  }
0x64: {  	_ =	shalt  }
0x65: {  	_ =	shalt  }
0x66: {  	_ =	shalt  }
0x67: {  	_ =	shalt  }
0x68: {  	_ =	shalt  }
0x69: {  	_ =	shalt  }
0x6a: {  	_ =	shalt  }
0x6b: {  	_ =	shalt  }
0x6c: {  	_ =	shalt  }
0x6d: {  	_ =	shalt  }
0x6e: {  	_ =	shalt  }
0x6f: {  	_ =	shalt  }
0x70: {  	_ =	shalt  }
0x71: {  	_ =	shalt  }
0x72: {  	_ =	shalt  }
0x73: {  	_ =	shalt  }
0x74: {  	_ =	shalt  }
0x75: {  	_ =	shalt  }
0x76: {  	_ =	shalt  }
0x77: {  	_ =	shalt  }
0x78: {  	_ =	shalt  }
0x79: {  	_ =	shalt  }
0x7a: {  	_ =	shalt  }
0x7b: {  	_ =	shalt  }
0x7c: {  	_ =	shalt  }
0x7d: {  	_ =	shalt  }
0x7e: {  	_ =	shalt  }
0x7f: {  	_ =	shalt  }
0x80: {  	_ =	shalt  }
0x81: {  	_ =	shalt  }
0x82: {  	_ =	shalt  }
0x83: {  	_ =	shalt  }
0x84: {  	_ =	shalt  }
0x85: {  	_ =	shalt  }
0x86: {  	_ =	shalt  }
0x87: {  	_ =	shalt  }
.Lfunc_end0:
.L_simem_size_0:
called_computation.1_lowered:
.L_overlay_start_0:
0x88: {  	s2 =	sld [smem:$0x3FD9]  }
0x89: {  	s3 =	sld [smem:$0x3FFE];
	_ =	sdelay $0x1  }
0x8a: {  	s1 =	srdreg.scid  }
0x8b: {  	s0 =	sand.u32 $0x1, s1  }
0x8c: {  	s16 =	sshll.u32 s0, $0xA;
	s2 =	sadd.s32 s3, s2  }
0x8d: {  	s2 =	sadd.s32 s2, s16  }
0x8e: {  	[smem:$0x3FA4] =	sst s2  }
0x8f: {  	_ = 	snop  }
0x90: {  	(tm) =	ssettm $0x1  }
0x91: {  	s17 =	sld [smem:$0x3FFB];
	_ =	sdelay $0x3  }
0x92: {  	_ =	strace s17  }
0x93: {  	s2 =	sld [smem:$0x3FFC];
	_ =	sdelay $0x3  }
0x94: {  	_ =	strace s2  }
0x95: {  	s2 =	sld [smem:$0x3FFD];
	_ =	sdelay $0x3  }
0x96: {  	_ =	strace s2  }
0x97: {  	_ =	strace $0x8FFFFFFF  }
0x98: {  	s18 =	sld [smem:$0x3FDB];
	_ =	sdelay $0x1  }
0x99: {  	s19 =	simm.s32 $_scs_section_size  }
0x9a: {  	s4 =	simm.s32 $_size__tile_overlayer_lowered;
	s5 =	simm.s32 $_tile_overlayer_lowered  }
0x9b: {  	s22 =	simm.s32 $0x1BFF;
	s21 =	sshll.u32 s5, $0x1;
	s2 =	sadd.s32 s19, s18  }
0x9c: {  	s6 =	simm.s32 $0x0;
	s20 =	sshll.u32 s4, $0x1;
	s4 =	sadd.s32 s21, s2  }
0x9d: {  	[timem:s6], [sflag:s22] =	dma.local [hbm:s4], s20  }
0x9e: {  	_ =	swait.ge [sflag:s22], s20  }
0x9f: {  	s3 =	ssub.s32 $0x0, s20;
	[sflag:s22] =	ssyncset.done $0x0  }
0xa0: {  	[sflag:s22] =	ssyncadd.s32 s3;
	_ =	sdelay $0x1  }
0xa1: {  	s23 =	simm.s32 $0x1B8B  }
0xa2: {  	_ =	swait.ge [sflag:s23], $0x1  }
0xa3: {  	[sflag:s23] =	ssyncset.done $0x0  }
0xa4: {  	s25 =	simm.s32 $0x1B8E;
	s24 =	sld [smem:$0x3FFE];
	[sflag:s23] =	ssyncadd.s32 $0xFFFFFFFF  }
0xa5: {  	s26 =	simm.s32 $execute0_lowered;
	[smem:$0x3FD2] =	sst s25  }
0xa6: {  	s4 =	sshll.u32 s26, $0x1;
	_ =	strace $0x80000049;
	[dreg:$0x1] =	wrdreg $0xFFFFFFFF  }
0xa7: {  	s28 =	simm.s32 $_size_execute0_lowered;
	s2 =	sadd.s32 s2, s4;
	[dreg:$0x0] =	wrdreg $0x0  }
0xa8: {  	s4 =	sshll.u32 s28, $0x1;
	[dreg:$0x2] =	wrdreg s2  }
0xa9: {  	[dreg:$0x3] =	wrdreg s4  }
0xaa: {  	[dreg:$0x4] =	wrdreg $0xC0  }
0xab: {  	_ =	task [dreg:s6], $0x5FFFF  }
0xac: {  	[dreg:$0x1] =	wrdreg $0xFFFFFFFF  }
0xad: {  	[dreg:$0x0] =	wrdreg $0x60  }
0xae: {  	[dreg:$0x2] =	wrdreg s24  }
0xaf: {  	[dreg:$0x3] =	wrdreg $0x9  }
0xb0: {  	_ =	task.clear_ibuf [dreg:s6], $0x4FFFF;
	_ =	strace $0x90000049  }
0xb1: {  	s29 =	simm.s32 $0x9;
	_ =	strace $0x8000004B  }
0xb2: {  	_ =	swait.ge [sflag:s29], $0x1  }
0xb3: {  	[sflag:s29] =	ssyncadd.s32 $0xFFFFFFFF  }
0xb4: {  	_ =	strace $0x9000004B  }
0xb5: {  	_ =	sfence  }
0xb6: {  	s30 =	sld [smem:$0x0];
	_ =	sdelay $0x2  }
0xb7: {  	s31 =	sshll.u32 s1, $0xD;
	s1 =	sshrl.u32 s1, $0x2  }
0xb8: {  	s3 =	sand.u32 $0x4000, s31;
	s1 =	sadd.s32 s1, s30  }
0xb9: {  	s0 =	sor.u32 s3, s0;
	s1 =	sshll.u32 s1, $0x11  }
0xba: {  	s0 =	sor.u32 s1, s0  }
0xbb: {  	s0 =	sadd.s32 $0x8F2B, s0  }
0xbc: {  	[sflag:s0] =	ssyncadd.remote.s32 $0x1  }
0xbd: {  	_ =	sfence.sel $0xFFFF  }
0xbe: {  	[dreg:$0x0] =	wrdreg $0xFFFFFFFF;
	(pc) =	sbr.abs _section_cstart, $3  }
0xbf: {  	[dreg:$0x1] =	wrdreg $0xFFFFFFFF  }
0xc0: {  	_ =	task.clear_ibuf [dreg:s6], $0x2FFFF;
	_ =	strace $0x9FFFFFFF  }
0xc1: {  	(tm) =	ssettm $0x7FFFFFFF  }
tec
execute0_lowered:
.L_overlay_start_1:
0x0: {  	(tag) =	ssettag $0x1  }
0x1: {  	s0 =	srdreg.scid;
	s5 =	stileid.u32  }
0x2: {  	s1 =	rddreg [dreg:$0x0];
	s2 =	simm.s32 $0x0;
	s15 =	simm.s32 $0x900  }
0x3: {  	s17 =	simm.s32 $0x1100;
	s18 =	simm.s32 $0x1900;
	s19 =	simm.s32 $0x2100  }
0x4: {  	s21 =	simm.s32 $0x2900;
	s22 =	simm.s32 $0x3100;
	s23 =	simm.s32 $0x3900  }
0x5: {  	s24 =	simm.s32 $0x4100;
	s25 =	simm.s32 $0x4900;
	[smem:$0x7FF] =	sst s2  }
0x6: {  	s7 =	simm.s32 $0x100;
	_ =	strace $0x8000004A;
	[dreg:$0x3] =	wrdreg s15  }
0x7: {  	s26 =	simm.s32 $0x5100;
	s8 =	simm.s32 $0x5900;
	[dreg:$0x4] =	wrdreg s17  }
0x8: {  	s9 =	simm.s32 $0x6100;
	s10 =	simm.s32 $0x6900;
	[dreg:$0x5] =	wrdreg s18  }
0x9: {  	s11 =	simm.s32 $0x7100;
	s12 =	simm.s32 $0x7900;
	[dreg:$0x6] =	wrdreg s19  }
0xa: {  	s13 =	simm.s32 $0x8100;
	s28 =	simm.s32 $0xF100;
	[dreg:$0x7] =	wrdreg s21  }
0xb: {  	s29 =	simm.s32 $0xF900;
	s30 =	simm.s32 $0x1;
	[dreg:$0x8] =	wrdreg s22  }
0xc: {  	s31 =	simm.s32 $0x0;
	s0 =	sand.u32 $0x1, s0;
	[dreg:$0x9] =	wrdreg s23  }
0xd: {  	s3 =	sshll.u32 s5, $0xB;
	s5 =	sshll.u32 s5, $0x10;
	[dreg:$0xa] =	wrdreg s24  }
0xe: {  	s4 =	sshll.u32 s0, $0xA;
	s16 =	ssub.s32 $0x2, s0;
	[dreg:$0xb] =	wrdreg s25  }
0xf: {  	s0 =	sshll.u32 s0, $0xF;
	[dreg:$0xc] =	wrdreg s26;
	s15 =	simm.s32 $0x9100  }
0x10: {  	s17 =	simm.s32 $0xA100;
	s18 =	simm.s32 $0xA900;
	s19 =	simm.s32 $0xB100  }
0x11: {  	s21 =	simm.s32 $0xC100;
	s22 =	simm.s32 $0xC900;
	s23 =	simm.s32 $0xD100  }
0x12: {  	s24 =	simm.s32 $0xD900;
	s25 =	simm.s32 $0xE100;
	s3 =	sor.u32 s4, s3  }
0x13: {  	s26 =	simm.s32 $0xE900;
	s6 =	sshrl.u32 s16, $0x1;
	s3 =	sshrl.u32 s3, $0x3  }
0x14: {  	s14 =	sadd.s32 s3, s1;
	s3 =	sadd.s32 $0x5000, s1;
	s1 =	sadd.s32 s5, s1  }
0x15: {  	s5 =	ssub.s32 s16, s6;
	s6 =	simm.s32 $0x2;
	s4 =	sadd.s32 $0x229000, s14  }
0x16: {  	v2 =	vlaneseq.u32;
	s20 =	smax.u32 s5, $0x1;
	s0 =	sadd.s32 s0, s1;
	[dreg:$0x2] =	wrdreg s4  }
0x17: {  	vm0 =	vmmov $0xffff;
	v1 =	vshrl.u32 v2, $0x3;
	s16 =	simm.s32 $0x9900;
	[dreg:$0xd] =	wrdreg s20;
	s0 =	sadd.s32 $0x25000, s0  }
0x18: {  	v0 =	vand.u32 $0x7, v2;
	v2 =	vor.u32 $0x8, v2;
	v1 =	vmul.u32 $0x8, v1;
	s14 =	simm.s32 $0x8900;
	s20 =	simm.s32 $0xB900;
	[dreg:$0xe] =	wrdreg s0  }
.LBB2_1:
0x19: {  	s5 =	rddreg [dreg:$0xe];
	s0 =	simm.s32 $0x0  }
.LBB2_2:
0x1a: {  	s4 =	rddreg [dreg:$0x2]  }
0x1b: {  	s4 =	sadd.s32 s0, s4  }
0x1c: {  	[tilespmem:s2], [sflag:$0x2] =	stream.linear.gather [hbm4b:s4+s2], $0x100, $0x38;
	[tilespmem:$0x10100] =	vst v63  }
0x1d: {  	_ =	swait.ge [sflag:s6], $0x100  }
0x1e: {  	[sflag:s6] =	ssyncset.done $0x0  }
0x1f: {  	[sflag:s6] =	ssyncadd.s32 $0xFFFFFF00  }
0x20: {  	v3 =	vld [tilespmem:$0x0];
	_ =	sdelay $0x4  }
0x21: {  	v4 =	vshll.u32 v3, $0x1  }
0x22: {  	v3 =	vand.u32 $0x7, v3;
	v4 =	vand.u32 $0xFFFFFFF0, v4  }
0x23: {  	v3 =	vor.u32 v3, v4  }
0x24: {  	v4 =	vperm.xlane v3, v0;
	_ =	sdelay $0x1  }
0x25: {  	v3 =	vperm.xlane v3, v2;
	v4 =	vadd.s32 v1, v4;
	_ =	sdelay $0x1  }
0x26: {  	v3 =	vadd.s32 v1, v3;
	_ =	sdelay $0x2  }
0x27: {  	[tilespmem:s7], [sflag:$0x1] =	stream.indirect_vreg.gather [hbm4b:s3+s2], $0x80, v4, vm0, $0xb8;
	[tilespmem:$0x10100] =	vst v63  }
0x28: {  	s1 =	rddreg [dreg:$0x3]  }
0x29: {  	[tilespmem:s1], [sflag:$0x1] =	stream.indirect_vreg.gather [hbm4b:s3+s2], $0x80, v3, vm0, $0xb8;
	[tilespmem:$0x10100] =	vst v63  }
0x2a: {  	v3 =	vld [tilespmem:$0x10];
	_ =	sdelay $0x4  }
0x2b: {  	v49 =	vshll.u32 v3, $0x1  }
0x2c: {  	v3 =	vand.u32 $0x7, v3;
	v4 =	vand.u32 $0xFFFFFFF0, v49  }
0x2d: {  	v3 =	vor.u32 v3, v4  }
0x2e: {  	v4 =	vperm.xlane v3, v0;
	_ =	sdelay $0x1  }
0x2f: {  	v3 =	vperm.xlane v3, v2;
	v4 =	vadd.s32 v1, v4;
	_ =	sdelay $0x1  }
0x30: {  	v3 =	vadd.s32 v1, v3;
	_ =	sdelay $0x1  }
0x31: {  	s4 =	rddreg [dreg:$0x4]  }
0x32: {  	[tilespmem:s4], [sflag:$0x1] =	stream.indirect_vreg.gather [hbm4b:s3+s2], $0x80, v4, vm0, $0xb8;
	[tilespmem:$0x10100] =	vst v63  }
0x33: {  	s1 =	rddreg [dreg:$0x5]  }
0x34: {  	[tilespmem:s1], [sflag:$0x1] =	stream.indirect_vreg.gather [hbm4b:s3+s2], $0x80, v3, vm0, $0xb8;
	[tilespmem:$0x10100] =	vst v63  }
0x35: {  	v3 =	vld [tilespmem:$0x20];
	_ =	sdelay $0x4  }
0x36: {  	v50 =	vshll.u32 v3, $0x1  }
0x37: {  	v3 =	vand.u32 $0x7, v3;
	v4 =	vand.u32 $0xFFFFFFF0, v50  }
0x38: {  	v3 =	vor.u32 v3, v4  }
0x39: {  	v4 =	vperm.xlane v3, v0;
	_ =	sdelay $0x1  }
0x3a: {  	v3 =	vperm.xlane v3, v2;
	v4 =	vadd.s32 v1, v4;
	_ =	sdelay $0x1  }
0x3b: {  	v3 =	vadd.s32 v1, v3;
	_ =	sdelay $0x1  }
0x3c: {  	s1 =	rddreg [dreg:$0x6]  }
0x3d: {  	[tilespmem:s1], [sflag:$0x1] =	stream.indirect_vreg.gather [hbm4b:s3+s2], $0x80, v4, vm0, $0xb8;
	[tilespmem:$0x10100] =	vst v63  }
0x3e: {  	s4 =	rddreg [dreg:$0x7]  }
0x3f: {  	[tilespmem:s4], [sflag:$0x1] =	stream.indirect_vreg.gather [hbm4b:s3+s2], $0x80, v3, vm0, $0xb8;
	[tilespmem:$0x10100] =	vst v63  }
0x40: {  	v3 =	vld [tilespmem:$0x30];
	_ =	sdelay $0x4  }
0x41: {  	v51 =	vshll.u32 v3, $0x1  }
0x42: {  	v3 =	vand.u32 $0x7, v3;
	v4 =	vand.u32 $0xFFFFFFF0, v51  }
0x43: {  	v3 =	vor.u32 v3, v4  }
0x44: {  	v4 =	vperm.xlane v3, v0;
	_ =	sdelay $0x1  }
0x45: {  	v3 =	vperm.xlane v3, v2;
	v4 =	vadd.s32 v1, v4;
	_ =	sdelay $0x1  }
0x46: {  	v3 =	vadd.s32 v1, v3;
	_ =	sdelay $0x1  }
0x47: {  	s1 =	rddreg [dreg:$0x8]  }
0x48: {  	[tilespmem:s1], [sflag:$0x1] =	stream.indirect_vreg.gather [hbm4b:s3+s2], $0x80, v4, vm0, $0xb8;
	[tilespmem:$0x10100] =	vst v63  }
0x49: {  	s4 =	rddreg [dreg:$0x9]  }
0x4a: {  	[tilespmem:s4], [sflag:$0x1] =	stream.indirect_vreg.gather [hbm4b:s3+s2], $0x80, v3, vm0, $0xb8;
	[tilespmem:$0x10100] =	vst v63  }
0x4b: {  	v3 =	vld [tilespmem:$0x40];
	_ =	sdelay $0x4  }
0x4c: {  	v52 =	vshll.u32 v3, $0x1  }
0x4d: {  	v3 =	vand.u32 $0x7, v3;
	v4 =	vand.u32 $0xFFFFFFF0, v52  }
0x4e: {  	v3 =	vor.u32 v3, v4  }
0x4f: {  	v4 =	vperm.xlane v3, v0;
	_ =	sdelay $0x1  }
0x50: {  	v3 =	vperm.xlane v3, v2;
	v4 =	vadd.s32 v1, v4;
	_ =	sdelay $0x1  }
0x51: {  	v3 =	vadd.s32 v1, v3;
	_ =	sdelay $0x1  }
0x52: {  	s1 =	rddreg [dreg:$0xa]  }
0x53: {  	[tilespmem:s1], [sflag:$0x1] =	stream.indirect_vreg.gather [hbm4b:s3+s2], $0x80, v4, vm0, $0xb8;
	[tilespmem:$0x10100] =	vst v63  }
0x54: {  	s4 =	rddreg [dreg:$0xb]  }
0x55: {  	[tilespmem:s4], [sflag:$0x1] =	stream.indirect_vreg.gather [hbm4b:s3+s2], $0x80, v3, vm0, $0xb8;
	[tilespmem:$0x10100] =	vst v63  }
0x56: {  	v3 =	vld [tilespmem:$0x50];
	_ =	sdelay $0x4  }
0x57: {  	v53 =	vshll.u32 v3, $0x1  }
0x58: {  	v3 =	vand.u32 $0x7, v3;
	v4 =	vand.u32 $0xFFFFFFF0, v53  }
0x59: {  	v3 =	vor.u32 v3, v4  }
0x5a: {  	v4 =	vperm.xlane v3, v0;
	_ =	sdelay $0x1  }
0x5b: {  	v3 =	vperm.xlane v3, v2;
	v4 =	vadd.s32 v1, v4;
	_ =	sdelay $0x1  }
0x5c: {  	v3 =	vadd.s32 v1, v3;
	_ =	sdelay $0x1  }
0x5d: {  	s4 =	rddreg [dreg:$0xc]  }
0x5e: {  	[tilespmem:s4], [sflag:$0x1] =	stream.indirect_vreg.gather [hbm4b:s3+s2], $0x80, v4, vm0, $0xb8;
	[tilespmem:$0x10100] =	vst v63  }
0x5f: {  	_ = 	snop  }
0x60: {  	[tilespmem:s8], [sflag:$0x1] =	stream.indirect_vreg.gather [hbm4b:s3+s2], $0x80, v3, vm0, $0xb8;
	[tilespmem:$0x10100] =	vst v63  }
0x61: {  	v3 =	vld [tilespmem:$0x60];
	_ =	sdelay $0x4  }
0x62: {  	v54 =	vshll.u32 v3, $0x1  }
0x63: {  	v3 =	vand.u32 $0x7, v3;
	v4 =	vand.u32 $0xFFFFFFF0, v54  }
0x64: {  	v3 =	vor.u32 v3, v4  }
0x65: {  	v4 =	vperm.xlane v3, v0;
	_ =	sdelay $0x1  }
0x66: {  	v3 =	vperm.xlane v3, v2;
	v4 =	vadd.s32 v1, v4;
	_ =	sdelay $0x1  }
0x67: {  	v3 =	vadd.s32 v1, v3;
	_ =	sdelay $0x2  }
0x68: {  	[tilespmem:s9], [sflag:$0x1] =	stream.indirect_vreg.gather [hbm4b:s3+s2], $0x80, v4, vm0, $0xb8;
	[tilespmem:$0x10100] =	vst v63  }
0x69: {  	_ = 	snop  }
0x6a: {  	[tilespmem:s10], [sflag:$0x1] =	stream.indirect_vreg.gather [hbm4b:s3+s2], $0x80, v3, vm0, $0xb8;
	[tilespmem:$0x10100] =	vst v63  }
0x6b: {  	v3 =	vld [tilespmem:$0x70];
	_ =	sdelay $0x4  }
0x6c: {  	v55 =	vshll.u32 v3, $0x1  }
0x6d: {  	v3 =	vand.u32 $0x7, v3;
	v4 =	vand.u32 $0xFFFFFFF0, v55  }
0x6e: {  	v3 =	vor.u32 v3, v4  }
0x6f: {  	v4 =	vperm.xlane v3, v0;
	_ =	sdelay $0x1  }
0x70: {  	v3 =	vperm.xlane v3, v2;
	v4 =	vadd.s32 v1, v4;
	_ =	sdelay $0x1  }
0x71: {  	v3 =	vadd.s32 v1, v3;
	_ =	sdelay $0x2  }
0x72: {  	[tilespmem:s11], [sflag:$0x1] =	stream.indirect_vreg.gather [hbm4b:s3+s2], $0x80, v4, vm0, $0xb8;
	[tilespmem:$0x10100] =	vst v63  }
0x73: {  	_ = 	snop  }
0x74: {  	[tilespmem:s12], [sflag:$0x1] =	stream.indirect_vreg.gather [hbm4b:s3+s2], $0x80, v3, vm0, $0xb8;
	[tilespmem:$0x10100] =	vst v63  }
0x75: {  	v3 =	vld [tilespmem:$0x80];
	_ =	sdelay $0x4  }
0x76: {  	v56 =	vshll.u32 v3, $0x1  }
0x77: {  	v3 =	vand.u32 $0x7, v3;
	v4 =	vand.u32 $0xFFFFFFF0, v56  }
0x78: {  	v3 =	vor.u32 v3, v4  }
0x79: {  	v4 =	vperm.xlane v3, v0;
	_ =	sdelay $0x1  }
0x7a: {  	v3 =	vperm.xlane v3, v2;
	v4 =	vadd.s32 v1, v4;
	_ =	sdelay $0x1  }
0x7b: {  	v3 =	vadd.s32 v1, v3;
	_ =	sdelay $0x2  }
0x7c: {  	[tilespmem:s13], [sflag:$0x1] =	stream.indirect_vreg.gather [hbm4b:s3+s2], $0x80, v4, vm0, $0xb8;
	[tilespmem:$0x10100] =	vst v63  }
0x7d: {  	_ = 	snop  }
0x7e: {  	[tilespmem:s14], [sflag:$0x1] =	stream.indirect_vreg.gather [hbm4b:s3+s2], $0x80, v3, vm0, $0xb8;
	[tilespmem:$0x10100] =	vst v63  }
0x7f: {  	v3 =	vld [tilespmem:$0x90];
	_ =	sdelay $0x4  }
0x80: {  	v57 =	vshll.u32 v3, $0x1  }
0x81: {  	v3 =	vand.u32 $0x7, v3;
	v4 =	vand.u32 $0xFFFFFFF0, v57  }
0x82: {  	v3 =	vor.u32 v3, v4  }
0x83: {  	v4 =	vperm.xlane v3, v0;
	_ =	sdelay $0x1  }
0x84: {  	v3 =	vperm.xlane v3, v2;
	v4 =	vadd.s32 v1, v4;
	_ =	sdelay $0x1  }
0x85: {  	v3 =	vadd.s32 v1, v3;
	_ =	sdelay $0x2  }
0x86: {  	[tilespmem:s15], [sflag:$0x1] =	stream.indirect_vreg.gather [hbm4b:s3+s2], $0x80, v4, vm0, $0xb8;
	[tilespmem:$0x10100] =	vst v63  }
0x87: {  	_ = 	snop  }
0x88: {  	[tilespmem:s16], [sflag:$0x1] =	stream.indirect_vreg.gather [hbm4b:s3+s2], $0x80, v3, vm0, $0xb8;
	[tilespmem:$0x10100] =	vst v63  }
0x89: {  	v3 =	vld [tilespmem:$0xA0];
	_ =	sdelay $0x4  }
0x8a: {  	v58 =	vshll.u32 v3, $0x1  }
0x8b: {  	v3 =	vand.u32 $0x7, v3;
	v4 =	vand.u32 $0xFFFFFFF0, v58  }
0x8c: {  	v3 =	vor.u32 v3, v4  }
0x8d: {  	v4 =	vperm.xlane v3, v0;
	_ =	sdelay $0x1  }
0x8e: {  	v3 =	vperm.xlane v3, v2;
	v4 =	vadd.s32 v1, v4;
	_ =	sdelay $0x1  }
0x8f: {  	v3 =	vadd.s32 v1, v3;
	_ =	sdelay $0x2  }
0x90: {  	[tilespmem:s17], [sflag:$0x1] =	stream.indirect_vreg.gather [hbm4b:s3+s2], $0x80, v4, vm0, $0xb8;
	[tilespmem:$0x10100] =	vst v63  }
0x91: {  	_ = 	snop  }
0x92: {  	[tilespmem:s18], [sflag:$0x1] =	stream.indirect_vreg.gather [hbm4b:s3+s2], $0x80, v3, vm0, $0xb8;
	[tilespmem:$0x10100] =	vst v63  }
0x93: {  	v3 =	vld [tilespmem:$0xB0];
	_ =	sdelay $0x4  }
0x94: {  	v59 =	vshll.u32 v3, $0x1  }
0x95: {  	v3 =	vand.u32 $0x7, v3;
	v4 =	vand.u32 $0xFFFFFFF0, v59  }
0x96: {  	v3 =	vor.u32 v3, v4  }
0x97: {  	v4 =	vperm.xlane v3, v0;
	_ =	sdelay $0x1  }
0x98: {  	v3 =	vperm.xlane v3, v2;
	v4 =	vadd.s32 v1, v4;
	_ =	sdelay $0x1  }
0x99: {  	v3 =	vadd.s32 v1, v3;
	_ =	sdelay $0x2  }
0x9a: {  	[tilespmem:s19], [sflag:$0x1] =	stream.indirect_vreg.gather [hbm4b:s3+s2], $0x80, v4, vm0, $0xb8;
	[tilespmem:$0x10100] =	vst v63  }
0x9b: {  	_ = 	snop  }
0x9c: {  	[tilespmem:s20], [sflag:$0x1] =	stream.indirect_vreg.gather [hbm4b:s3+s2], $0x80, v3, vm0, $0xb8;
	[tilespmem:$0x10100] =	vst v63  }
0x9d: {  	v3 =	vld [tilespmem:$0xC0];
	_ =	sdelay $0x4  }
0x9e: {  	v60 =	vshll.u32 v3, $0x1  }
0x9f: {  	v3 =	vand.u32 $0x7, v3;
	v4 =	vand.u32 $0xFFFFFFF0, v60  }
0xa0: {  	v3 =	vor.u32 v3, v4  }
0xa1: {  	v4 =	vperm.xlane v3, v0;
	_ =	sdelay $0x1  }
0xa2: {  	v3 =	vperm.xlane v3, v2;
	v4 =	vadd.s32 v1, v4;
	_ =	sdelay $0x1  }
0xa3: {  	v3 =	vadd.s32 v1, v3;
	_ =	sdelay $0x2  }
0xa4: {  	[tilespmem:s21], [sflag:$0x1] =	stream.indirect_vreg.gather [hbm4b:s3+s2], $0x80, v4, vm0, $0xb8;
	[tilespmem:$0x10100] =	vst v63  }
0xa5: {  	_ = 	snop  }
0xa6: {  	[tilespmem:s22], [sflag:$0x1] =	stream.indirect_vreg.gather [hbm4b:s3+s2], $0x80, v3, vm0, $0xb8;
	[tilespmem:$0x10100] =	vst v63  }
0xa7: {  	v3 =	vld [tilespmem:$0xD0];
	_ =	sdelay $0x4  }
0xa8: {  	v61 =	vshll.u32 v3, $0x1  }
0xa9: {  	v3 =	vand.u32 $0x7, v3;
	v4 =	vand.u32 $0xFFFFFFF0, v61  }
0xaa: {  	v3 =	vor.u32 v3, v4  }
0xab: {  	v4 =	vperm.xlane v3, v0;
	_ =	sdelay $0x1  }
0xac: {  	v3 =	vperm.xlane v3, v2;
	v4 =	vadd.s32 v1, v4;
	_ =	sdelay $0x1  }
0xad: {  	v3 =	vadd.s32 v1, v3;
	_ =	sdelay $0x2  }
0xae: {  	[tilespmem:s23], [sflag:$0x1] =	stream.indirect_vreg.gather [hbm4b:s3+s2], $0x80, v4, vm0, $0xb8;
	[tilespmem:$0x10100] =	vst v63  }
0xaf: {  	_ = 	snop  }
0xb0: {  	[tilespmem:s24], [sflag:$0x1] =	stream.indirect_vreg.gather [hbm4b:s3+s2], $0x80, v3, vm0, $0xb8;
	[tilespmem:$0x10100] =	vst v63  }
0xb1: {  	v3 =	vld [tilespmem:$0xE0];
	_ =	sdelay $0x4  }
0xb2: {  	v62 =	vshll.u32 v3, $0x1  }
0xb3: {  	v3 =	vand.u32 $0x7, v3;
	v4 =	vand.u32 $0xFFFFFFF0, v62  }
0xb4: {  	v3 =	vor.u32 v3, v4  }
0xb5: {  	v4 =	vperm.xlane v3, v0;
	_ =	sdelay $0x1  }
0xb6: {  	v3 =	vperm.xlane v3, v2;
	v4 =	vadd.s32 v1, v4;
	_ =	sdelay $0x1  }
0xb7: {  	v3 =	vadd.s32 v1, v3;
	_ =	sdelay $0x2  }
0xb8: {  	[tilespmem:s25], [sflag:$0x1] =	stream.indirect_vreg.gather [hbm4b:s3+s2], $0x80, v4, vm0, $0xb8;
	[tilespmem:$0x10100] =	vst v63  }
0xb9: {  	_ = 	snop  }
0xba: {  	[tilespmem:s26], [sflag:$0x1] =	stream.indirect_vreg.gather [hbm4b:s3+s2], $0x80, v3, vm0, $0xb8;
	[tilespmem:$0x10100] =	vst v63  }
0xbb: {  	v3 =	vld [tilespmem:$0xF0];
	_ =	sdelay $0x4  }
0xbc: {  	v63 =	vshll.u32 v3, $0x1  }
0xbd: {  	v3 =	vand.u32 $0x7, v3;
	v4 =	vand.u32 $0xFFFFFFF0, v63  }
0xbe: {  	v3 =	vor.u32 v3, v4  }
0xbf: {  	v4 =	vperm.xlane v3, v0;
	_ =	sdelay $0x1  }
0xc0: {  	v3 =	vperm.xlane v3, v2;
	v4 =	vadd.s32 v1, v4;
	_ =	sdelay $0x1  }
0xc1: {  	v3 =	vadd.s32 v1, v3;
	_ =	sdelay $0x2  }
0xc2: {  	[tilespmem:s28], [sflag:$0x1] =	stream.indirect_vreg.gather [hbm4b:s3+s2], $0x80, v4, vm0, $0xb8;
	[tilespmem:$0x10100] =	vst v63  }
0xc3: {  	_ = 	snop  }
0xc4: {  	[tilespmem:s29], [sflag:$0x1] =	stream.indirect_vreg.gather [hbm4b:s3+s2], $0x80, v3, vm0, $0xb8;
	[tilespmem:$0x10100] =	vst v63  }
0xc5: {  	_ =	swait.ge [sflag:s30], $0x10000  }
0xc6: {  	p0 =	sne.s32 s0, $0x60;
	[sflag:s30] =	ssyncset.done $0x0  }
.Ltmp0:
0xc7: {  	[sflag:s30] =	ssyncadd.s32 $0xFFFF0000;
	(pc) =	sbr.rel @p0 .LBB2_2-.Ltmp0, $4  }
0xc8: {  	[hbm4b:s5+s2] =	stream.linear.scatter [tilespmem:s7], [sflag:$0x2], $0x10000, $0x38;
	[tilespmem:$0x10100] =	vst v63  }
0xc9: {  	_ =	swait.ge [sflag:s6], $0x10000  }
0xca: {  	[sflag:s6] =	ssyncset.done $0x0  }
0xcb: {  	s0 =	sadd.s32 $0x20, s0;
	s5 =	sadd.s32 $0x2000, s5;
	[sflag:s6] =	ssyncadd.s32 $0xFFFF0000  }
0xcc: {  	s31 =	sadd.s32 $0x1, s31;
	s0 =	rddreg [dreg:$0xd]  }
0xcd: {  	p0 =	sne.s32 s31, s0  }
.Ltmp1:
0xce: {  	_ = 	snop;
	(pc) =	sbr.rel @p0 .LBB2_1-.Ltmp1, $1  }
0xcf: {  	_ =	sdelay $0x3  }
0xd0: {  	_ =	sfence.sel $0x180000  }
0xd1: {  	[bflag:$0x0] =	sbarrier.arrive $0xFFFF  }
0xd2: {  	_ =	strace $0x9000004A  }
0xd3: {  	s0 =	stileid.u32;
	[bflag:$0x2] =	sbarrier.arrive $0xFFFF  }
0xd4: {  	p0 =	sne.s32 s0, $0x0;
	s0 =	rddreg [dreg:$0x1]  }
0xd5: {  	s0 =	sadd.s32 @!p0 $0x100000, s0  }
0xd6: {  	[sflag:s0] =	ssyncadd.tile.s32 @!p0 $0x1;
	_ =	shalt  }
.Lfunc_end2:
_tile_overlayer_lowered:
.L_overlay_start_2:
0xd7: {  	(tag) =	ssettag $0x2  }
0xd8: {  	s0 =	rddreg [dreg:$0x0];
	s2 =	stileid.u32  }
0xd9: {  	s1 =	rddreg [dreg:$0x1];
	p0 =	sne.s32 s2, $0x0  }
0xda: {  	s3 =	rddreg [dreg:$0x2];
	[bflag:$0x3] =	sbarrier.arrive $0xFFFF;
	s2 =	simm.s32 @!p0 $0x1C02  }
0xdb: {  	[timem:s3], [sflag:s2] =	dma.local @!p0 [hbm:s0], s1  }
0xdc: {  	s0 =	simm.s32 @!p0 $0x2  }
0xdd: {  	_ =	swait.ge @!p0 [sflag:s0], s1  }
0xde: {  	s1 =	ssub.s32 @!p0 $0x0, s1;
	[sflag:s0] =	ssyncset.done @!p0 $0x0  }
0xdf: {  	[sflag:s0] =	ssyncadd.s32 @!p0 s1  }
0xe0: {  	[bflag:$0x3] =	sbarrier.arrive $0xFFFF  }
0xe1: {  	_ =	shalt  }

// kernel: kernel.21.cloned.1.call-start
scs
__scs_entry_jumppad:
0x0: {  	(pc) =	sbr.rel $0x88, $3  }
0x1: {  	(tag) =	ssettag $0x0;
	lr =	simm.s32 $0x1  }
0x2: {  	[smem:$0x3F7D] =	sst lr;
	_ =	strace $0xD0000000  }
0x3: {  	_ = 	snop  }
0x4: {  	_ = 	snop  }
0x5: {  	_ = 	snop  }
0x6: {  	_ = 	snop  }
0x7: {  	_ = 	snop  }
__scs_overlays_trampoline_lowered:
0x8: {  	[smem:$0x3F8C] =	sst s0  }
0x9: {  	[smem:$0x3F8D] =	sst s1  }
0xa: {  	[smem:$0x3F8E] =	sst s2  }
0xb: {  	[smem:$0x3F8F] =	sst s3  }
0xc: {  	[smem:$0x3F90] =	sst s4  }
0xd: {  	[smem:$0x3F91] =	sst s5  }
0xe: {  	[smem:$0x3F92] =	sst s6  }
0xf: {  	[smem:$0x3F93] =	sst s7  }
0x10: {  	[smem:$0x3F94] =	sst s8  }
0x11: {  	[smem:$0x3F95] =	sst s9;
	s0 =	simm.s32 @!p0 $0x0  }
0x12: {  	s1 =	sld [smem:$0x3F7B];
	s0 =	simm.s32 @p0 $0x1  }
0x13: {  	[smem:$0x3F96] =	sst s0;
	s0 =	simm.s32 @!p1 $0x0  }
0x14: {  	s2 =	sld [smem:$0x3F7A];
	s0 =	simm.s32 @p1 $0x1  }
0x15: {  	[smem:$0x3F97] =	sst s0;
	s0 =	simm.s32 @!p2 $0x0  }
0x16: {  	s3 =	sld [smem:$0x3FDB];
	s0 =	simm.s32 @p2 $0x1  }
0x17: {  	s4 =	simm.s32 $0x1BF5;
	[smem:$0x3F99] =	sst s0  }
0x18: {  	s0 =	sld [smem:$0x3F7C];
	_ =	swait.ge [sflag:s4], $0x0  }
0x19: {  	s7 =	sld [smem:$0x3F7D]  }
0x1a: {  	s8 =	sadd.s32 $0xFFFFE003, lr  }
0x1b: {  	s9 =	sadd.s32 $0xFFFFFEF7, lr;
	s5 =	simm.s32 $0xFFFFFFFF;
	p2 =	slt.u32 s8, $0xFFFFF086  }
0x1c: {  	p1 =	slt.u32 s9, $0xF7A;
	s5 =	simm.s32 @!p2 $0x0  }
0x1d: {  	s5 =	simm.s32 @p1 $0x1;
	p0 =	seq.s32 s7, s2  }
0x1e: {  	s7 =	smul.u32 @!p0 $0xF7A, s2;
	p2 =	seq.s32 @!p0 s5, $0x0  }
0x1f: {  	s9 =	smul.u32 $0xF7A, s1;
	s8 =	simm.s32 @!p0 $0x1BF5;
	p2 =	por !p2, p0  }
0x20: {  	[sflag:s8] =	ssyncset.s32 @!p0 $0xFFFFF086;
	s6 =	sadd.s32 @!p0 s3, s7;
	s7 =	simm.s32 @!p0 $0x108  }
0x21: {  	s3 =	sadd.s32 s3, s9;
	s6 =	sadd.s32 @!p0 $0x88, s6;
	s7 =	simm.s32 @p2 $0x1082  }
0x22: {  	[simem:s7], [sflag:s8] =	dma.local @!p0 [hbm:s6], $0xF7A  }
0x23: {  	s9 =	sor.u32 $0xD0000000, s2;
	s6 =	simm.s32 $0x108;
	_ =	swait.ge @!p0 [sflag:s8], $0x0  }
0x24: {  	s3 =	sadd.s32 $0x88, s3;
	s6 =	simm.s32 @!p1 $0x1082;
	[sflag:s4] =	ssyncset.s32 $0xFFFFF086  }
0x25: {  	[simem:s6], [sflag:s4] =	dma.local [hbm:s3], $0xF7A  }
0x26: {  	[smem:$0x3F7D] =	sst s1;
	(tag) =	ssettag s2;
	_ =	strace s9  }
0x27: {  	s1 =	sld [smem:$0x3F8D]  }
0x28: {  	s2 =	sld [smem:$0x3F8E]  }
0x29: {  	s4 =	sld [smem:$0x3F90]  }
0x2a: {  	p0 =	seq.s32 s5, $0x0;
	s5 =	sld [smem:$0x3F91]  }
0x2b: {  	s6 =	sld [smem:$0x3F92]  }
0x2c: {  	s7 =	sld [smem:$0x3F93]  }
0x2d: {  	s3 =	simm.s32 $0x108;
	s8 =	sld [smem:$0x3F94]  }
0x2e: {  	s3 =	simm.s32 @!p0 $0x1082;
	s9 =	sld [smem:$0x3F95]  }
0x2f: {  	lr =	sadd.s32 s0, s3;
	s0 =	sld [smem:$0x3F8C]  }
0x30: {  	s3 =	sld [smem:$0x3F8F]  }
0x31: {  	[smem:$0x3F98] =	sst s10  }
0x32: {  	s10 =	sld [smem:$0x3F96];
	_ =	sdelay $0x3  }
0x33: {  	p0 =	seq.s32 s10, $0x1;
	s10 =	sld [smem:$0x3F98];
	_ =	sdelay $0x3  }
0x34: {  	[smem:$0x3F98] =	sst s10  }
0x35: {  	s10 =	sld [smem:$0x3F97];
	_ =	sdelay $0x3  }
0x36: {  	p1 =	seq.s32 s10, $0x1;
	s10 =	sld [smem:$0x3F98];
	_ =	sdelay $0x3  }
0x37: {  	[smem:$0x3F98] =	sst s10  }
0x38: {  	s10 =	sld [smem:$0x3F99]  }
0x39: {  	_ = 	snop;
	(pc) =	sbr.ind lr, $3  }
0x3a: {  	_ = 	snop  }
0x3b: {  	_ = 	snop  }
0x3c: {  	p2 =	seq.s32 s10, $0x1;
	s10 =	sld [smem:$0x3F98]  }
0x3d: {  	_ =	shalt  }
0x3e: {  	_ =	shalt  }
0x3f: {  	_ =	shalt  }
0x40: {  	_ =	shalt  }
0x41: {  	_ =	shalt  }
0x42: {  	_ =	shalt  }
0x43: {  	_ =	shalt  }
0x44: {  	_ =	shalt  }
0x45: {  	_ =	shalt  }
0x46: {  	_ =	shalt  }
0x47: {  	_ =	shalt  }
0x48: {  	_ =	shalt  }
0x49: {  	_ =	shalt  }
0x4a: {  	_ =	shalt  }
0x4b: {  	_ =	shalt  }
0x4c: {  	_ =	shalt  }
0x4d: {  	_ =	shalt  }
0x4e: {  	_ =	shalt  }
0x4f: {  	_ =	shalt  }
0x50: {  	_ =	shalt  }
0x51: {  	_ =	shalt  }
0x52: {  	_ =	shalt  }
0x53: {  	_ =	shalt  }
0x54: {  	_ =	shalt  }
0x55: {  	_ =	shalt  }
0x56: {  	_ =	shalt  }
0x57: {  	_ =	shalt  }
0x58: {  	_ =	shalt  }
0x59: {  	_ =	shalt  }
0x5a: {  	_ =	shalt  }
0x5b: {  	_ =	shalt  }
0x5c: {  	_ =	shalt  }
0x5d: {  	_ =	shalt  }
0x5e: {  	_ =	shalt  }
0x5f: {  	_ =	shalt  }
0x60: {  	_ =	shalt  }
0x61: {  	_ =	shalt  }
0x62: {  	_ =	shalt  }
0x63: {  	_ =	shalt  }
0x64: {  	_ =	shalt  }
0x65: {  	_ =	shalt  }
0x66: {  	_ =	shalt  }
0x67: {  	_ =	shalt  }
0x68: {  	_ =	shalt  }
0x69: {  	_ =	shalt  }
0x6a: {  	_ =	shalt  }
0x6b: {  	_ =	shalt  }
0x6c: {  	_ =	shalt  }
0x6d: {  	_ =	shalt  }
0x6e: {  	_ =	shalt  }
0x6f: {  	_ =	shalt  }
0x70: {  	_ =	shalt  }
0x71: {  	_ =	shalt  }
0x72: {  	_ =	shalt  }
0x73: {  	_ =	shalt  }
0x74: {  	_ =	shalt  }
0x75: {  	_ =	shalt  }
0x76: {  	_ =	shalt  }
0x77: {  	_ =	shalt  }
0x78: {  	_ =	shalt  }
0x79: {  	_ =	shalt  }
0x7a: {  	_ =	shalt  }
0x7b: {  	_ =	shalt  }
0x7c: {  	_ =	shalt  }
0x7d: {  	_ =	shalt  }
0x7e: {  	_ =	shalt  }
0x7f: {  	_ =	shalt  }
0x80: {  	_ =	shalt  }
0x81: {  	_ =	shalt  }
0x82: {  	_ =	shalt  }
0x83: {  	_ =	shalt  }
0x84: {  	_ =	shalt  }
0x85: {  	_ =	shalt  }
0x86: {  	_ =	shalt  }
0x87: {  	_ =	shalt  }
.Lfunc_end0:
.L_simem_size_0:
called_computation.2_lowered:
.L_overlay_start_0:
0x88: {  	s2 =	sld [smem:$0x3FD9]  }
0x89: {  	s3 =	sld [smem:$0x3FFE];
	_ =	sdelay $0x1  }
0x8a: {  	s1 =	srdreg.scid  }
0x8b: {  	s0 =	sand.u32 $0x1, s1  }
0x8c: {  	s16 =	sshll.u32 s0, $0xA;
	s2 =	sadd.s32 s3, s2  }
0x8d: {  	s2 =	sadd.s32 s2, s16  }
0x8e: {  	[smem:$0x3FA4] =	sst s2  }
0x8f: {  	_ = 	snop  }
0x90: {  	(tm) =	ssettm $0x1  }
0x91: {  	s17 =	sld [smem:$0x3FFB];
	_ =	sdelay $0x3  }
0x92: {  	_ =	strace s17  }
0x93: {  	s2 =	sld [smem:$0x3FFC];
	_ =	sdelay $0x3  }
0x94: {  	_ =	strace s2  }
0x95: {  	s2 =	sld [smem:$0x3FFD];
	_ =	sdelay $0x3  }
0x96: {  	_ =	strace s2  }
0x97: {  	_ =	strace $0x8FFFFFFF  }
0x98: {  	s18 =	sld [smem:$0x3FDB];
	_ =	sdelay $0x1  }
0x99: {  	s19 =	simm.s32 $_scs_section_size  }
0x9a: {  	s4 =	simm.s32 $_size__tile_overlayer_lowered;
	s5 =	simm.s32 $_tile_overlayer_lowered  }
0x9b: {  	s22 =	simm.s32 $0x1BFF;
	s21 =	sshll.u32 s5, $0x1;
	s2 =	sadd.s32 s19, s18  }
0x9c: {  	s6 =	simm.s32 $0x0;
	s20 =	sshll.u32 s4, $0x1;
	s4 =	sadd.s32 s21, s2  }
0x9d: {  	[timem:s6], [sflag:s22] =	dma.local [hbm:s4], s20  }
0x9e: {  	_ =	swait.ge [sflag:s22], s20  }
0x9f: {  	s3 =	ssub.s32 $0x0, s20;
	[sflag:s22] =	ssyncset.done $0x0  }
0xa0: {  	[sflag:s22] =	ssyncadd.s32 s3;
	_ =	sdelay $0x1  }
0xa1: {  	s23 =	simm.s32 $0x1B8B  }
0xa2: {  	_ =	swait.ge [sflag:s23], $0x1  }
0xa3: {  	[sflag:s23] =	ssyncset.done $0x0  }
0xa4: {  	s25 =	simm.s32 $0x1B8E;
	s24 =	sld [smem:$0x3FFE];
	[sflag:s23] =	ssyncadd.s32 $0xFFFFFFFF  }
0xa5: {  	s26 =	simm.s32 $execute0_lowered;
	[smem:$0x3FD2] =	sst s25  }
0xa6: {  	s4 =	sshll.u32 s26, $0x1;
	_ =	strace $0x8000004C;
	[dreg:$0x1] =	wrdreg $0xFFFFFFFF  }
0xa7: {  	s28 =	simm.s32 $_size_execute0_lowered;
	s2 =	sadd.s32 s2, s4;
	[dreg:$0x0] =	wrdreg $0x0  }
0xa8: {  	s4 =	sshll.u32 s28, $0x1;
	[dreg:$0x2] =	wrdreg s2  }
0xa9: {  	[dreg:$0x3] =	wrdreg s4  }
0xaa: {  	[dreg:$0x4] =	wrdreg $0xC0  }
0xab: {  	_ =	task [dreg:s6], $0x5FFFF  }
0xac: {  	[dreg:$0x1] =	wrdreg $0xFFFFFFFF  }
0xad: {  	[dreg:$0x0] =	wrdreg $0x60  }
0xae: {  	[dreg:$0x2] =	wrdreg s24  }
0xaf: {  	[dreg:$0x3] =	wrdreg $0x9  }
0xb0: {  	_ =	task.clear_ibuf [dreg:s6], $0x4FFFF;
	_ =	strace $0x9000004C  }
0xb1: {  	s29 =	simm.s32 $0x9;
	_ =	strace $0x8000004E  }
0xb2: {  	_ =	swait.ge [sflag:s29], $0x1  }
0xb3: {  	[sflag:s29] =	ssyncadd.s32 $0xFFFFFFFF  }
0xb4: {  	_ =	strace $0x9000004E  }
0xb5: {  	_ =	sfence  }
0xb6: {  	s30 =	sld [smem:$0x0];
	_ =	sdelay $0x2  }
0xb7: {  	s31 =	sshll.u32 s1, $0xD;
	s1 =	sshrl.u32 s1, $0x2  }
0xb8: {  	s3 =	sand.u32 $0x4000, s31;
	s1 =	sadd.s32 s1, s30  }
0xb9: {  	s0 =	sor.u32 s3, s0;
	s1 =	sshll.u32 s1, $0x11  }
0xba: {  	s0 =	sor.u32 s1, s0  }
0xbb: {  	s0 =	sadd.s32 $0x8F2B, s0  }
0xbc: {  	[sflag:s0] =	ssyncadd.remote.s32 $0x1  }
0xbd: {  	_ =	sfence.sel $0xFFFF  }
0xbe: {  	[dreg:$0x0] =	wrdreg $0xFFFFFFFF;
	(pc) =	sbr.abs _section_cstart, $3  }
0xbf: {  	[dreg:$0x1] =	wrdreg $0xFFFFFFFF  }
0xc0: {  	_ =	task.clear_ibuf [dreg:s6], $0x2FFFF;
	_ =	strace $0x9FFFFFFF  }
0xc1: {  	(tm) =	ssettm $0x7FFFFFFF  }
tec
execute0_lowered:
.L_overlay_start_1:
0x0: {  	(tag) =	ssettag $0x1  }
0x1: {  	s0 =	rddreg [dreg:$0x0]  }
0x2: {  	s1 =	simm.s32 $0x0;
	s2 =	srdreg.scid;
	s8 =	stileid.u32  }
0x3: {  	s10 =	simm.s32 $0x80;
	s22 =	simm.s32 $0x4880;
	s23 =	simm.s32 $0x5080  }
0x4: {  	s24 =	simm.s32 $0x5480;
	s25 =	simm.s32 $0x5C80;
	s28 =	simm.s32 $0x6880  }
0x5: {  	s29 =	simm.s32 $0x6C80;
	s30 =	simm.s32 $0x7480;
	s31 =	simm.s32 $0x7880  }
0x6: {  	s11 =	simm.s32 $0x9080;
	s12 =	simm.s32 $0x9880;
	s13 =	simm.s32 $0x9C80  }
0x7: {  	s14 =	simm.s32 $0xA480;
	s15 =	simm.s32 $0xA880;
	s16 =	simm.s32 $0xB080  }
0x8: {  	s17 =	simm.s32 $0xB480;
	s18 =	simm.s32 $0xBC80;
	s19 =	simm.s32 $0x1  }
0x9: {  	s21 =	simm.s32 $0x0;
	[smem:$0x7FF] =	sst s1;
	s2 =	sand.u32 $0x1, s2  }
0xa: {  	s3 =	sadd.s32 $0x5000, s0;
	s4 =	sadd.s32 $0x125000, s0;
	s6 =	ssub.s32 $0x2, s2  }
0xb: {  	s5 =	sadd.s32 $0x11000, s0;
	s8 =	sshll.u32 s8, $0x6;
	s7 =	sshrl.u32 s6, $0x1  }
0xc: {  	_ =	strace $0x8000004D;
	s2 =	sshll.u32 s2, $0x5;
	s9 =	ssub.s32 s6, s7  }
0xd: {  	v2 =	vlaneseq.u32;
	s6 =	sor.u32 s2, s8;
	s7 =	sadd.s32 $0x5100, s0;
	s0 =	simm.s32 $0x8080  }
0xe: {  	vm0 =	vmmov $0xffff;
	vm1 =	vmmov $0xff;
	v1 =	vshrl.u32 v2, $0x3;
	s2 =	simm.s32 $0x8480;
	s8 =	simm.s32 $0x8C80;
	s26 =	smax.u32 s9, $0x1  }
0xf: {  	v0 =	vand.u32 $0x7, v2;
	v2 =	vor.u32 $0x8, v2;
	v1 =	vmul.u32 $0x8, v1;
	s9 =	simm.s32 $0x2;
	[dreg:$0x2] =	wrdreg s26;
	s26 =	simm.s32 $0x6080  }
.LBB2_1:
0x10: {  	[dreg:$0x3] =	wrdreg s21;
	p0 =	por $0x1, $0x1;
	s20 =	simm.s32 $0x0  }
.LBB2_2:
0x11: {  	s20 =	sor.u32 s6, s20  }
0x12: {  	s21 =	sadd.s32 s4, s20  }
0x13: {  	[tilespmem:s1], [sflag:$0x2] =	stream.linear.gather [hbm4b:s21+s1], $0x80, $0x38;
	[tilespmem:$0xC080] =	vst v63  }
0x14: {  	_ =	swait.ge [sflag:s9], $0x80  }
0x15: {  	[sflag:s9] =	ssyncset.done $0x0  }
0x16: {  	[sflag:s9] =	ssyncadd.s32 $0xFFFFFF80  }
0x17: {  	v3 =	vld [tilespmem:$0x0];
	_ =	sdelay $0x4  }
0x18: {  	v4 =	vshrl.u32 v3, $0x3  }
0x19: {  	v4 =	vmul.u32 $0x18, v4  }
0x1a: {  	v3 =	vand.u32 $0x7, v3  }
0x1b: {  	v3 =	vor.u32 v3, v4  }
0x1c: {  	v4 =	vperm.xlane v3, v0;
	_ =	sdelay $0x1  }
0x1d: {  	v4 =	vadd.s32 v1, v4;
	_ =	sdelay $0x1  }
0x1e: {  	v3 =	vperm.xlane v3, v2;
	_ =	sdelay $0x1  }
0x1f: {  	v3 =	vadd.s32 v1, v3  }
0x20: {  	[tilespmem:s10], [sflag:$0x1] =	stream.indirect_vreg.gather [hbm4b:s3+s1], $0x80, v4, vm0, $0xb8;
	[tilespmem:$0xC080] =	vst v63  }
0x21: {  	s21 =	simm.s32 $0x880  }
0x22: {  	[tilespmem:s21], [sflag:$0x1] =	stream.indirect_vreg.gather [hbm4b:s7+s1], $0x80, v4, vm1, $0xb8;
	[tilespmem:$0xC080] =	vst v63  }
0x23: {  	s21 =	simm.s32 $0xC80  }
0x24: {  	[tilespmem:s21], [sflag:$0x1] =	stream.indirect_vreg.gather [hbm4b:s3+s1], $0x80, v3, vm0, $0xb8;
	[tilespmem:$0xC080] =	vst v63  }
0x25: {  	s21 =	simm.s32 $0x1480  }
0x26: {  	[tilespmem:s21], [sflag:$0x1] =	stream.indirect_vreg.gather [hbm4b:s7+s1], $0x80, v3, vm1, $0xb8;
	[tilespmem:$0xC080] =	vst v63  }
0x27: {  	v3 =	vld [tilespmem:$0x10];
	_ =	sdelay $0x4  }
0x28: {  	v57 =	vshrl.u32 v3, $0x3  }
0x29: {  	v4 =	vmul.u32 $0x18, v57  }
0x2a: {  	v3 =	vand.u32 $0x7, v3  }
0x2b: {  	v3 =	vor.u32 v3, v4  }
0x2c: {  	v4 =	vperm.xlane v3, v0;
	_ =	sdelay $0x1  }
0x2d: {  	v4 =	vadd.s32 v1, v4;
	_ =	sdelay $0x1  }
0x2e: {  	v3 =	vperm.xlane v3, v2;
	_ =	sdelay $0x1  }
0x2f: {  	s21 =	simm.s32 $0x1880;
	v3 =	vadd.s32 v1, v3  }
0x30: {  	[tilespmem:s21], [sflag:$0x1] =	stream.indirect_vreg.gather [hbm4b:s3+s1], $0x80, v4, vm0, $0xb8;
	[tilespmem:$0xC080] =	vst v63  }
0x31: {  	s21 =	simm.s32 $0x2080  }
0x32: {  	[tilespmem:s21], [sflag:$0x1] =	stream.indirect_vreg.gather [hbm4b:s7+s1], $0x80, v4, vm1, $0xb8;
	[tilespmem:$0xC080] =	vst v63  }
0x33: {  	s21 =	simm.s32 $0x2480  }
0x34: {  	[tilespmem:s21], [sflag:$0x1] =	stream.indirect_vreg.gather [hbm4b:s3+s1], $0x80, v3, vm0, $0xb8;
	[tilespmem:$0xC080] =	vst v63  }
0x35: {  	s21 =	simm.s32 $0x2C80  }
0x36: {  	[tilespmem:s21], [sflag:$0x1] =	stream.indirect_vreg.gather [hbm4b:s7+s1], $0x80, v3, vm1, $0xb8;
	[tilespmem:$0xC080] =	vst v63  }
0x37: {  	v3 =	vld [tilespmem:$0x20];
	_ =	sdelay $0x4  }
0x38: {  	v58 =	vshrl.u32 v3, $0x3  }
0x39: {  	v4 =	vmul.u32 $0x18, v58  }
0x3a: {  	v3 =	vand.u32 $0x7, v3  }
0x3b: {  	v3 =	vor.u32 v3, v4  }
0x3c: {  	v4 =	vperm.xlane v3, v0;
	_ =	sdelay $0x1  }
0x3d: {  	v4 =	vadd.s32 v1, v4;
	_ =	sdelay $0x1  }
0x3e: {  	v3 =	vperm.xlane v3, v2;
	_ =	sdelay $0x1  }
0x3f: {  	s21 =	simm.s32 $0x3080;
	v3 =	vadd.s32 v1, v3  }
0x40: {  	[tilespmem:s21], [sflag:$0x1] =	stream.indirect_vreg.gather [hbm4b:s3+s1], $0x80, v4, vm0, $0xb8;
	[tilespmem:$0xC080] =	vst v63  }
0x41: {  	s21 =	simm.s32 $0x3880  }
0x42: {  	[tilespmem:s21], [sflag:$0x1] =	stream.indirect_vreg.gather [hbm4b:s7+s1], $0x80, v4, vm1, $0xb8;
	[tilespmem:$0xC080] =	vst v63  }
0x43: {  	s21 =	simm.s32 $0x3C80  }
0x44: {  	[tilespmem:s21], [sflag:$0x1] =	stream.indirect_vreg.gather [hbm4b:s3+s1], $0x80, v3, vm0, $0xb8;
	[tilespmem:$0xC080] =	vst v63  }
0x45: {  	s21 =	simm.s32 $0x4480  }
0x46: {  	[tilespmem:s21], [sflag:$0x1] =	stream.indirect_vreg.gather [hbm4b:s7+s1], $0x80, v3, vm1, $0xb8;
	[tilespmem:$0xC080] =	vst v63  }
0x47: {  	v3 =	vld [tilespmem:$0x30];
	_ =	sdelay $0x4  }
0x48: {  	v59 =	vshrl.u32 v3, $0x3  }
0x49: {  	v4 =	vmul.u32 $0x18, v59  }
0x4a: {  	v3 =	vand.u32 $0x7, v3  }
0x4b: {  	v3 =	vor.u32 v3, v4  }
0x4c: {  	v4 =	vperm.xlane v3, v0;
	_ =	sdelay $0x1  }
0x4d: {  	v4 =	vadd.s32 v1, v4;
	_ =	sdelay $0x1  }
0x4e: {  	v3 =	vperm.xlane v3, v2;
	_ =	sdelay $0x1  }
0x4f: {  	v3 =	vadd.s32 v1, v3  }
0x50: {  	[tilespmem:s22], [sflag:$0x1] =	stream.indirect_vreg.gather [hbm4b:s3+s1], $0x80, v4, vm0, $0xb8;
	[tilespmem:$0xC080] =	vst v63  }
0x51: {  	_ = 	snop  }
0x52: {  	[tilespmem:s23], [sflag:$0x1] =	stream.indirect_vreg.gather [hbm4b:s7+s1], $0x80, v4, vm1, $0xb8;
	[tilespmem:$0xC080] =	vst v63  }
0x53: {  	_ = 	snop  }
0x54: {  	[tilespmem:s24], [sflag:$0x1] =	stream.indirect_vreg.gather [hbm4b:s3+s1], $0x80, v3, vm0, $0xb8;
	[tilespmem:$0xC080] =	vst v63  }
0x55: {  	_ = 	snop  }
0x56: {  	[tilespmem:s25], [sflag:$0x1] =	stream.indirect_vreg.gather [hbm4b:s7+s1], $0x80, v3, vm1, $0xb8;
	[tilespmem:$0xC080] =	vst v63  }
0x57: {  	v3 =	vld [tilespmem:$0x40];
	_ =	sdelay $0x4  }
0x58: {  	v60 =	vshrl.u32 v3, $0x3  }
0x59: {  	v4 =	vmul.u32 $0x18, v60  }
0x5a: {  	v3 =	vand.u32 $0x7, v3  }
0x5b: {  	v3 =	vor.u32 v3, v4  }
0x5c: {  	v4 =	vperm.xlane v3, v0;
	_ =	sdelay $0x1  }
0x5d: {  	v4 =	vadd.s32 v1, v4;
	_ =	sdelay $0x1  }
0x5e: {  	v3 =	vperm.xlane v3, v2;
	_ =	sdelay $0x1  }
0x5f: {  	v3 =	vadd.s32 v1, v3  }
0x60: {  	[tilespmem:s26], [sflag:$0x1] =	stream.indirect_vreg.gather [hbm4b:s3+s1], $0x80, v4, vm0, $0xb8;
	[tilespmem:$0xC080] =	vst v63  }
0x61: {  	_ = 	snop  }
0x62: {  	[tilespmem:s28], [sflag:$0x1] =	stream.indirect_vreg.gather [hbm4b:s7+s1], $0x80, v4, vm1, $0xb8;
	[tilespmem:$0xC080] =	vst v63  }
0x63: {  	_ = 	snop  }
0x64: {  	[tilespmem:s29], [sflag:$0x1] =	stream.indirect_vreg.gather [hbm4b:s3+s1], $0x80, v3, vm0, $0xb8;
	[tilespmem:$0xC080] =	vst v63  }
0x65: {  	_ = 	snop  }
0x66: {  	[tilespmem:s30], [sflag:$0x1] =	stream.indirect_vreg.gather [hbm4b:s7+s1], $0x80, v3, vm1, $0xb8;
	[tilespmem:$0xC080] =	vst v63  }
0x67: {  	v3 =	vld [tilespmem:$0x50];
	_ =	sdelay $0x4  }
0x68: {  	v61 =	vshrl.u32 v3, $0x3  }
0x69: {  	v4 =	vmul.u32 $0x18, v61  }
0x6a: {  	v3 =	vand.u32 $0x7, v3  }
0x6b: {  	v3 =	vor.u32 v3, v4  }
0x6c: {  	v4 =	vperm.xlane v3, v0;
	_ =	sdelay $0x1  }
0x6d: {  	v4 =	vadd.s32 v1, v4;
	_ =	sdelay $0x1  }
0x6e: {  	v3 =	vperm.xlane v3, v2;
	_ =	sdelay $0x1  }
0x6f: {  	v3 =	vadd.s32 v1, v3  }
0x70: {  	[tilespmem:s31], [sflag:$0x1] =	stream.indirect_vreg.gather [hbm4b:s3+s1], $0x80, v4, vm0, $0xb8;
	[tilespmem:$0xC080] =	vst v63  }
0x71: {  	_ = 	snop  }
0x72: {  	[tilespmem:s0], [sflag:$0x1] =	stream.indirect_vreg.gather [hbm4b:s7+s1], $0x80, v4, vm1, $0xb8;
	[tilespmem:$0xC080] =	vst v63  }
0x73: {  	_ = 	snop  }
0x74: {  	[tilespmem:s2], [sflag:$0x1] =	stream.indirect_vreg.gather [hbm4b:s3+s1], $0x80, v3, vm0, $0xb8;
	[tilespmem:$0xC080] =	vst v63  }
0x75: {  	_ = 	snop  }
0x76: {  	[tilespmem:s8], [sflag:$0x1] =	stream.indirect_vreg.gather [hbm4b:s7+s1], $0x80, v3, vm1, $0xb8;
	[tilespmem:$0xC080] =	vst v63  }
0x77: {  	v3 =	vld [tilespmem:$0x60];
	_ =	sdelay $0x4  }
0x78: {  	v62 =	vshrl.u32 v3, $0x3  }
0x79: {  	v4 =	vmul.u32 $0x18, v62  }
0x7a: {  	v3 =	vand.u32 $0x7, v3  }
0x7b: {  	v3 =	vor.u32 v3, v4  }
0x7c: {  	v4 =	vperm.xlane v3, v0;
	_ =	sdelay $0x1  }
0x7d: {  	v4 =	vadd.s32 v1, v4;
	_ =	sdelay $0x1  }
0x7e: {  	v3 =	vperm.xlane v3, v2;
	_ =	sdelay $0x1  }
0x7f: {  	v3 =	vadd.s32 v1, v3  }
0x80: {  	[tilespmem:s11], [sflag:$0x1] =	stream.indirect_vreg.gather [hbm4b:s3+s1], $0x80, v4, vm0, $0xb8;
	[tilespmem:$0xC080] =	vst v63  }
0x81: {  	_ = 	snop  }
0x82: {  	[tilespmem:s12], [sflag:$0x1] =	stream.indirect_vreg.gather [hbm4b:s7+s1], $0x80, v4, vm1, $0xb8;
	[tilespmem:$0xC080] =	vst v63  }
0x83: {  	_ = 	snop  }
0x84: {  	[tilespmem:s13], [sflag:$0x1] =	stream.indirect_vreg.gather [hbm4b:s3+s1], $0x80, v3, vm0, $0xb8;
	[tilespmem:$0xC080] =	vst v63  }
0x85: {  	_ = 	snop  }
0x86: {  	[tilespmem:s14], [sflag:$0x1] =	stream.indirect_vreg.gather [hbm4b:s7+s1], $0x80, v3, vm1, $0xb8;
	[tilespmem:$0xC080] =	vst v63  }
0x87: {  	v3 =	vld [tilespmem:$0x70];
	_ =	sdelay $0x4  }
0x88: {  	v63 =	vshrl.u32 v3, $0x3  }
0x89: {  	v4 =	vmul.u32 $0x18, v63  }
0x8a: {  	v3 =	vand.u32 $0x7, v3  }
0x8b: {  	v3 =	vor.u32 v3, v4  }
0x8c: {  	v4 =	vperm.xlane v3, v0;
	_ =	sdelay $0x1  }
0x8d: {  	v4 =	vadd.s32 v1, v4;
	_ =	sdelay $0x1  }
0x8e: {  	v3 =	vperm.xlane v3, v2;
	_ =	sdelay $0x1  }
0x8f: {  	v3 =	vadd.s32 v1, v3  }
0x90: {  	[tilespmem:s15], [sflag:$0x1] =	stream.indirect_vreg.gather [hbm4b:s3+s1], $0x80, v4, vm0, $0xb8;
	[tilespmem:$0xC080] =	vst v63  }
0x91: {  	_ = 	snop  }
0x92: {  	[tilespmem:s16], [sflag:$0x1] =	stream.indirect_vreg.gather [hbm4b:s7+s1], $0x80, v4, vm1, $0xb8;
	[tilespmem:$0xC080] =	vst v63  }
0x93: {  	_ = 	snop  }
0x94: {  	[tilespmem:s17], [sflag:$0x1] =	stream.indirect_vreg.gather [hbm4b:s3+s1], $0x80, v3, vm0, $0xb8;
	[tilespmem:$0xC080] =	vst v63  }
0x95: {  	_ = 	snop  }
0x96: {  	[tilespmem:s18], [sflag:$0x1] =	stream.indirect_vreg.gather [hbm4b:s7+s1], $0x80, v3, vm1, $0xb8;
	[tilespmem:$0xC080] =	vst v63  }
0x97: {  	s20 =	smul.u32 $0x180, s20;
	_ =	swait.ge [sflag:s19], $0xC000  }
0x98: {  	p1 =	por p0, p0;
	[sflag:s19] =	ssyncset.done $0x0  }
.Ltmp0:
0x99: {  	s20 =	sadd.s32 s5, s20;
	[sflag:s19] =	ssyncadd.s32 $0xFFFF4000;
	(pc) =	sbr.rel @p1 .LBB2_2-.Ltmp0, $4  }
0x9a: {  	[hbm4b:s20+s1] =	stream.linear.scatter [tilespmem:s10], [sflag:$0x2], $0xC000, $0x38;
	[tilespmem:$0xC080] =	vst v63  }
0x9b: {  	_ =	swait.ge [sflag:s9], $0xC000  }
0x9c: {  	[sflag:s9] =	ssyncset.done $0x0  }
0x9d: {  	p0 =	por $0x0, $0x0;
	s20 =	simm.s32 $0x10;
	[sflag:s9] =	ssyncadd.s32 $0xFFFF4000  }
0x9e: {  	s21 =	rddreg [dreg:$0x3]  }
0x9f: {  	s20 =	rddreg [dreg:$0x2];
	s21 =	sadd.s32 $0x1, s21  }
0xa0: {  	p0 =	sne.s32 s21, s20  }
.Ltmp1:
0xa1: {  	_ = 	snop;
	(pc) =	sbr.rel @p0 .LBB2_1-.Ltmp1, $1  }
0xa2: {  	_ =	sdelay $0x3  }
0xa3: {  	_ =	sfence.sel $0x180000  }
0xa4: {  	[bflag:$0x0] =	sbarrier.arrive $0xFFFF  }
0xa5: {  	_ =	strace $0x9000004D  }
0xa6: {  	s0 =	stileid.u32;
	[bflag:$0x2] =	sbarrier.arrive $0xFFFF  }
0xa7: {  	p0 =	sne.s32 s0, $0x0;
	s0 =	rddreg [dreg:$0x1]  }
0xa8: {  	s0 =	sadd.s32 @!p0 $0x100000, s0  }
0xa9: {  	[sflag:s0] =	ssyncadd.tile.s32 @!p0 $0x1;
	_ =	shalt  }
.Lfunc_end2:
_tile_overlayer_lowered:
.L_overlay_start_2:
0xaa: {  	(tag) =	ssettag $0x2  }
0xab: {  	s0 =	rddreg [dreg:$0x0];
	s2 =	stileid.u32  }
0xac: {  	s1 =	rddreg [dreg:$0x1];
	p0 =	sne.s32 s2, $0x0  }
0xad: {  	s3 =	rddreg [dreg:$0x2];
	[bflag:$0x3] =	sbarrier.arrive $0xFFFF;
	s2 =	simm.s32 @!p0 $0x1C02  }
0xae: {  	[timem:s3], [sflag:s2] =	dma.local @!p0 [hbm:s0], s1  }
0xaf: {  	s0 =	simm.s32 @!p0 $0x2  }
0xb0: {  	_ =	swait.ge @!p0 [sflag:s0], s1  }
0xb1: {  	s1 =	ssub.s32 @!p0 $0x0, s1;
	[sflag:s0] =	ssyncset.done @!p0 $0x0  }
0xb2: {  	[sflag:s0] =	ssyncadd.s32 @!p0 s1  }
0xb3: {  	[bflag:$0x3] =	sbarrier.arrive $0xFFFF  }
0xb4: {  	_ =	shalt  }

</sc_bundles>
